<compile_context>
chip_gen: v7x
topology: tpu7x:2x2x1
jax: 0.10.2.dev20260603
libtpu: 0.0.44.dev20260713+nightly
codegen_flags: <defaults>
</compile_context>

<pallas_src>
import functools

import jax
import jax.numpy as jnp
from jax import lax
from jax.experimental import pallas as pl
from jax.experimental.pallas import tpu as pltpu
from jax.experimental.pallas import tpu_sc as plsc

N = 10000
E = 320000
D = 128
NC = 2
NS = 16
NW = NC * NS
K = 64
BLK_PER_W = 168
E_PAD = NW * BLK_PER_W * K
GROW = 10112
GARBAGE = N
ZROWS = GROW // NS

_mesh = plsc.VectorSubcoreMesh(core_axis_name="c", subcore_axis_name="s")


def _make_sc_agg():
  CHK = 24
  CP = BLK_PER_W // CHK
  out_type = [jax.ShapeDtypeStruct((NC * GROW, D), jnp.float32)]
  scratch = [
      pltpu.VMEM((BLK_PER_W * K,), jnp.int32),
      pltpu.VMEM((2, CHK, K), jnp.int32),
      pltpu.VMEM((K, D), jnp.float32),
      pltpu.VMEM((K, D), jnp.float32),
      pltpu.VMEM((K, D), jnp.float32),
      pltpu.VMEM_SHARED((GROW, D), jnp.float32),
      pltpu.SemaphoreType.DMA,
      pltpu.SemaphoreType.DMA,
      pltpu.SemaphoreType.DMA,
      pltpu.SemaphoreType.DMA,
      pltpu.SemaphoreType.DMA,
  ]

  def body(feats, srcf, dstb, zagg, aggp,
           sidx, didx, rows_a, rows_b, rows_c, agg_sh,
           sem_a, sem_b, sem_c, sem_i0, sem_i1):
    cid = lax.axis_index("c")
    sid = lax.axis_index("s")
    wid = cid * NS + sid

    z0 = sid * ZROWS
    pltpu.sync_copy(zagg.at[pl.ds(z0, ZROWS)], agg_sh.at[pl.ds(z0, ZROWS)])

    blk0 = wid * BLK_PER_W
    pltpu.sync_copy(srcf.at[pl.ds(blk0 * K, BLK_PER_W * K)], sidx)
    sem_is = (sem_i0, sem_i1)
    pltpu.sync_copy(dstb.at[pl.ds(blk0, CHK)], didx.at[0])
    pltpu.async_copy(dstb.at[pl.ds(blk0 + CHK, CHK)], didx.at[1], sem_is[1])

    plsc.subcore_barrier()

    def gather_start(j, buf, sem):
      pltpu.async_copy(feats.at[sidx.at[pl.ds(j * K, K)]], buf, sem)

    def gather_wait(buf, sem):
      pltpu.make_async_copy(feats.at[sidx.at[pl.ds(0, K)]], buf, sem).wait()

    def scatter(slab, lj, buf):
      pltpu.sync_copy(buf, agg_sh.at[didx.at[slab, lj]], add=True)

    bufs = ((rows_a, sem_a), (rows_b, sem_b), (rows_c, sem_c))
    for b, (buf, sem) in enumerate(bufs):
      gather_start(b, buf, sem)

    for c in range(CP):
      slab = c % 2
      if c > 0:
        pltpu.make_async_copy(dstb.at[pl.ds(blk0, CHK)], didx.at[slab],
                              sem_is[slab]).wait()
      last = c == CP - 1
      iters = CHK // 3 - (1 if last else 0)

      def chunk_body(q, carry, c=c, slab=slab, last=last):
        j = c * CHK + 3 * q
        for b, (buf, sem) in enumerate(bufs):
          gather_wait(buf, sem)
          scatter(slab, 3 * q + b, buf)
          if not last:
            gather_start(j + b + 3, buf, sem)
          else:
            gather_start(jnp.minimum(j + b + 3, BLK_PER_W - 1), buf, sem)
        return carry

      lax.fori_loop(0, iters, chunk_body, 0)
      if last:
        for b, (buf, sem) in enumerate(bufs):
          gather_wait(buf, sem)
          scatter(slab, CHK - 3 + b, buf)
      elif c + 2 < CP:
        pltpu.async_copy(dstb.at[pl.ds(blk0 + (c + 2) * CHK, CHK)],
                         didx.at[slab], sem_is[slab])

    plsc.subcore_barrier()

    pltpu.sync_copy(agg_sh.at[pl.ds(z0, ZROWS)],
                    aggp.at[pl.ds(cid * GROW + z0, ZROWS)])

  return pl.kernel(body, out_type=out_type, mesh=_mesh, scratch_types=scratch)


_sc_agg = _make_sc_agg()


def _make_sc_cnt():
  out_type = [jax.ShapeDtypeStruct((NC * GROW, D), jnp.float32)]
  scratch = [
      pltpu.VMEM((BLK_PER_W, K), jnp.int32),
      pltpu.VMEM((K, D), jnp.float32),
      pltpu.VMEM_SHARED((GROW, D), jnp.float32),
      pltpu.SemaphoreType.DMA,
  ]

  def body(dstb, zcnt, ones_h, cntp, didx, ones2d, cnt_sh, sem):
    cid = lax.axis_index("c")
    sid = lax.axis_index("s")
    wid = cid * NS + sid

    z0 = sid * ZROWS
    pltpu.sync_copy(zcnt.at[pl.ds(z0, ZROWS)], cnt_sh.at[pl.ds(z0, ZROWS)])
    pltpu.sync_copy(ones_h, ones2d)

    pltpu.sync_copy(dstb.at[pl.ds(wid * BLK_PER_W, BLK_PER_W)], didx)
    plsc.subcore_barrier()

    def loop_body(j, carry):
      pltpu.sync_copy(ones2d, cnt_sh.at[didx.at[j]], add=True)
      return carry

    lax.fori_loop(0, BLK_PER_W, loop_body, 0)

    plsc.subcore_barrier()
    pltpu.sync_copy(cnt_sh.at[pl.ds(z0, ZROWS)],
                    cntp.at[pl.ds(cid * GROW + z0, ZROWS)])

  return pl.kernel(body, out_type=out_type, mesh=_mesh, scratch_types=scratch)


_sc_cnt = _make_sc_cnt()


def _make_tc_stage(relu: bool):
  R = 1000
  G = N // R
  dn = (((1,), (1,)), ((), ()))

  def body(p0, p1, c0, c1, x, wl, b, wr, o):
    cnt = jnp.maximum(c0[...] + c1[...], 1.0)
    agg = (p0[...] + p1[...]) * (1.0 / cnt)
    y = lax.dot_general(agg, wl[...], dn, preferred_element_type=jnp.float32)
    y = y + b[...]
    y = y + lax.dot_general(x[...], wr[...], dn,
                            preferred_element_type=jnp.float32)
    if relu:
      y = jnp.maximum(y, 0.0)
    o[...] = y

  return pl.pallas_call(
      body,
      grid=(G,),
      in_specs=[
          pl.BlockSpec((R, D), lambda i: (i, 0)),
          pl.BlockSpec((R, D), lambda i: (i, 0)),
          pl.BlockSpec((R, 1), lambda i: (i, 0)),
          pl.BlockSpec((R, 1), lambda i: (i, 0)),
          pl.BlockSpec((R, D), lambda i: (i, 0)),
          pl.BlockSpec((D, D), lambda i: (0, 0)),
          pl.BlockSpec((1, D), lambda i: (0, 0)),
          pl.BlockSpec((D, D), lambda i: (0, 0)),
      ],
      out_specs=pl.BlockSpec((R, D), lambda i: (i, 0)),
      out_shape=jax.ShapeDtypeStruct((N, D), jnp.float32),
  )


_tc_relu = _make_tc_stage(True)
_tc_lin = _make_tc_stage(False)


def kernel(x, edge_index, W1_l, b1_l, W1_r, W2_l, b2_l, W2_r):
  src = edge_index[0].astype(jnp.int32)
  dst = edge_index[1].astype(jnp.int32)
  pad = E_PAD - E
  pad_src = (jnp.arange(pad, dtype=jnp.int32) * 163) % N
  pad_dst = GARBAGE + jnp.arange(pad, dtype=jnp.int32) % (GROW - N)
  srcf = jnp.concatenate([src, pad_src])
  dstb = jnp.concatenate([dst, pad_dst]).reshape(-1, K)
  zagg = jnp.zeros((GROW, D), jnp.float32)
  ones_h = jnp.ones((K, D), jnp.float32)

  (cnt16,) = _sc_cnt(dstb, zagg, ones_h)
  c0 = cnt16[:N, :1]
  c1 = cnt16[GROW:GROW + N, :1]

  (aggp,) = _sc_agg(x, srcf, dstb, zagg)
  h = _tc_relu(aggp[:N], aggp[GROW:GROW + N], c0, c1, x,
               W1_l, b1_l.reshape(1, D), W1_r)

  (aggp2,) = _sc_agg(h, srcf, dstb, zagg)
  out = _tc_lin(aggp2[:N], aggp2[GROW:GROW + N], c0, c1, h,
                W2_l, b2_l.reshape(1, D), W2_r)
  return out

# --- scband reference (transcript-rebuilt; emitter-appended) ---
"""Pipeline reference for scband-graph-sage-89309549953641 (READ-ONLY COPY).

The authoritative reference and input builder live on the scoring server;
editing this copy changes nothing except your own understanding.
"""

import jax, jax.numpy as jnp
import numpy as np

N_NODES = 10000
N_EDGES = 320000
IN_DIM = 128
HID_DIM = 128
OUT_DIM = 128


def setup_inputs(seed: int = 0) -> dict:
    key = jax.random.key(seed)
    ks = jax.random.split(key, 8)
    x = jax.random.normal(ks[0], (N_NODES, IN_DIM), dtype=jnp.float32)
    edge_index = jax.random.randint(ks[1], (2, N_EDGES), 0, N_NODES, dtype=jnp.int64 if jax.config.jax_enable_x64 else jnp.int32).astype(jnp.int32)
    s1 = 1.0 / np.sqrt(IN_DIM)
    W1_l = jax.random.uniform(ks[2], (HID_DIM, IN_DIM), dtype=jnp.float32, minval=-s1, maxval=s1)
    b1_l = jax.random.uniform(ks[3], (HID_DIM,), dtype=jnp.float32, minval=-s1, maxval=s1)
    W1_r = jax.random.uniform(ks[4], (HID_DIM, IN_DIM), dtype=jnp.float32, minval=-s1, maxval=s1)
    s2 = 1.0 / np.sqrt(HID_DIM)
    W2_l = jax.random.uniform(ks[5], (OUT_DIM, HID_DIM), dtype=jnp.float32, minval=-s2, maxval=s2)
    b2_l = jax.random.uniform(ks[6], (OUT_DIM,), dtype=jnp.float32, minval=-s2, maxval=s2)
    W2_r = jax.random.uniform(ks[7], (OUT_DIM, HID_DIM), dtype=jnp.float32, minval=-s2, maxval=s2)
    return {"x": x, "edge_index": edge_index, "W1_l": W1_l, "b1_l": b1_l, "W1_r": W1_r, "W2_l": W2_l, "b2_l": b2_l, "W2_r": W2_r}


def _sage_conv(x, edge_index, W_l, b_l, W_r):
    # PyG SAGEConv: out = lin_l(mean_j x_j) + lin_r(x_i)
    src = edge_index[0]
    dst = edge_index[1]
    msgs = jnp.take(x, src, axis=0)
    agg = jax.ops.segment_sum(msgs, dst, num_segments=N_NODES)
    cnt = jax.ops.segment_sum(jnp.ones((src.shape[0],), dtype=jnp.float32), dst, num_segments=N_NODES)
    agg = agg / jnp.clip(cnt, 1.0, None)[:, None]
    return agg @ W_l.T + b_l + x @ W_r.T


def reference(x, edge_index, W1_l, b1_l, W1_r, W2_l, b2_l, W2_r):
    h = _sage_conv(x, edge_index, W1_l, b1_l, W1_r)
    h = jax.nn.relu(h)
    # dropout is identity in eval mode
    out = _sage_conv(h, edge_index, W2_l, b2_l, W2_r)
    return out

if __name__ == "__main__":
    import jax
    _d = setup_inputs()
    print(jax.jit(kernel)(*tuple(_d.values())))

</pallas_src>

<mosaic_0001>
#map = affine_map<(d0, d1) -> (0, 0)>
#map1 = affine_map<(d0, d1) -> (0)>
module attributes {stable_mosaic.version = 14 : i64} {
  func.func @body(%arg0: i32, %arg1: i32, %arg2: memref<10000x128xf32, #tpu.memory_space<hbm>>, %arg3: memref<344064xi32, #tpu.memory_space<hbm>>, %arg4: memref<5376x64xi32, #tpu.memory_space<hbm>>, %arg5: memref<10112x128xf32, #tpu.memory_space<hbm>>, %arg6: memref<20224x128xf32, #tpu.memory_space<hbm>>, %arg7: memref<10752xi32, #tpu.memory_space<vmem>>, %arg8: memref<2x24x64xi32, #tpu.memory_space<vmem>>, %arg9: memref<64x128xf32, #tpu.memory_space<vmem>>, %arg10: memref<64x128xf32, #tpu.memory_space<vmem>>, %arg11: memref<64x128xf32, #tpu.memory_space<vmem>>, %arg12: memref<10112x128xf32, #tpu.memory_space<vmem_shared>>, %arg13: memref<!tpu.dma_semaphore, #tpu.memory_space<semaphore_mem>>, %arg14: memref<!tpu.dma_semaphore, #tpu.memory_space<semaphore_mem>>, %arg15: memref<!tpu.dma_semaphore, #tpu.memory_space<semaphore_mem>>, %arg16: memref<!tpu.dma_semaphore, #tpu.memory_space<semaphore_mem>>, %arg17: memref<!tpu.dma_semaphore, #tpu.memory_space<semaphore_mem>>) attributes {dimension_semantics = [#tpu.dimension_semantics<core_parallel>, #tpu.dimension_semantics<subcore_parallel>], iteration_bounds = array<i64: 2, 16>, scalar_prefetch = 0 : i64, scratch_operands = 11 : i64, tpu.core_type = #tpu.core_type<sc_vector_subcore>, window_params = [{transform_indices = #map}, {transform_indices = #map1}, {transform_indices = #map}, {transform_indices = #map}, {transform_indices = #map}]} {
    %mul3A = arith.constant 16 : i32
    %mul3A_0 = arith.muli %arg0, %mul3A : i32
    %add3A = arith.addi %mul3A_0, %arg1 : i32
    %mul3A_1 = arith.constant 632 : i32
    %mul3A_2 = arith.muli %arg1, %mul3A_1 : i32
    "tpu.region"() ({
      %run_scoped3A_254 = tpu.sem_alloc : memref<!tpu.dma_semaphore, #tpu.memory_space<semaphore_mem>>
      %dma_start3A_255 = arith.constant 0 : i32
      %dma_start3A_256 = tpu.memref_slice %arg12[%mul3A_2, %dma_start3A_255] : memref<10112x128xf32, #tpu.memory_space<vmem_shared>> -> memref<632x128xf32, #tpu.memory_space<vmem_shared>>
      %dma_start3A_257 = arith.constant 0 : i32
      %dma_start3A_258 = tpu.memref_slice %arg5[%mul3A_2, %dma_start3A_257] : memref<10112x128xf32, #tpu.memory_space<hbm>> -> memref<632x128xf32, #tpu.memory_space<hbm>>
      tpu.enqueue_dma source(%dma_start3A_258 : memref<632x128xf32, #tpu.memory_space<hbm>>) target(%dma_start3A_256 : memref<632x128xf32, #tpu.memory_space<vmem_shared>>) target_semaphore(%run_scoped3A_254 : memref<!tpu.dma_semaphore, #tpu.memory_space<semaphore_mem>>)
      %dma_wait3A_259 = arith.constant 0 : i32
      %dma_wait3A_260 = tpu.memref_slice %arg12[%mul3A_2, %dma_wait3A_259] : memref<10112x128xf32, #tpu.memory_space<vmem_shared>> -> memref<632x128xf32, #tpu.memory_space<vmem_shared>>
      %dma_wait3A_261 = arith.constant 0 : i32
      %dma_wait3A_262 = tpu.memref_slice %arg5[%mul3A_2, %dma_wait3A_261] : memref<10112x128xf32, #tpu.memory_space<hbm>> -> memref<632x128xf32, #tpu.memory_space<hbm>>
      tpu.wait_dma2 semaphore(%run_scoped3A_254 : memref<!tpu.dma_semaphore, #tpu.memory_space<semaphore_mem>>) src(%dma_wait3A_262 : memref<632x128xf32, #tpu.memory_space<hbm>>) dst(%dma_wait3A_260 : memref<632x128xf32, #tpu.memory_space<vmem_shared>>)
      tpu.yield
    }) : () -> ()
    %mul3A_3 = arith.constant 168 : i32
    %mul3A_4 = arith.muli %add3A, %mul3A_3 : i32
    %mul3A_5 = arith.constant 64 : i32
    %mul3A_6 = arith.muli %mul3A_4, %mul3A_5 : i32
    "tpu.region"() ({
      %run_scoped3A_254 = tpu.sem_alloc : memref<!tpu.dma_semaphore, #tpu.memory_space<semaphore_mem>>
      %dma_start3A_255 = tpu.memref_slice %arg3[%mul3A_6] : memref<344064xi32, #tpu.memory_space<hbm>> -> memref<10752xi32, #tpu.memory_space<hbm>>
      %dma_start3A_256 = tpu.memref_slice %arg3[%mul3A_6] : memref<344064xi32, #tpu.memory_space<hbm>> -> memref<10752xi32, #tpu.memory_space<hbm>>
      tpu.enqueue_dma source(%dma_start3A_256 : memref<10752xi32, #tpu.memory_space<hbm>>) target(%arg7 : memref<10752xi32, #tpu.memory_space<vmem>>) target_semaphore(%run_scoped3A_254 : memref<!tpu.dma_semaphore, #tpu.memory_space<semaphore_mem>>)
      %dma_wait3A_257 = tpu.memref_slice %arg3[%mul3A_6] : memref<344064xi32, #tpu.memory_space<hbm>> -> memref<10752xi32, #tpu.memory_space<hbm>>
      %dma_wait3A_258 = tpu.memref_slice %arg3[%mul3A_6] : memref<344064xi32, #tpu.memory_space<hbm>> -> memref<10752xi32, #tpu.memory_space<hbm>>
      tpu.wait_dma2 semaphore(%run_scoped3A_254 : memref<!tpu.dma_semaphore, #tpu.memory_space<semaphore_mem>>) src(%dma_wait3A_258 : memref<10752xi32, #tpu.memory_space<hbm>>) dst(%arg7 : memref<10752xi32, #tpu.memory_space<vmem>>)
      tpu.yield
    }) : () -> ()
    %run_scoped3A = arith.constant 0 : i32
    "tpu.region"() ({
      %run_scoped3A_254 = tpu.sem_alloc : memref<!tpu.dma_semaphore, #tpu.memory_space<semaphore_mem>>
      %dma_start3A_255 = arith.constant 0 : i32
      %dma_start3A_256 = arith.constant 0 : i32
      %dma_start3A_257 = tpu.memref_slice %arg8[%run_scoped3A, %dma_start3A_255, %dma_start3A_256] : memref<2x24x64xi32, #tpu.memory_space<vmem>> -> memref<1x24x64xi32, #tpu.memory_space<vmem>>
      %dma_start3A_258 = tpu.memref_squeeze %dma_start3A_257 : memref<1x24x64xi32, #tpu.memory_space<vmem>> -> memref<24x64xi32, #tpu.memory_space<vmem>>
      %dma_start3A_259 = arith.constant 0 : i32
      %dma_start3A_260 = tpu.memref_slice %arg4[%mul3A_4, %dma_start3A_259] : memref<5376x64xi32, #tpu.memory_space<hbm>> -> memref<24x64xi32, #tpu.memory_space<hbm>>
      %dma_start3A_261 = arith.constant 0 : i32
      %dma_start3A_262 = arith.constant 0 : i32
      %dma_start3A_263 = tpu.memref_slice %arg8[%run_scoped3A, %dma_start3A_261, %dma_start3A_262] : memref<2x24x64xi32, #tpu.memory_space<vmem>> -> memref<1x24x64xi32, #tpu.memory_space<vmem>>
      %dma_start3A_264 = tpu.memref_squeeze %dma_start3A_263 : memref<1x24x64xi32, #tpu.memory_space<vmem>> -> memref<24x64xi32, #tpu.memory_space<vmem>>
      %dma_start3A_265 = arith.constant 0 : i32
      %dma_start3A_266 = tpu.memref_slice %arg4[%mul3A_4, %dma_start3A_265] : memref<5376x64xi32, #tpu.memory_space<hbm>> -> memref<24x64xi32, #tpu.memory_space<hbm>>
      tpu.enqueue_dma source(%dma_start3A_266 : memref<24x64xi32, #tpu.memory_space<hbm>>) target(%dma_start3A_264 : memref<24x64xi32, #tpu.memory_space<vmem>>) target_semaphore(%run_scoped3A_254 : memref<!tpu.dma_semaphore, #tpu.memory_space<semaphore_mem>>)
      %dma_wait3A_267 = arith.constant 0 : i32
      %dma_wait3A_268 = arith.constant 0 : i32
      %dma_wait3A_269 = tpu.memref_slice %arg8[%run_scoped3A, %dma_wait3A_267, %dma_wait3A_268] : memref<2x24x64xi32, #tpu.memory_space<vmem>> -> memref<1x24x64xi32, #tpu.memory_space<vmem>>
      %dma_wait3A_270 = tpu.memref_squeeze %dma_wait3A_269 : memref<1x24x64xi32, #tpu.memory_space<vmem>> -> memref<24x64xi32, #tpu.memory_space<vmem>>
      %dma_wait3A_271 = arith.constant 0 : i32
      %dma_wait3A_272 = tpu.memref_slice %arg4[%mul3A_4, %dma_wait3A_271] : memref<5376x64xi32, #tpu.memory_space<hbm>> -> memref<24x64xi32, #tpu.memory_space<hbm>>
      %dma_wait3A_273 = arith.constant 0 : i32
      %dma_wait3A_274 = arith.constant 0 : i32
      %dma_wait3A_275 = tpu.memref_slice %arg8[%run_scoped3A, %dma_wait3A_273, %dma_wait3A_274] : memref<2x24x64xi32, #tpu.memory_space<vmem>> -> memref<1x24x64xi32, #tpu.memory_space<vmem>>
      %dma_wait3A_276 = tpu.memref_squeeze %dma_wait3A_275 : memref<1x24x64xi32, #tpu.memory_space<vmem>> -> memref<24x64xi32, #tpu.memory_space<vmem>>
      %dma_wait3A_277 = arith.constant 0 : i32
      %dma_wait3A_278 = tpu.memref_slice %arg4[%mul3A_4, %dma_wait3A_277] : memref<5376x64xi32, #tpu.memory_space<hbm>> -> memref<24x64xi32, #tpu.memory_space<hbm>>
      tpu.wait_dma2 semaphore(%run_scoped3A_254 : memref<!tpu.dma_semaphore, #tpu.memory_space<semaphore_mem>>) src(%dma_wait3A_278 : memref<24x64xi32, #tpu.memory_space<hbm>>) dst(%dma_wait3A_276 : memref<24x64xi32, #tpu.memory_space<vmem>>)
      tpu.yield
    }) : () -> ()
    %add3A_7 = arith.constant 24 : i32
    %add3A_8 = arith.addi %mul3A_4, %add3A_7 : i32
    %dma_start3A = arith.constant 1 : i32
    %dma_start3A_9 = arith.constant 0 : i32
    %dma_start3A_10 = arith.constant 0 : i32
    %dma_start3A_11 = tpu.memref_slice %arg8[%dma_start3A, %dma_start3A_9, %dma_start3A_10] : memref<2x24x64xi32, #tpu.memory_space<vmem>> -> memref<1x24x64xi32, #tpu.memory_space<vmem>>
    %dma_start3A_12 = tpu.memref_squeeze %dma_start3A_11 : memref<1x24x64xi32, #tpu.memory_space<vmem>> -> memref<24x64xi32, #tpu.memory_space<vmem>>
    %dma_start3A_13 = arith.constant 0 : i32
    %dma_start3A_14 = tpu.memref_slice %arg4[%add3A_8, %dma_start3A_13] : memref<5376x64xi32, #tpu.memory_space<hbm>> -> memref<24x64xi32, #tpu.memory_space<hbm>>
    %dma_start3A_15 = arith.constant 0 : i32
    %dma_start3A_16 = arith.constant 0 : i32
    %dma_start3A_17 = tpu.memref_slice %arg8[%dma_start3A, %dma_start3A_15, %dma_start3A_16] : memref<2x24x64xi32, #tpu.memory_space<vmem>> -> memref<1x24x64xi32, #tpu.memory_space<vmem>>
    %dma_start3A_18 = tpu.memref_squeeze %dma_start3A_17 : memref<1x24x64xi32, #tpu.memory_space<vmem>> -> memref<24x64xi32, #tpu.memory_space<vmem>>
    %dma_start3A_19 = arith.constant 0 : i32
    %dma_start3A_20 = tpu.memref_slice %arg4[%add3A_8, %dma_start3A_19] : memref<5376x64xi32, #tpu.memory_space<hbm>> -> memref<24x64xi32, #tpu.memory_space<hbm>>
    tpu.enqueue_dma source(%dma_start3A_20 : memref<24x64xi32, #tpu.memory_space<hbm>>) target(%dma_start3A_18 : memref<24x64xi32, #tpu.memory_space<vmem>>) target_semaphore(%arg17 : memref<!tpu.dma_semaphore, #tpu.memory_space<semaphore_mem>>)
    %barrier3A = arith.constant 0 : index
    tpu.barrier barrier_id(%barrier3A)
    %dma_start3A_21 = arith.constant 0 : i32
    %dma_start3A_22 = tpu.memref_slice %arg7[%dma_start3A_21] : memref<10752xi32, #tpu.memory_space<vmem>> -> memref<64xi32, #tpu.memory_space<vmem>>
    %dma_start3A_23 = arith.constant 0 : i32
    %dma_start3A_24 = arith.constant 0 : i32
    %dma_start3A_25 = tpu.memref_slice %arg2[%dma_start3A_23, %dma_start3A_24] : memref<10000x128xf32, #tpu.memory_space<hbm>> -> memref<10000x128xf32, #tpu.memory_space<hbm>>
    tpu.enqueue_indirect_dma source(%dma_start3A_25 : memref<10000x128xf32, #tpu.memory_space<hbm>>) target(%arg9 : memref<64x128xf32, #tpu.memory_space<vmem>>) offsets(%dma_start3A_22 : memref<64xi32, #tpu.memory_space<vmem>>) semaphore(%arg13 : memref<!tpu.dma_semaphore, #tpu.memory_space<semaphore_mem>>)
    %dma_start3A_26 = arith.constant 64 : i32
    %dma_start3A_27 = tpu.memref_slice %arg7[%dma_start3A_26] : memref<10752xi32, #tpu.memory_space<vmem>> -> memref<64xi32, #tpu.memory_space<vmem>>
    %dma_start3A_28 = arith.constant 0 : i32
    %dma_start3A_29 = arith.constant 0 : i32
    %dma_start3A_30 = tpu.memref_slice %arg2[%dma_start3A_28, %dma_start3A_29] : memref<10000x128xf32, #tpu.memory_space<hbm>> -> memref<10000x128xf32, #tpu.memory_space<hbm>>
    tpu.enqueue_indirect_dma source(%dma_start3A_30 : memref<10000x128xf32, #tpu.memory_space<hbm>>) target(%arg10 : memref<64x128xf32, #tpu.memory_space<vmem>>) offsets(%dma_start3A_27 : memref<64xi32, #tpu.memory_space<vmem>>) semaphore(%arg14 : memref<!tpu.dma_semaphore, #tpu.memory_space<semaphore_mem>>)
    %dma_start3A_31 = arith.constant 128 : i32
    %dma_start3A_32 = tpu.memref_slice %arg7[%dma_start3A_31] : memref<10752xi32, #tpu.memory_space<vmem>> -> memref<64xi32, #tpu.memory_space<vmem>>
    %dma_start3A_33 = arith.constant 0 : i32
    %dma_start3A_34 = arith.constant 0 : i32
    %dma_start3A_35 = tpu.memref_slice %arg2[%dma_start3A_33, %dma_start3A_34] : memref<10000x128xf32, #tpu.memory_space<hbm>> -> memref<10000x128xf32, #tpu.memory_space<hbm>>
    tpu.enqueue_indirect_dma source(%dma_start3A_35 : memref<10000x128xf32, #tpu.memory_space<hbm>>) target(%arg11 : memref<64x128xf32, #tpu.memory_space<vmem>>) offsets(%dma_start3A_32 : memref<64xi32, #tpu.memory_space<vmem>>) semaphore(%arg15 : memref<!tpu.dma_semaphore, #tpu.memory_space<semaphore_mem>>)
    %scan3A = arith.constant 0 : i32
    %scan3A_36 = arith.constant 0 : i32
    %scan3A_37 = arith.constant 8 : i32
    %scan3A_38 = arith.addi %scan3A_36, %scan3A_37 : i32
    %scan3A_39 = arith.constant 1 : i32
    scf.for %scan3A_254 = %scan3A_36 to %scan3A_38 step %scan3A_39  : i32 {
      %mul3A_255 = arith.constant 3 : i32
      %mul3A_256 = arith.muli %mul3A_255, %scan3A_254 : i32
      %add3A_257 = arith.constant 0 : i32
      %add3A_258 = arith.addi %add3A_257, %mul3A_256 : i32
      %dma_wait3A_259 = arith.constant 0 : i32
      %dma_wait3A_260 = tpu.memref_slice %arg7[%dma_wait3A_259] : memref<10752xi32, #tpu.memory_space<vmem>> -> memref<64xi32, #tpu.memory_space<vmem>>
      %dma_wait3A_261 = arith.constant 0 : i32
      %dma_wait3A_262 = arith.constant 0 : i32
      %dma_wait3A_263 = tpu.memref_slice %arg2[%dma_wait3A_261, %dma_wait3A_262] : memref<10000x128xf32, #tpu.memory_space<hbm>> -> memref<10000x128xf32, #tpu.memory_space<hbm>>
      tpu.wait_indirect_dma semaphore(%arg13 : memref<!tpu.dma_semaphore, #tpu.memory_space<semaphore_mem>>) src(%dma_wait3A_263 : memref<10000x128xf32, #tpu.memory_space<hbm>>) dst(%arg9 : memref<64x128xf32, #tpu.memory_space<vmem>>)
      %mul3A_264 = arith.constant 3 : i32
      %mul3A_265 = arith.muli %mul3A_264, %scan3A_254 : i32
      %add3A_266 = arith.constant 0 : i32
      %add3A_267 = arith.addi %mul3A_265, %add3A_266 : i32
      %run_scoped3A_268 = arith.constant 0 : i32
      "tpu.region"() ({
        %run_scoped3A_319 = tpu.sem_alloc : memref<!tpu.dma_semaphore, #tpu.memory_space<semaphore_mem>>
        %dma_start3A_320 = arith.constant 0 : i32
        %dma_start3A_321 = tpu.memref_slice %arg8[%run_scoped3A_268, %add3A_267, %dma_start3A_320] : memref<2x24x64xi32, #tpu.memory_space<vmem>> -> memref<1x1x64xi32, #tpu.memory_space<vmem>>
        %dma_start3A_322 = tpu.memref_squeeze %dma_start3A_321 : memref<1x1x64xi32, #tpu.memory_space<vmem>> -> memref<64xi32, #tpu.memory_space<vmem>>
        %dma_start3A_323 = arith.constant 0 : i32
        %dma_start3A_324 = arith.constant 0 : i32
        %dma_start3A_325 = tpu.memref_slice %arg12[%dma_start3A_323, %dma_start3A_324] : memref<10112x128xf32, #tpu.memory_space<vmem_shared>> -> memref<10112x128xf32, #tpu.memory_space<vmem_shared>>
        tpu.enqueue_indirect_dma source(%arg9 : memref<64x128xf32, #tpu.memory_space<vmem>>) target(%dma_start3A_325 : memref<10112x128xf32, #tpu.memory_space<vmem_shared>>) offsets(%dma_start3A_322 : memref<64xi32, #tpu.memory_space<vmem>>) semaphore(%run_scoped3A_319 : memref<!tpu.dma_semaphore, #tpu.memory_space<semaphore_mem>>) {add = true}
        %dma_wait3A_326 = arith.constant 0 : i32
        %dma_wait3A_327 = tpu.memref_slice %arg8[%run_scoped3A_268, %add3A_267, %dma_wait3A_326] : memref<2x24x64xi32, #tpu.memory_space<vmem>> -> memref<1x1x64xi32, #tpu.memory_space<vmem>>
        %dma_wait3A_328 = tpu.memref_squeeze %dma_wait3A_327 : memref<1x1x64xi32, #tpu.memory_space<vmem>> -> memref<64xi32, #tpu.memory_space<vmem>>
        %dma_wait3A_329 = arith.constant 0 : i32
        %dma_wait3A_330 = arith.constant 0 : i32
        %dma_wait3A_331 = tpu.memref_slice %arg12[%dma_wait3A_329, %dma_wait3A_330] : memref<10112x128xf32, #tpu.memory_space<vmem_shared>> -> memref<10112x128xf32, #tpu.memory_space<vmem_shared>>
        tpu.wait_indirect_dma semaphore(%run_scoped3A_319 : memref<!tpu.dma_semaphore, #tpu.memory_space<semaphore_mem>>) src(%arg9 : memref<64x128xf32, #tpu.memory_space<vmem>>) dst(%dma_wait3A_331 : memref<10112x128xf32, #tpu.memory_space<vmem_shared>>)
        tpu.yield
      }) : () -> ()
      %add3A_269 = arith.constant 0 : i32
      %add3A_270 = arith.addi %add3A_258, %add3A_269 : i32
      %add3A_271 = arith.constant 3 : i32
      %add3A_272 = arith.addi %add3A_270, %add3A_271 : i32
      %mul3A_273 = arith.constant 64 : i32
      %mul3A_274 = arith.muli %add3A_272, %mul3A_273 : i32
      %dma_start3A_275 = tpu.memref_slice %arg7[%mul3A_274] : memref<10752xi32, #tpu.memory_space<vmem>> -> memref<64xi32, #tpu.memory_space<vmem>>
      %dma_start3A_276 = arith.constant 0 : i32
      %dma_start3A_277 = arith.constant 0 : i32
      %dma_start3A_278 = tpu.memref_slice %arg2[%dma_start3A_276, %dma_start3A_277] : memref<10000x128xf32, #tpu.memory_space<hbm>> -> memref<10000x128xf32, #tpu.memory_space<hbm>>
      tpu.enqueue_indirect_dma source(%dma_start3A_278 : memref<10000x128xf32, #tpu.memory_space<hbm>>) target(%arg9 : memref<64x128xf32, #tpu.memory_space<vmem>>) offsets(%dma_start3A_275 : memref<64xi32, #tpu.memory_space<vmem>>) semaphore(%arg13 : memref<!tpu.dma_semaphore, #tpu.memory_space<semaphore_mem>>)
      %dma_wait3A_279 = arith.constant 0 : i32
      %dma_wait3A_280 = tpu.memref_slice %arg7[%dma_wait3A_279] : memref<10752xi32, #tpu.memory_space<vmem>> -> memref<64xi32, #tpu.memory_space<vmem>>
      %dma_wait3A_281 = arith.constant 0 : i32
      %dma_wait3A_282 = arith.constant 0 : i32
      %dma_wait3A_283 = tpu.memref_slice %arg2[%dma_wait3A_281, %dma_wait3A_282] : memref<10000x128xf32, #tpu.memory_space<hbm>> -> memref<10000x128xf32, #tpu.memory_space<hbm>>
      tpu.wait_indirect_dma semaphore(%arg14 : memref<!tpu.dma_semaphore, #tpu.memory_space<semaphore_mem>>) src(%dma_wait3A_283 : memref<10000x128xf32, #tpu.memory_space<hbm>>) dst(%arg10 : memref<64x128xf32, #tpu.memory_space<vmem>>)
      %mul3A_284 = arith.constant 3 : i32
      %mul3A_285 = arith.muli %mul3A_284, %scan3A_254 : i32
      %add3A_286 = arith.constant 1 : i32
      %add3A_287 = arith.addi %mul3A_285, %add3A_286 : i32
      %run_scoped3A_288 = arith.constant 0 : i32
      "tpu.region"() ({
        %run_scoped3A_319 = tpu.sem_alloc : memref<!tpu.dma_semaphore, #tpu.memory_space<semaphore_mem>>
        %dma_start3A_320 = arith.constant 0 : i32
        %dma_start3A_321 = tpu.memref_slice %arg8[%run_scoped3A_288, %add3A_287, %dma_start3A_320] : memref<2x24x64xi32, #tpu.memory_space<vmem>> -> memref<1x1x64xi32, #tpu.memory_space<vmem>>
        %dma_start3A_322 = tpu.memref_squeeze %dma_start3A_321 : memref<1x1x64xi32, #tpu.memory_space<vmem>> -> memref<64xi32, #tpu.memory_space<vmem>>
        %dma_start3A_323 = arith.constant 0 : i32
        %dma_start3A_324 = arith.constant 0 : i32
        %dma_start3A_325 = tpu.memref_slice %arg12[%dma_start3A_323, %dma_start3A_324] : memref<10112x128xf32, #tpu.memory_space<vmem_shared>> -> memref<10112x128xf32, #tpu.memory_space<vmem_shared>>
        tpu.enqueue_indirect_dma source(%arg10 : memref<64x128xf32, #tpu.memory_space<vmem>>) target(%dma_start3A_325 : memref<10112x128xf32, #tpu.memory_space<vmem_shared>>) offsets(%dma_start3A_322 : memref<64xi32, #tpu.memory_space<vmem>>) semaphore(%run_scoped3A_319 : memref<!tpu.dma_semaphore, #tpu.memory_space<semaphore_mem>>) {add = true}
        %dma_wait3A_326 = arith.constant 0 : i32
        %dma_wait3A_327 = tpu.memref_slice %arg8[%run_scoped3A_288, %add3A_287, %dma_wait3A_326] : memref<2x24x64xi32, #tpu.memory_space<vmem>> -> memref<1x1x64xi32, #tpu.memory_space<vmem>>
        %dma_wait3A_328 = tpu.memref_squeeze %dma_wait3A_327 : memref<1x1x64xi32, #tpu.memory_space<vmem>> -> memref<64xi32, #tpu.memory_space<vmem>>
        %dma_wait3A_329 = arith.constant 0 : i32
        %dma_wait3A_330 = arith.constant 0 : i32
        %dma_wait3A_331 = tpu.memref_slice %arg12[%dma_wait3A_329, %dma_wait3A_330] : memref<10112x128xf32, #tpu.memory_space<vmem_shared>> -> memref<10112x128xf32, #tpu.memory_space<vmem_shared>>
        tpu.wait_indirect_dma semaphore(%run_scoped3A_319 : memref<!tpu.dma_semaphore, #tpu.memory_space<semaphore_mem>>) src(%arg10 : memref<64x128xf32, #tpu.memory_space<vmem>>) dst(%dma_wait3A_331 : memref<10112x128xf32, #tpu.memory_space<vmem_shared>>)
        tpu.yield
      }) : () -> ()
      %add3A_289 = arith.constant 1 : i32
      %add3A_290 = arith.addi %add3A_258, %add3A_289 : i32
      %add3A_291 = arith.constant 3 : i32
      %add3A_292 = arith.addi %add3A_290, %add3A_291 : i32
      %mul3A_293 = arith.constant 64 : i32
      %mul3A_294 = arith.muli %add3A_292, %mul3A_293 : i32
      %dma_start3A_295 = tpu.memref_slice %arg7[%mul3A_294] : memref<10752xi32, #tpu.memory_space<vmem>> -> memref<64xi32, #tpu.memory_space<vmem>>
      %dma_start3A_296 = arith.constant 0 : i32
      %dma_start3A_297 = arith.constant 0 : i32
      %dma_start3A_298 = tpu.memref_slice %arg2[%dma_start3A_296, %dma_start3A_297] : memref<10000x128xf32, #tpu.memory_space<hbm>> -> memref<10000x128xf32, #tpu.memory_space<hbm>>
      tpu.enqueue_indirect_dma source(%dma_start3A_298 : memref<10000x128xf32, #tpu.memory_space<hbm>>) target(%arg10 : memref<64x128xf32, #tpu.memory_space<vmem>>) offsets(%dma_start3A_295 : memref<64xi32, #tpu.memory_space<vmem>>) semaphore(%arg14 : memref<!tpu.dma_semaphore, #tpu.memory_space<semaphore_mem>>)
      %dma_wait3A_299 = arith.constant 0 : i32
      %dma_wait3A_300 = tpu.memref_slice %arg7[%dma_wait3A_299] : memref<10752xi32, #tpu.memory_space<vmem>> -> memref<64xi32, #tpu.memory_space<vmem>>
      %dma_wait3A_301 = arith.constant 0 : i32
      %dma_wait3A_302 = arith.constant 0 : i32
      %dma_wait3A_303 = tpu.memref_slice %arg2[%dma_wait3A_301, %dma_wait3A_302] : memref<10000x128xf32, #tpu.memory_space<hbm>> -> memref<10000x128xf32, #tpu.memory_space<hbm>>
      tpu.wait_indirect_dma semaphore(%arg15 : memref<!tpu.dma_semaphore, #tpu.memory_space<semaphore_mem>>) src(%dma_wait3A_303 : memref<10000x128xf32, #tpu.memory_space<hbm>>) dst(%arg11 : memref<64x128xf32, #tpu.memory_space<vmem>>)
      %mul3A_304 = arith.constant 3 : i32
      %mul3A_305 = arith.muli %mul3A_304, %scan3A_254 : i32
      %add3A_306 = arith.constant 2 : i32
      %add3A_307 = arith.addi %mul3A_305, %add3A_306 : i32
      %run_scoped3A_308 = arith.constant 0 : i32
      "tpu.region"() ({
        %run_scoped3A_319 = tpu.sem_alloc : memref<!tpu.dma_semaphore, #tpu.memory_space<semaphore_mem>>
        %dma_start3A_320 = arith.constant 0 : i32
        %dma_start3A_321 = tpu.memref_slice %arg8[%run_scoped3A_308, %add3A_307, %dma_start3A_320] : memref<2x24x64xi32, #tpu.memory_space<vmem>> -> memref<1x1x64xi32, #tpu.memory_space<vmem>>
        %dma_start3A_322 = tpu.memref_squeeze %dma_start3A_321 : memref<1x1x64xi32, #tpu.memory_space<vmem>> -> memref<64xi32, #tpu.memory_space<vmem>>
        %dma_start3A_323 = arith.constant 0 : i32
        %dma_start3A_324 = arith.constant 0 : i32
        %dma_start3A_325 = tpu.memref_slice %arg12[%dma_start3A_323, %dma_start3A_324] : memref<10112x128xf32, #tpu.memory_space<vmem_shared>> -> memref<10112x128xf32, #tpu.memory_space<vmem_shared>>
        tpu.enqueue_indirect_dma source(%arg11 : memref<64x128xf32, #tpu.memory_space<vmem>>) target(%dma_start3A_325 : memref<10112x128xf32, #tpu.memory_space<vmem_shared>>) offsets(%dma_start3A_322 : memref<64xi32, #tpu.memory_space<vmem>>) semaphore(%run_scoped3A_319 : memref<!tpu.dma_semaphore, #tpu.memory_space<semaphore_mem>>) {add = true}
        %dma_wait3A_326 = arith.constant 0 : i32
        %dma_wait3A_327 = tpu.memref_slice %arg8[%run_scoped3A_308, %add3A_307, %dma_wait3A_326] : memref<2x24x64xi32, #tpu.memory_space<vmem>> -> memref<1x1x64xi32, #tpu.memory_space<vmem>>
        %dma_wait3A_328 = tpu.memref_squeeze %dma_wait3A_327 : memref<1x1x64xi32, #tpu.memory_space<vmem>> -> memref<64xi32, #tpu.memory_space<vmem>>
        %dma_wait3A_329 = arith.constant 0 : i32
        %dma_wait3A_330 = arith.constant 0 : i32
        %dma_wait3A_331 = tpu.memref_slice %arg12[%dma_wait3A_329, %dma_wait3A_330] : memref<10112x128xf32, #tpu.memory_space<vmem_shared>> -> memref<10112x128xf32, #tpu.memory_space<vmem_shared>>
        tpu.wait_indirect_dma semaphore(%run_scoped3A_319 : memref<!tpu.dma_semaphore, #tpu.memory_space<semaphore_mem>>) src(%arg11 : memref<64x128xf32, #tpu.memory_space<vmem>>) dst(%dma_wait3A_331 : memref<10112x128xf32, #tpu.memory_space<vmem_shared>>)
        tpu.yield
      }) : () -> ()
      %add3A_309 = arith.constant 2 : i32
      %add3A_310 = arith.addi %add3A_258, %add3A_309 : i32
      %add3A_311 = arith.constant 3 : i32
      %add3A_312 = arith.addi %add3A_310, %add3A_311 : i32
      %mul3A_313 = arith.constant 64 : i32
      %mul3A_314 = arith.muli %add3A_312, %mul3A_313 : i32
      %dma_start3A_315 = tpu.memref_slice %arg7[%mul3A_314] : memref<10752xi32, #tpu.memory_space<vmem>> -> memref<64xi32, #tpu.memory_space<vmem>>
      %dma_start3A_316 = arith.constant 0 : i32
      %dma_start3A_317 = arith.constant 0 : i32
      %dma_start3A_318 = tpu.memref_slice %arg2[%dma_start3A_316, %dma_start3A_317] : memref<10000x128xf32, #tpu.memory_space<hbm>> -> memref<10000x128xf32, #tpu.memory_space<hbm>>
      tpu.enqueue_indirect_dma source(%dma_start3A_318 : memref<10000x128xf32, #tpu.memory_space<hbm>>) target(%arg11 : memref<64x128xf32, #tpu.memory_space<vmem>>) offsets(%dma_start3A_315 : memref<64xi32, #tpu.memory_space<vmem>>) semaphore(%arg15 : memref<!tpu.dma_semaphore, #tpu.memory_space<semaphore_mem>>)
    }
    %scan3A_40 = arith.constant 8 : i32
    %add3A_41 = arith.constant 48 : i32
    %add3A_42 = arith.addi %mul3A_4, %add3A_41 : i32
    %dma_start3A_43 = arith.constant 0 : i32
    %dma_start3A_44 = arith.constant 0 : i32
    %dma_start3A_45 = arith.constant 0 : i32
    %dma_start3A_46 = tpu.memref_slice %arg8[%dma_start3A_43, %dma_start3A_44, %dma_start3A_45] : memref<2x24x64xi32, #tpu.memory_space<vmem>> -> memref<1x24x64xi32, #tpu.memory_space<vmem>>
    %dma_start3A_47 = tpu.memref_squeeze %dma_start3A_46 : memref<1x24x64xi32, #tpu.memory_space<vmem>> -> memref<24x64xi32, #tpu.memory_space<vmem>>
    %dma_start3A_48 = arith.constant 0 : i32
    %dma_start3A_49 = tpu.memref_slice %arg4[%add3A_42, %dma_start3A_48] : memref<5376x64xi32, #tpu.memory_space<hbm>> -> memref<24x64xi32, #tpu.memory_space<hbm>>
    %dma_start3A_50 = arith.constant 0 : i32
    %dma_start3A_51 = arith.constant 0 : i32
    %dma_start3A_52 = tpu.memref_slice %arg8[%dma_start3A_43, %dma_start3A_50, %dma_start3A_51] : memref<2x24x64xi32, #tpu.memory_space<vmem>> -> memref<1x24x64xi32, #tpu.memory_space<vmem>>
    %dma_start3A_53 = tpu.memref_squeeze %dma_start3A_52 : memref<1x24x64xi32, #tpu.memory_space<vmem>> -> memref<24x64xi32, #tpu.memory_space<vmem>>
    %dma_start3A_54 = arith.constant 0 : i32
    %dma_start3A_55 = tpu.memref_slice %arg4[%add3A_42, %dma_start3A_54] : memref<5376x64xi32, #tpu.memory_space<hbm>> -> memref<24x64xi32, #tpu.memory_space<hbm>>
    tpu.enqueue_dma source(%dma_start3A_55 : memref<24x64xi32, #tpu.memory_space<hbm>>) target(%dma_start3A_53 : memref<24x64xi32, #tpu.memory_space<vmem>>) target_semaphore(%arg16 : memref<!tpu.dma_semaphore, #tpu.memory_space<semaphore_mem>>)
    %dma_wait3A = arith.constant 1 : i32
    %dma_wait3A_56 = arith.constant 0 : i32
    %dma_wait3A_57 = arith.constant 0 : i32
    %dma_wait3A_58 = tpu.memref_slice %arg8[%dma_wait3A, %dma_wait3A_56, %dma_wait3A_57] : memref<2x24x64xi32, #tpu.memory_space<vmem>> -> memref<1x24x64xi32, #tpu.memory_space<vmem>>
    %dma_wait3A_59 = tpu.memref_squeeze %dma_wait3A_58 : memref<1x24x64xi32, #tpu.memory_space<vmem>> -> memref<24x64xi32, #tpu.memory_space<vmem>>
    %dma_wait3A_60 = arith.constant 0 : i32
    %dma_wait3A_61 = tpu.memref_slice %arg4[%mul3A_4, %dma_wait3A_60] : memref<5376x64xi32, #tpu.memory_space<hbm>> -> memref<24x64xi32, #tpu.memory_space<hbm>>
    %dma_wait3A_62 = arith.constant 0 : i32
    %dma_wait3A_63 = arith.constant 0 : i32
    %dma_wait3A_64 = tpu.memref_slice %arg8[%dma_wait3A, %dma_wait3A_62, %dma_wait3A_63] : memref<2x24x64xi32, #tpu.memory_space<vmem>> -> memref<1x24x64xi32, #tpu.memory_space<vmem>>
    %dma_wait3A_65 = tpu.memref_squeeze %dma_wait3A_64 : memref<1x24x64xi32, #tpu.memory_space<vmem>> -> memref<24x64xi32, #tpu.memory_space<vmem>>
    %dma_wait3A_66 = arith.constant 0 : i32
    %dma_wait3A_67 = tpu.memref_slice %arg4[%mul3A_4, %dma_wait3A_66] : memref<5376x64xi32, #tpu.memory_space<hbm>> -> memref<24x64xi32, #tpu.memory_space<hbm>>
    tpu.wait_dma2 semaphore(%arg17 : memref<!tpu.dma_semaphore, #tpu.memory_space<semaphore_mem>>) src(%dma_wait3A_67 : memref<24x64xi32, #tpu.memory_space<hbm>>) dst(%dma_wait3A_65 : memref<24x64xi32, #tpu.memory_space<vmem>>)
    %scan3A_68 = arith.constant 0 : i32
    %scan3A_69 = arith.constant 0 : i32
    %scan3A_70 = arith.constant 8 : i32
    %scan3A_71 = arith.addi %scan3A_69, %scan3A_70 : i32
    %scan3A_72 = arith.constant 1 : i32
    scf.for %scan3A_254 = %scan3A_69 to %scan3A_71 step %scan3A_72  : i32 {
      %mul3A_255 = arith.constant 3 : i32
      %mul3A_256 = arith.muli %mul3A_255, %scan3A_254 : i32
      %add3A_257 = arith.constant 24 : i32
      %add3A_258 = arith.addi %add3A_257, %mul3A_256 : i32
      %dma_wait3A_259 = arith.constant 0 : i32
      %dma_wait3A_260 = tpu.memref_slice %arg7[%dma_wait3A_259] : memref<10752xi32, #tpu.memory_space<vmem>> -> memref<64xi32, #tpu.memory_space<vmem>>
      %dma_wait3A_261 = arith.constant 0 : i32
      %dma_wait3A_262 = arith.constant 0 : i32
      %dma_wait3A_263 = tpu.memref_slice %arg2[%dma_wait3A_261, %dma_wait3A_262] : memref<10000x128xf32, #tpu.memory_space<hbm>> -> memref<10000x128xf32, #tpu.memory_space<hbm>>
      tpu.wait_indirect_dma semaphore(%arg13 : memref<!tpu.dma_semaphore, #tpu.memory_space<semaphore_mem>>) src(%dma_wait3A_263 : memref<10000x128xf32, #tpu.memory_space<hbm>>) dst(%arg9 : memref<64x128xf32, #tpu.memory_space<vmem>>)
      %mul3A_264 = arith.constant 3 : i32
      %mul3A_265 = arith.muli %mul3A_264, %scan3A_254 : i32
      %add3A_266 = arith.constant 0 : i32
      %add3A_267 = arith.addi %mul3A_265, %add3A_266 : i32
      %run_scoped3A_268 = arith.constant 1 : i32
      "tpu.region"() ({
        %run_scoped3A_319 = tpu.sem_alloc : memref<!tpu.dma_semaphore, #tpu.memory_space<semaphore_mem>>
        %dma_start3A_320 = arith.constant 0 : i32
        %dma_start3A_321 = tpu.memref_slice %arg8[%run_scoped3A_268, %add3A_267, %dma_start3A_320] : memref<2x24x64xi32, #tpu.memory_space<vmem>> -> memref<1x1x64xi32, #tpu.memory_space<vmem>>
        %dma_start3A_322 = tpu.memref_squeeze %dma_start3A_321 : memref<1x1x64xi32, #tpu.memory_space<vmem>> -> memref<64xi32, #tpu.memory_space<vmem>>
        %dma_start3A_323 = arith.constant 0 : i32
        %dma_start3A_324 = arith.constant 0 : i32
        %dma_start3A_325 = tpu.memref_slice %arg12[%dma_start3A_323, %dma_start3A_324] : memref<10112x128xf32, #tpu.memory_space<vmem_shared>> -> memref<10112x128xf32, #tpu.memory_space<vmem_shared>>
        tpu.enqueue_indirect_dma source(%arg9 : memref<64x128xf32, #tpu.memory_space<vmem>>) target(%dma_start3A_325 : memref<10112x128xf32, #tpu.memory_space<vmem_shared>>) offsets(%dma_start3A_322 : memref<64xi32, #tpu.memory_space<vmem>>) semaphore(%run_scoped3A_319 : memref<!tpu.dma_semaphore, #tpu.memory_space<semaphore_mem>>) {add = true}
        %dma_wait3A_326 = arith.constant 0 : i32
        %dma_wait3A_327 = tpu.memref_slice %arg8[%run_scoped3A_268, %add3A_267, %dma_wait3A_326] : memref<2x24x64xi32, #tpu.memory_space<vmem>> -> memref<1x1x64xi32, #tpu.memory_space<vmem>>
        %dma_wait3A_328 = tpu.memref_squeeze %dma_wait3A_327 : memref<1x1x64xi32, #tpu.memory_space<vmem>> -> memref<64xi32, #tpu.memory_space<vmem>>
        %dma_wait3A_329 = arith.constant 0 : i32
        %dma_wait3A_330 = arith.constant 0 : i32
        %dma_wait3A_331 = tpu.memref_slice %arg12[%dma_wait3A_329, %dma_wait3A_330] : memref<10112x128xf32, #tpu.memory_space<vmem_shared>> -> memref<10112x128xf32, #tpu.memory_space<vmem_shared>>
        tpu.wait_indirect_dma semaphore(%run_scoped3A_319 : memref<!tpu.dma_semaphore, #tpu.memory_space<semaphore_mem>>) src(%arg9 : memref<64x128xf32, #tpu.memory_space<vmem>>) dst(%dma_wait3A_331 : memref<10112x128xf32, #tpu.memory_space<vmem_shared>>)
        tpu.yield
      }) : () -> ()
      %add3A_269 = arith.constant 0 : i32
      %add3A_270 = arith.addi %add3A_258, %add3A_269 : i32
      %add3A_271 = arith.constant 3 : i32
      %add3A_272 = arith.addi %add3A_270, %add3A_271 : i32
      %mul3A_273 = arith.constant 64 : i32
      %mul3A_274 = arith.muli %add3A_272, %mul3A_273 : i32
      %dma_start3A_275 = tpu.memref_slice %arg7[%mul3A_274] : memref<10752xi32, #tpu.memory_space<vmem>> -> memref<64xi32, #tpu.memory_space<vmem>>
      %dma_start3A_276 = arith.constant 0 : i32
      %dma_start3A_277 = arith.constant 0 : i32
      %dma_start3A_278 = tpu.memref_slice %arg2[%dma_start3A_276, %dma_start3A_277] : memref<10000x128xf32, #tpu.memory_space<hbm>> -> memref<10000x128xf32, #tpu.memory_space<hbm>>
      tpu.enqueue_indirect_dma source(%dma_start3A_278 : memref<10000x128xf32, #tpu.memory_space<hbm>>) target(%arg9 : memref<64x128xf32, #tpu.memory_space<vmem>>) offsets(%dma_start3A_275 : memref<64xi32, #tpu.memory_space<vmem>>) semaphore(%arg13 : memref<!tpu.dma_semaphore, #tpu.memory_space<semaphore_mem>>)
      %dma_wait3A_279 = arith.constant 0 : i32
      %dma_wait3A_280 = tpu.memref_slice %arg7[%dma_wait3A_279] : memref<10752xi32, #tpu.memory_space<vmem>> -> memref<64xi32, #tpu.memory_space<vmem>>
      %dma_wait3A_281 = arith.constant 0 : i32
      %dma_wait3A_282 = arith.constant 0 : i32
      %dma_wait3A_283 = tpu.memref_slice %arg2[%dma_wait3A_281, %dma_wait3A_282] : memref<10000x128xf32, #tpu.memory_space<hbm>> -> memref<10000x128xf32, #tpu.memory_space<hbm>>
      tpu.wait_indirect_dma semaphore(%arg14 : memref<!tpu.dma_semaphore, #tpu.memory_space<semaphore_mem>>) src(%dma_wait3A_283 : memref<10000x128xf32, #tpu.memory_space<hbm>>) dst(%arg10 : memref<64x128xf32, #tpu.memory_space<vmem>>)
      %mul3A_284 = arith.constant 3 : i32
      %mul3A_285 = arith.muli %mul3A_284, %scan3A_254 : i32
      %add3A_286 = arith.constant 1 : i32
      %add3A_287 = arith.addi %mul3A_285, %add3A_286 : i32
      %run_scoped3A_288 = arith.constant 1 : i32
      "tpu.region"() ({
        %run_scoped3A_319 = tpu.sem_alloc : memref<!tpu.dma_semaphore, #tpu.memory_space<semaphore_mem>>
        %dma_start3A_320 = arith.constant 0 : i32
        %dma_start3A_321 = tpu.memref_slice %arg8[%run_scoped3A_288, %add3A_287, %dma_start3A_320] : memref<2x24x64xi32, #tpu.memory_space<vmem>> -> memref<1x1x64xi32, #tpu.memory_space<vmem>>
        %dma_start3A_322 = tpu.memref_squeeze %dma_start3A_321 : memref<1x1x64xi32, #tpu.memory_space<vmem>> -> memref<64xi32, #tpu.memory_space<vmem>>
        %dma_start3A_323 = arith.constant 0 : i32
        %dma_start3A_324 = arith.constant 0 : i32
        %dma_start3A_325 = tpu.memref_slice %arg12[%dma_start3A_323, %dma_start3A_324] : memref<10112x128xf32, #tpu.memory_space<vmem_shared>> -> memref<10112x128xf32, #tpu.memory_space<vmem_shared>>
        tpu.enqueue_indirect_dma source(%arg10 : memref<64x128xf32, #tpu.memory_space<vmem>>) target(%dma_start3A_325 : memref<10112x128xf32, #tpu.memory_space<vmem_shared>>) offsets(%dma_start3A_322 : memref<64xi32, #tpu.memory_space<vmem>>) semaphore(%run_scoped3A_319 : memref<!tpu.dma_semaphore, #tpu.memory_space<semaphore_mem>>) {add = true}
        %dma_wait3A_326 = arith.constant 0 : i32
        %dma_wait3A_327 = tpu.memref_slice %arg8[%run_scoped3A_288, %add3A_287, %dma_wait3A_326] : memref<2x24x64xi32, #tpu.memory_space<vmem>> -> memref<1x1x64xi32, #tpu.memory_space<vmem>>
        %dma_wait3A_328 = tpu.memref_squeeze %dma_wait3A_327 : memref<1x1x64xi32, #tpu.memory_space<vmem>> -> memref<64xi32, #tpu.memory_space<vmem>>
        %dma_wait3A_329 = arith.constant 0 : i32
        %dma_wait3A_330 = arith.constant 0 : i32
        %dma_wait3A_331 = tpu.memref_slice %arg12[%dma_wait3A_329, %dma_wait3A_330] : memref<10112x128xf32, #tpu.memory_space<vmem_shared>> -> memref<10112x128xf32, #tpu.memory_space<vmem_shared>>
        tpu.wait_indirect_dma semaphore(%run_scoped3A_319 : memref<!tpu.dma_semaphore, #tpu.memory_space<semaphore_mem>>) src(%arg10 : memref<64x128xf32, #tpu.memory_space<vmem>>) dst(%dma_wait3A_331 : memref<10112x128xf32, #tpu.memory_space<vmem_shared>>)
        tpu.yield
      }) : () -> ()
      %add3A_289 = arith.constant 1 : i32
      %add3A_290 = arith.addi %add3A_258, %add3A_289 : i32
      %add3A_291 = arith.constant 3 : i32
      %add3A_292 = arith.addi %add3A_290, %add3A_291 : i32
      %mul3A_293 = arith.constant 64 : i32
      %mul3A_294 = arith.muli %add3A_292, %mul3A_293 : i32
      %dma_start3A_295 = tpu.memref_slice %arg7[%mul3A_294] : memref<10752xi32, #tpu.memory_space<vmem>> -> memref<64xi32, #tpu.memory_space<vmem>>
      %dma_start3A_296 = arith.constant 0 : i32
      %dma_start3A_297 = arith.constant 0 : i32
      %dma_start3A_298 = tpu.memref_slice %arg2[%dma_start3A_296, %dma_start3A_297] : memref<10000x128xf32, #tpu.memory_space<hbm>> -> memref<10000x128xf32, #tpu.memory_space<hbm>>
      tpu.enqueue_indirect_dma source(%dma_start3A_298 : memref<10000x128xf32, #tpu.memory_space<hbm>>) target(%arg10 : memref<64x128xf32, #tpu.memory_space<vmem>>) offsets(%dma_start3A_295 : memref<64xi32, #tpu.memory_space<vmem>>) semaphore(%arg14 : memref<!tpu.dma_semaphore, #tpu.memory_space<semaphore_mem>>)
      %dma_wait3A_299 = arith.constant 0 : i32
      %dma_wait3A_300 = tpu.memref_slice %arg7[%dma_wait3A_299] : memref<10752xi32, #tpu.memory_space<vmem>> -> memref<64xi32, #tpu.memory_space<vmem>>
      %dma_wait3A_301 = arith.constant 0 : i32
      %dma_wait3A_302 = arith.constant 0 : i32
      %dma_wait3A_303 = tpu.memref_slice %arg2[%dma_wait3A_301, %dma_wait3A_302] : memref<10000x128xf32, #tpu.memory_space<hbm>> -> memref<10000x128xf32, #tpu.memory_space<hbm>>
      tpu.wait_indirect_dma semaphore(%arg15 : memref<!tpu.dma_semaphore, #tpu.memory_space<semaphore_mem>>) src(%dma_wait3A_303 : memref<10000x128xf32, #tpu.memory_space<hbm>>) dst(%arg11 : memref<64x128xf32, #tpu.memory_space<vmem>>)
      %mul3A_304 = arith.constant 3 : i32
      %mul3A_305 = arith.muli %mul3A_304, %scan3A_254 : i32
      %add3A_306 = arith.constant 2 : i32
      %add3A_307 = arith.addi %mul3A_305, %add3A_306 : i32
      %run_scoped3A_308 = arith.constant 1 : i32
      "tpu.region"() ({
        %run_scoped3A_319 = tpu.sem_alloc : memref<!tpu.dma_semaphore, #tpu.memory_space<semaphore_mem>>
        %dma_start3A_320 = arith.constant 0 : i32
        %dma_start3A_321 = tpu.memref_slice %arg8[%run_scoped3A_308, %add3A_307, %dma_start3A_320] : memref<2x24x64xi32, #tpu.memory_space<vmem>> -> memref<1x1x64xi32, #tpu.memory_space<vmem>>
        %dma_start3A_322 = tpu.memref_squeeze %dma_start3A_321 : memref<1x1x64xi32, #tpu.memory_space<vmem>> -> memref<64xi32, #tpu.memory_space<vmem>>
        %dma_start3A_323 = arith.constant 0 : i32
        %dma_start3A_324 = arith.constant 0 : i32
        %dma_start3A_325 = tpu.memref_slice %arg12[%dma_start3A_323, %dma_start3A_324] : memref<10112x128xf32, #tpu.memory_space<vmem_shared>> -> memref<10112x128xf32, #tpu.memory_space<vmem_shared>>
        tpu.enqueue_indirect_dma source(%arg11 : memref<64x128xf32, #tpu.memory_space<vmem>>) target(%dma_start3A_325 : memref<10112x128xf32, #tpu.memory_space<vmem_shared>>) offsets(%dma_start3A_322 : memref<64xi32, #tpu.memory_space<vmem>>) semaphore(%run_scoped3A_319 : memref<!tpu.dma_semaphore, #tpu.memory_space<semaphore_mem>>) {add = true}
        %dma_wait3A_326 = arith.constant 0 : i32
        %dma_wait3A_327 = tpu.memref_slice %arg8[%run_scoped3A_308, %add3A_307, %dma_wait3A_326] : memref<2x24x64xi32, #tpu.memory_space<vmem>> -> memref<1x1x64xi32, #tpu.memory_space<vmem>>
        %dma_wait3A_328 = tpu.memref_squeeze %dma_wait3A_327 : memref<1x1x64xi32, #tpu.memory_space<vmem>> -> memref<64xi32, #tpu.memory_space<vmem>>
        %dma_wait3A_329 = arith.constant 0 : i32
        %dma_wait3A_330 = arith.constant 0 : i32
        %dma_wait3A_331 = tpu.memref_slice %arg12[%dma_wait3A_329, %dma_wait3A_330] : memref<10112x128xf32, #tpu.memory_space<vmem_shared>> -> memref<10112x128xf32, #tpu.memory_space<vmem_shared>>
        tpu.wait_indirect_dma semaphore(%run_scoped3A_319 : memref<!tpu.dma_semaphore, #tpu.memory_space<semaphore_mem>>) src(%arg11 : memref<64x128xf32, #tpu.memory_space<vmem>>) dst(%dma_wait3A_331 : memref<10112x128xf32, #tpu.memory_space<vmem_shared>>)
        tpu.yield
      }) : () -> ()
      %add3A_309 = arith.constant 2 : i32
      %add3A_310 = arith.addi %add3A_258, %add3A_309 : i32
      %add3A_311 = arith.constant 3 : i32
      %add3A_312 = arith.addi %add3A_310, %add3A_311 : i32
      %mul3A_313 = arith.constant 64 : i32
      %mul3A_314 = arith.muli %add3A_312, %mul3A_313 : i32
      %dma_start3A_315 = tpu.memref_slice %arg7[%mul3A_314] : memref<10752xi32, #tpu.memory_space<vmem>> -> memref<64xi32, #tpu.memory_space<vmem>>
      %dma_start3A_316 = arith.constant 0 : i32
      %dma_start3A_317 = arith.constant 0 : i32
      %dma_start3A_318 = tpu.memref_slice %arg2[%dma_start3A_316, %dma_start3A_317] : memref<10000x128xf32, #tpu.memory_space<hbm>> -> memref<10000x128xf32, #tpu.memory_space<hbm>>
      tpu.enqueue_indirect_dma source(%dma_start3A_318 : memref<10000x128xf32, #tpu.memory_space<hbm>>) target(%arg11 : memref<64x128xf32, #tpu.memory_space<vmem>>) offsets(%dma_start3A_315 : memref<64xi32, #tpu.memory_space<vmem>>) semaphore(%arg15 : memref<!tpu.dma_semaphore, #tpu.memory_space<semaphore_mem>>)
    }
    %scan3A_73 = arith.constant 8 : i32
    %add3A_74 = arith.constant 72 : i32
    %add3A_75 = arith.addi %mul3A_4, %add3A_74 : i32
    %dma_start3A_76 = arith.constant 1 : i32
    %dma_start3A_77 = arith.constant 0 : i32
    %dma_start3A_78 = arith.constant 0 : i32
    %dma_start3A_79 = tpu.memref_slice %arg8[%dma_start3A_76, %dma_start3A_77, %dma_start3A_78] : memref<2x24x64xi32, #tpu.memory_space<vmem>> -> memref<1x24x64xi32, #tpu.memory_space<vmem>>
    %dma_start3A_80 = tpu.memref_squeeze %dma_start3A_79 : memref<1x24x64xi32, #tpu.memory_space<vmem>> -> memref<24x64xi32, #tpu.memory_space<vmem>>
    %dma_start3A_81 = arith.constant 0 : i32
    %dma_start3A_82 = tpu.memref_slice %arg4[%add3A_75, %dma_start3A_81] : memref<5376x64xi32, #tpu.memory_space<hbm>> -> memref<24x64xi32, #tpu.memory_space<hbm>>
    %dma_start3A_83 = arith.constant 0 : i32
    %dma_start3A_84 = arith.constant 0 : i32
    %dma_start3A_85 = tpu.memref_slice %arg8[%dma_start3A_76, %dma_start3A_83, %dma_start3A_84] : memref<2x24x64xi32, #tpu.memory_space<vmem>> -> memref<1x24x64xi32, #tpu.memory_space<vmem>>
    %dma_start3A_86 = tpu.memref_squeeze %dma_start3A_85 : memref<1x24x64xi32, #tpu.memory_space<vmem>> -> memref<24x64xi32, #tpu.memory_space<vmem>>
    %dma_start3A_87 = arith.constant 0 : i32
    %dma_start3A_88 = tpu.memref_slice %arg4[%add3A_75, %dma_start3A_87] : memref<5376x64xi32, #tpu.memory_space<hbm>> -> memref<24x64xi32, #tpu.memory_space<hbm>>
    tpu.enqueue_dma source(%dma_start3A_88 : memref<24x64xi32, #tpu.memory_space<hbm>>) target(%dma_start3A_86 : memref<24x64xi32, #tpu.memory_space<vmem>>) target_semaphore(%arg17 : memref<!tpu.dma_semaphore, #tpu.memory_space<semaphore_mem>>)
    %dma_wait3A_89 = arith.constant 0 : i32
    %dma_wait3A_90 = arith.constant 0 : i32
    %dma_wait3A_91 = arith.constant 0 : i32
    %dma_wait3A_92 = tpu.memref_slice %arg8[%dma_wait3A_89, %dma_wait3A_90, %dma_wait3A_91] : memref<2x24x64xi32, #tpu.memory_space<vmem>> -> memref<1x24x64xi32, #tpu.memory_space<vmem>>
    %dma_wait3A_93 = tpu.memref_squeeze %dma_wait3A_92 : memref<1x24x64xi32, #tpu.memory_space<vmem>> -> memref<24x64xi32, #tpu.memory_space<vmem>>
    %dma_wait3A_94 = arith.constant 0 : i32
    %dma_wait3A_95 = tpu.memref_slice %arg4[%mul3A_4, %dma_wait3A_94] : memref<5376x64xi32, #tpu.memory_space<hbm>> -> memref<24x64xi32, #tpu.memory_space<hbm>>
    %dma_wait3A_96 = arith.constant 0 : i32
    %dma_wait3A_97 = arith.constant 0 : i32
    %dma_wait3A_98 = tpu.memref_slice %arg8[%dma_wait3A_89, %dma_wait3A_96, %dma_wait3A_97] : memref<2x24x64xi32, #tpu.memory_space<vmem>> -> memref<1x24x64xi32, #tpu.memory_space<vmem>>
    %dma_wait3A_99 = tpu.memref_squeeze %dma_wait3A_98 : memref<1x24x64xi32, #tpu.memory_space<vmem>> -> memref<24x64xi32, #tpu.memory_space<vmem>>
    %dma_wait3A_100 = arith.constant 0 : i32
    %dma_wait3A_101 = tpu.memref_slice %arg4[%mul3A_4, %dma_wait3A_100] : memref<5376x64xi32, #tpu.memory_space<hbm>> -> memref<24x64xi32, #tpu.memory_space<hbm>>
    tpu.wait_dma2 semaphore(%arg16 : memref<!tpu.dma_semaphore, #tpu.memory_space<semaphore_mem>>) src(%dma_wait3A_101 : memref<24x64xi32, #tpu.memory_space<hbm>>) dst(%dma_wait3A_99 : memref<24x64xi32, #tpu.memory_space<vmem>>)
    %scan3A_102 = arith.constant 0 : i32
    %scan3A_103 = arith.constant 0 : i32
    %scan3A_104 = arith.constant 8 : i32
    %scan3A_105 = arith.addi %scan3A_103, %scan3A_104 : i32
    %scan3A_106 = arith.constant 1 : i32
    scf.for %scan3A_254 = %scan3A_103 to %scan3A_105 step %scan3A_106  : i32 {
      %mul3A_255 = arith.constant 3 : i32
      %mul3A_256 = arith.muli %mul3A_255, %scan3A_254 : i32
      %add3A_257 = arith.constant 48 : i32
      %add3A_258 = arith.addi %add3A_257, %mul3A_256 : i32
      %dma_wait3A_259 = arith.constant 0 : i32
      %dma_wait3A_260 = tpu.memref_slice %arg7[%dma_wait3A_259] : memref<10752xi32, #tpu.memory_space<vmem>> -> memref<64xi32, #tpu.memory_space<vmem>>
      %dma_wait3A_261 = arith.constant 0 : i32
      %dma_wait3A_262 = arith.constant 0 : i32
      %dma_wait3A_263 = tpu.memref_slice %arg2[%dma_wait3A_261, %dma_wait3A_262] : memref<10000x128xf32, #tpu.memory_space<hbm>> -> memref<10000x128xf32, #tpu.memory_space<hbm>>
      tpu.wait_indirect_dma semaphore(%arg13 : memref<!tpu.dma_semaphore, #tpu.memory_space<semaphore_mem>>) src(%dma_wait3A_263 : memref<10000x128xf32, #tpu.memory_space<hbm>>) dst(%arg9 : memref<64x128xf32, #tpu.memory_space<vmem>>)
      %mul3A_264 = arith.constant 3 : i32
      %mul3A_265 = arith.muli %mul3A_264, %scan3A_254 : i32
      %add3A_266 = arith.constant 0 : i32
      %add3A_267 = arith.addi %mul3A_265, %add3A_266 : i32
      %run_scoped3A_268 = arith.constant 0 : i32
      "tpu.region"() ({
        %run_scoped3A_319 = tpu.sem_alloc : memref<!tpu.dma_semaphore, #tpu.memory_space<semaphore_mem>>
        %dma_start3A_320 = arith.constant 0 : i32
        %dma_start3A_321 = tpu.memref_slice %arg8[%run_scoped3A_268, %add3A_267, %dma_start3A_320] : memref<2x24x64xi32, #tpu.memory_space<vmem>> -> memref<1x1x64xi32, #tpu.memory_space<vmem>>
        %dma_start3A_322 = tpu.memref_squeeze %dma_start3A_321 : memref<1x1x64xi32, #tpu.memory_space<vmem>> -> memref<64xi32, #tpu.memory_space<vmem>>
        %dma_start3A_323 = arith.constant 0 : i32
        %dma_start3A_324 = arith.constant 0 : i32
        %dma_start3A_325 = tpu.memref_slice %arg12[%dma_start3A_323, %dma_start3A_324] : memref<10112x128xf32, #tpu.memory_space<vmem_shared>> -> memref<10112x128xf32, #tpu.memory_space<vmem_shared>>
        tpu.enqueue_indirect_dma source(%arg9 : memref<64x128xf32, #tpu.memory_space<vmem>>) target(%dma_start3A_325 : memref<10112x128xf32, #tpu.memory_space<vmem_shared>>) offsets(%dma_start3A_322 : memref<64xi32, #tpu.memory_space<vmem>>) semaphore(%run_scoped3A_319 : memref<!tpu.dma_semaphore, #tpu.memory_space<semaphore_mem>>) {add = true}
        %dma_wait3A_326 = arith.constant 0 : i32
        %dma_wait3A_327 = tpu.memref_slice %arg8[%run_scoped3A_268, %add3A_267, %dma_wait3A_326] : memref<2x24x64xi32, #tpu.memory_space<vmem>> -> memref<1x1x64xi32, #tpu.memory_space<vmem>>
        %dma_wait3A_328 = tpu.memref_squeeze %dma_wait3A_327 : memref<1x1x64xi32, #tpu.memory_space<vmem>> -> memref<64xi32, #tpu.memory_space<vmem>>
        %dma_wait3A_329 = arith.constant 0 : i32
        %dma_wait3A_330 = arith.constant 0 : i32
        %dma_wait3A_331 = tpu.memref_slice %arg12[%dma_wait3A_329, %dma_wait3A_330] : memref<10112x128xf32, #tpu.memory_space<vmem_shared>> -> memref<10112x128xf32, #tpu.memory_space<vmem_shared>>
        tpu.wait_indirect_dma semaphore(%run_scoped3A_319 : memref<!tpu.dma_semaphore, #tpu.memory_space<semaphore_mem>>) src(%arg9 : memref<64x128xf32, #tpu.memory_space<vmem>>) dst(%dma_wait3A_331 : memref<10112x128xf32, #tpu.memory_space<vmem_shared>>)
        tpu.yield
      }) : () -> ()
      %add3A_269 = arith.constant 0 : i32
      %add3A_270 = arith.addi %add3A_258, %add3A_269 : i32
      %add3A_271 = arith.constant 3 : i32
      %add3A_272 = arith.addi %add3A_270, %add3A_271 : i32
      %mul3A_273 = arith.constant 64 : i32
      %mul3A_274 = arith.muli %add3A_272, %mul3A_273 : i32
      %dma_start3A_275 = tpu.memref_slice %arg7[%mul3A_274] : memref<10752xi32, #tpu.memory_space<vmem>> -> memref<64xi32, #tpu.memory_space<vmem>>
      %dma_start3A_276 = arith.constant 0 : i32
      %dma_start3A_277 = arith.constant 0 : i32
      %dma_start3A_278 = tpu.memref_slice %arg2[%dma_start3A_276, %dma_start3A_277] : memref<10000x128xf32, #tpu.memory_space<hbm>> -> memref<10000x128xf32, #tpu.memory_space<hbm>>
      tpu.enqueue_indirect_dma source(%dma_start3A_278 : memref<10000x128xf32, #tpu.memory_space<hbm>>) target(%arg9 : memref<64x128xf32, #tpu.memory_space<vmem>>) offsets(%dma_start3A_275 : memref<64xi32, #tpu.memory_space<vmem>>) semaphore(%arg13 : memref<!tpu.dma_semaphore, #tpu.memory_space<semaphore_mem>>)
      %dma_wait3A_279 = arith.constant 0 : i32
      %dma_wait3A_280 = tpu.memref_slice %arg7[%dma_wait3A_279] : memref<10752xi32, #tpu.memory_space<vmem>> -> memref<64xi32, #tpu.memory_space<vmem>>
      %dma_wait3A_281 = arith.constant 0 : i32
      %dma_wait3A_282 = arith.constant 0 : i32
      %dma_wait3A_283 = tpu.memref_slice %arg2[%dma_wait3A_281, %dma_wait3A_282] : memref<10000x128xf32, #tpu.memory_space<hbm>> -> memref<10000x128xf32, #tpu.memory_space<hbm>>
      tpu.wait_indirect_dma semaphore(%arg14 : memref<!tpu.dma_semaphore, #tpu.memory_space<semaphore_mem>>) src(%dma_wait3A_283 : memref<10000x128xf32, #tpu.memory_space<hbm>>) dst(%arg10 : memref<64x128xf32, #tpu.memory_space<vmem>>)
      %mul3A_284 = arith.constant 3 : i32
      %mul3A_285 = arith.muli %mul3A_284, %scan3A_254 : i32
      %add3A_286 = arith.constant 1 : i32
      %add3A_287 = arith.addi %mul3A_285, %add3A_286 : i32
      %run_scoped3A_288 = arith.constant 0 : i32
      "tpu.region"() ({
        %run_scoped3A_319 = tpu.sem_alloc : memref<!tpu.dma_semaphore, #tpu.memory_space<semaphore_mem>>
        %dma_start3A_320 = arith.constant 0 : i32
        %dma_start3A_321 = tpu.memref_slice %arg8[%run_scoped3A_288, %add3A_287, %dma_start3A_320] : memref<2x24x64xi32, #tpu.memory_space<vmem>> -> memref<1x1x64xi32, #tpu.memory_space<vmem>>
        %dma_start3A_322 = tpu.memref_squeeze %dma_start3A_321 : memref<1x1x64xi32, #tpu.memory_space<vmem>> -> memref<64xi32, #tpu.memory_space<vmem>>
        %dma_start3A_323 = arith.constant 0 : i32
        %dma_start3A_324 = arith.constant 0 : i32
        %dma_start3A_325 = tpu.memref_slice %arg12[%dma_start3A_323, %dma_start3A_324] : memref<10112x128xf32, #tpu.memory_space<vmem_shared>> -> memref<10112x128xf32, #tpu.memory_space<vmem_shared>>
        tpu.enqueue_indirect_dma source(%arg10 : memref<64x128xf32, #tpu.memory_space<vmem>>) target(%dma_start3A_325 : memref<10112x128xf32, #tpu.memory_space<vmem_shared>>) offsets(%dma_start3A_322 : memref<64xi32, #tpu.memory_space<vmem>>) semaphore(%run_scoped3A_319 : memref<!tpu.dma_semaphore, #tpu.memory_space<semaphore_mem>>) {add = true}
        %dma_wait3A_326 = arith.constant 0 : i32
        %dma_wait3A_327 = tpu.memref_slice %arg8[%run_scoped3A_288, %add3A_287, %dma_wait3A_326] : memref<2x24x64xi32, #tpu.memory_space<vmem>> -> memref<1x1x64xi32, #tpu.memory_space<vmem>>
        %dma_wait3A_328 = tpu.memref_squeeze %dma_wait3A_327 : memref<1x1x64xi32, #tpu.memory_space<vmem>> -> memref<64xi32, #tpu.memory_space<vmem>>
        %dma_wait3A_329 = arith.constant 0 : i32
        %dma_wait3A_330 = arith.constant 0 : i32
        %dma_wait3A_331 = tpu.memref_slice %arg12[%dma_wait3A_329, %dma_wait3A_330] : memref<10112x128xf32, #tpu.memory_space<vmem_shared>> -> memref<10112x128xf32, #tpu.memory_space<vmem_shared>>
        tpu.wait_indirect_dma semaphore(%run_scoped3A_319 : memref<!tpu.dma_semaphore, #tpu.memory_space<semaphore_mem>>) src(%arg10 : memref<64x128xf32, #tpu.memory_space<vmem>>) dst(%dma_wait3A_331 : memref<10112x128xf32, #tpu.memory_space<vmem_shared>>)
        tpu.yield
      }) : () -> ()
      %add3A_289 = arith.constant 1 : i32
      %add3A_290 = arith.addi %add3A_258, %add3A_289 : i32
      %add3A_291 = arith.constant 3 : i32
      %add3A_292 = arith.addi %add3A_290, %add3A_291 : i32
      %mul3A_293 = arith.constant 64 : i32
      %mul3A_294 = arith.muli %add3A_292, %mul3A_293 : i32
      %dma_start3A_295 = tpu.memref_slice %arg7[%mul3A_294] : memref<10752xi32, #tpu.memory_space<vmem>> -> memref<64xi32, #tpu.memory_space<vmem>>
      %dma_start3A_296 = arith.constant 0 : i32
      %dma_start3A_297 = arith.constant 0 : i32
      %dma_start3A_298 = tpu.memref_slice %arg2[%dma_start3A_296, %dma_start3A_297] : memref<10000x128xf32, #tpu.memory_space<hbm>> -> memref<10000x128xf32, #tpu.memory_space<hbm>>
      tpu.enqueue_indirect_dma source(%dma_start3A_298 : memref<10000x128xf32, #tpu.memory_space<hbm>>) target(%arg10 : memref<64x128xf32, #tpu.memory_space<vmem>>) offsets(%dma_start3A_295 : memref<64xi32, #tpu.memory_space<vmem>>) semaphore(%arg14 : memref<!tpu.dma_semaphore, #tpu.memory_space<semaphore_mem>>)
      %dma_wait3A_299 = arith.constant 0 : i32
      %dma_wait3A_300 = tpu.memref_slice %arg7[%dma_wait3A_299] : memref<10752xi32, #tpu.memory_space<vmem>> -> memref<64xi32, #tpu.memory_space<vmem>>
      %dma_wait3A_301 = arith.constant 0 : i32
      %dma_wait3A_302 = arith.constant 0 : i32
      %dma_wait3A_303 = tpu.memref_slice %arg2[%dma_wait3A_301, %dma_wait3A_302] : memref<10000x128xf32, #tpu.memory_space<hbm>> -> memref<10000x128xf32, #tpu.memory_space<hbm>>
      tpu.wait_indirect_dma semaphore(%arg15 : memref<!tpu.dma_semaphore, #tpu.memory_space<semaphore_mem>>) src(%dma_wait3A_303 : memref<10000x128xf32, #tpu.memory_space<hbm>>) dst(%arg11 : memref<64x128xf32, #tpu.memory_space<vmem>>)
      %mul3A_304 = arith.constant 3 : i32
      %mul3A_305 = arith.muli %mul3A_304, %scan3A_254 : i32
      %add3A_306 = arith.constant 2 : i32
      %add3A_307 = arith.addi %mul3A_305, %add3A_306 : i32
      %run_scoped3A_308 = arith.constant 0 : i32
      "tpu.region"() ({
        %run_scoped3A_319 = tpu.sem_alloc : memref<!tpu.dma_semaphore, #tpu.memory_space<semaphore_mem>>
        %dma_start3A_320 = arith.constant 0 : i32
        %dma_start3A_321 = tpu.memref_slice %arg8[%run_scoped3A_308, %add3A_307, %dma_start3A_320] : memref<2x24x64xi32, #tpu.memory_space<vmem>> -> memref<1x1x64xi32, #tpu.memory_space<vmem>>
        %dma_start3A_322 = tpu.memref_squeeze %dma_start3A_321 : memref<1x1x64xi32, #tpu.memory_space<vmem>> -> memref<64xi32, #tpu.memory_space<vmem>>
        %dma_start3A_323 = arith.constant 0 : i32
        %dma_start3A_324 = arith.constant 0 : i32
        %dma_start3A_325 = tpu.memref_slice %arg12[%dma_start3A_323, %dma_start3A_324] : memref<10112x128xf32, #tpu.memory_space<vmem_shared>> -> memref<10112x128xf32, #tpu.memory_space<vmem_shared>>
        tpu.enqueue_indirect_dma source(%arg11 : memref<64x128xf32, #tpu.memory_space<vmem>>) target(%dma_start3A_325 : memref<10112x128xf32, #tpu.memory_space<vmem_shared>>) offsets(%dma_start3A_322 : memref<64xi32, #tpu.memory_space<vmem>>) semaphore(%run_scoped3A_319 : memref<!tpu.dma_semaphore, #tpu.memory_space<semaphore_mem>>) {add = true}
        %dma_wait3A_326 = arith.constant 0 : i32
        %dma_wait3A_327 = tpu.memref_slice %arg8[%run_scoped3A_308, %add3A_307, %dma_wait3A_326] : memref<2x24x64xi32, #tpu.memory_space<vmem>> -> memref<1x1x64xi32, #tpu.memory_space<vmem>>
        %dma_wait3A_328 = tpu.memref_squeeze %dma_wait3A_327 : memref<1x1x64xi32, #tpu.memory_space<vmem>> -> memref<64xi32, #tpu.memory_space<vmem>>
        %dma_wait3A_329 = arith.constant 0 : i32
        %dma_wait3A_330 = arith.constant 0 : i32
        %dma_wait3A_331 = tpu.memref_slice %arg12[%dma_wait3A_329, %dma_wait3A_330] : memref<10112x128xf32, #tpu.memory_space<vmem_shared>> -> memref<10112x128xf32, #tpu.memory_space<vmem_shared>>
        tpu.wait_indirect_dma semaphore(%run_scoped3A_319 : memref<!tpu.dma_semaphore, #tpu.memory_space<semaphore_mem>>) src(%arg11 : memref<64x128xf32, #tpu.memory_space<vmem>>) dst(%dma_wait3A_331 : memref<10112x128xf32, #tpu.memory_space<vmem_shared>>)
        tpu.yield
      }) : () -> ()
      %add3A_309 = arith.constant 2 : i32
      %add3A_310 = arith.addi %add3A_258, %add3A_309 : i32
      %add3A_311 = arith.constant 3 : i32
      %add3A_312 = arith.addi %add3A_310, %add3A_311 : i32
      %mul3A_313 = arith.constant 64 : i32
      %mul3A_314 = arith.muli %add3A_312, %mul3A_313 : i32
      %dma_start3A_315 = tpu.memref_slice %arg7[%mul3A_314] : memref<10752xi32, #tpu.memory_space<vmem>> -> memref<64xi32, #tpu.memory_space<vmem>>
      %dma_start3A_316 = arith.constant 0 : i32
      %dma_start3A_317 = arith.constant 0 : i32
      %dma_start3A_318 = tpu.memref_slice %arg2[%dma_start3A_316, %dma_start3A_317] : memref<10000x128xf32, #tpu.memory_space<hbm>> -> memref<10000x128xf32, #tpu.memory_space<hbm>>
      tpu.enqueue_indirect_dma source(%dma_start3A_318 : memref<10000x128xf32, #tpu.memory_space<hbm>>) target(%arg11 : memref<64x128xf32, #tpu.memory_space<vmem>>) offsets(%dma_start3A_315 : memref<64xi32, #tpu.memory_space<vmem>>) semaphore(%arg15 : memref<!tpu.dma_semaphore, #tpu.memory_space<semaphore_mem>>)
    }
    %scan3A_107 = arith.constant 8 : i32
    %add3A_108 = arith.constant 96 : i32
    %add3A_109 = arith.addi %mul3A_4, %add3A_108 : i32
    %dma_start3A_110 = arith.constant 0 : i32
    %dma_start3A_111 = arith.constant 0 : i32
    %dma_start3A_112 = arith.constant 0 : i32
    %dma_start3A_113 = tpu.memref_slice %arg8[%dma_start3A_110, %dma_start3A_111, %dma_start3A_112] : memref<2x24x64xi32, #tpu.memory_space<vmem>> -> memref<1x24x64xi32, #tpu.memory_space<vmem>>
    %dma_start3A_114 = tpu.memref_squeeze %dma_start3A_113 : memref<1x24x64xi32, #tpu.memory_space<vmem>> -> memref<24x64xi32, #tpu.memory_space<vmem>>
    %dma_start3A_115 = arith.constant 0 : i32
    %dma_start3A_116 = tpu.memref_slice %arg4[%add3A_109, %dma_start3A_115] : memref<5376x64xi32, #tpu.memory_space<hbm>> -> memref<24x64xi32, #tpu.memory_space<hbm>>
    %dma_start3A_117 = arith.constant 0 : i32
    %dma_start3A_118 = arith.constant 0 : i32
    %dma_start3A_119 = tpu.memref_slice %arg8[%dma_start3A_110, %dma_start3A_117, %dma_start3A_118] : memref<2x24x64xi32, #tpu.memory_space<vmem>> -> memref<1x24x64xi32, #tpu.memory_space<vmem>>
    %dma_start3A_120 = tpu.memref_squeeze %dma_start3A_119 : memref<1x24x64xi32, #tpu.memory_space<vmem>> -> memref<24x64xi32, #tpu.memory_space<vmem>>
    %dma_start3A_121 = arith.constant 0 : i32
    %dma_start3A_122 = tpu.memref_slice %arg4[%add3A_109, %dma_start3A_121] : memref<5376x64xi32, #tpu.memory_space<hbm>> -> memref<24x64xi32, #tpu.memory_space<hbm>>
    tpu.enqueue_dma source(%dma_start3A_122 : memref<24x64xi32, #tpu.memory_space<hbm>>) target(%dma_start3A_120 : memref<24x64xi32, #tpu.memory_space<vmem>>) target_semaphore(%arg16 : memref<!tpu.dma_semaphore, #tpu.memory_space<semaphore_mem>>)
    %dma_wait3A_123 = arith.constant 1 : i32
    %dma_wait3A_124 = arith.constant 0 : i32
    %dma_wait3A_125 = arith.constant 0 : i32
    %dma_wait3A_126 = tpu.memref_slice %arg8[%dma_wait3A_123, %dma_wait3A_124, %dma_wait3A_125] : memref<2x24x64xi32, #tpu.memory_space<vmem>> -> memref<1x24x64xi32, #tpu.memory_space<vmem>>
    %dma_wait3A_127 = tpu.memref_squeeze %dma_wait3A_126 : memref<1x24x64xi32, #tpu.memory_space<vmem>> -> memref<24x64xi32, #tpu.memory_space<vmem>>
    %dma_wait3A_128 = arith.constant 0 : i32
    %dma_wait3A_129 = tpu.memref_slice %arg4[%mul3A_4, %dma_wait3A_128] : memref<5376x64xi32, #tpu.memory_space<hbm>> -> memref<24x64xi32, #tpu.memory_space<hbm>>
    %dma_wait3A_130 = arith.constant 0 : i32
    %dma_wait3A_131 = arith.constant 0 : i32
    %dma_wait3A_132 = tpu.memref_slice %arg8[%dma_wait3A_123, %dma_wait3A_130, %dma_wait3A_131] : memref<2x24x64xi32, #tpu.memory_space<vmem>> -> memref<1x24x64xi32, #tpu.memory_space<vmem>>
    %dma_wait3A_133 = tpu.memref_squeeze %dma_wait3A_132 : memref<1x24x64xi32, #tpu.memory_space<vmem>> -> memref<24x64xi32, #tpu.memory_space<vmem>>
    %dma_wait3A_134 = arith.constant 0 : i32
    %dma_wait3A_135 = tpu.memref_slice %arg4[%mul3A_4, %dma_wait3A_134] : memref<5376x64xi32, #tpu.memory_space<hbm>> -> memref<24x64xi32, #tpu.memory_space<hbm>>
    tpu.wait_dma2 semaphore(%arg17 : memref<!tpu.dma_semaphore, #tpu.memory_space<semaphore_mem>>) src(%dma_wait3A_135 : memref<24x64xi32, #tpu.memory_space<hbm>>) dst(%dma_wait3A_133 : memref<24x64xi32, #tpu.memory_space<vmem>>)
    %scan3A_136 = arith.constant 0 : i32
    %scan3A_137 = arith.constant 0 : i32
    %scan3A_138 = arith.constant 8 : i32
    %scan3A_139 = arith.addi %scan3A_137, %scan3A_138 : i32
    %scan3A_140 = arith.constant 1 : i32
    scf.for %scan3A_254 = %scan3A_137 to %scan3A_139 step %scan3A_140  : i32 {
      %mul3A_255 = arith.constant 3 : i32
      %mul3A_256 = arith.muli %mul3A_255, %scan3A_254 : i32
      %add3A_257 = arith.constant 72 : i32
      %add3A_258 = arith.addi %add3A_257, %mul3A_256 : i32
      %dma_wait3A_259 = arith.constant 0 : i32
      %dma_wait3A_260 = tpu.memref_slice %arg7[%dma_wait3A_259] : memref<10752xi32, #tpu.memory_space<vmem>> -> memref<64xi32, #tpu.memory_space<vmem>>
      %dma_wait3A_261 = arith.constant 0 : i32
      %dma_wait3A_262 = arith.constant 0 : i32
      %dma_wait3A_263 = tpu.memref_slice %arg2[%dma_wait3A_261, %dma_wait3A_262] : memref<10000x128xf32, #tpu.memory_space<hbm>> -> memref<10000x128xf32, #tpu.memory_space<hbm>>
      tpu.wait_indirect_dma semaphore(%arg13 : memref<!tpu.dma_semaphore, #tpu.memory_space<semaphore_mem>>) src(%dma_wait3A_263 : memref<10000x128xf32, #tpu.memory_space<hbm>>) dst(%arg9 : memref<64x128xf32, #tpu.memory_space<vmem>>)
      %mul3A_264 = arith.constant 3 : i32
      %mul3A_265 = arith.muli %mul3A_264, %scan3A_254 : i32
      %add3A_266 = arith.constant 0 : i32
      %add3A_267 = arith.addi %mul3A_265, %add3A_266 : i32
      %run_scoped3A_268 = arith.constant 1 : i32
      "tpu.region"() ({
        %run_scoped3A_319 = tpu.sem_alloc : memref<!tpu.dma_semaphore, #tpu.memory_space<semaphore_mem>>
        %dma_start3A_320 = arith.constant 0 : i32
        %dma_start3A_321 = tpu.memref_slice %arg8[%run_scoped3A_268, %add3A_267, %dma_start3A_320] : memref<2x24x64xi32, #tpu.memory_space<vmem>> -> memref<1x1x64xi32, #tpu.memory_space<vmem>>
        %dma_start3A_322 = tpu.memref_squeeze %dma_start3A_321 : memref<1x1x64xi32, #tpu.memory_space<vmem>> -> memref<64xi32, #tpu.memory_space<vmem>>
        %dma_start3A_323 = arith.constant 0 : i32
        %dma_start3A_324 = arith.constant 0 : i32
        %dma_start3A_325 = tpu.memref_slice %arg12[%dma_start3A_323, %dma_start3A_324] : memref<10112x128xf32, #tpu.memory_space<vmem_shared>> -> memref<10112x128xf32, #tpu.memory_space<vmem_shared>>
        tpu.enqueue_indirect_dma source(%arg9 : memref<64x128xf32, #tpu.memory_space<vmem>>) target(%dma_start3A_325 : memref<10112x128xf32, #tpu.memory_space<vmem_shared>>) offsets(%dma_start3A_322 : memref<64xi32, #tpu.memory_space<vmem>>) semaphore(%run_scoped3A_319 : memref<!tpu.dma_semaphore, #tpu.memory_space<semaphore_mem>>) {add = true}
        %dma_wait3A_326 = arith.constant 0 : i32
        %dma_wait3A_327 = tpu.memref_slice %arg8[%run_scoped3A_268, %add3A_267, %dma_wait3A_326] : memref<2x24x64xi32, #tpu.memory_space<vmem>> -> memref<1x1x64xi32, #tpu.memory_space<vmem>>
        %dma_wait3A_328 = tpu.memref_squeeze %dma_wait3A_327 : memref<1x1x64xi32, #tpu.memory_space<vmem>> -> memref<64xi32, #tpu.memory_space<vmem>>
        %dma_wait3A_329 = arith.constant 0 : i32
        %dma_wait3A_330 = arith.constant 0 : i32
        %dma_wait3A_331 = tpu.memref_slice %arg12[%dma_wait3A_329, %dma_wait3A_330] : memref<10112x128xf32, #tpu.memory_space<vmem_shared>> -> memref<10112x128xf32, #tpu.memory_space<vmem_shared>>
        tpu.wait_indirect_dma semaphore(%run_scoped3A_319 : memref<!tpu.dma_semaphore, #tpu.memory_space<semaphore_mem>>) src(%arg9 : memref<64x128xf32, #tpu.memory_space<vmem>>) dst(%dma_wait3A_331 : memref<10112x128xf32, #tpu.memory_space<vmem_shared>>)
        tpu.yield
      }) : () -> ()
      %add3A_269 = arith.constant 0 : i32
      %add3A_270 = arith.addi %add3A_258, %add3A_269 : i32
      %add3A_271 = arith.constant 3 : i32
      %add3A_272 = arith.addi %add3A_270, %add3A_271 : i32
      %mul3A_273 = arith.constant 64 : i32
      %mul3A_274 = arith.muli %add3A_272, %mul3A_273 : i32
      %dma_start3A_275 = tpu.memref_slice %arg7[%mul3A_274] : memref<10752xi32, #tpu.memory_space<vmem>> -> memref<64xi32, #tpu.memory_space<vmem>>
      %dma_start3A_276 = arith.constant 0 : i32
      %dma_start3A_277 = arith.constant 0 : i32
      %dma_start3A_278 = tpu.memref_slice %arg2[%dma_start3A_276, %dma_start3A_277] : memref<10000x128xf32, #tpu.memory_space<hbm>> -> memref<10000x128xf32, #tpu.memory_space<hbm>>
      tpu.enqueue_indirect_dma source(%dma_start3A_278 : memref<10000x128xf32, #tpu.memory_space<hbm>>) target(%arg9 : memref<64x128xf32, #tpu.memory_space<vmem>>) offsets(%dma_start3A_275 : memref<64xi32, #tpu.memory_space<vmem>>) semaphore(%arg13 : memref<!tpu.dma_semaphore, #tpu.memory_space<semaphore_mem>>)
      %dma_wait3A_279 = arith.constant 0 : i32
      %dma_wait3A_280 = tpu.memref_slice %arg7[%dma_wait3A_279] : memref<10752xi32, #tpu.memory_space<vmem>> -> memref<64xi32, #tpu.memory_space<vmem>>
      %dma_wait3A_281 = arith.constant 0 : i32
      %dma_wait3A_282 = arith.constant 0 : i32
      %dma_wait3A_283 = tpu.memref_slice %arg2[%dma_wait3A_281, %dma_wait3A_282] : memref<10000x128xf32, #tpu.memory_space<hbm>> -> memref<10000x128xf32, #tpu.memory_space<hbm>>
      tpu.wait_indirect_dma semaphore(%arg14 : memref<!tpu.dma_semaphore, #tpu.memory_space<semaphore_mem>>) src(%dma_wait3A_283 : memref<10000x128xf32, #tpu.memory_space<hbm>>) dst(%arg10 : memref<64x128xf32, #tpu.memory_space<vmem>>)
      %mul3A_284 = arith.constant 3 : i32
      %mul3A_285 = arith.muli %mul3A_284, %scan3A_254 : i32
      %add3A_286 = arith.constant 1 : i32
      %add3A_287 = arith.addi %mul3A_285, %add3A_286 : i32
      %run_scoped3A_288 = arith.constant 1 : i32
      "tpu.region"() ({
        %run_scoped3A_319 = tpu.sem_alloc : memref<!tpu.dma_semaphore, #tpu.memory_space<semaphore_mem>>
        %dma_start3A_320 = arith.constant 0 : i32
        %dma_start3A_321 = tpu.memref_slice %arg8[%run_scoped3A_288, %add3A_287, %dma_start3A_320] : memref<2x24x64xi32, #tpu.memory_space<vmem>> -> memref<1x1x64xi32, #tpu.memory_space<vmem>>
        %dma_start3A_322 = tpu.memref_squeeze %dma_start3A_321 : memref<1x1x64xi32, #tpu.memory_space<vmem>> -> memref<64xi32, #tpu.memory_space<vmem>>
        %dma_start3A_323 = arith.constant 0 : i32
        %dma_start3A_324 = arith.constant 0 : i32
        %dma_start3A_325 = tpu.memref_slice %arg12[%dma_start3A_323, %dma_start3A_324] : memref<10112x128xf32, #tpu.memory_space<vmem_shared>> -> memref<10112x128xf32, #tpu.memory_space<vmem_shared>>
        tpu.enqueue_indirect_dma source(%arg10 : memref<64x128xf32, #tpu.memory_space<vmem>>) target(%dma_start3A_325 : memref<10112x128xf32, #tpu.memory_space<vmem_shared>>) offsets(%dma_start3A_322 : memref<64xi32, #tpu.memory_space<vmem>>) semaphore(%run_scoped3A_319 : memref<!tpu.dma_semaphore, #tpu.memory_space<semaphore_mem>>) {add = true}
        %dma_wait3A_326 = arith.constant 0 : i32
        %dma_wait3A_327 = tpu.memref_slice %arg8[%run_scoped3A_288, %add3A_287, %dma_wait3A_326] : memref<2x24x64xi32, #tpu.memory_space<vmem>> -> memref<1x1x64xi32, #tpu.memory_space<vmem>>
        %dma_wait3A_328 = tpu.memref_squeeze %dma_wait3A_327 : memref<1x1x64xi32, #tpu.memory_space<vmem>> -> memref<64xi32, #tpu.memory_space<vmem>>
        %dma_wait3A_329 = arith.constant 0 : i32
        %dma_wait3A_330 = arith.constant 0 : i32
        %dma_wait3A_331 = tpu.memref_slice %arg12[%dma_wait3A_329, %dma_wait3A_330] : memref<10112x128xf32, #tpu.memory_space<vmem_shared>> -> memref<10112x128xf32, #tpu.memory_space<vmem_shared>>
        tpu.wait_indirect_dma semaphore(%run_scoped3A_319 : memref<!tpu.dma_semaphore, #tpu.memory_space<semaphore_mem>>) src(%arg10 : memref<64x128xf32, #tpu.memory_space<vmem>>) dst(%dma_wait3A_331 : memref<10112x128xf32, #tpu.memory_space<vmem_shared>>)
        tpu.yield
      }) : () -> ()
      %add3A_289 = arith.constant 1 : i32
      %add3A_290 = arith.addi %add3A_258, %add3A_289 : i32
      %add3A_291 = arith.constant 3 : i32
      %add3A_292 = arith.addi %add3A_290, %add3A_291 : i32
      %mul3A_293 = arith.constant 64 : i32
      %mul3A_294 = arith.muli %add3A_292, %mul3A_293 : i32
      %dma_start3A_295 = tpu.memref_slice %arg7[%mul3A_294] : memref<10752xi32, #tpu.memory_space<vmem>> -> memref<64xi32, #tpu.memory_space<vmem>>
      %dma_start3A_296 = arith.constant 0 : i32
      %dma_start3A_297 = arith.constant 0 : i32
      %dma_start3A_298 = tpu.memref_slice %arg2[%dma_start3A_296, %dma_start3A_297] : memref<10000x128xf32, #tpu.memory_space<hbm>> -> memref<10000x128xf32, #tpu.memory_space<hbm>>
      tpu.enqueue_indirect_dma source(%dma_start3A_298 : memref<10000x128xf32, #tpu.memory_space<hbm>>) target(%arg10 : memref<64x128xf32, #tpu.memory_space<vmem>>) offsets(%dma_start3A_295 : memref<64xi32, #tpu.memory_space<vmem>>) semaphore(%arg14 : memref<!tpu.dma_semaphore, #tpu.memory_space<semaphore_mem>>)
      %dma_wait3A_299 = arith.constant 0 : i32
      %dma_wait3A_300 = tpu.memref_slice %arg7[%dma_wait3A_299] : memref<10752xi32, #tpu.memory_space<vmem>> -> memref<64xi32, #tpu.memory_space<vmem>>
      %dma_wait3A_301 = arith.constant 0 : i32
      %dma_wait3A_302 = arith.constant 0 : i32
      %dma_wait3A_303 = tpu.memref_slice %arg2[%dma_wait3A_301, %dma_wait3A_302] : memref<10000x128xf32, #tpu.memory_space<hbm>> -> memref<10000x128xf32, #tpu.memory_space<hbm>>
      tpu.wait_indirect_dma semaphore(%arg15 : memref<!tpu.dma_semaphore, #tpu.memory_space<semaphore_mem>>) src(%dma_wait3A_303 : memref<10000x128xf32, #tpu.memory_space<hbm>>) dst(%arg11 : memref<64x128xf32, #tpu.memory_space<vmem>>)
      %mul3A_304 = arith.constant 3 : i32
      %mul3A_305 = arith.muli %mul3A_304, %scan3A_254 : i32
      %add3A_306 = arith.constant 2 : i32
      %add3A_307 = arith.addi %mul3A_305, %add3A_306 : i32
      %run_scoped3A_308 = arith.constant 1 : i32
      "tpu.region"() ({
        %run_scoped3A_319 = tpu.sem_alloc : memref<!tpu.dma_semaphore, #tpu.memory_space<semaphore_mem>>
        %dma_start3A_320 = arith.constant 0 : i32
        %dma_start3A_321 = tpu.memref_slice %arg8[%run_scoped3A_308, %add3A_307, %dma_start3A_320] : memref<2x24x64xi32, #tpu.memory_space<vmem>> -> memref<1x1x64xi32, #tpu.memory_space<vmem>>
        %dma_start3A_322 = tpu.memref_squeeze %dma_start3A_321 : memref<1x1x64xi32, #tpu.memory_space<vmem>> -> memref<64xi32, #tpu.memory_space<vmem>>
        %dma_start3A_323 = arith.constant 0 : i32
        %dma_start3A_324 = arith.constant 0 : i32
        %dma_start3A_325 = tpu.memref_slice %arg12[%dma_start3A_323, %dma_start3A_324] : memref<10112x128xf32, #tpu.memory_space<vmem_shared>> -> memref<10112x128xf32, #tpu.memory_space<vmem_shared>>
        tpu.enqueue_indirect_dma source(%arg11 : memref<64x128xf32, #tpu.memory_space<vmem>>) target(%dma_start3A_325 : memref<10112x128xf32, #tpu.memory_space<vmem_shared>>) offsets(%dma_start3A_322 : memref<64xi32, #tpu.memory_space<vmem>>) semaphore(%run_scoped3A_319 : memref<!tpu.dma_semaphore, #tpu.memory_space<semaphore_mem>>) {add = true}
        %dma_wait3A_326 = arith.constant 0 : i32
        %dma_wait3A_327 = tpu.memref_slice %arg8[%run_scoped3A_308, %add3A_307, %dma_wait3A_326] : memref<2x24x64xi32, #tpu.memory_space<vmem>> -> memref<1x1x64xi32, #tpu.memory_space<vmem>>
        %dma_wait3A_328 = tpu.memref_squeeze %dma_wait3A_327 : memref<1x1x64xi32, #tpu.memory_space<vmem>> -> memref<64xi32, #tpu.memory_space<vmem>>
        %dma_wait3A_329 = arith.constant 0 : i32
        %dma_wait3A_330 = arith.constant 0 : i32
        %dma_wait3A_331 = tpu.memref_slice %arg12[%dma_wait3A_329, %dma_wait3A_330] : memref<10112x128xf32, #tpu.memory_space<vmem_shared>> -> memref<10112x128xf32, #tpu.memory_space<vmem_shared>>
        tpu.wait_indirect_dma semaphore(%run_scoped3A_319 : memref<!tpu.dma_semaphore, #tpu.memory_space<semaphore_mem>>) src(%arg11 : memref<64x128xf32, #tpu.memory_space<vmem>>) dst(%dma_wait3A_331 : memref<10112x128xf32, #tpu.memory_space<vmem_shared>>)
        tpu.yield
      }) : () -> ()
      %add3A_309 = arith.constant 2 : i32
      %add3A_310 = arith.addi %add3A_258, %add3A_309 : i32
      %add3A_311 = arith.constant 3 : i32
      %add3A_312 = arith.addi %add3A_310, %add3A_311 : i32
      %mul3A_313 = arith.constant 64 : i32
      %mul3A_314 = arith.muli %add3A_312, %mul3A_313 : i32
      %dma_start3A_315 = tpu.memref_slice %arg7[%mul3A_314] : memref<10752xi32, #tpu.memory_space<vmem>> -> memref<64xi32, #tpu.memory_space<vmem>>
      %dma_start3A_316 = arith.constant 0 : i32
      %dma_start3A_317 = arith.constant 0 : i32
      %dma_start3A_318 = tpu.memref_slice %arg2[%dma_start3A_316, %dma_start3A_317] : memref<10000x128xf32, #tpu.memory_space<hbm>> -> memref<10000x128xf32, #tpu.memory_space<hbm>>
      tpu.enqueue_indirect_dma source(%dma_start3A_318 : memref<10000x128xf32, #tpu.memory_space<hbm>>) target(%arg11 : memref<64x128xf32, #tpu.memory_space<vmem>>) offsets(%dma_start3A_315 : memref<64xi32, #tpu.memory_space<vmem>>) semaphore(%arg15 : memref<!tpu.dma_semaphore, #tpu.memory_space<semaphore_mem>>)
    }
    %scan3A_141 = arith.constant 8 : i32
    %add3A_142 = arith.constant 120 : i32
    %add3A_143 = arith.addi %mul3A_4, %add3A_142 : i32
    %dma_start3A_144 = arith.constant 1 : i32
    %dma_start3A_145 = arith.constant 0 : i32
    %dma_start3A_146 = arith.constant 0 : i32
    %dma_start3A_147 = tpu.memref_slice %arg8[%dma_start3A_144, %dma_start3A_145, %dma_start3A_146] : memref<2x24x64xi32, #tpu.memory_space<vmem>> -> memref<1x24x64xi32, #tpu.memory_space<vmem>>
    %dma_start3A_148 = tpu.memref_squeeze %dma_start3A_147 : memref<1x24x64xi32, #tpu.memory_space<vmem>> -> memref<24x64xi32, #tpu.memory_space<vmem>>
    %dma_start3A_149 = arith.constant 0 : i32
    %dma_start3A_150 = tpu.memref_slice %arg4[%add3A_143, %dma_start3A_149] : memref<5376x64xi32, #tpu.memory_space<hbm>> -> memref<24x64xi32, #tpu.memory_space<hbm>>
    %dma_start3A_151 = arith.constant 0 : i32
    %dma_start3A_152 = arith.constant 0 : i32
    %dma_start3A_153 = tpu.memref_slice %arg8[%dma_start3A_144, %dma_start3A_151, %dma_start3A_152] : memref<2x24x64xi32, #tpu.memory_space<vmem>> -> memref<1x24x64xi32, #tpu.memory_space<vmem>>
    %dma_start3A_154 = tpu.memref_squeeze %dma_start3A_153 : memref<1x24x64xi32, #tpu.memory_space<vmem>> -> memref<24x64xi32, #tpu.memory_space<vmem>>
    %dma_start3A_155 = arith.constant 0 : i32
    %dma_start3A_156 = tpu.memref_slice %arg4[%add3A_143, %dma_start3A_155] : memref<5376x64xi32, #tpu.memory_space<hbm>> -> memref<24x64xi32, #tpu.memory_space<hbm>>
    tpu.enqueue_dma source(%dma_start3A_156 : memref<24x64xi32, #tpu.memory_space<hbm>>) target(%dma_start3A_154 : memref<24x64xi32, #tpu.memory_space<vmem>>) target_semaphore(%arg17 : memref<!tpu.dma_semaphore, #tpu.memory_space<semaphore_mem>>)
    %dma_wait3A_157 = arith.constant 0 : i32
    %dma_wait3A_158 = arith.constant 0 : i32
    %dma_wait3A_159 = arith.constant 0 : i32
    %dma_wait3A_160 = tpu.memref_slice %arg8[%dma_wait3A_157, %dma_wait3A_158, %dma_wait3A_159] : memref<2x24x64xi32, #tpu.memory_space<vmem>> -> memref<1x24x64xi32, #tpu.memory_space<vmem>>
    %dma_wait3A_161 = tpu.memref_squeeze %dma_wait3A_160 : memref<1x24x64xi32, #tpu.memory_space<vmem>> -> memref<24x64xi32, #tpu.memory_space<vmem>>
    %dma_wait3A_162 = arith.constant 0 : i32
    %dma_wait3A_163 = tpu.memref_slice %arg4[%mul3A_4, %dma_wait3A_162] : memref<5376x64xi32, #tpu.memory_space<hbm>> -> memref<24x64xi32, #tpu.memory_space<hbm>>
    %dma_wait3A_164 = arith.constant 0 : i32
    %dma_wait3A_165 = arith.constant 0 : i32
    %dma_wait3A_166 = tpu.memref_slice %arg8[%dma_wait3A_157, %dma_wait3A_164, %dma_wait3A_165] : memref<2x24x64xi32, #tpu.memory_space<vmem>> -> memref<1x24x64xi32, #tpu.memory_space<vmem>>
    %dma_wait3A_167 = tpu.memref_squeeze %dma_wait3A_166 : memref<1x24x64xi32, #tpu.memory_space<vmem>> -> memref<24x64xi32, #tpu.memory_space<vmem>>
    %dma_wait3A_168 = arith.constant 0 : i32
    %dma_wait3A_169 = tpu.memref_slice %arg4[%mul3A_4, %dma_wait3A_168] : memref<5376x64xi32, #tpu.memory_space<hbm>> -> memref<24x64xi32, #tpu.memory_space<hbm>>
    tpu.wait_dma2 semaphore(%arg16 : memref<!tpu.dma_semaphore, #tpu.memory_space<semaphore_mem>>) src(%dma_wait3A_169 : memref<24x64xi32, #tpu.memory_space<hbm>>) dst(%dma_wait3A_167 : memref<24x64xi32, #tpu.memory_space<vmem>>)
    %scan3A_170 = arith.constant 0 : i32
    %scan3A_171 = arith.constant 0 : i32
    %scan3A_172 = arith.constant 8 : i32
    %scan3A_173 = arith.addi %scan3A_171, %scan3A_172 : i32
    %scan3A_174 = arith.constant 1 : i32
    scf.for %scan3A_254 = %scan3A_171 to %scan3A_173 step %scan3A_174  : i32 {
      %mul3A_255 = arith.constant 3 : i32
      %mul3A_256 = arith.muli %mul3A_255, %scan3A_254 : i32
      %add3A_257 = arith.constant 96 : i32
      %add3A_258 = arith.addi %add3A_257, %mul3A_256 : i32
      %dma_wait3A_259 = arith.constant 0 : i32
      %dma_wait3A_260 = tpu.memref_slice %arg7[%dma_wait3A_259] : memref<10752xi32, #tpu.memory_space<vmem>> -> memref<64xi32, #tpu.memory_space<vmem>>
      %dma_wait3A_261 = arith.constant 0 : i32
      %dma_wait3A_262 = arith.constant 0 : i32
      %dma_wait3A_263 = tpu.memref_slice %arg2[%dma_wait3A_261, %dma_wait3A_262] : memref<10000x128xf32, #tpu.memory_space<hbm>> -> memref<10000x128xf32, #tpu.memory_space<hbm>>
      tpu.wait_indirect_dma semaphore(%arg13 : memref<!tpu.dma_semaphore, #tpu.memory_space<semaphore_mem>>) src(%dma_wait3A_263 : memref<10000x128xf32, #tpu.memory_space<hbm>>) dst(%arg9 : memref<64x128xf32, #tpu.memory_space<vmem>>)
      %mul3A_264 = arith.constant 3 : i32
      %mul3A_265 = arith.muli %mul3A_264, %scan3A_254 : i32
      %add3A_266 = arith.constant 0 : i32
      %add3A_267 = arith.addi %mul3A_265, %add3A_266 : i32
      %run_scoped3A_268 = arith.constant 0 : i32
      "tpu.region"() ({
        %run_scoped3A_319 = tpu.sem_alloc : memref<!tpu.dma_semaphore, #tpu.memory_space<semaphore_mem>>
        %dma_start3A_320 = arith.constant 0 : i32
        %dma_start3A_321 = tpu.memref_slice %arg8[%run_scoped3A_268, %add3A_267, %dma_start3A_320] : memref<2x24x64xi32, #tpu.memory_space<vmem>> -> memref<1x1x64xi32, #tpu.memory_space<vmem>>
        %dma_start3A_322 = tpu.memref_squeeze %dma_start3A_321 : memref<1x1x64xi32, #tpu.memory_space<vmem>> -> memref<64xi32, #tpu.memory_space<vmem>>
        %dma_start3A_323 = arith.constant 0 : i32
        %dma_start3A_324 = arith.constant 0 : i32
        %dma_start3A_325 = tpu.memref_slice %arg12[%dma_start3A_323, %dma_start3A_324] : memref<10112x128xf32, #tpu.memory_space<vmem_shared>> -> memref<10112x128xf32, #tpu.memory_space<vmem_shared>>
        tpu.enqueue_indirect_dma source(%arg9 : memref<64x128xf32, #tpu.memory_space<vmem>>) target(%dma_start3A_325 : memref<10112x128xf32, #tpu.memory_space<vmem_shared>>) offsets(%dma_start3A_322 : memref<64xi32, #tpu.memory_space<vmem>>) semaphore(%run_scoped3A_319 : memref<!tpu.dma_semaphore, #tpu.memory_space<semaphore_mem>>) {add = true}
        %dma_wait3A_326 = arith.constant 0 : i32
        %dma_wait3A_327 = tpu.memref_slice %arg8[%run_scoped3A_268, %add3A_267, %dma_wait3A_326] : memref<2x24x64xi32, #tpu.memory_space<vmem>> -> memref<1x1x64xi32, #tpu.memory_space<vmem>>
        %dma_wait3A_328 = tpu.memref_squeeze %dma_wait3A_327 : memref<1x1x64xi32, #tpu.memory_space<vmem>> -> memref<64xi32, #tpu.memory_space<vmem>>
        %dma_wait3A_329 = arith.constant 0 : i32
        %dma_wait3A_330 = arith.constant 0 : i32
        %dma_wait3A_331 = tpu.memref_slice %arg12[%dma_wait3A_329, %dma_wait3A_330] : memref<10112x128xf32, #tpu.memory_space<vmem_shared>> -> memref<10112x128xf32, #tpu.memory_space<vmem_shared>>
        tpu.wait_indirect_dma semaphore(%run_scoped3A_319 : memref<!tpu.dma_semaphore, #tpu.memory_space<semaphore_mem>>) src(%arg9 : memref<64x128xf32, #tpu.memory_space<vmem>>) dst(%dma_wait3A_331 : memref<10112x128xf32, #tpu.memory_space<vmem_shared>>)
        tpu.yield
      }) : () -> ()
      %add3A_269 = arith.constant 0 : i32
      %add3A_270 = arith.addi %add3A_258, %add3A_269 : i32
      %add3A_271 = arith.constant 3 : i32
      %add3A_272 = arith.addi %add3A_270, %add3A_271 : i32
      %mul3A_273 = arith.constant 64 : i32
      %mul3A_274 = arith.muli %add3A_272, %mul3A_273 : i32
      %dma_start3A_275 = tpu.memref_slice %arg7[%mul3A_274] : memref<10752xi32, #tpu.memory_space<vmem>> -> memref<64xi32, #tpu.memory_space<vmem>>
      %dma_start3A_276 = arith.constant 0 : i32
      %dma_start3A_277 = arith.constant 0 : i32
      %dma_start3A_278 = tpu.memref_slice %arg2[%dma_start3A_276, %dma_start3A_277] : memref<10000x128xf32, #tpu.memory_space<hbm>> -> memref<10000x128xf32, #tpu.memory_space<hbm>>
      tpu.enqueue_indirect_dma source(%dma_start3A_278 : memref<10000x128xf32, #tpu.memory_space<hbm>>) target(%arg9 : memref<64x128xf32, #tpu.memory_space<vmem>>) offsets(%dma_start3A_275 : memref<64xi32, #tpu.memory_space<vmem>>) semaphore(%arg13 : memref<!tpu.dma_semaphore, #tpu.memory_space<semaphore_mem>>)
      %dma_wait3A_279 = arith.constant 0 : i32
      %dma_wait3A_280 = tpu.memref_slice %arg7[%dma_wait3A_279] : memref<10752xi32, #tpu.memory_space<vmem>> -> memref<64xi32, #tpu.memory_space<vmem>>
      %dma_wait3A_281 = arith.constant 0 : i32
      %dma_wait3A_282 = arith.constant 0 : i32
      %dma_wait3A_283 = tpu.memref_slice %arg2[%dma_wait3A_281, %dma_wait3A_282] : memref<10000x128xf32, #tpu.memory_space<hbm>> -> memref<10000x128xf32, #tpu.memory_space<hbm>>
      tpu.wait_indirect_dma semaphore(%arg14 : memref<!tpu.dma_semaphore, #tpu.memory_space<semaphore_mem>>) src(%dma_wait3A_283 : memref<10000x128xf32, #tpu.memory_space<hbm>>) dst(%arg10 : memref<64x128xf32, #tpu.memory_space<vmem>>)
      %mul3A_284 = arith.constant 3 : i32
      %mul3A_285 = arith.muli %mul3A_284, %scan3A_254 : i32
      %add3A_286 = arith.constant 1 : i32
      %add3A_287 = arith.addi %mul3A_285, %add3A_286 : i32
      %run_scoped3A_288 = arith.constant 0 : i32
      "tpu.region"() ({
        %run_scoped3A_319 = tpu.sem_alloc : memref<!tpu.dma_semaphore, #tpu.memory_space<semaphore_mem>>
        %dma_start3A_320 = arith.constant 0 : i32
        %dma_start3A_321 = tpu.memref_slice %arg8[%run_scoped3A_288, %add3A_287, %dma_start3A_320] : memref<2x24x64xi32, #tpu.memory_space<vmem>> -> memref<1x1x64xi32, #tpu.memory_space<vmem>>
        %dma_start3A_322 = tpu.memref_squeeze %dma_start3A_321 : memref<1x1x64xi32, #tpu.memory_space<vmem>> -> memref<64xi32, #tpu.memory_space<vmem>>
        %dma_start3A_323 = arith.constant 0 : i32
        %dma_start3A_324 = arith.constant 0 : i32
        %dma_start3A_325 = tpu.memref_slice %arg12[%dma_start3A_323, %dma_start3A_324] : memref<10112x128xf32, #tpu.memory_space<vmem_shared>> -> memref<10112x128xf32, #tpu.memory_space<vmem_shared>>
        tpu.enqueue_indirect_dma source(%arg10 : memref<64x128xf32, #tpu.memory_space<vmem>>) target(%dma_start3A_325 : memref<10112x128xf32, #tpu.memory_space<vmem_shared>>) offsets(%dma_start3A_322 : memref<64xi32, #tpu.memory_space<vmem>>) semaphore(%run_scoped3A_319 : memref<!tpu.dma_semaphore, #tpu.memory_space<semaphore_mem>>) {add = true}
        %dma_wait3A_326 = arith.constant 0 : i32
        %dma_wait3A_327 = tpu.memref_slice %arg8[%run_scoped3A_288, %add3A_287, %dma_wait3A_326] : memref<2x24x64xi32, #tpu.memory_space<vmem>> -> memref<1x1x64xi32, #tpu.memory_space<vmem>>
        %dma_wait3A_328 = tpu.memref_squeeze %dma_wait3A_327 : memref<1x1x64xi32, #tpu.memory_space<vmem>> -> memref<64xi32, #tpu.memory_space<vmem>>
        %dma_wait3A_329 = arith.constant 0 : i32
        %dma_wait3A_330 = arith.constant 0 : i32
        %dma_wait3A_331 = tpu.memref_slice %arg12[%dma_wait3A_329, %dma_wait3A_330] : memref<10112x128xf32, #tpu.memory_space<vmem_shared>> -> memref<10112x128xf32, #tpu.memory_space<vmem_shared>>
        tpu.wait_indirect_dma semaphore(%run_scoped3A_319 : memref<!tpu.dma_semaphore, #tpu.memory_space<semaphore_mem>>) src(%arg10 : memref<64x128xf32, #tpu.memory_space<vmem>>) dst(%dma_wait3A_331 : memref<10112x128xf32, #tpu.memory_space<vmem_shared>>)
        tpu.yield
      }) : () -> ()
      %add3A_289 = arith.constant 1 : i32
      %add3A_290 = arith.addi %add3A_258, %add3A_289 : i32
      %add3A_291 = arith.constant 3 : i32
      %add3A_292 = arith.addi %add3A_290, %add3A_291 : i32
      %mul3A_293 = arith.constant 64 : i32
      %mul3A_294 = arith.muli %add3A_292, %mul3A_293 : i32
      %dma_start3A_295 = tpu.memref_slice %arg7[%mul3A_294] : memref<10752xi32, #tpu.memory_space<vmem>> -> memref<64xi32, #tpu.memory_space<vmem>>
      %dma_start3A_296 = arith.constant 0 : i32
      %dma_start3A_297 = arith.constant 0 : i32
      %dma_start3A_298 = tpu.memref_slice %arg2[%dma_start3A_296, %dma_start3A_297] : memref<10000x128xf32, #tpu.memory_space<hbm>> -> memref<10000x128xf32, #tpu.memory_space<hbm>>
      tpu.enqueue_indirect_dma source(%dma_start3A_298 : memref<10000x128xf32, #tpu.memory_space<hbm>>) target(%arg10 : memref<64x128xf32, #tpu.memory_space<vmem>>) offsets(%dma_start3A_295 : memref<64xi32, #tpu.memory_space<vmem>>) semaphore(%arg14 : memref<!tpu.dma_semaphore, #tpu.memory_space<semaphore_mem>>)
      %dma_wait3A_299 = arith.constant 0 : i32
      %dma_wait3A_300 = tpu.memref_slice %arg7[%dma_wait3A_299] : memref<10752xi32, #tpu.memory_space<vmem>> -> memref<64xi32, #tpu.memory_space<vmem>>
      %dma_wait3A_301 = arith.constant 0 : i32
      %dma_wait3A_302 = arith.constant 0 : i32
      %dma_wait3A_303 = tpu.memref_slice %arg2[%dma_wait3A_301, %dma_wait3A_302] : memref<10000x128xf32, #tpu.memory_space<hbm>> -> memref<10000x128xf32, #tpu.memory_space<hbm>>
      tpu.wait_indirect_dma semaphore(%arg15 : memref<!tpu.dma_semaphore, #tpu.memory_space<semaphore_mem>>) src(%dma_wait3A_303 : memref<10000x128xf32, #tpu.memory_space<hbm>>) dst(%arg11 : memref<64x128xf32, #tpu.memory_space<vmem>>)
      %mul3A_304 = arith.constant 3 : i32
      %mul3A_305 = arith.muli %mul3A_304, %scan3A_254 : i32
      %add3A_306 = arith.constant 2 : i32
      %add3A_307 = arith.addi %mul3A_305, %add3A_306 : i32
      %run_scoped3A_308 = arith.constant 0 : i32
      "tpu.region"() ({
        %run_scoped3A_319 = tpu.sem_alloc : memref<!tpu.dma_semaphore, #tpu.memory_space<semaphore_mem>>
        %dma_start3A_320 = arith.constant 0 : i32
        %dma_start3A_321 = tpu.memref_slice %arg8[%run_scoped3A_308, %add3A_307, %dma_start3A_320] : memref<2x24x64xi32, #tpu.memory_space<vmem>> -> memref<1x1x64xi32, #tpu.memory_space<vmem>>
        %dma_start3A_322 = tpu.memref_squeeze %dma_start3A_321 : memref<1x1x64xi32, #tpu.memory_space<vmem>> -> memref<64xi32, #tpu.memory_space<vmem>>
        %dma_start3A_323 = arith.constant 0 : i32
        %dma_start3A_324 = arith.constant 0 : i32
        %dma_start3A_325 = tpu.memref_slice %arg12[%dma_start3A_323, %dma_start3A_324] : memref<10112x128xf32, #tpu.memory_space<vmem_shared>> -> memref<10112x128xf32, #tpu.memory_space<vmem_shared>>
        tpu.enqueue_indirect_dma source(%arg11 : memref<64x128xf32, #tpu.memory_space<vmem>>) target(%dma_start3A_325 : memref<10112x128xf32, #tpu.memory_space<vmem_shared>>) offsets(%dma_start3A_322 : memref<64xi32, #tpu.memory_space<vmem>>) semaphore(%run_scoped3A_319 : memref<!tpu.dma_semaphore, #tpu.memory_space<semaphore_mem>>) {add = true}
        %dma_wait3A_326 = arith.constant 0 : i32
        %dma_wait3A_327 = tpu.memref_slice %arg8[%run_scoped3A_308, %add3A_307, %dma_wait3A_326] : memref<2x24x64xi32, #tpu.memory_space<vmem>> -> memref<1x1x64xi32, #tpu.memory_space<vmem>>
        %dma_wait3A_328 = tpu.memref_squeeze %dma_wait3A_327 : memref<1x1x64xi32, #tpu.memory_space<vmem>> -> memref<64xi32, #tpu.memory_space<vmem>>
        %dma_wait3A_329 = arith.constant 0 : i32
        %dma_wait3A_330 = arith.constant 0 : i32
        %dma_wait3A_331 = tpu.memref_slice %arg12[%dma_wait3A_329, %dma_wait3A_330] : memref<10112x128xf32, #tpu.memory_space<vmem_shared>> -> memref<10112x128xf32, #tpu.memory_space<vmem_shared>>
        tpu.wait_indirect_dma semaphore(%run_scoped3A_319 : memref<!tpu.dma_semaphore, #tpu.memory_space<semaphore_mem>>) src(%arg11 : memref<64x128xf32, #tpu.memory_space<vmem>>) dst(%dma_wait3A_331 : memref<10112x128xf32, #tpu.memory_space<vmem_shared>>)
        tpu.yield
      }) : () -> ()
      %add3A_309 = arith.constant 2 : i32
      %add3A_310 = arith.addi %add3A_258, %add3A_309 : i32
      %add3A_311 = arith.constant 3 : i32
      %add3A_312 = arith.addi %add3A_310, %add3A_311 : i32
      %mul3A_313 = arith.constant 64 : i32
      %mul3A_314 = arith.muli %add3A_312, %mul3A_313 : i32
      %dma_start3A_315 = tpu.memref_slice %arg7[%mul3A_314] : memref<10752xi32, #tpu.memory_space<vmem>> -> memref<64xi32, #tpu.memory_space<vmem>>
      %dma_start3A_316 = arith.constant 0 : i32
      %dma_start3A_317 = arith.constant 0 : i32
      %dma_start3A_318 = tpu.memref_slice %arg2[%dma_start3A_316, %dma_start3A_317] : memref<10000x128xf32, #tpu.memory_space<hbm>> -> memref<10000x128xf32, #tpu.memory_space<hbm>>
      tpu.enqueue_indirect_dma source(%dma_start3A_318 : memref<10000x128xf32, #tpu.memory_space<hbm>>) target(%arg11 : memref<64x128xf32, #tpu.memory_space<vmem>>) offsets(%dma_start3A_315 : memref<64xi32, #tpu.memory_space<vmem>>) semaphore(%arg15 : memref<!tpu.dma_semaphore, #tpu.memory_space<semaphore_mem>>)
    }
    %scan3A_175 = arith.constant 8 : i32
    %add3A_176 = arith.constant 144 : i32
    %add3A_177 = arith.addi %mul3A_4, %add3A_176 : i32
    %dma_start3A_178 = arith.constant 0 : i32
    %dma_start3A_179 = arith.constant 0 : i32
    %dma_start3A_180 = arith.constant 0 : i32
    %dma_start3A_181 = tpu.memref_slice %arg8[%dma_start3A_178, %dma_start3A_179, %dma_start3A_180] : memref<2x24x64xi32, #tpu.memory_space<vmem>> -> memref<1x24x64xi32, #tpu.memory_space<vmem>>
    %dma_start3A_182 = tpu.memref_squeeze %dma_start3A_181 : memref<1x24x64xi32, #tpu.memory_space<vmem>> -> memref<24x64xi32, #tpu.memory_space<vmem>>
    %dma_start3A_183 = arith.constant 0 : i32
    %dma_start3A_184 = tpu.memref_slice %arg4[%add3A_177, %dma_start3A_183] : memref<5376x64xi32, #tpu.memory_space<hbm>> -> memref<24x64xi32, #tpu.memory_space<hbm>>
    %dma_start3A_185 = arith.constant 0 : i32
    %dma_start3A_186 = arith.constant 0 : i32
    %dma_start3A_187 = tpu.memref_slice %arg8[%dma_start3A_178, %dma_start3A_185, %dma_start3A_186] : memref<2x24x64xi32, #tpu.memory_space<vmem>> -> memref<1x24x64xi32, #tpu.memory_space<vmem>>
    %dma_start3A_188 = tpu.memref_squeeze %dma_start3A_187 : memref<1x24x64xi32, #tpu.memory_space<vmem>> -> memref<24x64xi32, #tpu.memory_space<vmem>>
    %dma_start3A_189 = arith.constant 0 : i32
    %dma_start3A_190 = tpu.memref_slice %arg4[%add3A_177, %dma_start3A_189] : memref<5376x64xi32, #tpu.memory_space<hbm>> -> memref<24x64xi32, #tpu.memory_space<hbm>>
    tpu.enqueue_dma source(%dma_start3A_190 : memref<24x64xi32, #tpu.memory_space<hbm>>) target(%dma_start3A_188 : memref<24x64xi32, #tpu.memory_space<vmem>>) target_semaphore(%arg16 : memref<!tpu.dma_semaphore, #tpu.memory_space<semaphore_mem>>)
    %dma_wait3A_191 = arith.constant 1 : i32
    %dma_wait3A_192 = arith.constant 0 : i32
    %dma_wait3A_193 = arith.constant 0 : i32
    %dma_wait3A_194 = tpu.memref_slice %arg8[%dma_wait3A_191, %dma_wait3A_192, %dma_wait3A_193] : memref<2x24x64xi32, #tpu.memory_space<vmem>> -> memref<1x24x64xi32, #tpu.memory_space<vmem>>
    %dma_wait3A_195 = tpu.memref_squeeze %dma_wait3A_194 : memref<1x24x64xi32, #tpu.memory_space<vmem>> -> memref<24x64xi32, #tpu.memory_space<vmem>>
    %dma_wait3A_196 = arith.constant 0 : i32
    %dma_wait3A_197 = tpu.memref_slice %arg4[%mul3A_4, %dma_wait3A_196] : memref<5376x64xi32, #tpu.memory_space<hbm>> -> memref<24x64xi32, #tpu.memory_space<hbm>>
    %dma_wait3A_198 = arith.constant 0 : i32
    %dma_wait3A_199 = arith.constant 0 : i32
    %dma_wait3A_200 = tpu.memref_slice %arg8[%dma_wait3A_191, %dma_wait3A_198, %dma_wait3A_199] : memref<2x24x64xi32, #tpu.memory_space<vmem>> -> memref<1x24x64xi32, #tpu.memory_space<vmem>>
    %dma_wait3A_201 = tpu.memref_squeeze %dma_wait3A_200 : memref<1x24x64xi32, #tpu.memory_space<vmem>> -> memref<24x64xi32, #tpu.memory_space<vmem>>
    %dma_wait3A_202 = arith.constant 0 : i32
    %dma_wait3A_203 = tpu.memref_slice %arg4[%mul3A_4, %dma_wait3A_202] : memref<5376x64xi32, #tpu.memory_space<hbm>> -> memref<24x64xi32, #tpu.memory_space<hbm>>
    tpu.wait_dma2 semaphore(%arg17 : memref<!tpu.dma_semaphore, #tpu.memory_space<semaphore_mem>>) src(%dma_wait3A_203 : memref<24x64xi32, #tpu.memory_space<hbm>>) dst(%dma_wait3A_201 : memref<24x64xi32, #tpu.memory_space<vmem>>)
    %scan3A_204 = arith.constant 0 : i32
    %scan3A_205 = arith.constant 0 : i32
    %scan3A_206 = arith.constant 8 : i32
    %scan3A_207 = arith.addi %scan3A_205, %scan3A_206 : i32
    %scan3A_208 = arith.constant 1 : i32
    scf.for %scan3A_254 = %scan3A_205 to %scan3A_207 step %scan3A_208  : i32 {
      %mul3A_255 = arith.constant 3 : i32
      %mul3A_256 = arith.muli %mul3A_255, %scan3A_254 : i32
      %add3A_257 = arith.constant 120 : i32
      %add3A_258 = arith.addi %add3A_257, %mul3A_256 : i32
      %dma_wait3A_259 = arith.constant 0 : i32
      %dma_wait3A_260 = tpu.memref_slice %arg7[%dma_wait3A_259] : memref<10752xi32, #tpu.memory_space<vmem>> -> memref<64xi32, #tpu.memory_space<vmem>>
      %dma_wait3A_261 = arith.constant 0 : i32
      %dma_wait3A_262 = arith.constant 0 : i32
      %dma_wait3A_263 = tpu.memref_slice %arg2[%dma_wait3A_261, %dma_wait3A_262] : memref<10000x128xf32, #tpu.memory_space<hbm>> -> memref<10000x128xf32, #tpu.memory_space<hbm>>
      tpu.wait_indirect_dma semaphore(%arg13 : memref<!tpu.dma_semaphore, #tpu.memory_space<semaphore_mem>>) src(%dma_wait3A_263 : memref<10000x128xf32, #tpu.memory_space<hbm>>) dst(%arg9 : memref<64x128xf32, #tpu.memory_space<vmem>>)
      %mul3A_264 = arith.constant 3 : i32
      %mul3A_265 = arith.muli %mul3A_264, %scan3A_254 : i32
      %add3A_266 = arith.constant 0 : i32
      %add3A_267 = arith.addi %mul3A_265, %add3A_266 : i32
      %run_scoped3A_268 = arith.constant 1 : i32
      "tpu.region"() ({
        %run_scoped3A_319 = tpu.sem_alloc : memref<!tpu.dma_semaphore, #tpu.memory_space<semaphore_mem>>
        %dma_start3A_320 = arith.constant 0 : i32
        %dma_start3A_321 = tpu.memref_slice %arg8[%run_scoped3A_268, %add3A_267, %dma_start3A_320] : memref<2x24x64xi32, #tpu.memory_space<vmem>> -> memref<1x1x64xi32, #tpu.memory_space<vmem>>
        %dma_start3A_322 = tpu.memref_squeeze %dma_start3A_321 : memref<1x1x64xi32, #tpu.memory_space<vmem>> -> memref<64xi32, #tpu.memory_space<vmem>>
        %dma_start3A_323 = arith.constant 0 : i32
        %dma_start3A_324 = arith.constant 0 : i32
        %dma_start3A_325 = tpu.memref_slice %arg12[%dma_start3A_323, %dma_start3A_324] : memref<10112x128xf32, #tpu.memory_space<vmem_shared>> -> memref<10112x128xf32, #tpu.memory_space<vmem_shared>>
        tpu.enqueue_indirect_dma source(%arg9 : memref<64x128xf32, #tpu.memory_space<vmem>>) target(%dma_start3A_325 : memref<10112x128xf32, #tpu.memory_space<vmem_shared>>) offsets(%dma_start3A_322 : memref<64xi32, #tpu.memory_space<vmem>>) semaphore(%run_scoped3A_319 : memref<!tpu.dma_semaphore, #tpu.memory_space<semaphore_mem>>) {add = true}
        %dma_wait3A_326 = arith.constant 0 : i32
        %dma_wait3A_327 = tpu.memref_slice %arg8[%run_scoped3A_268, %add3A_267, %dma_wait3A_326] : memref<2x24x64xi32, #tpu.memory_space<vmem>> -> memref<1x1x64xi32, #tpu.memory_space<vmem>>
        %dma_wait3A_328 = tpu.memref_squeeze %dma_wait3A_327 : memref<1x1x64xi32, #tpu.memory_space<vmem>> -> memref<64xi32, #tpu.memory_space<vmem>>
        %dma_wait3A_329 = arith.constant 0 : i32
        %dma_wait3A_330 = arith.constant 0 : i32
        %dma_wait3A_331 = tpu.memref_slice %arg12[%dma_wait3A_329, %dma_wait3A_330] : memref<10112x128xf32, #tpu.memory_space<vmem_shared>> -> memref<10112x128xf32, #tpu.memory_space<vmem_shared>>
        tpu.wait_indirect_dma semaphore(%run_scoped3A_319 : memref<!tpu.dma_semaphore, #tpu.memory_space<semaphore_mem>>) src(%arg9 : memref<64x128xf32, #tpu.memory_space<vmem>>) dst(%dma_wait3A_331 : memref<10112x128xf32, #tpu.memory_space<vmem_shared>>)
        tpu.yield
      }) : () -> ()
      %add3A_269 = arith.constant 0 : i32
      %add3A_270 = arith.addi %add3A_258, %add3A_269 : i32
      %add3A_271 = arith.constant 3 : i32
      %add3A_272 = arith.addi %add3A_270, %add3A_271 : i32
      %mul3A_273 = arith.constant 64 : i32
      %mul3A_274 = arith.muli %add3A_272, %mul3A_273 : i32
      %dma_start3A_275 = tpu.memref_slice %arg7[%mul3A_274] : memref<10752xi32, #tpu.memory_space<vmem>> -> memref<64xi32, #tpu.memory_space<vmem>>
      %dma_start3A_276 = arith.constant 0 : i32
      %dma_start3A_277 = arith.constant 0 : i32
      %dma_start3A_278 = tpu.memref_slice %arg2[%dma_start3A_276, %dma_start3A_277] : memref<10000x128xf32, #tpu.memory_space<hbm>> -> memref<10000x128xf32, #tpu.memory_space<hbm>>
      tpu.enqueue_indirect_dma source(%dma_start3A_278 : memref<10000x128xf32, #tpu.memory_space<hbm>>) target(%arg9 : memref<64x128xf32, #tpu.memory_space<vmem>>) offsets(%dma_start3A_275 : memref<64xi32, #tpu.memory_space<vmem>>) semaphore(%arg13 : memref<!tpu.dma_semaphore, #tpu.memory_space<semaphore_mem>>)
      %dma_wait3A_279 = arith.constant 0 : i32
      %dma_wait3A_280 = tpu.memref_slice %arg7[%dma_wait3A_279] : memref<10752xi32, #tpu.memory_space<vmem>> -> memref<64xi32, #tpu.memory_space<vmem>>
      %dma_wait3A_281 = arith.constant 0 : i32
      %dma_wait3A_282 = arith.constant 0 : i32
      %dma_wait3A_283 = tpu.memref_slice %arg2[%dma_wait3A_281, %dma_wait3A_282] : memref<10000x128xf32, #tpu.memory_space<hbm>> -> memref<10000x128xf32, #tpu.memory_space<hbm>>
      tpu.wait_indirect_dma semaphore(%arg14 : memref<!tpu.dma_semaphore, #tpu.memory_space<semaphore_mem>>) src(%dma_wait3A_283 : memref<10000x128xf32, #tpu.memory_space<hbm>>) dst(%arg10 : memref<64x128xf32, #tpu.memory_space<vmem>>)
      %mul3A_284 = arith.constant 3 : i32
      %mul3A_285 = arith.muli %mul3A_284, %scan3A_254 : i32
      %add3A_286 = arith.constant 1 : i32
      %add3A_287 = arith.addi %mul3A_285, %add3A_286 : i32
      %run_scoped3A_288 = arith.constant 1 : i32
      "tpu.region"() ({
        %run_scoped3A_319 = tpu.sem_alloc : memref<!tpu.dma_semaphore, #tpu.memory_space<semaphore_mem>>
        %dma_start3A_320 = arith.constant 0 : i32
        %dma_start3A_321 = tpu.memref_slice %arg8[%run_scoped3A_288, %add3A_287, %dma_start3A_320] : memref<2x24x64xi32, #tpu.memory_space<vmem>> -> memref<1x1x64xi32, #tpu.memory_space<vmem>>
        %dma_start3A_322 = tpu.memref_squeeze %dma_start3A_321 : memref<1x1x64xi32, #tpu.memory_space<vmem>> -> memref<64xi32, #tpu.memory_space<vmem>>
        %dma_start3A_323 = arith.constant 0 : i32
        %dma_start3A_324 = arith.constant 0 : i32
        %dma_start3A_325 = tpu.memref_slice %arg12[%dma_start3A_323, %dma_start3A_324] : memref<10112x128xf32, #tpu.memory_space<vmem_shared>> -> memref<10112x128xf32, #tpu.memory_space<vmem_shared>>
        tpu.enqueue_indirect_dma source(%arg10 : memref<64x128xf32, #tpu.memory_space<vmem>>) target(%dma_start3A_325 : memref<10112x128xf32, #tpu.memory_space<vmem_shared>>) offsets(%dma_start3A_322 : memref<64xi32, #tpu.memory_space<vmem>>) semaphore(%run_scoped3A_319 : memref<!tpu.dma_semaphore, #tpu.memory_space<semaphore_mem>>) {add = true}
        %dma_wait3A_326 = arith.constant 0 : i32
        %dma_wait3A_327 = tpu.memref_slice %arg8[%run_scoped3A_288, %add3A_287, %dma_wait3A_326] : memref<2x24x64xi32, #tpu.memory_space<vmem>> -> memref<1x1x64xi32, #tpu.memory_space<vmem>>
        %dma_wait3A_328 = tpu.memref_squeeze %dma_wait3A_327 : memref<1x1x64xi32, #tpu.memory_space<vmem>> -> memref<64xi32, #tpu.memory_space<vmem>>
        %dma_wait3A_329 = arith.constant 0 : i32
        %dma_wait3A_330 = arith.constant 0 : i32
        %dma_wait3A_331 = tpu.memref_slice %arg12[%dma_wait3A_329, %dma_wait3A_330] : memref<10112x128xf32, #tpu.memory_space<vmem_shared>> -> memref<10112x128xf32, #tpu.memory_space<vmem_shared>>
        tpu.wait_indirect_dma semaphore(%run_scoped3A_319 : memref<!tpu.dma_semaphore, #tpu.memory_space<semaphore_mem>>) src(%arg10 : memref<64x128xf32, #tpu.memory_space<vmem>>) dst(%dma_wait3A_331 : memref<10112x128xf32, #tpu.memory_space<vmem_shared>>)
        tpu.yield
      }) : () -> ()
      %add3A_289 = arith.constant 1 : i32
      %add3A_290 = arith.addi %add3A_258, %add3A_289 : i32
      %add3A_291 = arith.constant 3 : i32
      %add3A_292 = arith.addi %add3A_290, %add3A_291 : i32
      %mul3A_293 = arith.constant 64 : i32
      %mul3A_294 = arith.muli %add3A_292, %mul3A_293 : i32
      %dma_start3A_295 = tpu.memref_slice %arg7[%mul3A_294] : memref<10752xi32, #tpu.memory_space<vmem>> -> memref<64xi32, #tpu.memory_space<vmem>>
      %dma_start3A_296 = arith.constant 0 : i32
      %dma_start3A_297 = arith.constant 0 : i32
      %dma_start3A_298 = tpu.memref_slice %arg2[%dma_start3A_296, %dma_start3A_297] : memref<10000x128xf32, #tpu.memory_space<hbm>> -> memref<10000x128xf32, #tpu.memory_space<hbm>>
      tpu.enqueue_indirect_dma source(%dma_start3A_298 : memref<10000x128xf32, #tpu.memory_space<hbm>>) target(%arg10 : memref<64x128xf32, #tpu.memory_space<vmem>>) offsets(%dma_start3A_295 : memref<64xi32, #tpu.memory_space<vmem>>) semaphore(%arg14 : memref<!tpu.dma_semaphore, #tpu.memory_space<semaphore_mem>>)
      %dma_wait3A_299 = arith.constant 0 : i32
      %dma_wait3A_300 = tpu.memref_slice %arg7[%dma_wait3A_299] : memref<10752xi32, #tpu.memory_space<vmem>> -> memref<64xi32, #tpu.memory_space<vmem>>
      %dma_wait3A_301 = arith.constant 0 : i32
      %dma_wait3A_302 = arith.constant 0 : i32
      %dma_wait3A_303 = tpu.memref_slice %arg2[%dma_wait3A_301, %dma_wait3A_302] : memref<10000x128xf32, #tpu.memory_space<hbm>> -> memref<10000x128xf32, #tpu.memory_space<hbm>>
      tpu.wait_indirect_dma semaphore(%arg15 : memref<!tpu.dma_semaphore, #tpu.memory_space<semaphore_mem>>) src(%dma_wait3A_303 : memref<10000x128xf32, #tpu.memory_space<hbm>>) dst(%arg11 : memref<64x128xf32, #tpu.memory_space<vmem>>)
      %mul3A_304 = arith.constant 3 : i32
      %mul3A_305 = arith.muli %mul3A_304, %scan3A_254 : i32
      %add3A_306 = arith.constant 2 : i32
      %add3A_307 = arith.addi %mul3A_305, %add3A_306 : i32
      %run_scoped3A_308 = arith.constant 1 : i32
      "tpu.region"() ({
        %run_scoped3A_319 = tpu.sem_alloc : memref<!tpu.dma_semaphore, #tpu.memory_space<semaphore_mem>>
        %dma_start3A_320 = arith.constant 0 : i32
        %dma_start3A_321 = tpu.memref_slice %arg8[%run_scoped3A_308, %add3A_307, %dma_start3A_320] : memref<2x24x64xi32, #tpu.memory_space<vmem>> -> memref<1x1x64xi32, #tpu.memory_space<vmem>>
        %dma_start3A_322 = tpu.memref_squeeze %dma_start3A_321 : memref<1x1x64xi32, #tpu.memory_space<vmem>> -> memref<64xi32, #tpu.memory_space<vmem>>
        %dma_start3A_323 = arith.constant 0 : i32
        %dma_start3A_324 = arith.constant 0 : i32
        %dma_start3A_325 = tpu.memref_slice %arg12[%dma_start3A_323, %dma_start3A_324] : memref<10112x128xf32, #tpu.memory_space<vmem_shared>> -> memref<10112x128xf32, #tpu.memory_space<vmem_shared>>
        tpu.enqueue_indirect_dma source(%arg11 : memref<64x128xf32, #tpu.memory_space<vmem>>) target(%dma_start3A_325 : memref<10112x128xf32, #tpu.memory_space<vmem_shared>>) offsets(%dma_start3A_322 : memref<64xi32, #tpu.memory_space<vmem>>) semaphore(%run_scoped3A_319 : memref<!tpu.dma_semaphore, #tpu.memory_space<semaphore_mem>>) {add = true}
        %dma_wait3A_326 = arith.constant 0 : i32
        %dma_wait3A_327 = tpu.memref_slice %arg8[%run_scoped3A_308, %add3A_307, %dma_wait3A_326] : memref<2x24x64xi32, #tpu.memory_space<vmem>> -> memref<1x1x64xi32, #tpu.memory_space<vmem>>
        %dma_wait3A_328 = tpu.memref_squeeze %dma_wait3A_327 : memref<1x1x64xi32, #tpu.memory_space<vmem>> -> memref<64xi32, #tpu.memory_space<vmem>>
        %dma_wait3A_329 = arith.constant 0 : i32
        %dma_wait3A_330 = arith.constant 0 : i32
        %dma_wait3A_331 = tpu.memref_slice %arg12[%dma_wait3A_329, %dma_wait3A_330] : memref<10112x128xf32, #tpu.memory_space<vmem_shared>> -> memref<10112x128xf32, #tpu.memory_space<vmem_shared>>
        tpu.wait_indirect_dma semaphore(%run_scoped3A_319 : memref<!tpu.dma_semaphore, #tpu.memory_space<semaphore_mem>>) src(%arg11 : memref<64x128xf32, #tpu.memory_space<vmem>>) dst(%dma_wait3A_331 : memref<10112x128xf32, #tpu.memory_space<vmem_shared>>)
        tpu.yield
      }) : () -> ()
      %add3A_309 = arith.constant 2 : i32
      %add3A_310 = arith.addi %add3A_258, %add3A_309 : i32
      %add3A_311 = arith.constant 3 : i32
      %add3A_312 = arith.addi %add3A_310, %add3A_311 : i32
      %mul3A_313 = arith.constant 64 : i32
      %mul3A_314 = arith.muli %add3A_312, %mul3A_313 : i32
      %dma_start3A_315 = tpu.memref_slice %arg7[%mul3A_314] : memref<10752xi32, #tpu.memory_space<vmem>> -> memref<64xi32, #tpu.memory_space<vmem>>
      %dma_start3A_316 = arith.constant 0 : i32
      %dma_start3A_317 = arith.constant 0 : i32
      %dma_start3A_318 = tpu.memref_slice %arg2[%dma_start3A_316, %dma_start3A_317] : memref<10000x128xf32, #tpu.memory_space<hbm>> -> memref<10000x128xf32, #tpu.memory_space<hbm>>
      tpu.enqueue_indirect_dma source(%dma_start3A_318 : memref<10000x128xf32, #tpu.memory_space<hbm>>) target(%arg11 : memref<64x128xf32, #tpu.memory_space<vmem>>) offsets(%dma_start3A_315 : memref<64xi32, #tpu.memory_space<vmem>>) semaphore(%arg15 : memref<!tpu.dma_semaphore, #tpu.memory_space<semaphore_mem>>)
    }
    %scan3A_209 = arith.constant 8 : i32
    %dma_wait3A_210 = arith.constant 0 : i32
    %dma_wait3A_211 = arith.constant 0 : i32
    %dma_wait3A_212 = arith.constant 0 : i32
    %dma_wait3A_213 = tpu.memref_slice %arg8[%dma_wait3A_210, %dma_wait3A_211, %dma_wait3A_212] : memref<2x24x64xi32, #tpu.memory_space<vmem>> -> memref<1x24x64xi32, #tpu.memory_space<vmem>>
    %dma_wait3A_214 = tpu.memref_squeeze %dma_wait3A_213 : memref<1x24x64xi32, #tpu.memory_space<vmem>> -> memref<24x64xi32, #tpu.memory_space<vmem>>
    %dma_wait3A_215 = arith.constant 0 : i32
    %dma_wait3A_216 = tpu.memref_slice %arg4[%mul3A_4, %dma_wait3A_215] : memref<5376x64xi32, #tpu.memory_space<hbm>> -> memref<24x64xi32, #tpu.memory_space<hbm>>
    %dma_wait3A_217 = arith.constant 0 : i32
    %dma_wait3A_218 = arith.constant 0 : i32
    %dma_wait3A_219 = tpu.memref_slice %arg8[%dma_wait3A_210, %dma_wait3A_217, %dma_wait3A_218] : memref<2x24x64xi32, #tpu.memory_space<vmem>> -> memref<1x24x64xi32, #tpu.memory_space<vmem>>
    %dma_wait3A_220 = tpu.memref_squeeze %dma_wait3A_219 : memref<1x24x64xi32, #tpu.memory_space<vmem>> -> memref<24x64xi32, #tpu.memory_space<vmem>>
    %dma_wait3A_221 = arith.constant 0 : i32
    %dma_wait3A_222 = tpu.memref_slice %arg4[%mul3A_4, %dma_wait3A_221] : memref<5376x64xi32, #tpu.memory_space<hbm>> -> memref<24x64xi32, #tpu.memory_space<hbm>>
    tpu.wait_dma2 semaphore(%arg16 : memref<!tpu.dma_semaphore, #tpu.memory_space<semaphore_mem>>) src(%dma_wait3A_222 : memref<24x64xi32, #tpu.memory_space<hbm>>) dst(%dma_wait3A_220 : memref<24x64xi32, #tpu.memory_space<vmem>>)
    %scan3A_223 = arith.constant 0 : i32
    %scan3A_224 = arith.constant 0 : i32
    %scan3A_225 = arith.constant 7 : i32
    %scan3A_226 = arith.addi %scan3A_224, %scan3A_225 : i32
    %scan3A_227 = arith.constant 1 : i32
    scf.for %scan3A_254 = %scan3A_224 to %scan3A_226 step %scan3A_227  : i32 {
      %mul3A_255 = arith.constant 3 : i32
      %mul3A_256 = arith.muli %mul3A_255, %scan3A_254 : i32
      %add3A_257 = arith.constant 144 : i32
      %add3A_258 = arith.addi %add3A_257, %mul3A_256 : i32
      %dma_wait3A_259 = arith.constant 0 : i32
      %dma_wait3A_260 = tpu.memref_slice %arg7[%dma_wait3A_259] : memref<10752xi32, #tpu.memory_space<vmem>> -> memref<64xi32, #tpu.memory_space<vmem>>
      %dma_wait3A_261 = arith.constant 0 : i32
      %dma_wait3A_262 = arith.constant 0 : i32
      %dma_wait3A_263 = tpu.memref_slice %arg2[%dma_wait3A_261, %dma_wait3A_262] : memref<10000x128xf32, #tpu.memory_space<hbm>> -> memref<10000x128xf32, #tpu.memory_space<hbm>>
      tpu.wait_indirect_dma semaphore(%arg13 : memref<!tpu.dma_semaphore, #tpu.memory_space<semaphore_mem>>) src(%dma_wait3A_263 : memref<10000x128xf32, #tpu.memory_space<hbm>>) dst(%arg9 : memref<64x128xf32, #tpu.memory_space<vmem>>)
      %mul3A_264 = arith.constant 3 : i32
      %mul3A_265 = arith.muli %mul3A_264, %scan3A_254 : i32
      %add3A_266 = arith.constant 0 : i32
      %add3A_267 = arith.addi %mul3A_265, %add3A_266 : i32
      %run_scoped3A_268 = arith.constant 0 : i32
      "tpu.region"() ({
        %run_scoped3A_324 = tpu.sem_alloc : memref<!tpu.dma_semaphore, #tpu.memory_space<semaphore_mem>>
        %dma_start3A_325 = arith.constant 0 : i32
        %dma_start3A_326 = tpu.memref_slice %arg8[%run_scoped3A_268, %add3A_267, %dma_start3A_325] : memref<2x24x64xi32, #tpu.memory_space<vmem>> -> memref<1x1x64xi32, #tpu.memory_space<vmem>>
        %dma_start3A_327 = tpu.memref_squeeze %dma_start3A_326 : memref<1x1x64xi32, #tpu.memory_space<vmem>> -> memref<64xi32, #tpu.memory_space<vmem>>
        %dma_start3A_328 = arith.constant 0 : i32
        %dma_start3A_329 = arith.constant 0 : i32
        %dma_start3A_330 = tpu.memref_slice %arg12[%dma_start3A_328, %dma_start3A_329] : memref<10112x128xf32, #tpu.memory_space<vmem_shared>> -> memref<10112x128xf32, #tpu.memory_space<vmem_shared>>
        tpu.enqueue_indirect_dma source(%arg9 : memref<64x128xf32, #tpu.memory_space<vmem>>) target(%dma_start3A_330 : memref<10112x128xf32, #tpu.memory_space<vmem_shared>>) offsets(%dma_start3A_327 : memref<64xi32, #tpu.memory_space<vmem>>) semaphore(%run_scoped3A_324 : memref<!tpu.dma_semaphore, #tpu.memory_space<semaphore_mem>>) {add = true}
        %dma_wait3A_331 = arith.constant 0 : i32
        %dma_wait3A_332 = tpu.memref_slice %arg8[%run_scoped3A_268, %add3A_267, %dma_wait3A_331] : memref<2x24x64xi32, #tpu.memory_space<vmem>> -> memref<1x1x64xi32, #tpu.memory_space<vmem>>
        %dma_wait3A_333 = tpu.memref_squeeze %dma_wait3A_332 : memref<1x1x64xi32, #tpu.memory_space<vmem>> -> memref<64xi32, #tpu.memory_space<vmem>>
        %dma_wait3A_334 = arith.constant 0 : i32
        %dma_wait3A_335 = arith.constant 0 : i32
        %dma_wait3A_336 = tpu.memref_slice %arg12[%dma_wait3A_334, %dma_wait3A_335] : memref<10112x128xf32, #tpu.memory_space<vmem_shared>> -> memref<10112x128xf32, #tpu.memory_space<vmem_shared>>
        tpu.wait_indirect_dma semaphore(%run_scoped3A_324 : memref<!tpu.dma_semaphore, #tpu.memory_space<semaphore_mem>>) src(%arg9 : memref<64x128xf32, #tpu.memory_space<vmem>>) dst(%dma_wait3A_336 : memref<10112x128xf32, #tpu.memory_space<vmem_shared>>)
        tpu.yield
      }) : () -> ()
      %add3A_269 = arith.constant 0 : i32
      %add3A_270 = arith.addi %add3A_258, %add3A_269 : i32
      %add3A_271 = arith.constant 3 : i32
      %add3A_272 = arith.addi %add3A_270, %add3A_271 : i32
      %min3A = arith.constant 167 : i32
      %min3A_273 = arith.minsi %add3A_272, %min3A : i32
      %mul3A_274 = arith.constant 64 : i32
      %mul3A_275 = arith.muli %min3A_273, %mul3A_274 : i32
      %dma_start3A_276 = tpu.memref_slice %arg7[%mul3A_275] : memref<10752xi32, #tpu.memory_space<vmem>> -> memref<64xi32, #tpu.memory_space<vmem>>
      %dma_start3A_277 = arith.constant 0 : i32
      %dma_start3A_278 = arith.constant 0 : i32
      %dma_start3A_279 = tpu.memref_slice %arg2[%dma_start3A_277, %dma_start3A_278] : memref<10000x128xf32, #tpu.memory_space<hbm>> -> memref<10000x128xf32, #tpu.memory_space<hbm>>
      tpu.enqueue_indirect_dma source(%dma_start3A_279 : memref<10000x128xf32, #tpu.memory_space<hbm>>) target(%arg9 : memref<64x128xf32, #tpu.memory_space<vmem>>) offsets(%dma_start3A_276 : memref<64xi32, #tpu.memory_space<vmem>>) semaphore(%arg13 : memref<!tpu.dma_semaphore, #tpu.memory_space<semaphore_mem>>)
      %dma_wait3A_280 = arith.constant 0 : i32
      %dma_wait3A_281 = tpu.memref_slice %arg7[%dma_wait3A_280] : memref<10752xi32, #tpu.memory_space<vmem>> -> memref<64xi32, #tpu.memory_space<vmem>>
      %dma_wait3A_282 = arith.constant 0 : i32
      %dma_wait3A_283 = arith.constant 0 : i32
      %dma_wait3A_284 = tpu.memref_slice %arg2[%dma_wait3A_282, %dma_wait3A_283] : memref<10000x128xf32, #tpu.memory_space<hbm>> -> memref<10000x128xf32, #tpu.memory_space<hbm>>
      tpu.wait_indirect_dma semaphore(%arg14 : memref<!tpu.dma_semaphore, #tpu.memory_space<semaphore_mem>>) src(%dma_wait3A_284 : memref<10000x128xf32, #tpu.memory_space<hbm>>) dst(%arg10 : memref<64x128xf32, #tpu.memory_space<vmem>>)
      %mul3A_285 = arith.constant 3 : i32
      %mul3A_286 = arith.muli %mul3A_285, %scan3A_254 : i32
      %add3A_287 = arith.constant 1 : i32
      %add3A_288 = arith.addi %mul3A_286, %add3A_287 : i32
      %run_scoped3A_289 = arith.constant 0 : i32
      "tpu.region"() ({
        %run_scoped3A_324 = tpu.sem_alloc : memref<!tpu.dma_semaphore, #tpu.memory_space<semaphore_mem>>
        %dma_start3A_325 = arith.constant 0 : i32
        %dma_start3A_326 = tpu.memref_slice %arg8[%run_scoped3A_289, %add3A_288, %dma_start3A_325] : memref<2x24x64xi32, #tpu.memory_space<vmem>> -> memref<1x1x64xi32, #tpu.memory_space<vmem>>
        %dma_start3A_327 = tpu.memref_squeeze %dma_start3A_326 : memref<1x1x64xi32, #tpu.memory_space<vmem>> -> memref<64xi32, #tpu.memory_space<vmem>>
        %dma_start3A_328 = arith.constant 0 : i32
        %dma_start3A_329 = arith.constant 0 : i32
        %dma_start3A_330 = tpu.memref_slice %arg12[%dma_start3A_328, %dma_start3A_329] : memref<10112x128xf32, #tpu.memory_space<vmem_shared>> -> memref<10112x128xf32, #tpu.memory_space<vmem_shared>>
        tpu.enqueue_indirect_dma source(%arg10 : memref<64x128xf32, #tpu.memory_space<vmem>>) target(%dma_start3A_330 : memref<10112x128xf32, #tpu.memory_space<vmem_shared>>) offsets(%dma_start3A_327 : memref<64xi32, #tpu.memory_space<vmem>>) semaphore(%run_scoped3A_324 : memref<!tpu.dma_semaphore, #tpu.memory_space<semaphore_mem>>) {add = true}
        %dma_wait3A_331 = arith.constant 0 : i32
        %dma_wait3A_332 = tpu.memref_slice %arg8[%run_scoped3A_289, %add3A_288, %dma_wait3A_331] : memref<2x24x64xi32, #tpu.memory_space<vmem>> -> memref<1x1x64xi32, #tpu.memory_space<vmem>>
        %dma_wait3A_333 = tpu.memref_squeeze %dma_wait3A_332 : memref<1x1x64xi32, #tpu.memory_space<vmem>> -> memref<64xi32, #tpu.memory_space<vmem>>
        %dma_wait3A_334 = arith.constant 0 : i32
        %dma_wait3A_335 = arith.constant 0 : i32
        %dma_wait3A_336 = tpu.memref_slice %arg12[%dma_wait3A_334, %dma_wait3A_335] : memref<10112x128xf32, #tpu.memory_space<vmem_shared>> -> memref<10112x128xf32, #tpu.memory_space<vmem_shared>>
        tpu.wait_indirect_dma semaphore(%run_scoped3A_324 : memref<!tpu.dma_semaphore, #tpu.memory_space<semaphore_mem>>) src(%arg10 : memref<64x128xf32, #tpu.memory_space<vmem>>) dst(%dma_wait3A_336 : memref<10112x128xf32, #tpu.memory_space<vmem_shared>>)
        tpu.yield
      }) : () -> ()
      %add3A_290 = arith.constant 1 : i32
      %add3A_291 = arith.addi %add3A_258, %add3A_290 : i32
      %add3A_292 = arith.constant 3 : i32
      %add3A_293 = arith.addi %add3A_291, %add3A_292 : i32
      %min3A_294 = arith.constant 167 : i32
      %min3A_295 = arith.minsi %add3A_293, %min3A_294 : i32
      %mul3A_296 = arith.constant 64 : i32
      %mul3A_297 = arith.muli %min3A_295, %mul3A_296 : i32
      %dma_start3A_298 = tpu.memref_slice %arg7[%mul3A_297] : memref<10752xi32, #tpu.memory_space<vmem>> -> memref<64xi32, #tpu.memory_space<vmem>>
      %dma_start3A_299 = arith.constant 0 : i32
      %dma_start3A_300 = arith.constant 0 : i32
      %dma_start3A_301 = tpu.memref_slice %arg2[%dma_start3A_299, %dma_start3A_300] : memref<10000x128xf32, #tpu.memory_space<hbm>> -> memref<10000x128xf32, #tpu.memory_space<hbm>>
      tpu.enqueue_indirect_dma source(%dma_start3A_301 : memref<10000x128xf32, #tpu.memory_space<hbm>>) target(%arg10 : memref<64x128xf32, #tpu.memory_space<vmem>>) offsets(%dma_start3A_298 : memref<64xi32, #tpu.memory_space<vmem>>) semaphore(%arg14 : memref<!tpu.dma_semaphore, #tpu.memory_space<semaphore_mem>>)
      %dma_wait3A_302 = arith.constant 0 : i32
      %dma_wait3A_303 = tpu.memref_slice %arg7[%dma_wait3A_302] : memref<10752xi32, #tpu.memory_space<vmem>> -> memref<64xi32, #tpu.memory_space<vmem>>
      %dma_wait3A_304 = arith.constant 0 : i32
      %dma_wait3A_305 = arith.constant 0 : i32
      %dma_wait3A_306 = tpu.memref_slice %arg2[%dma_wait3A_304, %dma_wait3A_305] : memref<10000x128xf32, #tpu.memory_space<hbm>> -> memref<10000x128xf32, #tpu.memory_space<hbm>>
      tpu.wait_indirect_dma semaphore(%arg15 : memref<!tpu.dma_semaphore, #tpu.memory_space<semaphore_mem>>) src(%dma_wait3A_306 : memref<10000x128xf32, #tpu.memory_space<hbm>>) dst(%arg11 : memref<64x128xf32, #tpu.memory_space<vmem>>)
      %mul3A_307 = arith.constant 3 : i32
      %mul3A_308 = arith.muli %mul3A_307, %scan3A_254 : i32
      %add3A_309 = arith.constant 2 : i32
      %add3A_310 = arith.addi %mul3A_308, %add3A_309 : i32
      %run_scoped3A_311 = arith.constant 0 : i32
      "tpu.region"() ({
        %run_scoped3A_324 = tpu.sem_alloc : memref<!tpu.dma_semaphore, #tpu.memory_space<semaphore_mem>>
        %dma_start3A_325 = arith.constant 0 : i32
        %dma_start3A_326 = tpu.memref_slice %arg8[%run_scoped3A_311, %add3A_310, %dma_start3A_325] : memref<2x24x64xi32, #tpu.memory_space<vmem>> -> memref<1x1x64xi32, #tpu.memory_space<vmem>>
        %dma_start3A_327 = tpu.memref_squeeze %dma_start3A_326 : memref<1x1x64xi32, #tpu.memory_space<vmem>> -> memref<64xi32, #tpu.memory_space<vmem>>
        %dma_start3A_328 = arith.constant 0 : i32
        %dma_start3A_329 = arith.constant 0 : i32
        %dma_start3A_330 = tpu.memref_slice %arg12[%dma_start3A_328, %dma_start3A_329] : memref<10112x128xf32, #tpu.memory_space<vmem_shared>> -> memref<10112x128xf32, #tpu.memory_space<vmem_shared>>
        tpu.enqueue_indirect_dma source(%arg11 : memref<64x128xf32, #tpu.memory_space<vmem>>) target(%dma_start3A_330 : memref<10112x128xf32, #tpu.memory_space<vmem_shared>>) offsets(%dma_start3A_327 : memref<64xi32, #tpu.memory_space<vmem>>) semaphore(%run_scoped3A_324 : memref<!tpu.dma_semaphore, #tpu.memory_space<semaphore_mem>>) {add = true}
        %dma_wait3A_331 = arith.constant 0 : i32
        %dma_wait3A_332 = tpu.memref_slice %arg8[%run_scoped3A_311, %add3A_310, %dma_wait3A_331] : memref<2x24x64xi32, #tpu.memory_space<vmem>> -> memref<1x1x64xi32, #tpu.memory_space<vmem>>
        %dma_wait3A_333 = tpu.memref_squeeze %dma_wait3A_332 : memref<1x1x64xi32, #tpu.memory_space<vmem>> -> memref<64xi32, #tpu.memory_space<vmem>>
        %dma_wait3A_334 = arith.constant 0 : i32
        %dma_wait3A_335 = arith.constant 0 : i32
        %dma_wait3A_336 = tpu.memref_slice %arg12[%dma_wait3A_334, %dma_wait3A_335] : memref<10112x128xf32, #tpu.memory_space<vmem_shared>> -> memref<10112x128xf32, #tpu.memory_space<vmem_shared>>
        tpu.wait_indirect_dma semaphore(%run_scoped3A_324 : memref<!tpu.dma_semaphore, #tpu.memory_space<semaphore_mem>>) src(%arg11 : memref<64x128xf32, #tpu.memory_space<vmem>>) dst(%dma_wait3A_336 : memref<10112x128xf32, #tpu.memory_space<vmem_shared>>)
        tpu.yield
      }) : () -> ()
      %add3A_312 = arith.constant 2 : i32
      %add3A_313 = arith.addi %add3A_258, %add3A_312 : i32
      %add3A_314 = arith.constant 3 : i32
      %add3A_315 = arith.addi %add3A_313, %add3A_314 : i32
      %min3A_316 = arith.constant 167 : i32
      %min3A_317 = arith.minsi %add3A_315, %min3A_316 : i32
      %mul3A_318 = arith.constant 64 : i32
      %mul3A_319 = arith.muli %min3A_317, %mul3A_318 : i32
      %dma_start3A_320 = tpu.memref_slice %arg7[%mul3A_319] : memref<10752xi32, #tpu.memory_space<vmem>> -> memref<64xi32, #tpu.memory_space<vmem>>
      %dma_start3A_321 = arith.constant 0 : i32
      %dma_start3A_322 = arith.constant 0 : i32
      %dma_start3A_323 = tpu.memref_slice %arg2[%dma_start3A_321, %dma_start3A_322] : memref<10000x128xf32, #tpu.memory_space<hbm>> -> memref<10000x128xf32, #tpu.memory_space<hbm>>
      tpu.enqueue_indirect_dma source(%dma_start3A_323 : memref<10000x128xf32, #tpu.memory_space<hbm>>) target(%arg11 : memref<64x128xf32, #tpu.memory_space<vmem>>) offsets(%dma_start3A_320 : memref<64xi32, #tpu.memory_space<vmem>>) semaphore(%arg15 : memref<!tpu.dma_semaphore, #tpu.memory_space<semaphore_mem>>)
    }
    %scan3A_228 = arith.constant 7 : i32
    %dma_wait3A_229 = arith.constant 0 : i32
    %dma_wait3A_230 = tpu.memref_slice %arg7[%dma_wait3A_229] : memref<10752xi32, #tpu.memory_space<vmem>> -> memref<64xi32, #tpu.memory_space<vmem>>
    %dma_wait3A_231 = arith.constant 0 : i32
    %dma_wait3A_232 = arith.constant 0 : i32
    %dma_wait3A_233 = tpu.memref_slice %arg2[%dma_wait3A_231, %dma_wait3A_232] : memref<10000x128xf32, #tpu.memory_space<hbm>> -> memref<10000x128xf32, #tpu.memory_space<hbm>>
    tpu.wait_indirect_dma semaphore(%arg13 : memref<!tpu.dma_semaphore, #tpu.memory_space<semaphore_mem>>) src(%dma_wait3A_233 : memref<10000x128xf32, #tpu.memory_space<hbm>>) dst(%arg9 : memref<64x128xf32, #tpu.memory_space<vmem>>)
    %run_scoped3A_234 = arith.constant 0 : i32
    %run_scoped3A_235 = arith.constant 21 : i32
    "tpu.region"() ({
      %run_scoped3A_254 = tpu.sem_alloc : memref<!tpu.dma_semaphore, #tpu.memory_space<semaphore_mem>>
      %dma_start3A_255 = arith.constant 0 : i32
      %dma_start3A_256 = tpu.memref_slice %arg8[%run_scoped3A_234, %run_scoped3A_235, %dma_start3A_255] : memref<2x24x64xi32, #tpu.memory_space<vmem>> -> memref<1x1x64xi32, #tpu.memory_space<vmem>>
      %dma_start3A_257 = tpu.memref_squeeze %dma_start3A_256 : memref<1x1x64xi32, #tpu.memory_space<vmem>> -> memref<64xi32, #tpu.memory_space<vmem>>
      %dma_start3A_258 = arith.constant 0 : i32
      %dma_start3A_259 = arith.constant 0 : i32
      %dma_start3A_260 = tpu.memref_slice %arg12[%dma_start3A_258, %dma_start3A_259] : memref<10112x128xf32, #tpu.memory_space<vmem_shared>> -> memref<10112x128xf32, #tpu.memory_space<vmem_shared>>
      tpu.enqueue_indirect_dma source(%arg9 : memref<64x128xf32, #tpu.memory_space<vmem>>) target(%dma_start3A_260 : memref<10112x128xf32, #tpu.memory_space<vmem_shared>>) offsets(%dma_start3A_257 : memref<64xi32, #tpu.memory_space<vmem>>) semaphore(%run_scoped3A_254 : memref<!tpu.dma_semaphore, #tpu.memory_space<semaphore_mem>>) {add = true}
      %dma_wait3A_261 = arith.constant 0 : i32
      %dma_wait3A_262 = tpu.memref_slice %arg8[%run_scoped3A_234, %run_scoped3A_235, %dma_wait3A_261] : memref<2x24x64xi32, #tpu.memory_space<vmem>> -> memref<1x1x64xi32, #tpu.memory_space<vmem>>
      %dma_wait3A_263 = tpu.memref_squeeze %dma_wait3A_262 : memref<1x1x64xi32, #tpu.memory_space<vmem>> -> memref<64xi32, #tpu.memory_space<vmem>>
      %dma_wait3A_264 = arith.constant 0 : i32
      %dma_wait3A_265 = arith.constant 0 : i32
      %dma_wait3A_266 = tpu.memref_slice %arg12[%dma_wait3A_264, %dma_wait3A_265] : memref<10112x128xf32, #tpu.memory_space<vmem_shared>> -> memref<10112x128xf32, #tpu.memory_space<vmem_shared>>
      tpu.wait_indirect_dma semaphore(%run_scoped3A_254 : memref<!tpu.dma_semaphore, #tpu.memory_space<semaphore_mem>>) src(%arg9 : memref<64x128xf32, #tpu.memory_space<vmem>>) dst(%dma_wait3A_266 : memref<10112x128xf32, #tpu.memory_space<vmem_shared>>)
      tpu.yield
    }) : () -> ()
    %dma_wait3A_236 = arith.constant 0 : i32
    %dma_wait3A_237 = tpu.memref_slice %arg7[%dma_wait3A_236] : memref<10752xi32, #tpu.memory_space<vmem>> -> memref<64xi32, #tpu.memory_space<vmem>>
    %dma_wait3A_238 = arith.constant 0 : i32
    %dma_wait3A_239 = arith.constant 0 : i32
    %dma_wait3A_240 = tpu.memref_slice %arg2[%dma_wait3A_238, %dma_wait3A_239] : memref<10000x128xf32, #tpu.memory_space<hbm>> -> memref<10000x128xf32, #tpu.memory_space<hbm>>
    tpu.wait_indirect_dma semaphore(%arg14 : memref<!tpu.dma_semaphore, #tpu.memory_space<semaphore_mem>>) src(%dma_wait3A_240 : memref<10000x128xf32, #tpu.memory_space<hbm>>) dst(%arg10 : memref<64x128xf32, #tpu.memory_space<vmem>>)
    %run_scoped3A_241 = arith.constant 0 : i32
    %run_scoped3A_242 = arith.constant 22 : i32
    "tpu.region"() ({
      %run_scoped3A_254 = tpu.sem_alloc : memref<!tpu.dma_semaphore, #tpu.memory_space<semaphore_mem>>
      %dma_start3A_255 = arith.constant 0 : i32
      %dma_start3A_256 = tpu.memref_slice %arg8[%run_scoped3A_241, %run_scoped3A_242, %dma_start3A_255] : memref<2x24x64xi32, #tpu.memory_space<vmem>> -> memref<1x1x64xi32, #tpu.memory_space<vmem>>
      %dma_start3A_257 = tpu.memref_squeeze %dma_start3A_256 : memref<1x1x64xi32, #tpu.memory_space<vmem>> -> memref<64xi32, #tpu.memory_space<vmem>>
      %dma_start3A_258 = arith.constant 0 : i32
      %dma_start3A_259 = arith.constant 0 : i32
      %dma_start3A_260 = tpu.memref_slice %arg12[%dma_start3A_258, %dma_start3A_259] : memref<10112x128xf32, #tpu.memory_space<vmem_shared>> -> memref<10112x128xf32, #tpu.memory_space<vmem_shared>>
      tpu.enqueue_indirect_dma source(%arg10 : memref<64x128xf32, #tpu.memory_space<vmem>>) target(%dma_start3A_260 : memref<10112x128xf32, #tpu.memory_space<vmem_shared>>) offsets(%dma_start3A_257 : memref<64xi32, #tpu.memory_space<vmem>>) semaphore(%run_scoped3A_254 : memref<!tpu.dma_semaphore, #tpu.memory_space<semaphore_mem>>) {add = true}
      %dma_wait3A_261 = arith.constant 0 : i32
      %dma_wait3A_262 = tpu.memref_slice %arg8[%run_scoped3A_241, %run_scoped3A_242, %dma_wait3A_261] : memref<2x24x64xi32, #tpu.memory_space<vmem>> -> memref<1x1x64xi32, #tpu.memory_space<vmem>>
      %dma_wait3A_263 = tpu.memref_squeeze %dma_wait3A_262 : memref<1x1x64xi32, #tpu.memory_space<vmem>> -> memref<64xi32, #tpu.memory_space<vmem>>
      %dma_wait3A_264 = arith.constant 0 : i32
      %dma_wait3A_265 = arith.constant 0 : i32
      %dma_wait3A_266 = tpu.memref_slice %arg12[%dma_wait3A_264, %dma_wait3A_265] : memref<10112x128xf32, #tpu.memory_space<vmem_shared>> -> memref<10112x128xf32, #tpu.memory_space<vmem_shared>>
      tpu.wait_indirect_dma semaphore(%run_scoped3A_254 : memref<!tpu.dma_semaphore, #tpu.memory_space<semaphore_mem>>) src(%arg10 : memref<64x128xf32, #tpu.memory_space<vmem>>) dst(%dma_wait3A_266 : memref<10112x128xf32, #tpu.memory_space<vmem_shared>>)
      tpu.yield
    }) : () -> ()
    %dma_wait3A_243 = arith.constant 0 : i32
    %dma_wait3A_244 = tpu.memref_slice %arg7[%dma_wait3A_243] : memref<10752xi32, #tpu.memory_space<vmem>> -> memref<64xi32, #tpu.memory_space<vmem>>
    %dma_wait3A_245 = arith.constant 0 : i32
    %dma_wait3A_246 = arith.constant 0 : i32
    %dma_wait3A_247 = tpu.memref_slice %arg2[%dma_wait3A_245, %dma_wait3A_246] : memref<10000x128xf32, #tpu.memory_space<hbm>> -> memref<10000x128xf32, #tpu.memory_space<hbm>>
    tpu.wait_indirect_dma semaphore(%arg15 : memref<!tpu.dma_semaphore, #tpu.memory_space<semaphore_mem>>) src(%dma_wait3A_247 : memref<10000x128xf32, #tpu.memory_space<hbm>>) dst(%arg11 : memref<64x128xf32, #tpu.memory_space<vmem>>)
    %run_scoped3A_248 = arith.constant 0 : i32
    %run_scoped3A_249 = arith.constant 23 : i32
    "tpu.region"() ({
      %run_scoped3A_254 = tpu.sem_alloc : memref<!tpu.dma_semaphore, #tpu.memory_space<semaphore_mem>>
      %dma_start3A_255 = arith.constant 0 : i32
      %dma_start3A_256 = tpu.memref_slice %arg8[%run_scoped3A_248, %run_scoped3A_249, %dma_start3A_255] : memref<2x24x64xi32, #tpu.memory_space<vmem>> -> memref<1x1x64xi32, #tpu.memory_space<vmem>>
      %dma_start3A_257 = tpu.memref_squeeze %dma_start3A_256 : memref<1x1x64xi32, #tpu.memory_space<vmem>> -> memref<64xi32, #tpu.memory_space<vmem>>
      %dma_start3A_258 = arith.constant 0 : i32
      %dma_start3A_259 = arith.constant 0 : i32
      %dma_start3A_260 = tpu.memref_slice %arg12[%dma_start3A_258, %dma_start3A_259] : memref<10112x128xf32, #tpu.memory_space<vmem_shared>> -> memref<10112x128xf32, #tpu.memory_space<vmem_shared>>
      tpu.enqueue_indirect_dma source(%arg11 : memref<64x128xf32, #tpu.memory_space<vmem>>) target(%dma_start3A_260 : memref<10112x128xf32, #tpu.memory_space<vmem_shared>>) offsets(%dma_start3A_257 : memref<64xi32, #tpu.memory_space<vmem>>) semaphore(%run_scoped3A_254 : memref<!tpu.dma_semaphore, #tpu.memory_space<semaphore_mem>>) {add = true}
      %dma_wait3A_261 = arith.constant 0 : i32
      %dma_wait3A_262 = tpu.memref_slice %arg8[%run_scoped3A_248, %run_scoped3A_249, %dma_wait3A_261] : memref<2x24x64xi32, #tpu.memory_space<vmem>> -> memref<1x1x64xi32, #tpu.memory_space<vmem>>
      %dma_wait3A_263 = tpu.memref_squeeze %dma_wait3A_262 : memref<1x1x64xi32, #tpu.memory_space<vmem>> -> memref<64xi32, #tpu.memory_space<vmem>>
      %dma_wait3A_264 = arith.constant 0 : i32
      %dma_wait3A_265 = arith.constant 0 : i32
      %dma_wait3A_266 = tpu.memref_slice %arg12[%dma_wait3A_264, %dma_wait3A_265] : memref<10112x128xf32, #tpu.memory_space<vmem_shared>> -> memref<10112x128xf32, #tpu.memory_space<vmem_shared>>
      tpu.wait_indirect_dma semaphore(%run_scoped3A_254 : memref<!tpu.dma_semaphore, #tpu.memory_space<semaphore_mem>>) src(%arg11 : memref<64x128xf32, #tpu.memory_space<vmem>>) dst(%dma_wait3A_266 : memref<10112x128xf32, #tpu.memory_space<vmem_shared>>)
      tpu.yield
    }) : () -> ()
    %barrier3A_250 = arith.constant 0 : index
    tpu.barrier barrier_id(%barrier3A_250)
    %mul3A_251 = arith.constant 10112 : i32
    %mul3A_252 = arith.muli %arg0, %mul3A_251 : i32
    %add3A_253 = arith.addi %mul3A_252, %mul3A_2 : i32
    "tpu.region"() ({
      %run_scoped3A_254 = tpu.sem_alloc : memref<!tpu.dma_semaphore, #tpu.memory_space<semaphore_mem>>
      %dma_start3A_255 = arith.constant 0 : i32
      %dma_start3A_256 = tpu.memref_slice %arg6[%add3A_253, %dma_start3A_255] : memref<20224x128xf32, #tpu.memory_space<hbm>> -> memref<632x128xf32, #tpu.memory_space<hbm>>
      %dma_start3A_257 = arith.constant 0 : i32
      %dma_start3A_258 = tpu.memref_slice %arg12[%mul3A_2, %dma_start3A_257] : memref<10112x128xf32, #tpu.memory_space<vmem_shared>> -> memref<632x128xf32, #tpu.memory_space<vmem_shared>>
      tpu.enqueue_dma source(%dma_start3A_258 : memref<632x128xf32, #tpu.memory_space<vmem_shared>>) target(%dma_start3A_256 : memref<632x128xf32, #tpu.memory_space<hbm>>) target_semaphore(%run_scoped3A_254 : memref<!tpu.dma_semaphore, #tpu.memory_space<semaphore_mem>>)
      %dma_wait3A_259 = arith.constant 0 : i32
      %dma_wait3A_260 = tpu.memref_slice %arg6[%add3A_253, %dma_wait3A_259] : memref<20224x128xf32, #tpu.memory_space<hbm>> -> memref<632x128xf32, #tpu.memory_space<hbm>>
      %dma_wait3A_261 = arith.constant 0 : i32
      %dma_wait3A_262 = tpu.memref_slice %arg12[%mul3A_2, %dma_wait3A_261] : memref<10112x128xf32, #tpu.memory_space<vmem_shared>> -> memref<632x128xf32, #tpu.memory_space<vmem_shared>>
      tpu.wait_dma2 semaphore(%run_scoped3A_254 : memref<!tpu.dma_semaphore, #tpu.memory_space<semaphore_mem>>) src(%dma_wait3A_262 : memref<632x128xf32, #tpu.memory_space<vmem_shared>>) dst(%dma_wait3A_260 : memref<632x128xf32, #tpu.memory_space<hbm>>)
      tpu.yield
    }) : () -> ()
    return
  }
}

#map = affine_map<(d0, d1) -> (0, 0)>
#map1 = affine_map<(d0, d1) -> (0)>
module attributes {stable_mosaic.version = 14 : i64} {
  func.func @body(%arg0: i32, %arg1: i32, %arg2: memref<10000x128xf32, #tpu.memory_space<hbm>>, %arg3: memref<344064xi32, #tpu.memory_space<hbm>>, %arg4: memref<5376x64xi32, #tpu.memory_space<hbm>>, %arg5: memref<10112x128xf32, #tpu.memory_space<hbm>>, %arg6: memref<20224x128xf32, #tpu.memory_space<hbm>>, %arg7: memref<10752xi32, #tpu.memory_space<vmem>>, %arg8: memref<2x24x64xi32, #tpu.memory_space<vmem>>, %arg9: memref<64x128xf32, #tpu.memory_space<vmem>>, %arg10: memref<64x128xf32, #tpu.memory_space<vmem>>, %arg11: memref<64x128xf32, #tpu.memory_space<vmem>>, %arg12: memref<10112x128xf32, #tpu.memory_space<vmem_shared>>, %arg13: memref<!tpu.dma_semaphore, #tpu.memory_space<semaphore_mem>>, %arg14: memref<!tpu.dma_semaphore, #tpu.memory_space<semaphore_mem>>, %arg15: memref<!tpu.dma_semaphore, #tpu.memory_space<semaphore_mem>>, %arg16: memref<!tpu.dma_semaphore, #tpu.memory_space<semaphore_mem>>, %arg17: memref<!tpu.dma_semaphore, #tpu.memory_space<semaphore_mem>>) attributes {dimension_semantics = [#tpu.dimension_semantics<core_parallel>, #tpu.dimension_semantics<subcore_parallel>], iteration_bounds = array<i64: 2, 16>, scalar_prefetch = 0 : i64, scratch_operands = 11 : i64, tpu.core_type = #tpu.core_type<sc_vector_subcore>, window_params = [{transform_indices = #map}, {transform_indices = #map1}, {transform_indices = #map}, {transform_indices = #map}, {transform_indices = #map}]} {
    %mul3A = arith.constant 16 : i32
    %mul3A_0 = arith.muli %arg0, %mul3A : i32
    %add3A = arith.addi %mul3A_0, %arg1 : i32
    %mul3A_1 = arith.constant 632 : i32
    %mul3A_2 = arith.muli %arg1, %mul3A_1 : i32
    "tpu.region"() ({
      %run_scoped3A_254 = tpu.sem_alloc : memref<!tpu.dma_semaphore, #tpu.memory_space<semaphore_mem>>
      %dma_start3A_255 = arith.constant 0 : i32
      %dma_start3A_256 = tpu.memref_slice %arg12[%mul3A_2, %dma_start3A_255] : memref<10112x128xf32, #tpu.memory_space<vmem_shared>> -> memref<632x128xf32, #tpu.memory_space<vmem_shared>>
      %dma_start3A_257 = arith.constant 0 : i32
      %dma_start3A_258 = tpu.memref_slice %arg5[%mul3A_2, %dma_start3A_257] : memref<10112x128xf32, #tpu.memory_space<hbm>> -> memref<632x128xf32, #tpu.memory_space<hbm>>
      tpu.enqueue_dma source(%dma_start3A_258 : memref<632x128xf32, #tpu.memory_space<hbm>>) target(%dma_start3A_256 : memref<632x128xf32, #tpu.memory_space<vmem_shared>>) target_semaphore(%run_scoped3A_254 : memref<!tpu.dma_semaphore, #tpu.memory_space<semaphore_mem>>)
      %dma_wait3A_259 = arith.constant 0 : i32
      %dma_wait3A_260 = tpu.memref_slice %arg12[%mul3A_2, %dma_wait3A_259] : memref<10112x128xf32, #tpu.memory_space<vmem_shared>> -> memref<632x128xf32, #tpu.memory_space<vmem_shared>>
      %dma_wait3A_261 = arith.constant 0 : i32
      %dma_wait3A_262 = tpu.memref_slice %arg5[%mul3A_2, %dma_wait3A_261] : memref<10112x128xf32, #tpu.memory_space<hbm>> -> memref<632x128xf32, #tpu.memory_space<hbm>>
      tpu.wait_dma2 semaphore(%run_scoped3A_254 : memref<!tpu.dma_semaphore, #tpu.memory_space<semaphore_mem>>) src(%dma_wait3A_262 : memref<632x128xf32, #tpu.memory_space<hbm>>) dst(%dma_wait3A_260 : memref<632x128xf32, #tpu.memory_space<vmem_shared>>)
      tpu.yield
    }) : () -> ()
    %mul3A_3 = arith.constant 168 : i32
    %mul3A_4 = arith.muli %add3A, %mul3A_3 : i32
    %mul3A_5 = arith.constant 64 : i32
    %mul3A_6 = arith.muli %mul3A_4, %mul3A_5 : i32
    "tpu.region"() ({
      %run_scoped3A_254 = tpu.sem_alloc : memref<!tpu.dma_semaphore, #tpu.memory_space<semaphore_mem>>
      %dma_start3A_255 = tpu.memref_slice %arg3[%mul3A_6] : memref<344064xi32, #tpu.memory_space<hbm>> -> memref<10752xi32, #tpu.memory_space<hbm>>
      %dma_start3A_256 = tpu.memref_slice %arg3[%mul3A_6] : memref<344064xi32, #tpu.memory_space<hbm>> -> memref<10752xi32, #tpu.memory_space<hbm>>
      tpu.enqueue_dma source(%dma_start3A_256 : memref<10752xi32, #tpu.memory_space<hbm>>) target(%arg7 : memref<10752xi32, #tpu.memory_space<vmem>>) target_semaphore(%run_scoped3A_254 : memref<!tpu.dma_semaphore, #tpu.memory_space<semaphore_mem>>)
      %dma_wait3A_257 = tpu.memref_slice %arg3[%mul3A_6] : memref<344064xi32, #tpu.memory_space<hbm>> -> memref<10752xi32, #tpu.memory_space<hbm>>
      %dma_wait3A_258 = tpu.memref_slice %arg3[%mul3A_6] : memref<344064xi32, #tpu.memory_space<hbm>> -> memref<10752xi32, #tpu.memory_space<hbm>>
      tpu.wait_dma2 semaphore(%run_scoped3A_254 : memref<!tpu.dma_semaphore, #tpu.memory_space<semaphore_mem>>) src(%dma_wait3A_258 : memref<10752xi32, #tpu.memory_space<hbm>>) dst(%arg7 : memref<10752xi32, #tpu.memory_space<vmem>>)
      tpu.yield
    }) : () -> ()
    %run_scoped3A = arith.constant 0 : i32
    "tpu.region"() ({
      %run_scoped3A_254 = tpu.sem_alloc : memref<!tpu.dma_semaphore, #tpu.memory_space<semaphore_mem>>
      %dma_start3A_255 = arith.constant 0 : i32
      %dma_start3A_256 = arith.constant 0 : i32
      %dma_start3A_257 = tpu.memref_slice %arg8[%run_scoped3A, %dma_start3A_255, %dma_start3A_256] : memref<2x24x64xi32, #tpu.memory_space<vmem>> -> memref<1x24x64xi32, #tpu.memory_space<vmem>>
      %dma_start3A_258 = tpu.memref_squeeze %dma_start3A_257 : memref<1x24x64xi32, #tpu.memory_space<vmem>> -> memref<24x64xi32, #tpu.memory_space<vmem>>
      %dma_start3A_259 = arith.constant 0 : i32
      %dma_start3A_260 = tpu.memref_slice %arg4[%mul3A_4, %dma_start3A_259] : memref<5376x64xi32, #tpu.memory_space<hbm>> -> memref<24x64xi32, #tpu.memory_space<hbm>>
      %dma_start3A_261 = arith.constant 0 : i32
      %dma_start3A_262 = arith.constant 0 : i32
      %dma_start3A_263 = tpu.memref_slice %arg8[%run_scoped3A, %dma_start3A_261, %dma_start3A_262] : memref<2x24x64xi32, #tpu.memory_space<vmem>> -> memref<1x24x64xi32, #tpu.memory_space<vmem>>
      %dma_start3A_264 = tpu.memref_squeeze %dma_start3A_263 : memref<1x24x64xi32, #tpu.memory_space<vmem>> -> memref<24x64xi32, #tpu.memory_space<vmem>>
      %dma_start3A_265 = arith.constant 0 : i32
      %dma_start3A_266 = tpu.memref_slice %arg4[%mul3A_4, %dma_start3A_265] : memref<5376x64xi32, #tpu.memory_space<hbm>> -> memref<24x64xi32, #tpu.memory_space<hbm>>
      tpu.enqueue_dma source(%dma_start3A_266 : memref<24x64xi32, #tpu.memory_space<hbm>>) target(%dma_start3A_264 : memref<24x64xi32, #tpu.memory_space<vmem>>) target_semaphore(%run_scoped3A_254 : memref<!tpu.dma_semaphore, #tpu.memory_space<semaphore_mem>>)
      %dma_wait3A_267 = arith.constant 0 : i32
      %dma_wait3A_268 = arith.constant 0 : i32
      %dma_wait3A_269 = tpu.memref_slice %arg8[%run_scoped3A, %dma_wait3A_267, %dma_wait3A_268] : memref<2x24x64xi32, #tpu.memory_space<vmem>> -> memref<1x24x64xi32, #tpu.memory_space<vmem>>
      %dma_wait3A_270 = tpu.memref_squeeze %dma_wait3A_269 : memref<1x24x64xi32, #tpu.memory_space<vmem>> -> memref<24x64xi32, #tpu.memory_space<vmem>>
      %dma_wait3A_271 = arith.constant 0 : i32
      %dma_wait3A_272 = tpu.memref_slice %arg4[%mul3A_4, %dma_wait3A_271] : memref<5376x64xi32, #tpu.memory_space<hbm>> -> memref<24x64xi32, #tpu.memory_space<hbm>>
      %dma_wait3A_273 = arith.constant 0 : i32
      %dma_wait3A_274 = arith.constant 0 : i32
      %dma_wait3A_275 = tpu.memref_slice %arg8[%run_scoped3A, %dma_wait3A_273, %dma_wait3A_274] : memref<2x24x64xi32, #tpu.memory_space<vmem>> -> memref<1x24x64xi32, #tpu.memory_space<vmem>>
      %dma_wait3A_276 = tpu.memref_squeeze %dma_wait3A_275 : memref<1x24x64xi32, #tpu.memory_space<vmem>> -> memref<24x64xi32, #tpu.memory_space<vmem>>
      %dma_wait3A_277 = arith.constant 0 : i32
      %dma_wait3A_278 = tpu.memref_slice %arg4[%mul3A_4, %dma_wait3A_277] : memref<5376x64xi32, #tpu.memory_space<hbm>> -> memref<24x64xi32, #tpu.memory_space<hbm>>
      tpu.wait_dma2 semaphore(%run_scoped3A_254 : memref<!tpu.dma_semaphore, #tpu.memory_space<semaphore_mem>>) src(%dma_wait3A_278 : memref<24x64xi32, #tpu.memory_space<hbm>>) dst(%dma_wait3A_276 : memref<24x64xi32, #tpu.memory_space<vmem>>)
      tpu.yield
    }) : () -> ()
    %add3A_7 = arith.constant 24 : i32
    %add3A_8 = arith.addi %mul3A_4, %add3A_7 : i32
    %dma_start3A = arith.constant 1 : i32
    %dma_start3A_9 = arith.constant 0 : i32
    %dma_start3A_10 = arith.constant 0 : i32
    %dma_start3A_11 = tpu.memref_slice %arg8[%dma_start3A, %dma_start3A_9, %dma_start3A_10] : memref<2x24x64xi32, #tpu.memory_space<vmem>> -> memref<1x24x64xi32, #tpu.memory_space<vmem>>
    %dma_start3A_12 = tpu.memref_squeeze %dma_start3A_11 : memref<1x24x64xi32, #tpu.memory_space<vmem>> -> memref<24x64xi32, #tpu.memory_space<vmem>>
    %dma_start3A_13 = arith.constant 0 : i32
    %dma_start3A_14 = tpu.memref_slice %arg4[%add3A_8, %dma_start3A_13] : memref<5376x64xi32, #tpu.memory_space<hbm>> -> memref<24x64xi32, #tpu.memory_space<hbm>>
    %dma_start3A_15 = arith.constant 0 : i32
    %dma_start3A_16 = arith.constant 0 : i32
    %dma_start3A_17 = tpu.memref_slice %arg8[%dma_start3A, %dma_start3A_15, %dma_start3A_16] : memref<2x24x64xi32, #tpu.memory_space<vmem>> -> memref<1x24x64xi32, #tpu.memory_space<vmem>>
    %dma_start3A_18 = tpu.memref_squeeze %dma_start3A_17 : memref<1x24x64xi32, #tpu.memory_space<vmem>> -> memref<24x64xi32, #tpu.memory_space<vmem>>
    %dma_start3A_19 = arith.constant 0 : i32
    %dma_start3A_20 = tpu.memref_slice %arg4[%add3A_8, %dma_start3A_19] : memref<5376x64xi32, #tpu.memory_space<hbm>> -> memref<24x64xi32, #tpu.memory_space<hbm>>
    tpu.enqueue_dma source(%dma_start3A_20 : memref<24x64xi32, #tpu.memory_space<hbm>>) target(%dma_start3A_18 : memref<24x64xi32, #tpu.memory_space<vmem>>) target_semaphore(%arg17 : memref<!tpu.dma_semaphore, #tpu.memory_space<semaphore_mem>>)
    %barrier3A = arith.constant 0 : index
    tpu.barrier barrier_id(%barrier3A)
    %dma_start3A_21 = arith.constant 0 : i32
    %dma_start3A_22 = tpu.memref_slice %arg7[%dma_start3A_21] : memref<10752xi32, #tpu.memory_space<vmem>> -> memref<64xi32, #tpu.memory_space<vmem>>
    %dma_start3A_23 = arith.constant 0 : i32
    %dma_start3A_24 = arith.constant 0 : i32
    %dma_start3A_25 = tpu.memref_slice %arg2[%dma_start3A_23, %dma_start3A_24] : memref<10000x128xf32, #tpu.memory_space<hbm>> -> memref<10000x128xf32, #tpu.memory_space<hbm>>
    tpu.enqueue_indirect_dma source(%dma_start3A_25 : memref<10000x128xf32, #tpu.memory_space<hbm>>) target(%arg9 : memref<64x128xf32, #tpu.memory_space<vmem>>) offsets(%dma_start3A_22 : memref<64xi32, #tpu.memory_space<vmem>>) semaphore(%arg13 : memref<!tpu.dma_semaphore, #tpu.memory_space<semaphore_mem>>)
    %dma_start3A_26 = arith.constant 64 : i32
    %dma_start3A_27 = tpu.memref_slice %arg7[%dma_start3A_26] : memref<10752xi32, #tpu.memory_space<vmem>> -> memref<64xi32, #tpu.memory_space<vmem>>
    %dma_start3A_28 = arith.constant 0 : i32
    %dma_start3A_29 = arith.constant 0 : i32
    %dma_start3A_30 = tpu.memref_slice %arg2[%dma_start3A_28, %dma_start3A_29] : memref<10000x128xf32, #tpu.memory_space<hbm>> -> memref<10000x128xf32, #tpu.memory_space<hbm>>
    tpu.enqueue_indirect_dma source(%dma_start3A_30 : memref<10000x128xf32, #tpu.memory_space<hbm>>) target(%arg10 : memref<64x128xf32, #tpu.memory_space<vmem>>) offsets(%dma_start3A_27 : memref<64xi32, #tpu.memory_space<vmem>>) semaphore(%arg14 : memref<!tpu.dma_semaphore, #tpu.memory_space<semaphore_mem>>)
    %dma_start3A_31 = arith.constant 128 : i32
    %dma_start3A_32 = tpu.memref_slice %arg7[%dma_start3A_31] : memref<10752xi32, #tpu.memory_space<vmem>> -> memref<64xi32, #tpu.memory_space<vmem>>
    %dma_start3A_33 = arith.constant 0 : i32
    %dma_start3A_34 = arith.constant 0 : i32
    %dma_start3A_35 = tpu.memref_slice %arg2[%dma_start3A_33, %dma_start3A_34] : memref<10000x128xf32, #tpu.memory_space<hbm>> -> memref<10000x128xf32, #tpu.memory_space<hbm>>
    tpu.enqueue_indirect_dma source(%dma_start3A_35 : memref<10000x128xf32, #tpu.memory_space<hbm>>) target(%arg11 : memref<64x128xf32, #tpu.memory_space<vmem>>) offsets(%dma_start3A_32 : memref<64xi32, #tpu.memory_space<vmem>>) semaphore(%arg15 : memref<!tpu.dma_semaphore, #tpu.memory_space<semaphore_mem>>)
    %scan3A = arith.constant 0 : i32
    %scan3A_36 = arith.constant 0 : i32
    %scan3A_37 = arith.constant 8 : i32
    %scan3A_38 = arith.addi %scan3A_36, %scan3A_37 : i32
    %scan3A_39 = arith.constant 1 : i32
    scf.for %scan3A_254 = %scan3A_36 to %scan3A_38 step %scan3A_39  : i32 {
      %mul3A_255 = arith.constant 3 : i32
      %mul3A_256 = arith.muli %mul3A_255, %scan3A_254 : i32
      %add3A_257 = arith.constant 0 : i32
      %add3A_258 = arith.addi %add3A_257, %mul3A_256 : i32
      %dma_wait3A_259 = arith.constant 0 : i32
      %dma_wait3A_260 = tpu.memref_slice %arg7[%dma_wait3A_259] : memref<10752xi32, #tpu.memory_space<vmem>> -> memref<64xi32, #tpu.memory_space<vmem>>
      %dma_wait3A_261 = arith.constant 0 : i32
      %dma_wait3A_262 = arith.constant 0 : i32
      %dma_wait3A_263 = tpu.memref_slice %arg2[%dma_wait3A_261, %dma_wait3A_262] : memref<10000x128xf32, #tpu.memory_space<hbm>> -> memref<10000x128xf32, #tpu.memory_space<hbm>>
      tpu.wait_indirect_dma semaphore(%arg13 : memref<!tpu.dma_semaphore, #tpu.memory_space<semaphore_mem>>) src(%dma_wait3A_263 : memref<10000x128xf32, #tpu.memory_space<hbm>>) dst(%arg9 : memref<64x128xf32, #tpu.memory_space<vmem>>)
      %mul3A_264 = arith.constant 3 : i32
      %mul3A_265 = arith.muli %mul3A_264, %scan3A_254 : i32
      %add3A_266 = arith.constant 0 : i32
      %add3A_267 = arith.addi %mul3A_265, %add3A_266 : i32
      %run_scoped3A_268 = arith.constant 0 : i32
      "tpu.region"() ({
        %run_scoped3A_319 = tpu.sem_alloc : memref<!tpu.dma_semaphore, #tpu.memory_space<semaphore_mem>>
        %dma_start3A_320 = arith.constant 0 : i32
        %dma_start3A_321 = tpu.memref_slice %arg8[%run_scoped3A_268, %add3A_267, %dma_start3A_320] : memref<2x24x64xi32, #tpu.memory_space<vmem>> -> memref<1x1x64xi32, #tpu.memory_space<vmem>>
        %dma_start3A_322 = tpu.memref_squeeze %dma_start3A_321 : memref<1x1x64xi32, #tpu.memory_space<vmem>> -> memref<64xi32, #tpu.memory_space<vmem>>
        %dma_start3A_323 = arith.constant 0 : i32
        %dma_start3A_324 = arith.constant 0 : i32
        %dma_start3A_325 = tpu.memref_slice %arg12[%dma_start3A_323, %dma_start3A_324] : memref<10112x128xf32, #tpu.memory_space<vmem_shared>> -> memref<10112x128xf32, #tpu.memory_space<vmem_shared>>
        tpu.enqueue_indirect_dma source(%arg9 : memref<64x128xf32, #tpu.memory_space<vmem>>) target(%dma_start3A_325 : memref<10112x128xf32, #tpu.memory_space<vmem_shared>>) offsets(%dma_start3A_322 : memref<64xi32, #tpu.memory_space<vmem>>) semaphore(%run_scoped3A_319 : memref<!tpu.dma_semaphore, #tpu.memory_space<semaphore_mem>>) {add = true}
        %dma_wait3A_326 = arith.constant 0 : i32
        %dma_wait3A_327 = tpu.memref_slice %arg8[%run_scoped3A_268, %add3A_267, %dma_wait3A_326] : memref<2x24x64xi32, #tpu.memory_space<vmem>> -> memref<1x1x64xi32, #tpu.memory_space<vmem>>
        %dma_wait3A_328 = tpu.memref_squeeze %dma_wait3A_327 : memref<1x1x64xi32, #tpu.memory_space<vmem>> -> memref<64xi32, #tpu.memory_space<vmem>>
        %dma_wait3A_329 = arith.constant 0 : i32
        %dma_wait3A_330 = arith.constant 0 : i32
        %dma_wait3A_331 = tpu.memref_slice %arg12[%dma_wait3A_329, %dma_wait3A_330] : memref<10112x128xf32, #tpu.memory_space<vmem_shared>> -> memref<10112x128xf32, #tpu.memory_space<vmem_shared>>
        tpu.wait_indirect_dma semaphore(%run_scoped3A_319 : memref<!tpu.dma_semaphore, #tpu.memory_space<semaphore_mem>>) src(%arg9 : memref<64x128xf32, #tpu.memory_space<vmem>>) dst(%dma_wait3A_331 : memref<10112x128xf32, #tpu.memory_space<vmem_shared>>)
        tpu.yield
      }) : () -> ()
      %add3A_269 = arith.constant 0 : i32
      %add3A_270 = arith.addi %add3A_258, %add3A_269 : i32
      %add3A_271 = arith.constant 3 : i32
      %add3A_272 = arith.addi %add3A_270, %add3A_271 : i32
      %mul3A_273 = arith.constant 64 : i32
      %mul3A_274 = arith.muli %add3A_272, %mul3A_273 : i32
      %dma_start3A_275 = tpu.memref_slice %arg7[%mul3A_274] : memref<10752xi32, #tpu.memory_space<vmem>> -> memref<64xi32, #tpu.memory_space<vmem>>
      %dma_start3A_276 = arith.constant 0 : i32
      %dma_start3A_277 = arith.constant 0 : i32
      %dma_start3A_278 = tpu.memref_slice %arg2[%dma_start3A_276, %dma_start3A_277] : memref<10000x128xf32, #tpu.memory_space<hbm>> -> memref<10000x128xf32, #tpu.memory_space<hbm>>
      tpu.enqueue_indirect_dma source(%dma_start3A_278 : memref<10000x128xf32, #tpu.memory_space<hbm>>) target(%arg9 : memref<64x128xf32, #tpu.memory_space<vmem>>) offsets(%dma_start3A_275 : memref<64xi32, #tpu.memory_space<vmem>>) semaphore(%arg13 : memref<!tpu.dma_semaphore, #tpu.memory_space<semaphore_mem>>)
      %dma_wait3A_279 = arith.constant 0 : i32
      %dma_wait3A_280 = tpu.memref_slice %arg7[%dma_wait3A_279] : memref<10752xi32, #tpu.memory_space<vmem>> -> memref<64xi32, #tpu.memory_space<vmem>>
      %dma_wait3A_281 = arith.constant 0 : i32
      %dma_wait3A_282 = arith.constant 0 : i32
      %dma_wait3A_283 = tpu.memref_slice %arg2[%dma_wait3A_281, %dma_wait3A_282] : memref<10000x128xf32, #tpu.memory_space<hbm>> -> memref<10000x128xf32, #tpu.memory_space<hbm>>
      tpu.wait_indirect_dma semaphore(%arg14 : memref<!tpu.dma_semaphore, #tpu.memory_space<semaphore_mem>>) src(%dma_wait3A_283 : memref<10000x128xf32, #tpu.memory_space<hbm>>) dst(%arg10 : memref<64x128xf32, #tpu.memory_space<vmem>>)
      %mul3A_284 = arith.constant 3 : i32
      %mul3A_285 = arith.muli %mul3A_284, %scan3A_254 : i32
      %add3A_286 = arith.constant 1 : i32
      %add3A_287 = arith.addi %mul3A_285, %add3A_286 : i32
      %run_scoped3A_288 = arith.constant 0 : i32
      "tpu.region"() ({
        %run_scoped3A_319 = tpu.sem_alloc : memref<!tpu.dma_semaphore, #tpu.memory_space<semaphore_mem>>
        %dma_start3A_320 = arith.constant 0 : i32
        %dma_start3A_321 = tpu.memref_slice %arg8[%run_scoped3A_288, %add3A_287, %dma_start3A_320] : memref<2x24x64xi32, #tpu.memory_space<vmem>> -> memref<1x1x64xi32, #tpu.memory_space<vmem>>
        %dma_start3A_322 = tpu.memref_squeeze %dma_start3A_321 : memref<1x1x64xi32, #tpu.memory_space<vmem>> -> memref<64xi32, #tpu.memory_space<vmem>>
        %dma_start3A_323 = arith.constant 0 : i32
        %dma_start3A_324 = arith.constant 0 : i32
        %dma_start3A_325 = tpu.memref_slice %arg12[%dma_start3A_323, %dma_start3A_324] : memref<10112x128xf32, #tpu.memory_space<vmem_shared>> -> memref<10112x128xf32, #tpu.memory_space<vmem_shared>>
        tpu.enqueue_indirect_dma source(%arg10 : memref<64x128xf32, #tpu.memory_space<vmem>>) target(%dma_start3A_325 : memref<10112x128xf32, #tpu.memory_space<vmem_shared>>) offsets(%dma_start3A_322 : memref<64xi32, #tpu.memory_space<vmem>>) semaphore(%run_scoped3A_319 : memref<!tpu.dma_semaphore, #tpu.memory_space<semaphore_mem>>) {add = true}
        %dma_wait3A_326 = arith.constant 0 : i32
        %dma_wait3A_327 = tpu.memref_slice %arg8[%run_scoped3A_288, %add3A_287, %dma_wait3A_326] : memref<2x24x64xi32, #tpu.memory_space<vmem>> -> memref<1x1x64xi32, #tpu.memory_space<vmem>>
        %dma_wait3A_328 = tpu.memref_squeeze %dma_wait3A_327 : memref<1x1x64xi32, #tpu.memory_space<vmem>> -> memref<64xi32, #tpu.memory_space<vmem>>
        %dma_wait3A_329 = arith.constant 0 : i32
        %dma_wait3A_330 = arith.constant 0 : i32
        %dma_wait3A_331 = tpu.memref_slice %arg12[%dma_wait3A_329, %dma_wait3A_330] : memref<10112x128xf32, #tpu.memory_space<vmem_shared>> -> memref<10112x128xf32, #tpu.memory_space<vmem_shared>>
        tpu.wait_indirect_dma semaphore(%run_scoped3A_319 : memref<!tpu.dma_semaphore, #tpu.memory_space<semaphore_mem>>) src(%arg10 : memref<64x128xf32, #tpu.memory_space<vmem>>) dst(%dma_wait3A_331 : memref<10112x128xf32, #tpu.memory_space<vmem_shared>>)
        tpu.yield
      }) : () -> ()
      %add3A_289 = arith.constant 1 : i32
      %add3A_290 = arith.addi %add3A_258, %add3A_289 : i32
      %add3A_291 = arith.constant 3 : i32
      %add3A_292 = arith.addi %add3A_290, %add3A_291 : i32
      %mul3A_293 = arith.constant 64 : i32
      %mul3A_294 = arith.muli %add3A_292, %mul3A_293 : i32
      %dma_start3A_295 = tpu.memref_slice %arg7[%mul3A_294] : memref<10752xi32, #tpu.memory_space<vmem>> -> memref<64xi32, #tpu.memory_space<vmem>>
      %dma_start3A_296 = arith.constant 0 : i32
      %dma_start3A_297 = arith.constant 0 : i32
      %dma_start3A_298 = tpu.memref_slice %arg2[%dma_start3A_296, %dma_start3A_297] : memref<10000x128xf32, #tpu.memory_space<hbm>> -> memref<10000x128xf32, #tpu.memory_space<hbm>>
      tpu.enqueue_indirect_dma source(%dma_start3A_298 : memref<10000x128xf32, #tpu.memory_space<hbm>>) target(%arg10 : memref<64x128xf32, #tpu.memory_space<vmem>>) offsets(%dma_start3A_295 : memref<64xi32, #tpu.memory_space<vmem>>) semaphore(%arg14 : memref<!tpu.dma_semaphore, #tpu.memory_space<semaphore_mem>>)
      %dma_wait3A_299 = arith.constant 0 : i32
      %dma_wait3A_300 = tpu.memref_slice %arg7[%dma_wait3A_299] : memref<10752xi32, #tpu.memory_space<vmem>> -> memref<64xi32, #tpu.memory_space<vmem>>
      %dma_wait3A_301 = arith.constant 0 : i32
      %dma_wait3A_302 = arith.constant 0 : i32
      %dma_wait3A_303 = tpu.memref_slice %arg2[%dma_wait3A_301, %dma_wait3A_302] : memref<10000x128xf32, #tpu.memory_space<hbm>> -> memref<10000x128xf32, #tpu.memory_space<hbm>>
      tpu.wait_indirect_dma semaphore(%arg15 : memref<!tpu.dma_semaphore, #tpu.memory_space<semaphore_mem>>) src(%dma_wait3A_303 : memref<10000x128xf32, #tpu.memory_space<hbm>>) dst(%arg11 : memref<64x128xf32, #tpu.memory_space<vmem>>)
      %mul3A_304 = arith.constant 3 : i32
      %mul3A_305 = arith.muli %mul3A_304, %scan3A_254 : i32
      %add3A_306 = arith.constant 2 : i32
      %add3A_307 = arith.addi %mul3A_305, %add3A_306 : i32
      %run_scoped3A_308 = arith.constant 0 : i32
      "tpu.region"() ({
        %run_scoped3A_319 = tpu.sem_alloc : memref<!tpu.dma_semaphore, #tpu.memory_space<semaphore_mem>>
        %dma_start3A_320 = arith.constant 0 : i32
        %dma_start3A_321 = tpu.memref_slice %arg8[%run_scoped3A_308, %add3A_307, %dma_start3A_320] : memref<2x24x64xi32, #tpu.memory_space<vmem>> -> memref<1x1x64xi32, #tpu.memory_space<vmem>>
        %dma_start3A_322 = tpu.memref_squeeze %dma_start3A_321 : memref<1x1x64xi32, #tpu.memory_space<vmem>> -> memref<64xi32, #tpu.memory_space<vmem>>
        %dma_start3A_323 = arith.constant 0 : i32
        %dma_start3A_324 = arith.constant 0 : i32
        %dma_start3A_325 = tpu.memref_slice %arg12[%dma_start3A_323, %dma_start3A_324] : memref<10112x128xf32, #tpu.memory_space<vmem_shared>> -> memref<10112x128xf32, #tpu.memory_space<vmem_shared>>
        tpu.enqueue_indirect_dma source(%arg11 : memref<64x128xf32, #tpu.memory_space<vmem>>) target(%dma_start3A_325 : memref<10112x128xf32, #tpu.memory_space<vmem_shared>>) offsets(%dma_start3A_322 : memref<64xi32, #tpu.memory_space<vmem>>) semaphore(%run_scoped3A_319 : memref<!tpu.dma_semaphore, #tpu.memory_space<semaphore_mem>>) {add = true}
        %dma_wait3A_326 = arith.constant 0 : i32
        %dma_wait3A_327 = tpu.memref_slice %arg8[%run_scoped3A_308, %add3A_307, %dma_wait3A_326] : memref<2x24x64xi32, #tpu.memory_space<vmem>> -> memref<1x1x64xi32, #tpu.memory_space<vmem>>
        %dma_wait3A_328 = tpu.memref_squeeze %dma_wait3A_327 : memref<1x1x64xi32, #tpu.memory_space<vmem>> -> memref<64xi32, #tpu.memory_space<vmem>>
        %dma_wait3A_329 = arith.constant 0 : i32
        %dma_wait3A_330 = arith.constant 0 : i32
        %dma_wait3A_331 = tpu.memref_slice %arg12[%dma_wait3A_329, %dma_wait3A_330] : memref<10112x128xf32, #tpu.memory_space<vmem_shared>> -> memref<10112x128xf32, #tpu.memory_space<vmem_shared>>
        tpu.wait_indirect_dma semaphore(%run_scoped3A_319 : memref<!tpu.dma_semaphore, #tpu.memory_space<semaphore_mem>>) src(%arg11 : memref<64x128xf32, #tpu.memory_space<vmem>>) dst(%dma_wait3A_331 : memref<10112x128xf32, #tpu.memory_space<vmem_shared>>)
        tpu.yield
      }) : () -> ()
      %add3A_309 = arith.constant 2 : i32
      %add3A_310 = arith.addi %add3A_258, %add3A_309 : i32
      %add3A_311 = arith.constant 3 : i32
      %add3A_312 = arith.addi %add3A_310, %add3A_311 : i32
      %mul3A_313 = arith.constant 64 : i32
      %mul3A_314 = arith.muli %add3A_312, %mul3A_313 : i32
      %dma_start3A_315 = tpu.memref_slice %arg7[%mul3A_314] : memref<10752xi32, #tpu.memory_space<vmem>> -> memref<64xi32, #tpu.memory_space<vmem>>
      %dma_start3A_316 = arith.constant 0 : i32
      %dma_start3A_317 = arith.constant 0 : i32
      %dma_start3A_318 = tpu.memref_slice %arg2[%dma_start3A_316, %dma_start3A_317] : memref<10000x128xf32, #tpu.memory_space<hbm>> -> memref<10000x128xf32, #tpu.memory_space<hbm>>
      tpu.enqueue_indirect_dma source(%dma_start3A_318 : memref<10000x128xf32, #tpu.memory_space<hbm>>) target(%arg11 : memref<64x128xf32, #tpu.memory_space<vmem>>) offsets(%dma_start3A_315 : memref<64xi32, #tpu.memory_space<vmem>>) semaphore(%arg15 : memref<!tpu.dma_semaphore, #tpu.memory_space<semaphore_mem>>)
    }
    %scan3A_40 = arith.constant 8 : i32
    %add3A_41 = arith.constant 48 : i32
    %add3A_42 = arith.addi %mul3A_4, %add3A_41 : i32
    %dma_start3A_43 = arith.constant 0 : i32
    %dma_start3A_44 = arith.constant 0 : i32
    %dma_start3A_45 = arith.constant 0 : i32
    %dma_start3A_46 = tpu.memref_slice %arg8[%dma_start3A_43, %dma_start3A_44, %dma_start3A_45] : memref<2x24x64xi32, #tpu.memory_space<vmem>> -> memref<1x24x64xi32, #tpu.memory_space<vmem>>
    %dma_start3A_47 = tpu.memref_squeeze %dma_start3A_46 : memref<1x24x64xi32, #tpu.memory_space<vmem>> -> memref<24x64xi32, #tpu.memory_space<vmem>>
    %dma_start3A_48 = arith.constant 0 : i32
    %dma_start3A_49 = tpu.memref_slice %arg4[%add3A_42, %dma_start3A_48] : memref<5376x64xi32, #tpu.memory_space<hbm>> -> memref<24x64xi32, #tpu.memory_space<hbm>>
    %dma_start3A_50 = arith.constant 0 : i32
    %dma_start3A_51 = arith.constant 0 : i32
    %dma_start3A_52 = tpu.memref_slice %arg8[%dma_start3A_43, %dma_start3A_50, %dma_start3A_51] : memref<2x24x64xi32, #tpu.memory_space<vmem>> -> memref<1x24x64xi32, #tpu.memory_space<vmem>>
    %dma_start3A_53 = tpu.memref_squeeze %dma_start3A_52 : memref<1x24x64xi32, #tpu.memory_space<vmem>> -> memref<24x64xi32, #tpu.memory_space<vmem>>
    %dma_start3A_54 = arith.constant 0 : i32
    %dma_start3A_55 = tpu.memref_slice %arg4[%add3A_42, %dma_start3A_54] : memref<5376x64xi32, #tpu.memory_space<hbm>> -> memref<24x64xi32, #tpu.memory_space<hbm>>
    tpu.enqueue_dma source(%dma_start3A_55 : memref<24x64xi32, #tpu.memory_space<hbm>>) target(%dma_start3A_53 : memref<24x64xi32, #tpu.memory_space<vmem>>) target_semaphore(%arg16 : memref<!tpu.dma_semaphore, #tpu.memory_space<semaphore_mem>>)
    %dma_wait3A = arith.constant 1 : i32
    %dma_wait3A_56 = arith.constant 0 : i32
    %dma_wait3A_57 = arith.constant 0 : i32
    %dma_wait3A_58 = tpu.memref_slice %arg8[%dma_wait3A, %dma_wait3A_56, %dma_wait3A_57] : memref<2x24x64xi32, #tpu.memory_space<vmem>> -> memref<1x24x64xi32, #tpu.memory_space<vmem>>
    %dma_wait3A_59 = tpu.memref_squeeze %dma_wait3A_58 : memref<1x24x64xi32, #tpu.memory_space<vmem>> -> memref<24x64xi32, #tpu.memory_space<vmem>>
    %dma_wait3A_60 = arith.constant 0 : i32
    %dma_wait3A_61 = tpu.memref_slice %arg4[%mul3A_4, %dma_wait3A_60] : memref<5376x64xi32, #tpu.memory_space<hbm>> -> memref<24x64xi32, #tpu.memory_space<hbm>>
    %dma_wait3A_62 = arith.constant 0 : i32
    %dma_wait3A_63 = arith.constant 0 : i32
    %dma_wait3A_64 = tpu.memref_slice %arg8[%dma_wait3A, %dma_wait3A_62, %dma_wait3A_63] : memref<2x24x64xi32, #tpu.memory_space<vmem>> -> memref<1x24x64xi32, #tpu.memory_space<vmem>>
    %dma_wait3A_65 = tpu.memref_squeeze %dma_wait3A_64 : memref<1x24x64xi32, #tpu.memory_space<vmem>> -> memref<24x64xi32, #tpu.memory_space<vmem>>
    %dma_wait3A_66 = arith.constant 0 : i32
    %dma_wait3A_67 = tpu.memref_slice %arg4[%mul3A_4, %dma_wait3A_66] : memref<5376x64xi32, #tpu.memory_space<hbm>> -> memref<24x64xi32, #tpu.memory_space<hbm>>
    tpu.wait_dma2 semaphore(%arg17 : memref<!tpu.dma_semaphore, #tpu.memory_space<semaphore_mem>>) src(%dma_wait3A_67 : memref<24x64xi32, #tpu.memory_space<hbm>>) dst(%dma_wait3A_65 : memref<24x64xi32, #tpu.memory_space<vmem>>)
    %scan3A_68 = arith.constant 0 : i32
    %scan3A_69 = arith.constant 0 : i32
    %scan3A_70 = arith.constant 8 : i32
    %scan3A_71 = arith.addi %scan3A_69, %scan3A_70 : i32
    %scan3A_72 = arith.constant 1 : i32
    scf.for %scan3A_254 = %scan3A_69 to %scan3A_71 step %scan3A_72  : i32 {
      %mul3A_255 = arith.constant 3 : i32
      %mul3A_256 = arith.muli %mul3A_255, %scan3A_254 : i32
      %add3A_257 = arith.constant 24 : i32
      %add3A_258 = arith.addi %add3A_257, %mul3A_256 : i32
      %dma_wait3A_259 = arith.constant 0 : i32
      %dma_wait3A_260 = tpu.memref_slice %arg7[%dma_wait3A_259] : memref<10752xi32, #tpu.memory_space<vmem>> -> memref<64xi32, #tpu.memory_space<vmem>>
      %dma_wait3A_261 = arith.constant 0 : i32
      %dma_wait3A_262 = arith.constant 0 : i32
      %dma_wait3A_263 = tpu.memref_slice %arg2[%dma_wait3A_261, %dma_wait3A_262] : memref<10000x128xf32, #tpu.memory_space<hbm>> -> memref<10000x128xf32, #tpu.memory_space<hbm>>
      tpu.wait_indirect_dma semaphore(%arg13 : memref<!tpu.dma_semaphore, #tpu.memory_space<semaphore_mem>>) src(%dma_wait3A_263 : memref<10000x128xf32, #tpu.memory_space<hbm>>) dst(%arg9 : memref<64x128xf32, #tpu.memory_space<vmem>>)
      %mul3A_264 = arith.constant 3 : i32
      %mul3A_265 = arith.muli %mul3A_264, %scan3A_254 : i32
      %add3A_266 = arith.constant 0 : i32
      %add3A_267 = arith.addi %mul3A_265, %add3A_266 : i32
      %run_scoped3A_268 = arith.constant 1 : i32
      "tpu.region"() ({
        %run_scoped3A_319 = tpu.sem_alloc : memref<!tpu.dma_semaphore, #tpu.memory_space<semaphore_mem>>
        %dma_start3A_320 = arith.constant 0 : i32
        %dma_start3A_321 = tpu.memref_slice %arg8[%run_scoped3A_268, %add3A_267, %dma_start3A_320] : memref<2x24x64xi32, #tpu.memory_space<vmem>> -> memref<1x1x64xi32, #tpu.memory_space<vmem>>
        %dma_start3A_322 = tpu.memref_squeeze %dma_start3A_321 : memref<1x1x64xi32, #tpu.memory_space<vmem>> -> memref<64xi32, #tpu.memory_space<vmem>>
        %dma_start3A_323 = arith.constant 0 : i32
        %dma_start3A_324 = arith.constant 0 : i32
        %dma_start3A_325 = tpu.memref_slice %arg12[%dma_start3A_323, %dma_start3A_324] : memref<10112x128xf32, #tpu.memory_space<vmem_shared>> -> memref<10112x128xf32, #tpu.memory_space<vmem_shared>>
        tpu.enqueue_indirect_dma source(%arg9 : memref<64x128xf32, #tpu.memory_space<vmem>>) target(%dma_start3A_325 : memref<10112x128xf32, #tpu.memory_space<vmem_shared>>) offsets(%dma_start3A_322 : memref<64xi32, #tpu.memory_space<vmem>>) semaphore(%run_scoped3A_319 : memref<!tpu.dma_semaphore, #tpu.memory_space<semaphore_mem>>) {add = true}
        %dma_wait3A_326 = arith.constant 0 : i32
        %dma_wait3A_327 = tpu.memref_slice %arg8[%run_scoped3A_268, %add3A_267, %dma_wait3A_326] : memref<2x24x64xi32, #tpu.memory_space<vmem>> -> memref<1x1x64xi32, #tpu.memory_space<vmem>>
        %dma_wait3A_328 = tpu.memref_squeeze %dma_wait3A_327 : memref<1x1x64xi32, #tpu.memory_space<vmem>> -> memref<64xi32, #tpu.memory_space<vmem>>
        %dma_wait3A_329 = arith.constant 0 : i32
        %dma_wait3A_330 = arith.constant 0 : i32
        %dma_wait3A_331 = tpu.memref_slice %arg12[%dma_wait3A_329, %dma_wait3A_330] : memref<10112x128xf32, #tpu.memory_space<vmem_shared>> -> memref<10112x128xf32, #tpu.memory_space<vmem_shared>>
        tpu.wait_indirect_dma semaphore(%run_scoped3A_319 : memref<!tpu.dma_semaphore, #tpu.memory_space<semaphore_mem>>) src(%arg9 : memref<64x128xf32, #tpu.memory_space<vmem>>) dst(%dma_wait3A_331 : memref<10112x128xf32, #tpu.memory_space<vmem_shared>>)
        tpu.yield
      }) : () -> ()
      %add3A_269 = arith.constant 0 : i32
      %add3A_270 = arith.addi %add3A_258, %add3A_269 : i32
      %add3A_271 = arith.constant 3 : i32
      %add3A_272 = arith.addi %add3A_270, %add3A_271 : i32
      %mul3A_273 = arith.constant 64 : i32
      %mul3A_274 = arith.muli %add3A_272, %mul3A_273 : i32
      %dma_start3A_275 = tpu.memref_slice %arg7[%mul3A_274] : memref<10752xi32, #tpu.memory_space<vmem>> -> memref<64xi32, #tpu.memory_space<vmem>>
      %dma_start3A_276 = arith.constant 0 : i32
      %dma_start3A_277 = arith.constant 0 : i32
      %dma_start3A_278 = tpu.memref_slice %arg2[%dma_start3A_276, %dma_start3A_277] : memref<10000x128xf32, #tpu.memory_space<hbm>> -> memref<10000x128xf32, #tpu.memory_space<hbm>>
      tpu.enqueue_indirect_dma source(%dma_start3A_278 : memref<10000x128xf32, #tpu.memory_space<hbm>>) target(%arg9 : memref<64x128xf32, #tpu.memory_space<vmem>>) offsets(%dma_start3A_275 : memref<64xi32, #tpu.memory_space<vmem>>) semaphore(%arg13 : memref<!tpu.dma_semaphore, #tpu.memory_space<semaphore_mem>>)
      %dma_wait3A_279 = arith.constant 0 : i32
      %dma_wait3A_280 = tpu.memref_slice %arg7[%dma_wait3A_279] : memref<10752xi32, #tpu.memory_space<vmem>> -> memref<64xi32, #tpu.memory_space<vmem>>
      %dma_wait3A_281 = arith.constant 0 : i32
      %dma_wait3A_282 = arith.constant 0 : i32
      %dma_wait3A_283 = tpu.memref_slice %arg2[%dma_wait3A_281, %dma_wait3A_282] : memref<10000x128xf32, #tpu.memory_space<hbm>> -> memref<10000x128xf32, #tpu.memory_space<hbm>>
      tpu.wait_indirect_dma semaphore(%arg14 : memref<!tpu.dma_semaphore, #tpu.memory_space<semaphore_mem>>) src(%dma_wait3A_283 : memref<10000x128xf32, #tpu.memory_space<hbm>>) dst(%arg10 : memref<64x128xf32, #tpu.memory_space<vmem>>)
      %mul3A_284 = arith.constant 3 : i32
      %mul3A_285 = arith.muli %mul3A_284, %scan3A_254 : i32
      %add3A_286 = arith.constant 1 : i32
      %add3A_287 = arith.addi %mul3A_285, %add3A_286 : i32
      %run_scoped3A_288 = arith.constant 1 : i32
      "tpu.region"() ({
        %run_scoped3A_319 = tpu.sem_alloc : memref<!tpu.dma_semaphore, #tpu.memory_space<semaphore_mem>>
        %dma_start3A_320 = arith.constant 0 : i32
        %dma_start3A_321 = tpu.memref_slice %arg8[%run_scoped3A_288, %add3A_287, %dma_start3A_320] : memref<2x24x64xi32, #tpu.memory_space<vmem>> -> memref<1x1x64xi32, #tpu.memory_space<vmem>>
        %dma_start3A_322 = tpu.memref_squeeze %dma_start3A_321 : memref<1x1x64xi32, #tpu.memory_space<vmem>> -> memref<64xi32, #tpu.memory_space<vmem>>
        %dma_start3A_323 = arith.constant 0 : i32
        %dma_start3A_324 = arith.constant 0 : i32
        %dma_start3A_325 = tpu.memref_slice %arg12[%dma_start3A_323, %dma_start3A_324] : memref<10112x128xf32, #tpu.memory_space<vmem_shared>> -> memref<10112x128xf32, #tpu.memory_space<vmem_shared>>
        tpu.enqueue_indirect_dma source(%arg10 : memref<64x128xf32, #tpu.memory_space<vmem>>) target(%dma_start3A_325 : memref<10112x128xf32, #tpu.memory_space<vmem_shared>>) offsets(%dma_start3A_322 : memref<64xi32, #tpu.memory_space<vmem>>) semaphore(%run_scoped3A_319 : memref<!tpu.dma_semaphore, #tpu.memory_space<semaphore_mem>>) {add = true}
        %dma_wait3A_326 = arith.constant 0 : i32
        %dma_wait3A_327 = tpu.memref_slice %arg8[%run_scoped3A_288, %add3A_287, %dma_wait3A_326] : memref<2x24x64xi32, #tpu.memory_space<vmem>> -> memref<1x1x64xi32, #tpu.memory_space<vmem>>
        %dma_wait3A_328 = tpu.memref_squeeze %dma_wait3A_327 : memref<1x1x64xi32, #tpu.memory_space<vmem>> -> memref<64xi32, #tpu.memory_space<vmem>>
        %dma_wait3A_329 = arith.constant 0 : i32
        %dma_wait3A_330 = arith.constant 0 : i32
        %dma_wait3A_331 = tpu.memref_slice %arg12[%dma_wait3A_329, %dma_wait3A_330] : memref<10112x128xf32, #tpu.memory_space<vmem_shared>> -> memref<10112x128xf32, #tpu.memory_space<vmem_shared>>
        tpu.wait_indirect_dma semaphore(%run_scoped3A_319 : memref<!tpu.dma_semaphore, #tpu.memory_space<semaphore_mem>>) src(%arg10 : memref<64x128xf32, #tpu.memory_space<vmem>>) dst(%dma_wait3A_331 : memref<10112x128xf32, #tpu.memory_space<vmem_shared>>)
        tpu.yield
      }) : () -> ()
      %add3A_289 = arith.constant 1 : i32
      %add3A_290 = arith.addi %add3A_258, %add3A_289 : i32
      %add3A_291 = arith.constant 3 : i32
      %add3A_292 = arith.addi %add3A_290, %add3A_291 : i32
      %mul3A_293 = arith.constant 64 : i32
      %mul3A_294 = arith.muli %add3A_292, %mul3A_293 : i32
      %dma_start3A_295 = tpu.memref_slice %arg7[%mul3A_294] : memref<10752xi32, #tpu.memory_space<vmem>> -> memref<64xi32, #tpu.memory_space<vmem>>
      %dma_start3A_296 = arith.constant 0 : i32
      %dma_start3A_297 = arith.constant 0 : i32
      %dma_start3A_298 = tpu.memref_slice %arg2[%dma_start3A_296, %dma_start3A_297] : memref<10000x128xf32, #tpu.memory_space<hbm>> -> memref<10000x128xf32, #tpu.memory_space<hbm>>
      tpu.enqueue_indirect_dma source(%dma_start3A_298 : memref<10000x128xf32, #tpu.memory_space<hbm>>) target(%arg10 : memref<64x128xf32, #tpu.memory_space<vmem>>) offsets(%dma_start3A_295 : memref<64xi32, #tpu.memory_space<vmem>>) semaphore(%arg14 : memref<!tpu.dma_semaphore, #tpu.memory_space<semaphore_mem>>)
      %dma_wait3A_299 = arith.constant 0 : i32
      %dma_wait3A_300 = tpu.memref_slice %arg7[%dma_wait3A_299] : memref<10752xi32, #tpu.memory_space<vmem>> -> memref<64xi32, #tpu.memory_space<vmem>>
      %dma_wait3A_301 = arith.constant 0 : i32
      %dma_wait3A_302 = arith.constant 0 : i32
      %dma_wait3A_303 = tpu.memref_slice %arg2[%dma_wait3A_301, %dma_wait3A_302] : memref<10000x128xf32, #tpu.memory_space<hbm>> -> memref<10000x128xf32, #tpu.memory_space<hbm>>
      tpu.wait_indirect_dma semaphore(%arg15 : memref<!tpu.dma_semaphore, #tpu.memory_space<semaphore_mem>>) src(%dma_wait3A_303 : memref<10000x128xf32, #tpu.memory_space<hbm>>) dst(%arg11 : memref<64x128xf32, #tpu.memory_space<vmem>>)
      %mul3A_304 = arith.constant 3 : i32
      %mul3A_305 = arith.muli %mul3A_304, %scan3A_254 : i32
      %add3A_306 = arith.constant 2 : i32
      %add3A_307 = arith.addi %mul3A_305, %add3A_306 : i32
      %run_scoped3A_308 = arith.constant 1 : i32
      "tpu.region"() ({
        %run_scoped3A_319 = tpu.sem_alloc : memref<!tpu.dma_semaphore, #tpu.memory_space<semaphore_mem>>
        %dma_start3A_320 = arith.constant 0 : i32
        %dma_start3A_321 = tpu.memref_slice %arg8[%run_scoped3A_308, %add3A_307, %dma_start3A_320] : memref<2x24x64xi32, #tpu.memory_space<vmem>> -> memref<1x1x64xi32, #tpu.memory_space<vmem>>
        %dma_start3A_322 = tpu.memref_squeeze %dma_start3A_321 : memref<1x1x64xi32, #tpu.memory_space<vmem>> -> memref<64xi32, #tpu.memory_space<vmem>>
        %dma_start3A_323 = arith.constant 0 : i32
        %dma_start3A_324 = arith.constant 0 : i32
        %dma_start3A_325 = tpu.memref_slice %arg12[%dma_start3A_323, %dma_start3A_324] : memref<10112x128xf32, #tpu.memory_space<vmem_shared>> -> memref<10112x128xf32, #tpu.memory_space<vmem_shared>>
        tpu.enqueue_indirect_dma source(%arg11 : memref<64x128xf32, #tpu.memory_space<vmem>>) target(%dma_start3A_325 : memref<10112x128xf32, #tpu.memory_space<vmem_shared>>) offsets(%dma_start3A_322 : memref<64xi32, #tpu.memory_space<vmem>>) semaphore(%run_scoped3A_319 : memref<!tpu.dma_semaphore, #tpu.memory_space<semaphore_mem>>) {add = true}
        %dma_wait3A_326 = arith.constant 0 : i32
        %dma_wait3A_327 = tpu.memref_slice %arg8[%run_scoped3A_308, %add3A_307, %dma_wait3A_326] : memref<2x24x64xi32, #tpu.memory_space<vmem>> -> memref<1x1x64xi32, #tpu.memory_space<vmem>>
        %dma_wait3A_328 = tpu.memref_squeeze %dma_wait3A_327 : memref<1x1x64xi32, #tpu.memory_space<vmem>> -> memref<64xi32, #tpu.memory_space<vmem>>
        %dma_wait3A_329 = arith.constant 0 : i32
        %dma_wait3A_330 = arith.constant 0 : i32
        %dma_wait3A_331 = tpu.memref_slice %arg12[%dma_wait3A_329, %dma_wait3A_330] : memref<10112x128xf32, #tpu.memory_space<vmem_shared>> -> memref<10112x128xf32, #tpu.memory_space<vmem_shared>>
        tpu.wait_indirect_dma semaphore(%run_scoped3A_319 : memref<!tpu.dma_semaphore, #tpu.memory_space<semaphore_mem>>) src(%arg11 : memref<64x128xf32, #tpu.memory_space<vmem>>) dst(%dma_wait3A_331 : memref<10112x128xf32, #tpu.memory_space<vmem_shared>>)
        tpu.yield
      }) : () -> ()
      %add3A_309 = arith.constant 2 : i32
      %add3A_310 = arith.addi %add3A_258, %add3A_309 : i32
      %add3A_311 = arith.constant 3 : i32
      %add3A_312 = arith.addi %add3A_310, %add3A_311 : i32
      %mul3A_313 = arith.constant 64 : i32
      %mul3A_314 = arith.muli %add3A_312, %mul3A_313 : i32
      %dma_start3A_315 = tpu.memref_slice %arg7[%mul3A_314] : memref<10752xi32, #tpu.memory_space<vmem>> -> memref<64xi32, #tpu.memory_space<vmem>>
      %dma_start3A_316 = arith.constant 0 : i32
      %dma_start3A_317 = arith.constant 0 : i32
      %dma_start3A_318 = tpu.memref_slice %arg2[%dma_start3A_316, %dma_start3A_317] : memref<10000x128xf32, #tpu.memory_space<hbm>> -> memref<10000x128xf32, #tpu.memory_space<hbm>>
      tpu.enqueue_indirect_dma source(%dma_start3A_318 : memref<10000x128xf32, #tpu.memory_space<hbm>>) target(%arg11 : memref<64x128xf32, #tpu.memory_space<vmem>>) offsets(%dma_start3A_315 : memref<64xi32, #tpu.memory_space<vmem>>) semaphore(%arg15 : memref<!tpu.dma_semaphore, #tpu.memory_space<semaphore_mem>>)
    }
    %scan3A_73 = arith.constant 8 : i32
    %add3A_74 = arith.constant 72 : i32
    %add3A_75 = arith.addi %mul3A_4, %add3A_74 : i32
    %dma_start3A_76 = arith.constant 1 : i32
    %dma_start3A_77 = arith.constant 0 : i32
    %dma_start3A_78 = arith.constant 0 : i32
    %dma_start3A_79 = tpu.memref_slice %arg8[%dma_start3A_76, %dma_start3A_77, %dma_start3A_78] : memref<2x24x64xi32, #tpu.memory_space<vmem>> -> memref<1x24x64xi32, #tpu.memory_space<vmem>>
    %dma_start3A_80 = tpu.memref_squeeze %dma_start3A_79 : memref<1x24x64xi32, #tpu.memory_space<vmem>> -> memref<24x64xi32, #tpu.memory_space<vmem>>
    %dma_start3A_81 = arith.constant 0 : i32
    %dma_start3A_82 = tpu.memref_slice %arg4[%add3A_75, %dma_start3A_81] : memref<5376x64xi32, #tpu.memory_space<hbm>> -> memref<24x64xi32, #tpu.memory_space<hbm>>
    %dma_start3A_83 = arith.constant 0 : i32
    %dma_start3A_84 = arith.constant 0 : i32
    %dma_start3A_85 = tpu.memref_slice %arg8[%dma_start3A_76, %dma_start3A_83, %dma_start3A_84] : memref<2x24x64xi32, #tpu.memory_space<vmem>> -> memref<1x24x64xi32, #tpu.memory_space<vmem>>
    %dma_start3A_86 = tpu.memref_squeeze %dma_start3A_85 : memref<1x24x64xi32, #tpu.memory_space<vmem>> -> memref<24x64xi32, #tpu.memory_space<vmem>>
    %dma_start3A_87 = arith.constant 0 : i32
    %dma_start3A_88 = tpu.memref_slice %arg4[%add3A_75, %dma_start3A_87] : memref<5376x64xi32, #tpu.memory_space<hbm>> -> memref<24x64xi32, #tpu.memory_space<hbm>>
    tpu.enqueue_dma source(%dma_start3A_88 : memref<24x64xi32, #tpu.memory_space<hbm>>) target(%dma_start3A_86 : memref<24x64xi32, #tpu.memory_space<vmem>>) target_semaphore(%arg17 : memref<!tpu.dma_semaphore, #tpu.memory_space<semaphore_mem>>)
    %dma_wait3A_89 = arith.constant 0 : i32
    %dma_wait3A_90 = arith.constant 0 : i32
    %dma_wait3A_91 = arith.constant 0 : i32
    %dma_wait3A_92 = tpu.memref_slice %arg8[%dma_wait3A_89, %dma_wait3A_90, %dma_wait3A_91] : memref<2x24x64xi32, #tpu.memory_space<vmem>> -> memref<1x24x64xi32, #tpu.memory_space<vmem>>
    %dma_wait3A_93 = tpu.memref_squeeze %dma_wait3A_92 : memref<1x24x64xi32, #tpu.memory_space<vmem>> -> memref<24x64xi32, #tpu.memory_space<vmem>>
    %dma_wait3A_94 = arith.constant 0 : i32
    %dma_wait3A_95 = tpu.memref_slice %arg4[%mul3A_4, %dma_wait3A_94] : memref<5376x64xi32, #tpu.memory_space<hbm>> -> memref<24x64xi32, #tpu.memory_space<hbm>>
    %dma_wait3A_96 = arith.constant 0 : i32
    %dma_wait3A_97 = arith.constant 0 : i32
    %dma_wait3A_98 = tpu.memref_slice %arg8[%dma_wait3A_89, %dma_wait3A_96, %dma_wait3A_97] : memref<2x24x64xi32, #tpu.memory_space<vmem>> -> memref<1x24x64xi32, #tpu.memory_space<vmem>>
    %dma_wait3A_99 = tpu.memref_squeeze %dma_wait3A_98 : memref<1x24x64xi32, #tpu.memory_space<vmem>> -> memref<24x64xi32, #tpu.memory_space<vmem>>
    %dma_wait3A_100 = arith.constant 0 : i32
    %dma_wait3A_101 = tpu.memref_slice %arg4[%mul3A_4, %dma_wait3A_100] : memref<5376x64xi32, #tpu.memory_space<hbm>> -> memref<24x64xi32, #tpu.memory_space<hbm>>
    tpu.wait_dma2 semaphore(%arg16 : memref<!tpu.dma_semaphore, #tpu.memory_space<semaphore_mem>>) src(%dma_wait3A_101 : memref<24x64xi32, #tpu.memory_space<hbm>>) dst(%dma_wait3A_99 : memref<24x64xi32, #tpu.memory_space<vmem>>)
    %scan3A_102 = arith.constant 0 : i32
    %scan3A_103 = arith.constant 0 : i32
    %scan3A_104 = arith.constant 8 : i32
    %scan3A_105 = arith.addi %scan3A_103, %scan3A_104 : i32
    %scan3A_106 = arith.constant 1 : i32
    scf.for %scan3A_254 = %scan3A_103 to %scan3A_105 step %scan3A_106  : i32 {
      %mul3A_255 = arith.constant 3 : i32
      %mul3A_256 = arith.muli %mul3A_255, %scan3A_254 : i32
      %add3A_257 = arith.constant 48 : i32
      %add3A_258 = arith.addi %add3A_257, %mul3A_256 : i32
      %dma_wait3A_259 = arith.constant 0 : i32
      %dma_wait3A_260 = tpu.memref_slice %arg7[%dma_wait3A_259] : memref<10752xi32, #tpu.memory_space<vmem>> -> memref<64xi32, #tpu.memory_space<vmem>>
      %dma_wait3A_261 = arith.constant 0 : i32
      %dma_wait3A_262 = arith.constant 0 : i32
      %dma_wait3A_263 = tpu.memref_slice %arg2[%dma_wait3A_261, %dma_wait3A_262] : memref<10000x128xf32, #tpu.memory_space<hbm>> -> memref<10000x128xf32, #tpu.memory_space<hbm>>
      tpu.wait_indirect_dma semaphore(%arg13 : memref<!tpu.dma_semaphore, #tpu.memory_space<semaphore_mem>>) src(%dma_wait3A_263 : memref<10000x128xf32, #tpu.memory_space<hbm>>) dst(%arg9 : memref<64x128xf32, #tpu.memory_space<vmem>>)
      %mul3A_264 = arith.constant 3 : i32
      %mul3A_265 = arith.muli %mul3A_264, %scan3A_254 : i32
      %add3A_266 = arith.constant 0 : i32
      %add3A_267 = arith.addi %mul3A_265, %add3A_266 : i32
      %run_scoped3A_268 = arith.constant 0 : i32
      "tpu.region"() ({
        %run_scoped3A_319 = tpu.sem_alloc : memref<!tpu.dma_semaphore, #tpu.memory_space<semaphore_mem>>
        %dma_start3A_320 = arith.constant 0 : i32
        %dma_start3A_321 = tpu.memref_slice %arg8[%run_scoped3A_268, %add3A_267, %dma_start3A_320] : memref<2x24x64xi32, #tpu.memory_space<vmem>> -> memref<1x1x64xi32, #tpu.memory_space<vmem>>
        %dma_start3A_322 = tpu.memref_squeeze %dma_start3A_321 : memref<1x1x64xi32, #tpu.memory_space<vmem>> -> memref<64xi32, #tpu.memory_space<vmem>>
        %dma_start3A_323 = arith.constant 0 : i32
        %dma_start3A_324 = arith.constant 0 : i32
        %dma_start3A_325 = tpu.memref_slice %arg12[%dma_start3A_323, %dma_start3A_324] : memref<10112x128xf32, #tpu.memory_space<vmem_shared>> -> memref<10112x128xf32, #tpu.memory_space<vmem_shared>>
        tpu.enqueue_indirect_dma source(%arg9 : memref<64x128xf32, #tpu.memory_space<vmem>>) target(%dma_start3A_325 : memref<10112x128xf32, #tpu.memory_space<vmem_shared>>) offsets(%dma_start3A_322 : memref<64xi32, #tpu.memory_space<vmem>>) semaphore(%run_scoped3A_319 : memref<!tpu.dma_semaphore, #tpu.memory_space<semaphore_mem>>) {add = true}
        %dma_wait3A_326 = arith.constant 0 : i32
        %dma_wait3A_327 = tpu.memref_slice %arg8[%run_scoped3A_268, %add3A_267, %dma_wait3A_326] : memref<2x24x64xi32, #tpu.memory_space<vmem>> -> memref<1x1x64xi32, #tpu.memory_space<vmem>>
        %dma_wait3A_328 = tpu.memref_squeeze %dma_wait3A_327 : memref<1x1x64xi32, #tpu.memory_space<vmem>> -> memref<64xi32, #tpu.memory_space<vmem>>
        %dma_wait3A_329 = arith.constant 0 : i32
        %dma_wait3A_330 = arith.constant 0 : i32
        %dma_wait3A_331 = tpu.memref_slice %arg12[%dma_wait3A_329, %dma_wait3A_330] : memref<10112x128xf32, #tpu.memory_space<vmem_shared>> -> memref<10112x128xf32, #tpu.memory_space<vmem_shared>>
        tpu.wait_indirect_dma semaphore(%run_scoped3A_319 : memref<!tpu.dma_semaphore, #tpu.memory_space<semaphore_mem>>) src(%arg9 : memref<64x128xf32, #tpu.memory_space<vmem>>) dst(%dma_wait3A_331 : memref<10112x128xf32, #tpu.memory_space<vmem_shared>>)
        tpu.yield
      }) : () -> ()
      %add3A_269 = arith.constant 0 : i32
      %add3A_270 = arith.addi %add3A_258, %add3A_269 : i32
      %add3A_271 = arith.constant 3 : i32
      %add3A_272 = arith.addi %add3A_270, %add3A_271 : i32
      %mul3A_273 = arith.constant 64 : i32
      %mul3A_274 = arith.muli %add3A_272, %mul3A_273 : i32
      %dma_start3A_275 = tpu.memref_slice %arg7[%mul3A_274] : memref<10752xi32, #tpu.memory_space<vmem>> -> memref<64xi32, #tpu.memory_space<vmem>>
      %dma_start3A_276 = arith.constant 0 : i32
      %dma_start3A_277 = arith.constant 0 : i32
      %dma_start3A_278 = tpu.memref_slice %arg2[%dma_start3A_276, %dma_start3A_277] : memref<10000x128xf32, #tpu.memory_space<hbm>> -> memref<10000x128xf32, #tpu.memory_space<hbm>>
      tpu.enqueue_indirect_dma source(%dma_start3A_278 : memref<10000x128xf32, #tpu.memory_space<hbm>>) target(%arg9 : memref<64x128xf32, #tpu.memory_space<vmem>>) offsets(%dma_start3A_275 : memref<64xi32, #tpu.memory_space<vmem>>) semaphore(%arg13 : memref<!tpu.dma_semaphore, #tpu.memory_space<semaphore_mem>>)
      %dma_wait3A_279 = arith.constant 0 : i32
      %dma_wait3A_280 = tpu.memref_slice %arg7[%dma_wait3A_279] : memref<10752xi32, #tpu.memory_space<vmem>> -> memref<64xi32, #tpu.memory_space<vmem>>
      %dma_wait3A_281 = arith.constant 0 : i32
      %dma_wait3A_282 = arith.constant 0 : i32
      %dma_wait3A_283 = tpu.memref_slice %arg2[%dma_wait3A_281, %dma_wait3A_282] : memref<10000x128xf32, #tpu.memory_space<hbm>> -> memref<10000x128xf32, #tpu.memory_space<hbm>>
      tpu.wait_indirect_dma semaphore(%arg14 : memref<!tpu.dma_semaphore, #tpu.memory_space<semaphore_mem>>) src(%dma_wait3A_283 : memref<10000x128xf32, #tpu.memory_space<hbm>>) dst(%arg10 : memref<64x128xf32, #tpu.memory_space<vmem>>)
      %mul3A_284 = arith.constant 3 : i32
      %mul3A_285 = arith.muli %mul3A_284, %scan3A_254 : i32
      %add3A_286 = arith.constant 1 : i32
      %add3A_287 = arith.addi %mul3A_285, %add3A_286 : i32
      %run_scoped3A_288 = arith.constant 0 : i32
      "tpu.region"() ({
        %run_scoped3A_319 = tpu.sem_alloc : memref<!tpu.dma_semaphore, #tpu.memory_space<semaphore_mem>>
        %dma_start3A_320 = arith.constant 0 : i32
        %dma_start3A_321 = tpu.memref_slice %arg8[%run_scoped3A_288, %add3A_287, %dma_start3A_320] : memref<2x24x64xi32, #tpu.memory_space<vmem>> -> memref<1x1x64xi32, #tpu.memory_space<vmem>>
        %dma_start3A_322 = tpu.memref_squeeze %dma_start3A_321 : memref<1x1x64xi32, #tpu.memory_space<vmem>> -> memref<64xi32, #tpu.memory_space<vmem>>
        %dma_start3A_323 = arith.constant 0 : i32
        %dma_start3A_324 = arith.constant 0 : i32
        %dma_start3A_325 = tpu.memref_slice %arg12[%dma_start3A_323, %dma_start3A_324] : memref<10112x128xf32, #tpu.memory_space<vmem_shared>> -> memref<10112x128xf32, #tpu.memory_space<vmem_shared>>
        tpu.enqueue_indirect_dma source(%arg10 : memref<64x128xf32, #tpu.memory_space<vmem>>) target(%dma_start3A_325 : memref<10112x128xf32, #tpu.memory_space<vmem_shared>>) offsets(%dma_start3A_322 : memref<64xi32, #tpu.memory_space<vmem>>) semaphore(%run_scoped3A_319 : memref<!tpu.dma_semaphore, #tpu.memory_space<semaphore_mem>>) {add = true}
        %dma_wait3A_326 = arith.constant 0 : i32
        %dma_wait3A_327 = tpu.memref_slice %arg8[%run_scoped3A_288, %add3A_287, %dma_wait3A_326] : memref<2x24x64xi32, #tpu.memory_space<vmem>> -> memref<1x1x64xi32, #tpu.memory_space<vmem>>
        %dma_wait3A_328 = tpu.memref_squeeze %dma_wait3A_327 : memref<1x1x64xi32, #tpu.memory_space<vmem>> -> memref<64xi32, #tpu.memory_space<vmem>>
        %dma_wait3A_329 = arith.constant 0 : i32
        %dma_wait3A_330 = arith.constant 0 : i32
        %dma_wait3A_331 = tpu.memref_slice %arg12[%dma_wait3A_329, %dma_wait3A_330] : memref<10112x128xf32, #tpu.memory_space<vmem_shared>> -> memref<10112x128xf32, #tpu.memory_space<vmem_shared>>
        tpu.wait_indirect_dma semaphore(%run_scoped3A_319 : memref<!tpu.dma_semaphore, #tpu.memory_space<semaphore_mem>>) src(%arg10 : memref<64x128xf32, #tpu.memory_space<vmem>>) dst(%dma_wait3A_331 : memref<10112x128xf32, #tpu.memory_space<vmem_shared>>)
        tpu.yield
      }) : () -> ()
      %add3A_289 = arith.constant 1 : i32
      %add3A_290 = arith.addi %add3A_258, %add3A_289 : i32
      %add3A_291 = arith.constant 3 : i32
      %add3A_292 = arith.addi %add3A_290, %add3A_291 : i32
      %mul3A_293 = arith.constant 64 : i32
      %mul3A_294 = arith.muli %add3A_292, %mul3A_293 : i32
      %dma_start3A_295 = tpu.memref_slice %arg7[%mul3A_294] : memref<10752xi32, #tpu.memory_space<vmem>> -> memref<64xi32, #tpu.memory_space<vmem>>
      %dma_start3A_296 = arith.constant 0 : i32
      %dma_start3A_297 = arith.constant 0 : i32
      %dma_start3A_298 = tpu.memref_slice %arg2[%dma_start3A_296, %dma_start3A_297] : memref<10000x128xf32, #tpu.memory_space<hbm>> -> memref<10000x128xf32, #tpu.memory_space<hbm>>
      tpu.enqueue_indirect_dma source(%dma_start3A_298 : memref<10000x128xf32, #tpu.memory_space<hbm>>) target(%arg10 : memref<64x128xf32, #tpu.memory_space<vmem>>) offsets(%dma_start3A_295 : memref<64xi32, #tpu.memory_space<vmem>>) semaphore(%arg14 : memref<!tpu.dma_semaphore, #tpu.memory_space<semaphore_mem>>)
      %dma_wait3A_299 = arith.constant 0 : i32
      %dma_wait3A_300 = tpu.memref_slice %arg7[%dma_wait3A_299] : memref<10752xi32, #tpu.memory_space<vmem>> -> memref<64xi32, #tpu.memory_space<vmem>>
      %dma_wait3A_301 = arith.constant 0 : i32
      %dma_wait3A_302 = arith.constant 0 : i32
      %dma_wait3A_303 = tpu.memref_slice %arg2[%dma_wait3A_301, %dma_wait3A_302] : memref<10000x128xf32, #tpu.memory_space<hbm>> -> memref<10000x128xf32, #tpu.memory_space<hbm>>
      tpu.wait_indirect_dma semaphore(%arg15 : memref<!tpu.dma_semaphore, #tpu.memory_space<semaphore_mem>>) src(%dma_wait3A_303 : memref<10000x128xf32, #tpu.memory_space<hbm>>) dst(%arg11 : memref<64x128xf32, #tpu.memory_space<vmem>>)
      %mul3A_304 = arith.constant 3 : i32
      %mul3A_305 = arith.muli %mul3A_304, %scan3A_254 : i32
      %add3A_306 = arith.constant 2 : i32
      %add3A_307 = arith.addi %mul3A_305, %add3A_306 : i32
      %run_scoped3A_308 = arith.constant 0 : i32
      "tpu.region"() ({
        %run_scoped3A_319 = tpu.sem_alloc : memref<!tpu.dma_semaphore, #tpu.memory_space<semaphore_mem>>
        %dma_start3A_320 = arith.constant 0 : i32
        %dma_start3A_321 = tpu.memref_slice %arg8[%run_scoped3A_308, %add3A_307, %dma_start3A_320] : memref<2x24x64xi32, #tpu.memory_space<vmem>> -> memref<1x1x64xi32, #tpu.memory_space<vmem>>
        %dma_start3A_322 = tpu.memref_squeeze %dma_start3A_321 : memref<1x1x64xi32, #tpu.memory_space<vmem>> -> memref<64xi32, #tpu.memory_space<vmem>>
        %dma_start3A_323 = arith.constant 0 : i32
        %dma_start3A_324 = arith.constant 0 : i32
        %dma_start3A_325 = tpu.memref_slice %arg12[%dma_start3A_323, %dma_start3A_324] : memref<10112x128xf32, #tpu.memory_space<vmem_shared>> -> memref<10112x128xf32, #tpu.memory_space<vmem_shared>>
        tpu.enqueue_indirect_dma source(%arg11 : memref<64x128xf32, #tpu.memory_space<vmem>>) target(%dma_start3A_325 : memref<10112x128xf32, #tpu.memory_space<vmem_shared>>) offsets(%dma_start3A_322 : memref<64xi32, #tpu.memory_space<vmem>>) semaphore(%run_scoped3A_319 : memref<!tpu.dma_semaphore, #tpu.memory_space<semaphore_mem>>) {add = true}
        %dma_wait3A_326 = arith.constant 0 : i32
        %dma_wait3A_327 = tpu.memref_slice %arg8[%run_scoped3A_308, %add3A_307, %dma_wait3A_326] : memref<2x24x64xi32, #tpu.memory_space<vmem>> -> memref<1x1x64xi32, #tpu.memory_space<vmem>>
        %dma_wait3A_328 = tpu.memref_squeeze %dma_wait3A_327 : memref<1x1x64xi32, #tpu.memory_space<vmem>> -> memref<64xi32, #tpu.memory_space<vmem>>
        %dma_wait3A_329 = arith.constant 0 : i32
        %dma_wait3A_330 = arith.constant 0 : i32
        %dma_wait3A_331 = tpu.memref_slice %arg12[%dma_wait3A_329, %dma_wait3A_330] : memref<10112x128xf32, #tpu.memory_space<vmem_shared>> -> memref<10112x128xf32, #tpu.memory_space<vmem_shared>>
        tpu.wait_indirect_dma semaphore(%run_scoped3A_319 : memref<!tpu.dma_semaphore, #tpu.memory_space<semaphore_mem>>) src(%arg11 : memref<64x128xf32, #tpu.memory_space<vmem>>) dst(%dma_wait3A_331 : memref<10112x128xf32, #tpu.memory_space<vmem_shared>>)
        tpu.yield
      }) : () -> ()
      %add3A_309 = arith.constant 2 : i32
      %add3A_310 = arith.addi %add3A_258, %add3A_309 : i32
      %add3A_311 = arith.constant 3 : i32
      %add3A_312 = arith.addi %add3A_310, %add3A_311 : i32
      %mul3A_313 = arith.constant 64 : i32
      %mul3A_314 = arith.muli %add3A_312, %mul3A_313 : i32
      %dma_start3A_315 = tpu.memref_slice %arg7[%mul3A_314] : memref<10752xi32, #tpu.memory_space<vmem>> -> memref<64xi32, #tpu.memory_space<vmem>>
      %dma_start3A_316 = arith.constant 0 : i32
      %dma_start3A_317 = arith.constant 0 : i32
      %dma_start3A_318 = tpu.memref_slice %arg2[%dma_start3A_316, %dma_start3A_317] : memref<10000x128xf32, #tpu.memory_space<hbm>> -> memref<10000x128xf32, #tpu.memory_space<hbm>>
      tpu.enqueue_indirect_dma source(%dma_start3A_318 : memref<10000x128xf32, #tpu.memory_space<hbm>>) target(%arg11 : memref<64x128xf32, #tpu.memory_space<vmem>>) offsets(%dma_start3A_315 : memref<64xi32, #tpu.memory_space<vmem>>) semaphore(%arg15 : memref<!tpu.dma_semaphore, #tpu.memory_space<semaphore_mem>>)
    }
    %scan3A_107 = arith.constant 8 : i32
    %add3A_108 = arith.constant 96 : i32
    %add3A_109 = arith.addi %mul3A_4, %add3A_108 : i32
    %dma_start3A_110 = arith.constant 0 : i32
    %dma_start3A_111 = arith.constant 0 : i32
    %dma_start3A_112 = arith.constant 0 : i32
    %dma_start3A_113 = tpu.memref_slice %arg8[%dma_start3A_110, %dma_start3A_111, %dma_start3A_112] : memref<2x24x64xi32, #tpu.memory_space<vmem>> -> memref<1x24x64xi32, #tpu.memory_space<vmem>>
    %dma_start3A_114 = tpu.memref_squeeze %dma_start3A_113 : memref<1x24x64xi32, #tpu.memory_space<vmem>> -> memref<24x64xi32, #tpu.memory_space<vmem>>
    %dma_start3A_115 = arith.constant 0 : i32
    %dma_start3A_116 = tpu.memref_slice %arg4[%add3A_109, %dma_start3A_115] : memref<5376x64xi32, #tpu.memory_space<hbm>> -> memref<24x64xi32, #tpu.memory_space<hbm>>
    %dma_start3A_117 = arith.constant 0 : i32
    %dma_start3A_118 = arith.constant 0 : i32
    %dma_start3A_119 = tpu.memref_slice %arg8[%dma_start3A_110, %dma_start3A_117, %dma_start3A_118] : memref<2x24x64xi32, #tpu.memory_space<vmem>> -> memref<1x24x64xi32, #tpu.memory_space<vmem>>
    %dma_start3A_120 = tpu.memref_squeeze %dma_start3A_119 : memref<1x24x64xi32, #tpu.memory_space<vmem>> -> memref<24x64xi32, #tpu.memory_space<vmem>>
    %dma_start3A_121 = arith.constant 0 : i32
    %dma_start3A_122 = tpu.memref_slice %arg4[%add3A_109, %dma_start3A_121] : memref<5376x64xi32, #tpu.memory_space<hbm>> -> memref<24x64xi32, #tpu.memory_space<hbm>>
    tpu.enqueue_dma source(%dma_start3A_122 : memref<24x64xi32, #tpu.memory_space<hbm>>) target(%dma_start3A_120 : memref<24x64xi32, #tpu.memory_space<vmem>>) target_semaphore(%arg16 : memref<!tpu.dma_semaphore, #tpu.memory_space<semaphore_mem>>)
    %dma_wait3A_123 = arith.constant 1 : i32
    %dma_wait3A_124 = arith.constant 0 : i32
    %dma_wait3A_125 = arith.constant 0 : i32
    %dma_wait3A_126 = tpu.memref_slice %arg8[%dma_wait3A_123, %dma_wait3A_124, %dma_wait3A_125] : memref<2x24x64xi32, #tpu.memory_space<vmem>> -> memref<1x24x64xi32, #tpu.memory_space<vmem>>
    %dma_wait3A_127 = tpu.memref_squeeze %dma_wait3A_126 : memref<1x24x64xi32, #tpu.memory_space<vmem>> -> memref<24x64xi32, #tpu.memory_space<vmem>>
    %dma_wait3A_128 = arith.constant 0 : i32
    %dma_wait3A_129 = tpu.memref_slice %arg4[%mul3A_4, %dma_wait3A_128] : memref<5376x64xi32, #tpu.memory_space<hbm>> -> memref<24x64xi32, #tpu.memory_space<hbm>>
    %dma_wait3A_130 = arith.constant 0 : i32
    %dma_wait3A_131 = arith.constant 0 : i32
    %dma_wait3A_132 = tpu.memref_slice %arg8[%dma_wait3A_123, %dma_wait3A_130, %dma_wait3A_131] : memref<2x24x64xi32, #tpu.memory_space<vmem>> -> memref<1x24x64xi32, #tpu.memory_space<vmem>>
    %dma_wait3A_133 = tpu.memref_squeeze %dma_wait3A_132 : memref<1x24x64xi32, #tpu.memory_space<vmem>> -> memref<24x64xi32, #tpu.memory_space<vmem>>
    %dma_wait3A_134 = arith.constant 0 : i32
    %dma_wait3A_135 = tpu.memref_slice %arg4[%mul3A_4, %dma_wait3A_134] : memref<5376x64xi32, #tpu.memory_space<hbm>> -> memref<24x64xi32, #tpu.memory_space<hbm>>
    tpu.wait_dma2 semaphore(%arg17 : memref<!tpu.dma_semaphore, #tpu.memory_space<semaphore_mem>>) src(%dma_wait3A_135 : memref<24x64xi32, #tpu.memory_space<hbm>>) dst(%dma_wait3A_133 : memref<24x64xi32, #tpu.memory_space<vmem>>)
    %scan3A_136 = arith.constant 0 : i32
    %scan3A_137 = arith.constant 0 : i32
    %scan3A_138 = arith.constant 8 : i32
    %scan3A_139 = arith.addi %scan3A_137, %scan3A_138 : i32
    %scan3A_140 = arith.constant 1 : i32
    scf.for %scan3A_254 = %scan3A_137 to %scan3A_139 step %scan3A_140  : i32 {
      %mul3A_255 = arith.constant 3 : i32
      %mul3A_256 = arith.muli %mul3A_255, %scan3A_254 : i32
      %add3A_257 = arith.constant 72 : i32
      %add3A_258 = arith.addi %add3A_257, %mul3A_256 : i32
      %dma_wait3A_259 = arith.constant 0 : i32
      %dma_wait3A_260 = tpu.memref_slice %arg7[%dma_wait3A_259] : memref<10752xi32, #tpu.memory_space<vmem>> -> memref<64xi32, #tpu.memory_space<vmem>>
      %dma_wait3A_261 = arith.constant 0 : i32
      %dma_wait3A_262 = arith.constant 0 : i32
      %dma_wait3A_263 = tpu.memref_slice %arg2[%dma_wait3A_261, %dma_wait3A_262] : memref<10000x128xf32, #tpu.memory_space<hbm>> -> memref<10000x128xf32, #tpu.memory_space<hbm>>
      tpu.wait_indirect_dma semaphore(%arg13 : memref<!tpu.dma_semaphore, #tpu.memory_space<semaphore_mem>>) src(%dma_wait3A_263 : memref<10000x128xf32, #tpu.memory_space<hbm>>) dst(%arg9 : memref<64x128xf32, #tpu.memory_space<vmem>>)
      %mul3A_264 = arith.constant 3 : i32
      %mul3A_265 = arith.muli %mul3A_264, %scan3A_254 : i32
      %add3A_266 = arith.constant 0 : i32
      %add3A_267 = arith.addi %mul3A_265, %add3A_266 : i32
      %run_scoped3A_268 = arith.constant 1 : i32
      "tpu.region"() ({
        %run_scoped3A_319 = tpu.sem_alloc : memref<!tpu.dma_semaphore, #tpu.memory_space<semaphore_mem>>
        %dma_start3A_320 = arith.constant 0 : i32
        %dma_start3A_321 = tpu.memref_slice %arg8[%run_scoped3A_268, %add3A_267, %dma_start3A_320] : memref<2x24x64xi32, #tpu.memory_space<vmem>> -> memref<1x1x64xi32, #tpu.memory_space<vmem>>
        %dma_start3A_322 = tpu.memref_squeeze %dma_start3A_321 : memref<1x1x64xi32, #tpu.memory_space<vmem>> -> memref<64xi32, #tpu.memory_space<vmem>>
        %dma_start3A_323 = arith.constant 0 : i32
        %dma_start3A_324 = arith.constant 0 : i32
        %dma_start3A_325 = tpu.memref_slice %arg12[%dma_start3A_323, %dma_start3A_324] : memref<10112x128xf32, #tpu.memory_space<vmem_shared>> -> memref<10112x128xf32, #tpu.memory_space<vmem_shared>>
        tpu.enqueue_indirect_dma source(%arg9 : memref<64x128xf32, #tpu.memory_space<vmem>>) target(%dma_start3A_325 : memref<10112x128xf32, #tpu.memory_space<vmem_shared>>) offsets(%dma_start3A_322 : memref<64xi32, #tpu.memory_space<vmem>>) semaphore(%run_scoped3A_319 : memref<!tpu.dma_semaphore, #tpu.memory_space<semaphore_mem>>) {add = true}
        %dma_wait3A_326 = arith.constant 0 : i32
        %dma_wait3A_327 = tpu.memref_slice %arg8[%run_scoped3A_268, %add3A_267, %dma_wait3A_326] : memref<2x24x64xi32, #tpu.memory_space<vmem>> -> memref<1x1x64xi32, #tpu.memory_space<vmem>>
        %dma_wait3A_328 = tpu.memref_squeeze %dma_wait3A_327 : memref<1x1x64xi32, #tpu.memory_space<vmem>> -> memref<64xi32, #tpu.memory_space<vmem>>
        %dma_wait3A_329 = arith.constant 0 : i32
        %dma_wait3A_330 = arith.constant 0 : i32
        %dma_wait3A_331 = tpu.memref_slice %arg12[%dma_wait3A_329, %dma_wait3A_330] : memref<10112x128xf32, #tpu.memory_space<vmem_shared>> -> memref<10112x128xf32, #tpu.memory_space<vmem_shared>>
        tpu.wait_indirect_dma semaphore(%run_scoped3A_319 : memref<!tpu.dma_semaphore, #tpu.memory_space<semaphore_mem>>) src(%arg9 : memref<64x128xf32, #tpu.memory_space<vmem>>) dst(%dma_wait3A_331 : memref<10112x128xf32, #tpu.memory_space<vmem_shared>>)
        tpu.yield
      }) : () -> ()
      %add3A_269 = arith.constant 0 : i32
      %add3A_270 = arith.addi %add3A_258, %add3A_269 : i32
      %add3A_271 = arith.constant 3 : i32
      %add3A_272 = arith.addi %add3A_270, %add3A_271 : i32
      %mul3A_273 = arith.constant 64 : i32
      %mul3A_274 = arith.muli %add3A_272, %mul3A_273 : i32
      %dma_start3A_275 = tpu.memref_slice %arg7[%mul3A_274] : memref<10752xi32, #tpu.memory_space<vmem>> -> memref<64xi32, #tpu.memory_space<vmem>>
      %dma_start3A_276 = arith.constant 0 : i32
      %dma_start3A_277 = arith.constant 0 : i32
      %dma_start3A_278 = tpu.memref_slice %arg2[%dma_start3A_276, %dma_start3A_277] : memref<10000x128xf32, #tpu.memory_space<hbm>> -> memref<10000x128xf32, #tpu.memory_space<hbm>>
      tpu.enqueue_indirect_dma source(%dma_start3A_278 : memref<10000x128xf32, #tpu.memory_space<hbm>>) target(%arg9 : memref<64x128xf32, #tpu.memory_space<vmem>>) offsets(%dma_start3A_275 : memref<64xi32, #tpu.memory_space<vmem>>) semaphore(%arg13 : memref<!tpu.dma_semaphore, #tpu.memory_space<semaphore_mem>>)
      %dma_wait3A_279 = arith.constant 0 : i32
      %dma_wait3A_280 = tpu.memref_slice %arg7[%dma_wait3A_279] : memref<10752xi32, #tpu.memory_space<vmem>> -> memref<64xi32, #tpu.memory_space<vmem>>
      %dma_wait3A_281 = arith.constant 0 : i32
      %dma_wait3A_282 = arith.constant 0 : i32
      %dma_wait3A_283 = tpu.memref_slice %arg2[%dma_wait3A_281, %dma_wait3A_282] : memref<10000x128xf32, #tpu.memory_space<hbm>> -> memref<10000x128xf32, #tpu.memory_space<hbm>>
      tpu.wait_indirect_dma semaphore(%arg14 : memref<!tpu.dma_semaphore, #tpu.memory_space<semaphore_mem>>) src(%dma_wait3A_283 : memref<10000x128xf32, #tpu.memory_space<hbm>>) dst(%arg10 : memref<64x128xf32, #tpu.memory_space<vmem>>)
      %mul3A_284 = arith.constant 3 : i32
      %mul3A_285 = arith.muli %mul3A_284, %scan3A_254 : i32
      %add3A_286 = arith.constant 1 : i32
      %add3A_287 = arith.addi %mul3A_285, %add3A_286 : i32
      %run_scoped3A_288 = arith.constant 1 : i32
      "tpu.region"() ({
        %run_scoped3A_319 = tpu.sem_alloc : memref<!tpu.dma_semaphore, #tpu.memory_space<semaphore_mem>>
        %dma_start3A_320 = arith.constant 0 : i32
        %dma_start3A_321 = tpu.memref_slice %arg8[%run_scoped3A_288, %add3A_287, %dma_start3A_320] : memref<2x24x64xi32, #tpu.memory_space<vmem>> -> memref<1x1x64xi32, #tpu.memory_space<vmem>>
        %dma_start3A_322 = tpu.memref_squeeze %dma_start3A_321 : memref<1x1x64xi32, #tpu.memory_space<vmem>> -> memref<64xi32, #tpu.memory_space<vmem>>
        %dma_start3A_323 = arith.constant 0 : i32
        %dma_start3A_324 = arith.constant 0 : i32
        %dma_start3A_325 = tpu.memref_slice %arg12[%dma_start3A_323, %dma_start3A_324] : memref<10112x128xf32, #tpu.memory_space<vmem_shared>> -> memref<10112x128xf32, #tpu.memory_space<vmem_shared>>
        tpu.enqueue_indirect_dma source(%arg10 : memref<64x128xf32, #tpu.memory_space<vmem>>) target(%dma_start3A_325 : memref<10112x128xf32, #tpu.memory_space<vmem_shared>>) offsets(%dma_start3A_322 : memref<64xi32, #tpu.memory_space<vmem>>) semaphore(%run_scoped3A_319 : memref<!tpu.dma_semaphore, #tpu.memory_space<semaphore_mem>>) {add = true}
        %dma_wait3A_326 = arith.constant 0 : i32
        %dma_wait3A_327 = tpu.memref_slice %arg8[%run_scoped3A_288, %add3A_287, %dma_wait3A_326] : memref<2x24x64xi32, #tpu.memory_space<vmem>> -> memref<1x1x64xi32, #tpu.memory_space<vmem>>
        %dma_wait3A_328 = tpu.memref_squeeze %dma_wait3A_327 : memref<1x1x64xi32, #tpu.memory_space<vmem>> -> memref<64xi32, #tpu.memory_space<vmem>>
        %dma_wait3A_329 = arith.constant 0 : i32
        %dma_wait3A_330 = arith.constant 0 : i32
        %dma_wait3A_331 = tpu.memref_slice %arg12[%dma_wait3A_329, %dma_wait3A_330] : memref<10112x128xf32, #tpu.memory_space<vmem_shared>> -> memref<10112x128xf32, #tpu.memory_space<vmem_shared>>
        tpu.wait_indirect_dma semaphore(%run_scoped3A_319 : memref<!tpu.dma_semaphore, #tpu.memory_space<semaphore_mem>>) src(%arg10 : memref<64x128xf32, #tpu.memory_space<vmem>>) dst(%dma_wait3A_331 : memref<10112x128xf32, #tpu.memory_space<vmem_shared>>)
        tpu.yield
      }) : () -> ()
      %add3A_289 = arith.constant 1 : i32
      %add3A_290 = arith.addi %add3A_258, %add3A_289 : i32
      %add3A_291 = arith.constant 3 : i32
      %add3A_292 = arith.addi %add3A_290, %add3A_291 : i32
      %mul3A_293 = arith.constant 64 : i32
      %mul3A_294 = arith.muli %add3A_292, %mul3A_293 : i32
      %dma_start3A_295 = tpu.memref_slice %arg7[%mul3A_294] : memref<10752xi32, #tpu.memory_space<vmem>> -> memref<64xi32, #tpu.memory_space<vmem>>
      %dma_start3A_296 = arith.constant 0 : i32
      %dma_start3A_297 = arith.constant 0 : i32
      %dma_start3A_298 = tpu.memref_slice %arg2[%dma_start3A_296, %dma_start3A_297] : memref<10000x128xf32, #tpu.memory_space<hbm>> -> memref<10000x128xf32, #tpu.memory_space<hbm>>
      tpu.enqueue_indirect_dma source(%dma_start3A_298 : memref<10000x128xf32, #tpu.memory_space<hbm>>) target(%arg10 : memref<64x128xf32, #tpu.memory_space<vmem>>) offsets(%dma_start3A_295 : memref<64xi32, #tpu.memory_space<vmem>>) semaphore(%arg14 : memref<!tpu.dma_semaphore, #tpu.memory_space<semaphore_mem>>)
      %dma_wait3A_299 = arith.constant 0 : i32
      %dma_wait3A_300 = tpu.memref_slice %arg7[%dma_wait3A_299] : memref<10752xi32, #tpu.memory_space<vmem>> -> memref<64xi32, #tpu.memory_space<vmem>>
      %dma_wait3A_301 = arith.constant 0 : i32
      %dma_wait3A_302 = arith.constant 0 : i32
      %dma_wait3A_303 = tpu.memref_slice %arg2[%dma_wait3A_301, %dma_wait3A_302] : memref<10000x128xf32, #tpu.memory_space<hbm>> -> memref<10000x128xf32, #tpu.memory_space<hbm>>
      tpu.wait_indirect_dma semaphore(%arg15 : memref<!tpu.dma_semaphore, #tpu.memory_space<semaphore_mem>>) src(%dma_wait3A_303 : memref<10000x128xf32, #tpu.memory_space<hbm>>) dst(%arg11 : memref<64x128xf32, #tpu.memory_space<vmem>>)
      %mul3A_304 = arith.constant 3 : i32
      %mul3A_305 = arith.muli %mul3A_304, %scan3A_254 : i32
      %add3A_306 = arith.constant 2 : i32
      %add3A_307 = arith.addi %mul3A_305, %add3A_306 : i32
      %run_scoped3A_308 = arith.constant 1 : i32
      "tpu.region"() ({
        %run_scoped3A_319 = tpu.sem_alloc : memref<!tpu.dma_semaphore, #tpu.memory_space<semaphore_mem>>
        %dma_start3A_320 = arith.constant 0 : i32
        %dma_start3A_321 = tpu.memref_slice %arg8[%run_scoped3A_308, %add3A_307, %dma_start3A_320] : memref<2x24x64xi32, #tpu.memory_space<vmem>> -> memref<1x1x64xi32, #tpu.memory_space<vmem>>
        %dma_start3A_322 = tpu.memref_squeeze %dma_start3A_321 : memref<1x1x64xi32, #tpu.memory_space<vmem>> -> memref<64xi32, #tpu.memory_space<vmem>>
        %dma_start3A_323 = arith.constant 0 : i32
        %dma_start3A_324 = arith.constant 0 : i32
        %dma_start3A_325 = tpu.memref_slice %arg12[%dma_start3A_323, %dma_start3A_324] : memref<10112x128xf32, #tpu.memory_space<vmem_shared>> -> memref<10112x128xf32, #tpu.memory_space<vmem_shared>>
        tpu.enqueue_indirect_dma source(%arg11 : memref<64x128xf32, #tpu.memory_space<vmem>>) target(%dma_start3A_325 : memref<10112x128xf32, #tpu.memory_space<vmem_shared>>) offsets(%dma_start3A_322 : memref<64xi32, #tpu.memory_space<vmem>>) semaphore(%run_scoped3A_319 : memref<!tpu.dma_semaphore, #tpu.memory_space<semaphore_mem>>) {add = true}
        %dma_wait3A_326 = arith.constant 0 : i32
        %dma_wait3A_327 = tpu.memref_slice %arg8[%run_scoped3A_308, %add3A_307, %dma_wait3A_326] : memref<2x24x64xi32, #tpu.memory_space<vmem>> -> memref<1x1x64xi32, #tpu.memory_space<vmem>>
        %dma_wait3A_328 = tpu.memref_squeeze %dma_wait3A_327 : memref<1x1x64xi32, #tpu.memory_space<vmem>> -> memref<64xi32, #tpu.memory_space<vmem>>
        %dma_wait3A_329 = arith.constant 0 : i32
        %dma_wait3A_330 = arith.constant 0 : i32
        %dma_wait3A_331 = tpu.memref_slice %arg12[%dma_wait3A_329, %dma_wait3A_330] : memref<10112x128xf32, #tpu.memory_space<vmem_shared>> -> memref<10112x128xf32, #tpu.memory_space<vmem_shared>>
        tpu.wait_indirect_dma semaphore(%run_scoped3A_319 : memref<!tpu.dma_semaphore, #tpu.memory_space<semaphore_mem>>) src(%arg11 : memref<64x128xf32, #tpu.memory_space<vmem>>) dst(%dma_wait3A_331 : memref<10112x128xf32, #tpu.memory_space<vmem_shared>>)
        tpu.yield
      }) : () -> ()
      %add3A_309 = arith.constant 2 : i32
      %add3A_310 = arith.addi %add3A_258, %add3A_309 : i32
      %add3A_311 = arith.constant 3 : i32
      %add3A_312 = arith.addi %add3A_310, %add3A_311 : i32
      %mul3A_313 = arith.constant 64 : i32
      %mul3A_314 = arith.muli %add3A_312, %mul3A_313 : i32
      %dma_start3A_315 = tpu.memref_slice %arg7[%mul3A_314] : memref<10752xi32, #tpu.memory_space<vmem>> -> memref<64xi32, #tpu.memory_space<vmem>>
      %dma_start3A_316 = arith.constant 0 : i32
      %dma_start3A_317 = arith.constant 0 : i32
      %dma_start3A_318 = tpu.memref_slice %arg2[%dma_start3A_316, %dma_start3A_317] : memref<10000x128xf32, #tpu.memory_space<hbm>> -> memref<10000x128xf32, #tpu.memory_space<hbm>>
      tpu.enqueue_indirect_dma source(%dma_start3A_318 : memref<10000x128xf32, #tpu.memory_space<hbm>>) target(%arg11 : memref<64x128xf32, #tpu.memory_space<vmem>>) offsets(%dma_start3A_315 : memref<64xi32, #tpu.memory_space<vmem>>) semaphore(%arg15 : memref<!tpu.dma_semaphore, #tpu.memory_space<semaphore_mem>>)
    }
    %scan3A_141 = arith.constant 8 : i32
    %add3A_142 = arith.constant 120 : i32
    %add3A_143 = arith.addi %mul3A_4, %add3A_142 : i32
    %dma_start3A_144 = arith.constant 1 : i32
    %dma_start3A_145 = arith.constant 0 : i32
    %dma_start3A_146 = arith.constant 0 : i32
    %dma_start3A_147 = tpu.memref_slice %arg8[%dma_start3A_144, %dma_start3A_145, %dma_start3A_146] : memref<2x24x64xi32, #tpu.memory_space<vmem>> -> memref<1x24x64xi32, #tpu.memory_space<vmem>>
    %dma_start3A_148 = tpu.memref_squeeze %dma_start3A_147 : memref<1x24x64xi32, #tpu.memory_space<vmem>> -> memref<24x64xi32, #tpu.memory_space<vmem>>
    %dma_start3A_149 = arith.constant 0 : i32
    %dma_start3A_150 = tpu.memref_slice %arg4[%add3A_143, %dma_start3A_149] : memref<5376x64xi32, #tpu.memory_space<hbm>> -> memref<24x64xi32, #tpu.memory_space<hbm>>
    %dma_start3A_151 = arith.constant 0 : i32
    %dma_start3A_152 = arith.constant 0 : i32
    %dma_start3A_153 = tpu.memref_slice %arg8[%dma_start3A_144, %dma_start3A_151, %dma_start3A_152] : memref<2x24x64xi32, #tpu.memory_space<vmem>> -> memref<1x24x64xi32, #tpu.memory_space<vmem>>
    %dma_start3A_154 = tpu.memref_squeeze %dma_start3A_153 : memref<1x24x64xi32, #tpu.memory_space<vmem>> -> memref<24x64xi32, #tpu.memory_space<vmem>>
    %dma_start3A_155 = arith.constant 0 : i32
    %dma_start3A_156 = tpu.memref_slice %arg4[%add3A_143, %dma_start3A_155] : memref<5376x64xi32, #tpu.memory_space<hbm>> -> memref<24x64xi32, #tpu.memory_space<hbm>>
    tpu.enqueue_dma source(%dma_start3A_156 : memref<24x64xi32, #tpu.memory_space<hbm>>) target(%dma_start3A_154 : memref<24x64xi32, #tpu.memory_space<vmem>>) target_semaphore(%arg17 : memref<!tpu.dma_semaphore, #tpu.memory_space<semaphore_mem>>)
    %dma_wait3A_157 = arith.constant 0 : i32
    %dma_wait3A_158 = arith.constant 0 : i32
    %dma_wait3A_159 = arith.constant 0 : i32
    %dma_wait3A_160 = tpu.memref_slice %arg8[%dma_wait3A_157, %dma_wait3A_158, %dma_wait3A_159] : memref<2x24x64xi32, #tpu.memory_space<vmem>> -> memref<1x24x64xi32, #tpu.memory_space<vmem>>
    %dma_wait3A_161 = tpu.memref_squeeze %dma_wait3A_160 : memref<1x24x64xi32, #tpu.memory_space<vmem>> -> memref<24x64xi32, #tpu.memory_space<vmem>>
    %dma_wait3A_162 = arith.constant 0 : i32
    %dma_wait3A_163 = tpu.memref_slice %arg4[%mul3A_4, %dma_wait3A_162] : memref<5376x64xi32, #tpu.memory_space<hbm>> -> memref<24x64xi32, #tpu.memory_space<hbm>>
    %dma_wait3A_164 = arith.constant 0 : i32
    %dma_wait3A_165 = arith.constant 0 : i32
    %dma_wait3A_166 = tpu.memref_slice %arg8[%dma_wait3A_157, %dma_wait3A_164, %dma_wait3A_165] : memref<2x24x64xi32, #tpu.memory_space<vmem>> -> memref<1x24x64xi32, #tpu.memory_space<vmem>>
    %dma_wait3A_167 = tpu.memref_squeeze %dma_wait3A_166 : memref<1x24x64xi32, #tpu.memory_space<vmem>> -> memref<24x64xi32, #tpu.memory_space<vmem>>
    %dma_wait3A_168 = arith.constant 0 : i32
    %dma_wait3A_169 = tpu.memref_slice %arg4[%mul3A_4, %dma_wait3A_168] : memref<5376x64xi32, #tpu.memory_space<hbm>> -> memref<24x64xi32, #tpu.memory_space<hbm>>
    tpu.wait_dma2 semaphore(%arg16 : memref<!tpu.dma_semaphore, #tpu.memory_space<semaphore_mem>>) src(%dma_wait3A_169 : memref<24x64xi32, #tpu.memory_space<hbm>>) dst(%dma_wait3A_167 : memref<24x64xi32, #tpu.memory_space<vmem>>)
    %scan3A_170 = arith.constant 0 : i32
    %scan3A_171 = arith.constant 0 : i32
    %scan3A_172 = arith.constant 8 : i32
    %scan3A_173 = arith.addi %scan3A_171, %scan3A_172 : i32
    %scan3A_174 = arith.constant 1 : i32
    scf.for %scan3A_254 = %scan3A_171 to %scan3A_173 step %scan3A_174  : i32 {
      %mul3A_255 = arith.constant 3 : i32
      %mul3A_256 = arith.muli %mul3A_255, %scan3A_254 : i32
      %add3A_257 = arith.constant 96 : i32
      %add3A_258 = arith.addi %add3A_257, %mul3A_256 : i32
      %dma_wait3A_259 = arith.constant 0 : i32
      %dma_wait3A_260 = tpu.memref_slice %arg7[%dma_wait3A_259] : memref<10752xi32, #tpu.memory_space<vmem>> -> memref<64xi32, #tpu.memory_space<vmem>>
      %dma_wait3A_261 = arith.constant 0 : i32
      %dma_wait3A_262 = arith.constant 0 : i32
      %dma_wait3A_263 = tpu.memref_slice %arg2[%dma_wait3A_261, %dma_wait3A_262] : memref<10000x128xf32, #tpu.memory_space<hbm>> -> memref<10000x128xf32, #tpu.memory_space<hbm>>
      tpu.wait_indirect_dma semaphore(%arg13 : memref<!tpu.dma_semaphore, #tpu.memory_space<semaphore_mem>>) src(%dma_wait3A_263 : memref<10000x128xf32, #tpu.memory_space<hbm>>) dst(%arg9 : memref<64x128xf32, #tpu.memory_space<vmem>>)
      %mul3A_264 = arith.constant 3 : i32
      %mul3A_265 = arith.muli %mul3A_264, %scan3A_254 : i32
      %add3A_266 = arith.constant 0 : i32
      %add3A_267 = arith.addi %mul3A_265, %add3A_266 : i32
      %run_scoped3A_268 = arith.constant 0 : i32
      "tpu.region"() ({
        %run_scoped3A_319 = tpu.sem_alloc : memref<!tpu.dma_semaphore, #tpu.memory_space<semaphore_mem>>
        %dma_start3A_320 = arith.constant 0 : i32
        %dma_start3A_321 = tpu.memref_slice %arg8[%run_scoped3A_268, %add3A_267, %dma_start3A_320] : memref<2x24x64xi32, #tpu.memory_space<vmem>> -> memref<1x1x64xi32, #tpu.memory_space<vmem>>
        %dma_start3A_322 = tpu.memref_squeeze %dma_start3A_321 : memref<1x1x64xi32, #tpu.memory_space<vmem>> -> memref<64xi32, #tpu.memory_space<vmem>>
        %dma_start3A_323 = arith.constant 0 : i32
        %dma_start3A_324 = arith.constant 0 : i32
        %dma_start3A_325 = tpu.memref_slice %arg12[%dma_start3A_323, %dma_start3A_324] : memref<10112x128xf32, #tpu.memory_space<vmem_shared>> -> memref<10112x128xf32, #tpu.memory_space<vmem_shared>>
        tpu.enqueue_indirect_dma source(%arg9 : memref<64x128xf32, #tpu.memory_space<vmem>>) target(%dma_start3A_325 : memref<10112x128xf32, #tpu.memory_space<vmem_shared>>) offsets(%dma_start3A_322 : memref<64xi32, #tpu.memory_space<vmem>>) semaphore(%run_scoped3A_319 : memref<!tpu.dma_semaphore, #tpu.memory_space<semaphore_mem>>) {add = true}
        %dma_wait3A_326 = arith.constant 0 : i32
        %dma_wait3A_327 = tpu.memref_slice %arg8[%run_scoped3A_268, %add3A_267, %dma_wait3A_326] : memref<2x24x64xi32, #tpu.memory_space<vmem>> -> memref<1x1x64xi32, #tpu.memory_space<vmem>>
        %dma_wait3A_328 = tpu.memref_squeeze %dma_wait3A_327 : memref<1x1x64xi32, #tpu.memory_space<vmem>> -> memref<64xi32, #tpu.memory_space<vmem>>
        %dma_wait3A_329 = arith.constant 0 : i32
        %dma_wait3A_330 = arith.constant 0 : i32
        %dma_wait3A_331 = tpu.memref_slice %arg12[%dma_wait3A_329, %dma_wait3A_330] : memref<10112x128xf32, #tpu.memory_space<vmem_shared>> -> memref<10112x128xf32, #tpu.memory_space<vmem_shared>>
        tpu.wait_indirect_dma semaphore(%run_scoped3A_319 : memref<!tpu.dma_semaphore, #tpu.memory_space<semaphore_mem>>) src(%arg9 : memref<64x128xf32, #tpu.memory_space<vmem>>) dst(%dma_wait3A_331 : memref<10112x128xf32, #tpu.memory_space<vmem_shared>>)
        tpu.yield
      }) : () -> ()
      %add3A_269 = arith.constant 0 : i32
      %add3A_270 = arith.addi %add3A_258, %add3A_269 : i32
      %add3A_271 = arith.constant 3 : i32
      %add3A_272 = arith.addi %add3A_270, %add3A_271 : i32
      %mul3A_273 = arith.constant 64 : i32
      %mul3A_274 = arith.muli %add3A_272, %mul3A_273 : i32
      %dma_start3A_275 = tpu.memref_slice %arg7[%mul3A_274] : memref<10752xi32, #tpu.memory_space<vmem>> -> memref<64xi32, #tpu.memory_space<vmem>>
      %dma_start3A_276 = arith.constant 0 : i32
      %dma_start3A_277 = arith.constant 0 : i32
      %dma_start3A_278 = tpu.memref_slice %arg2[%dma_start3A_276, %dma_start3A_277] : memref<10000x128xf32, #tpu.memory_space<hbm>> -> memref<10000x128xf32, #tpu.memory_space<hbm>>
      tpu.enqueue_indirect_dma source(%dma_start3A_278 : memref<10000x128xf32, #tpu.memory_space<hbm>>) target(%arg9 : memref<64x128xf32, #tpu.memory_space<vmem>>) offsets(%dma_start3A_275 : memref<64xi32, #tpu.memory_space<vmem>>) semaphore(%arg13 : memref<!tpu.dma_semaphore, #tpu.memory_space<semaphore_mem>>)
      %dma_wait3A_279 = arith.constant 0 : i32
      %dma_wait3A_280 = tpu.memref_slice %arg7[%dma_wait3A_279] : memref<10752xi32, #tpu.memory_space<vmem>> -> memref<64xi32, #tpu.memory_space<vmem>>
      %dma_wait3A_281 = arith.constant 0 : i32
      %dma_wait3A_282 = arith.constant 0 : i32
      %dma_wait3A_283 = tpu.memref_slice %arg2[%dma_wait3A_281, %dma_wait3A_282] : memref<10000x128xf32, #tpu.memory_space<hbm>> -> memref<10000x128xf32, #tpu.memory_space<hbm>>
      tpu.wait_indirect_dma semaphore(%arg14 : memref<!tpu.dma_semaphore, #tpu.memory_space<semaphore_mem>>) src(%dma_wait3A_283 : memref<10000x128xf32, #tpu.memory_space<hbm>>) dst(%arg10 : memref<64x128xf32, #tpu.memory_space<vmem>>)
      %mul3A_284 = arith.constant 3 : i32
      %mul3A_285 = arith.muli %mul3A_284, %scan3A_254 : i32
      %add3A_286 = arith.constant 1 : i32
      %add3A_287 = arith.addi %mul3A_285, %add3A_286 : i32
      %run_scoped3A_288 = arith.constant 0 : i32
      "tpu.region"() ({
        %run_scoped3A_319 = tpu.sem_alloc : memref<!tpu.dma_semaphore, #tpu.memory_space<semaphore_mem>>
        %dma_start3A_320 = arith.constant 0 : i32
        %dma_start3A_321 = tpu.memref_slice %arg8[%run_scoped3A_288, %add3A_287, %dma_start3A_320] : memref<2x24x64xi32, #tpu.memory_space<vmem>> -> memref<1x1x64xi32, #tpu.memory_space<vmem>>
        %dma_start3A_322 = tpu.memref_squeeze %dma_start3A_321 : memref<1x1x64xi32, #tpu.memory_space<vmem>> -> memref<64xi32, #tpu.memory_space<vmem>>
        %dma_start3A_323 = arith.constant 0 : i32
        %dma_start3A_324 = arith.constant 0 : i32
        %dma_start3A_325 = tpu.memref_slice %arg12[%dma_start3A_323, %dma_start3A_324] : memref<10112x128xf32, #tpu.memory_space<vmem_shared>> -> memref<10112x128xf32, #tpu.memory_space<vmem_shared>>
        tpu.enqueue_indirect_dma source(%arg10 : memref<64x128xf32, #tpu.memory_space<vmem>>) target(%dma_start3A_325 : memref<10112x128xf32, #tpu.memory_space<vmem_shared>>) offsets(%dma_start3A_322 : memref<64xi32, #tpu.memory_space<vmem>>) semaphore(%run_scoped3A_319 : memref<!tpu.dma_semaphore, #tpu.memory_space<semaphore_mem>>) {add = true}
        %dma_wait3A_326 = arith.constant 0 : i32
        %dma_wait3A_327 = tpu.memref_slice %arg8[%run_scoped3A_288, %add3A_287, %dma_wait3A_326] : memref<2x24x64xi32, #tpu.memory_space<vmem>> -> memref<1x1x64xi32, #tpu.memory_space<vmem>>
        %dma_wait3A_328 = tpu.memref_squeeze %dma_wait3A_327 : memref<1x1x64xi32, #tpu.memory_space<vmem>> -> memref<64xi32, #tpu.memory_space<vmem>>
        %dma_wait3A_329 = arith.constant 0 : i32
        %dma_wait3A_330 = arith.constant 0 : i32
        %dma_wait3A_331 = tpu.memref_slice %arg12[%dma_wait3A_329, %dma_wait3A_330] : memref<10112x128xf32, #tpu.memory_space<vmem_shared>> -> memref<10112x128xf32, #tpu.memory_space<vmem_shared>>
        tpu.wait_indirect_dma semaphore(%run_scoped3A_319 : memref<!tpu.dma_semaphore, #tpu.memory_space<semaphore_mem>>) src(%arg10 : memref<64x128xf32, #tpu.memory_space<vmem>>) dst(%dma_wait3A_331 : memref<10112x128xf32, #tpu.memory_space<vmem_shared>>)
        tpu.yield
      }) : () -> ()
      %add3A_289 = arith.constant 1 : i32
      %add3A_290 = arith.addi %add3A_258, %add3A_289 : i32
      %add3A_291 = arith.constant 3 : i32
      %add3A_292 = arith.addi %add3A_290, %add3A_291 : i32
      %mul3A_293 = arith.constant 64 : i32
      %mul3A_294 = arith.muli %add3A_292, %mul3A_293 : i32
      %dma_start3A_295 = tpu.memref_slice %arg7[%mul3A_294] : memref<10752xi32, #tpu.memory_space<vmem>> -> memref<64xi32, #tpu.memory_space<vmem>>
      %dma_start3A_296 = arith.constant 0 : i32
      %dma_start3A_297 = arith.constant 0 : i32
      %dma_start3A_298 = tpu.memref_slice %arg2[%dma_start3A_296, %dma_start3A_297] : memref<10000x128xf32, #tpu.memory_space<hbm>> -> memref<10000x128xf32, #tpu.memory_space<hbm>>
      tpu.enqueue_indirect_dma source(%dma_start3A_298 : memref<10000x128xf32, #tpu.memory_space<hbm>>) target(%arg10 : memref<64x128xf32, #tpu.memory_space<vmem>>) offsets(%dma_start3A_295 : memref<64xi32, #tpu.memory_space<vmem>>) semaphore(%arg14 : memref<!tpu.dma_semaphore, #tpu.memory_space<semaphore_mem>>)
      %dma_wait3A_299 = arith.constant 0 : i32
      %dma_wait3A_300 = tpu.memref_slice %arg7[%dma_wait3A_299] : memref<10752xi32, #tpu.memory_space<vmem>> -> memref<64xi32, #tpu.memory_space<vmem>>
      %dma_wait3A_301 = arith.constant 0 : i32
      %dma_wait3A_302 = arith.constant 0 : i32
      %dma_wait3A_303 = tpu.memref_slice %arg2[%dma_wait3A_301, %dma_wait3A_302] : memref<10000x128xf32, #tpu.memory_space<hbm>> -> memref<10000x128xf32, #tpu.memory_space<hbm>>
      tpu.wait_indirect_dma semaphore(%arg15 : memref<!tpu.dma_semaphore, #tpu.memory_space<semaphore_mem>>) src(%dma_wait3A_303 : memref<10000x128xf32, #tpu.memory_space<hbm>>) dst(%arg11 : memref<64x128xf32, #tpu.memory_space<vmem>>)
      %mul3A_304 = arith.constant 3 : i32
      %mul3A_305 = arith.muli %mul3A_304, %scan3A_254 : i32
      %add3A_306 = arith.constant 2 : i32
      %add3A_307 = arith.addi %mul3A_305, %add3A_306 : i32
      %run_scoped3A_308 = arith.constant 0 : i32
      "tpu.region"() ({
        %run_scoped3A_319 = tpu.sem_alloc : memref<!tpu.dma_semaphore, #tpu.memory_space<semaphore_mem>>
        %dma_start3A_320 = arith.constant 0 : i32
        %dma_start3A_321 = tpu.memref_slice %arg8[%run_scoped3A_308, %add3A_307, %dma_start3A_320] : memref<2x24x64xi32, #tpu.memory_space<vmem>> -> memref<1x1x64xi32, #tpu.memory_space<vmem>>
        %dma_start3A_322 = tpu.memref_squeeze %dma_start3A_321 : memref<1x1x64xi32, #tpu.memory_space<vmem>> -> memref<64xi32, #tpu.memory_space<vmem>>
        %dma_start3A_323 = arith.constant 0 : i32
        %dma_start3A_324 = arith.constant 0 : i32
        %dma_start3A_325 = tpu.memref_slice %arg12[%dma_start3A_323, %dma_start3A_324] : memref<10112x128xf32, #tpu.memory_space<vmem_shared>> -> memref<10112x128xf32, #tpu.memory_space<vmem_shared>>
        tpu.enqueue_indirect_dma source(%arg11 : memref<64x128xf32, #tpu.memory_space<vmem>>) target(%dma_start3A_325 : memref<10112x128xf32, #tpu.memory_space<vmem_shared>>) offsets(%dma_start3A_322 : memref<64xi32, #tpu.memory_space<vmem>>) semaphore(%run_scoped3A_319 : memref<!tpu.dma_semaphore, #tpu.memory_space<semaphore_mem>>) {add = true}
        %dma_wait3A_326 = arith.constant 0 : i32
        %dma_wait3A_327 = tpu.memref_slice %arg8[%run_scoped3A_308, %add3A_307, %dma_wait3A_326] : memref<2x24x64xi32, #tpu.memory_space<vmem>> -> memref<1x1x64xi32, #tpu.memory_space<vmem>>
        %dma_wait3A_328 = tpu.memref_squeeze %dma_wait3A_327 : memref<1x1x64xi32, #tpu.memory_space<vmem>> -> memref<64xi32, #tpu.memory_space<vmem>>
        %dma_wait3A_329 = arith.constant 0 : i32
        %dma_wait3A_330 = arith.constant 0 : i32
        %dma_wait3A_331 = tpu.memref_slice %arg12[%dma_wait3A_329, %dma_wait3A_330] : memref<10112x128xf32, #tpu.memory_space<vmem_shared>> -> memref<10112x128xf32, #tpu.memory_space<vmem_shared>>
        tpu.wait_indirect_dma semaphore(%run_scoped3A_319 : memref<!tpu.dma_semaphore, #tpu.memory_space<semaphore_mem>>) src(%arg11 : memref<64x128xf32, #tpu.memory_space<vmem>>) dst(%dma_wait3A_331 : memref<10112x128xf32, #tpu.memory_space<vmem_shared>>)
        tpu.yield
      }) : () -> ()
      %add3A_309 = arith.constant 2 : i32
      %add3A_310 = arith.addi %add3A_258, %add3A_309 : i32
      %add3A_311 = arith.constant 3 : i32
      %add3A_312 = arith.addi %add3A_310, %add3A_311 : i32
      %mul3A_313 = arith.constant 64 : i32
      %mul3A_314 = arith.muli %add3A_312, %mul3A_313 : i32
      %dma_start3A_315 = tpu.memref_slice %arg7[%mul3A_314] : memref<10752xi32, #tpu.memory_space<vmem>> -> memref<64xi32, #tpu.memory_space<vmem>>
      %dma_start3A_316 = arith.constant 0 : i32
      %dma_start3A_317 = arith.constant 0 : i32
      %dma_start3A_318 = tpu.memref_slice %arg2[%dma_start3A_316, %dma_start3A_317] : memref<10000x128xf32, #tpu.memory_space<hbm>> -> memref<10000x128xf32, #tpu.memory_space<hbm>>
      tpu.enqueue_indirect_dma source(%dma_start3A_318 : memref<10000x128xf32, #tpu.memory_space<hbm>>) target(%arg11 : memref<64x128xf32, #tpu.memory_space<vmem>>) offsets(%dma_start3A_315 : memref<64xi32, #tpu.memory_space<vmem>>) semaphore(%arg15 : memref<!tpu.dma_semaphore, #tpu.memory_space<semaphore_mem>>)
    }
    %scan3A_175 = arith.constant 8 : i32
    %add3A_176 = arith.constant 144 : i32
    %add3A_177 = arith.addi %mul3A_4, %add3A_176 : i32
    %dma_start3A_178 = arith.constant 0 : i32
    %dma_start3A_179 = arith.constant 0 : i32
    %dma_start3A_180 = arith.constant 0 : i32
    %dma_start3A_181 = tpu.memref_slice %arg8[%dma_start3A_178, %dma_start3A_179, %dma_start3A_180] : memref<2x24x64xi32, #tpu.memory_space<vmem>> -> memref<1x24x64xi32, #tpu.memory_space<vmem>>
    %dma_start3A_182 = tpu.memref_squeeze %dma_start3A_181 : memref<1x24x64xi32, #tpu.memory_space<vmem>> -> memref<24x64xi32, #tpu.memory_space<vmem>>
    %dma_start3A_183 = arith.constant 0 : i32
    %dma_start3A_184 = tpu.memref_slice %arg4[%add3A_177, %dma_start3A_183] : memref<5376x64xi32, #tpu.memory_space<hbm>> -> memref<24x64xi32, #tpu.memory_space<hbm>>
    %dma_start3A_185 = arith.constant 0 : i32
    %dma_start3A_186 = arith.constant 0 : i32
    %dma_start3A_187 = tpu.memref_slice %arg8[%dma_start3A_178, %dma_start3A_185, %dma_start3A_186] : memref<2x24x64xi32, #tpu.memory_space<vmem>> -> memref<1x24x64xi32, #tpu.memory_space<vmem>>
    %dma_start3A_188 = tpu.memref_squeeze %dma_start3A_187 : memref<1x24x64xi32, #tpu.memory_space<vmem>> -> memref<24x64xi32, #tpu.memory_space<vmem>>
    %dma_start3A_189 = arith.constant 0 : i32
    %dma_start3A_190 = tpu.memref_slice %arg4[%add3A_177, %dma_start3A_189] : memref<5376x64xi32, #tpu.memory_space<hbm>> -> memref<24x64xi32, #tpu.memory_space<hbm>>
    tpu.enqueue_dma source(%dma_start3A_190 : memref<24x64xi32, #tpu.memory_space<hbm>>) target(%dma_start3A_188 : memref<24x64xi32, #tpu.memory_space<vmem>>) target_semaphore(%arg16 : memref<!tpu.dma_semaphore, #tpu.memory_space<semaphore_mem>>)
    %dma_wait3A_191 = arith.constant 1 : i32
    %dma_wait3A_192 = arith.constant 0 : i32
    %dma_wait3A_193 = arith.constant 0 : i32
    %dma_wait3A_194 = tpu.memref_slice %arg8[%dma_wait3A_191, %dma_wait3A_192, %dma_wait3A_193] : memref<2x24x64xi32, #tpu.memory_space<vmem>> -> memref<1x24x64xi32, #tpu.memory_space<vmem>>
    %dma_wait3A_195 = tpu.memref_squeeze %dma_wait3A_194 : memref<1x24x64xi32, #tpu.memory_space<vmem>> -> memref<24x64xi32, #tpu.memory_space<vmem>>
    %dma_wait3A_196 = arith.constant 0 : i32
    %dma_wait3A_197 = tpu.memref_slice %arg4[%mul3A_4, %dma_wait3A_196] : memref<5376x64xi32, #tpu.memory_space<hbm>> -> memref<24x64xi32, #tpu.memory_space<hbm>>
    %dma_wait3A_198 = arith.constant 0 : i32
    %dma_wait3A_199 = arith.constant 0 : i32
    %dma_wait3A_200 = tpu.memref_slice %arg8[%dma_wait3A_191, %dma_wait3A_198, %dma_wait3A_199] : memref<2x24x64xi32, #tpu.memory_space<vmem>> -> memref<1x24x64xi32, #tpu.memory_space<vmem>>
    %dma_wait3A_201 = tpu.memref_squeeze %dma_wait3A_200 : memref<1x24x64xi32, #tpu.memory_space<vmem>> -> memref<24x64xi32, #tpu.memory_space<vmem>>
    %dma_wait3A_202 = arith.constant 0 : i32
    %dma_wait3A_203 = tpu.memref_slice %arg4[%mul3A_4, %dma_wait3A_202] : memref<5376x64xi32, #tpu.memory_space<hbm>> -> memref<24x64xi32, #tpu.memory_space<hbm>>
    tpu.wait_dma2 semaphore(%arg17 : memref<!tpu.dma_semaphore, #tpu.memory_space<semaphore_mem>>) src(%dma_wait3A_203 : memref<24x64xi32, #tpu.memory_space<hbm>>) dst(%dma_wait3A_201 : memref<24x64xi32, #tpu.memory_space<vmem>>)
    %scan3A_204 = arith.constant 0 : i32
    %scan3A_205 = arith.constant 0 : i32
    %scan3A_206 = arith.constant 8 : i32
    %scan3A_207 = arith.addi %scan3A_205, %scan3A_206 : i32
    %scan3A_208 = arith.constant 1 : i32
    scf.for %scan3A_254 = %scan3A_205 to %scan3A_207 step %scan3A_208  : i32 {
      %mul3A_255 = arith.constant 3 : i32
      %mul3A_256 = arith.muli %mul3A_255, %scan3A_254 : i32
      %add3A_257 = arith.constant 120 : i32
      %add3A_258 = arith.addi %add3A_257, %mul3A_256 : i32
      %dma_wait3A_259 = arith.constant 0 : i32
      %dma_wait3A_260 = tpu.memref_slice %arg7[%dma_wait3A_259] : memref<10752xi32, #tpu.memory_space<vmem>> -> memref<64xi32, #tpu.memory_space<vmem>>
      %dma_wait3A_261 = arith.constant 0 : i32
      %dma_wait3A_262 = arith.constant 0 : i32
      %dma_wait3A_263 = tpu.memref_slice %arg2[%dma_wait3A_261, %dma_wait3A_262] : memref<10000x128xf32, #tpu.memory_space<hbm>> -> memref<10000x128xf32, #tpu.memory_space<hbm>>
      tpu.wait_indirect_dma semaphore(%arg13 : memref<!tpu.dma_semaphore, #tpu.memory_space<semaphore_mem>>) src(%dma_wait3A_263 : memref<10000x128xf32, #tpu.memory_space<hbm>>) dst(%arg9 : memref<64x128xf32, #tpu.memory_space<vmem>>)
      %mul3A_264 = arith.constant 3 : i32
      %mul3A_265 = arith.muli %mul3A_264, %scan3A_254 : i32
      %add3A_266 = arith.constant 0 : i32
      %add3A_267 = arith.addi %mul3A_265, %add3A_266 : i32
      %run_scoped3A_268 = arith.constant 1 : i32
      "tpu.region"() ({
        %run_scoped3A_319 = tpu.sem_alloc : memref<!tpu.dma_semaphore, #tpu.memory_space<semaphore_mem>>
        %dma_start3A_320 = arith.constant 0 : i32
        %dma_start3A_321 = tpu.memref_slice %arg8[%run_scoped3A_268, %add3A_267, %dma_start3A_320] : memref<2x24x64xi32, #tpu.memory_space<vmem>> -> memref<1x1x64xi32, #tpu.memory_space<vmem>>
        %dma_start3A_322 = tpu.memref_squeeze %dma_start3A_321 : memref<1x1x64xi32, #tpu.memory_space<vmem>> -> memref<64xi32, #tpu.memory_space<vmem>>
        %dma_start3A_323 = arith.constant 0 : i32
        %dma_start3A_324 = arith.constant 0 : i32
        %dma_start3A_325 = tpu.memref_slice %arg12[%dma_start3A_323, %dma_start3A_324] : memref<10112x128xf32, #tpu.memory_space<vmem_shared>> -> memref<10112x128xf32, #tpu.memory_space<vmem_shared>>
        tpu.enqueue_indirect_dma source(%arg9 : memref<64x128xf32, #tpu.memory_space<vmem>>) target(%dma_start3A_325 : memref<10112x128xf32, #tpu.memory_space<vmem_shared>>) offsets(%dma_start3A_322 : memref<64xi32, #tpu.memory_space<vmem>>) semaphore(%run_scoped3A_319 : memref<!tpu.dma_semaphore, #tpu.memory_space<semaphore_mem>>) {add = true}
        %dma_wait3A_326 = arith.constant 0 : i32
        %dma_wait3A_327 = tpu.memref_slice %arg8[%run_scoped3A_268, %add3A_267, %dma_wait3A_326] : memref<2x24x64xi32, #tpu.memory_space<vmem>> -> memref<1x1x64xi32, #tpu.memory_space<vmem>>
        %dma_wait3A_328 = tpu.memref_squeeze %dma_wait3A_327 : memref<1x1x64xi32, #tpu.memory_space<vmem>> -> memref<64xi32, #tpu.memory_space<vmem>>
        %dma_wait3A_329 = arith.constant 0 : i32
        %dma_wait3A_330 = arith.constant 0 : i32
        %dma_wait3A_331 = tpu.memref_slice %arg12[%dma_wait3A_329, %dma_wait3A_330] : memref<10112x128xf32, #tpu.memory_space<vmem_shared>> -> memref<10112x128xf32, #tpu.memory_space<vmem_shared>>
        tpu.wait_indirect_dma semaphore(%run_scoped3A_319 : memref<!tpu.dma_semaphore, #tpu.memory_space<semaphore_mem>>) src(%arg9 : memref<64x128xf32, #tpu.memory_space<vmem>>) dst(%dma_wait3A_331 : memref<10112x128xf32, #tpu.memory_space<vmem_shared>>)
        tpu.yield
      }) : () -> ()
      %add3A_269 = arith.constant 0 : i32
      %add3A_270 = arith.addi %add3A_258, %add3A_269 : i32
      %add3A_271 = arith.constant 3 : i32
      %add3A_272 = arith.addi %add3A_270, %add3A_271 : i32
      %mul3A_273 = arith.constant 64 : i32
      %mul3A_274 = arith.muli %add3A_272, %mul3A_273 : i32
      %dma_start3A_275 = tpu.memref_slice %arg7[%mul3A_274] : memref<10752xi32, #tpu.memory_space<vmem>> -> memref<64xi32, #tpu.memory_space<vmem>>
      %dma_start3A_276 = arith.constant 0 : i32
      %dma_start3A_277 = arith.constant 0 : i32
      %dma_start3A_278 = tpu.memref_slice %arg2[%dma_start3A_276, %dma_start3A_277] : memref<10000x128xf32, #tpu.memory_space<hbm>> -> memref<10000x128xf32, #tpu.memory_space<hbm>>
      tpu.enqueue_indirect_dma source(%dma_start3A_278 : memref<10000x128xf32, #tpu.memory_space<hbm>>) target(%arg9 : memref<64x128xf32, #tpu.memory_space<vmem>>) offsets(%dma_start3A_275 : memref<64xi32, #tpu.memory_space<vmem>>) semaphore(%arg13 : memref<!tpu.dma_semaphore, #tpu.memory_space<semaphore_mem>>)
      %dma_wait3A_279 = arith.constant 0 : i32
      %dma_wait3A_280 = tpu.memref_slice %arg7[%dma_wait3A_279] : memref<10752xi32, #tpu.memory_space<vmem>> -> memref<64xi32, #tpu.memory_space<vmem>>
      %dma_wait3A_281 = arith.constant 0 : i32
      %dma_wait3A_282 = arith.constant 0 : i32
      %dma_wait3A_283 = tpu.memref_slice %arg2[%dma_wait3A_281, %dma_wait3A_282] : memref<10000x128xf32, #tpu.memory_space<hbm>> -> memref<10000x128xf32, #tpu.memory_space<hbm>>
      tpu.wait_indirect_dma semaphore(%arg14 : memref<!tpu.dma_semaphore, #tpu.memory_space<semaphore_mem>>) src(%dma_wait3A_283 : memref<10000x128xf32, #tpu.memory_space<hbm>>) dst(%arg10 : memref<64x128xf32, #tpu.memory_space<vmem>>)
      %mul3A_284 = arith.constant 3 : i32
      %mul3A_285 = arith.muli %mul3A_284, %scan3A_254 : i32
      %add3A_286 = arith.constant 1 : i32
      %add3A_287 = arith.addi %mul3A_285, %add3A_286 : i32
      %run_scoped3A_288 = arith.constant 1 : i32
      "tpu.region"() ({
        %run_scoped3A_319 = tpu.sem_alloc : memref<!tpu.dma_semaphore, #tpu.memory_space<semaphore_mem>>
        %dma_start3A_320 = arith.constant 0 : i32
        %dma_start3A_321 = tpu.memref_slice %arg8[%run_scoped3A_288, %add3A_287, %dma_start3A_320] : memref<2x24x64xi32, #tpu.memory_space<vmem>> -> memref<1x1x64xi32, #tpu.memory_space<vmem>>
        %dma_start3A_322 = tpu.memref_squeeze %dma_start3A_321 : memref<1x1x64xi32, #tpu.memory_space<vmem>> -> memref<64xi32, #tpu.memory_space<vmem>>
        %dma_start3A_323 = arith.constant 0 : i32
        %dma_start3A_324 = arith.constant 0 : i32
        %dma_start3A_325 = tpu.memref_slice %arg12[%dma_start3A_323, %dma_start3A_324] : memref<10112x128xf32, #tpu.memory_space<vmem_shared>> -> memref<10112x128xf32, #tpu.memory_space<vmem_shared>>
        tpu.enqueue_indirect_dma source(%arg10 : memref<64x128xf32, #tpu.memory_space<vmem>>) target(%dma_start3A_325 : memref<10112x128xf32, #tpu.memory_space<vmem_shared>>) offsets(%dma_start3A_322 : memref<64xi32, #tpu.memory_space<vmem>>) semaphore(%run_scoped3A_319 : memref<!tpu.dma_semaphore, #tpu.memory_space<semaphore_mem>>) {add = true}
        %dma_wait3A_326 = arith.constant 0 : i32
        %dma_wait3A_327 = tpu.memref_slice %arg8[%run_scoped3A_288, %add3A_287, %dma_wait3A_326] : memref<2x24x64xi32, #tpu.memory_space<vmem>> -> memref<1x1x64xi32, #tpu.memory_space<vmem>>
        %dma_wait3A_328 = tpu.memref_squeeze %dma_wait3A_327 : memref<1x1x64xi32, #tpu.memory_space<vmem>> -> memref<64xi32, #tpu.memory_space<vmem>>
        %dma_wait3A_329 = arith.constant 0 : i32
        %dma_wait3A_330 = arith.constant 0 : i32
        %dma_wait3A_331 = tpu.memref_slice %arg12[%dma_wait3A_329, %dma_wait3A_330] : memref<10112x128xf32, #tpu.memory_space<vmem_shared>> -> memref<10112x128xf32, #tpu.memory_space<vmem_shared>>
        tpu.wait_indirect_dma semaphore(%run_scoped3A_319 : memref<!tpu.dma_semaphore, #tpu.memory_space<semaphore_mem>>) src(%arg10 : memref<64x128xf32, #tpu.memory_space<vmem>>) dst(%dma_wait3A_331 : memref<10112x128xf32, #tpu.memory_space<vmem_shared>>)
        tpu.yield
      }) : () -> ()
      %add3A_289 = arith.constant 1 : i32
      %add3A_290 = arith.addi %add3A_258, %add3A_289 : i32
      %add3A_291 = arith.constant 3 : i32
      %add3A_292 = arith.addi %add3A_290, %add3A_291 : i32
      %mul3A_293 = arith.constant 64 : i32
      %mul3A_294 = arith.muli %add3A_292, %mul3A_293 : i32
      %dma_start3A_295 = tpu.memref_slice %arg7[%mul3A_294] : memref<10752xi32, #tpu.memory_space<vmem>> -> memref<64xi32, #tpu.memory_space<vmem>>
      %dma_start3A_296 = arith.constant 0 : i32
      %dma_start3A_297 = arith.constant 0 : i32
      %dma_start3A_298 = tpu.memref_slice %arg2[%dma_start3A_296, %dma_start3A_297] : memref<10000x128xf32, #tpu.memory_space<hbm>> -> memref<10000x128xf32, #tpu.memory_space<hbm>>
      tpu.enqueue_indirect_dma source(%dma_start3A_298 : memref<10000x128xf32, #tpu.memory_space<hbm>>) target(%arg10 : memref<64x128xf32, #tpu.memory_space<vmem>>) offsets(%dma_start3A_295 : memref<64xi32, #tpu.memory_space<vmem>>) semaphore(%arg14 : memref<!tpu.dma_semaphore, #tpu.memory_space<semaphore_mem>>)
      %dma_wait3A_299 = arith.constant 0 : i32
      %dma_wait3A_300 = tpu.memref_slice %arg7[%dma_wait3A_299] : memref<10752xi32, #tpu.memory_space<vmem>> -> memref<64xi32, #tpu.memory_space<vmem>>
      %dma_wait3A_301 = arith.constant 0 : i32
      %dma_wait3A_302 = arith.constant 0 : i32
      %dma_wait3A_303 = tpu.memref_slice %arg2[%dma_wait3A_301, %dma_wait3A_302] : memref<10000x128xf32, #tpu.memory_space<hbm>> -> memref<10000x128xf32, #tpu.memory_space<hbm>>
      tpu.wait_indirect_dma semaphore(%arg15 : memref<!tpu.dma_semaphore, #tpu.memory_space<semaphore_mem>>) src(%dma_wait3A_303 : memref<10000x128xf32, #tpu.memory_space<hbm>>) dst(%arg11 : memref<64x128xf32, #tpu.memory_space<vmem>>)
      %mul3A_304 = arith.constant 3 : i32
      %mul3A_305 = arith.muli %mul3A_304, %scan3A_254 : i32
      %add3A_306 = arith.constant 2 : i32
      %add3A_307 = arith.addi %mul3A_305, %add3A_306 : i32
      %run_scoped3A_308 = arith.constant 1 : i32
      "tpu.region"() ({
        %run_scoped3A_319 = tpu.sem_alloc : memref<!tpu.dma_semaphore, #tpu.memory_space<semaphore_mem>>
        %dma_start3A_320 = arith.constant 0 : i32
        %dma_start3A_321 = tpu.memref_slice %arg8[%run_scoped3A_308, %add3A_307, %dma_start3A_320] : memref<2x24x64xi32, #tpu.memory_space<vmem>> -> memref<1x1x64xi32, #tpu.memory_space<vmem>>
        %dma_start3A_322 = tpu.memref_squeeze %dma_start3A_321 : memref<1x1x64xi32, #tpu.memory_space<vmem>> -> memref<64xi32, #tpu.memory_space<vmem>>
        %dma_start3A_323 = arith.constant 0 : i32
        %dma_start3A_324 = arith.constant 0 : i32
        %dma_start3A_325 = tpu.memref_slice %arg12[%dma_start3A_323, %dma_start3A_324] : memref<10112x128xf32, #tpu.memory_space<vmem_shared>> -> memref<10112x128xf32, #tpu.memory_space<vmem_shared>>
        tpu.enqueue_indirect_dma source(%arg11 : memref<64x128xf32, #tpu.memory_space<vmem>>) target(%dma_start3A_325 : memref<10112x128xf32, #tpu.memory_space<vmem_shared>>) offsets(%dma_start3A_322 : memref<64xi32, #tpu.memory_space<vmem>>) semaphore(%run_scoped3A_319 : memref<!tpu.dma_semaphore, #tpu.memory_space<semaphore_mem>>) {add = true}
        %dma_wait3A_326 = arith.constant 0 : i32
        %dma_wait3A_327 = tpu.memref_slice %arg8[%run_scoped3A_308, %add3A_307, %dma_wait3A_326] : memref<2x24x64xi32, #tpu.memory_space<vmem>> -> memref<1x1x64xi32, #tpu.memory_space<vmem>>
        %dma_wait3A_328 = tpu.memref_squeeze %dma_wait3A_327 : memref<1x1x64xi32, #tpu.memory_space<vmem>> -> memref<64xi32, #tpu.memory_space<vmem>>
        %dma_wait3A_329 = arith.constant 0 : i32
        %dma_wait3A_330 = arith.constant 0 : i32
        %dma_wait3A_331 = tpu.memref_slice %arg12[%dma_wait3A_329, %dma_wait3A_330] : memref<10112x128xf32, #tpu.memory_space<vmem_shared>> -> memref<10112x128xf32, #tpu.memory_space<vmem_shared>>
        tpu.wait_indirect_dma semaphore(%run_scoped3A_319 : memref<!tpu.dma_semaphore, #tpu.memory_space<semaphore_mem>>) src(%arg11 : memref<64x128xf32, #tpu.memory_space<vmem>>) dst(%dma_wait3A_331 : memref<10112x128xf32, #tpu.memory_space<vmem_shared>>)
        tpu.yield
      }) : () -> ()
      %add3A_309 = arith.constant 2 : i32
      %add3A_310 = arith.addi %add3A_258, %add3A_309 : i32
      %add3A_311 = arith.constant 3 : i32
      %add3A_312 = arith.addi %add3A_310, %add3A_311 : i32
      %mul3A_313 = arith.constant 64 : i32
      %mul3A_314 = arith.muli %add3A_312, %mul3A_313 : i32
      %dma_start3A_315 = tpu.memref_slice %arg7[%mul3A_314] : memref<10752xi32, #tpu.memory_space<vmem>> -> memref<64xi32, #tpu.memory_space<vmem>>
      %dma_start3A_316 = arith.constant 0 : i32
      %dma_start3A_317 = arith.constant 0 : i32
      %dma_start3A_318 = tpu.memref_slice %arg2[%dma_start3A_316, %dma_start3A_317] : memref<10000x128xf32, #tpu.memory_space<hbm>> -> memref<10000x128xf32, #tpu.memory_space<hbm>>
      tpu.enqueue_indirect_dma source(%dma_start3A_318 : memref<10000x128xf32, #tpu.memory_space<hbm>>) target(%arg11 : memref<64x128xf32, #tpu.memory_space<vmem>>) offsets(%dma_start3A_315 : memref<64xi32, #tpu.memory_space<vmem>>) semaphore(%arg15 : memref<!tpu.dma_semaphore, #tpu.memory_space<semaphore_mem>>)
    }
    %scan3A_209 = arith.constant 8 : i32
    %dma_wait3A_210 = arith.constant 0 : i32
    %dma_wait3A_211 = arith.constant 0 : i32
    %dma_wait3A_212 = arith.constant 0 : i32
    %dma_wait3A_213 = tpu.memref_slice %arg8[%dma_wait3A_210, %dma_wait3A_211, %dma_wait3A_212] : memref<2x24x64xi32, #tpu.memory_space<vmem>> -> memref<1x24x64xi32, #tpu.memory_space<vmem>>
    %dma_wait3A_214 = tpu.memref_squeeze %dma_wait3A_213 : memref<1x24x64xi32, #tpu.memory_space<vmem>> -> memref<24x64xi32, #tpu.memory_space<vmem>>
    %dma_wait3A_215 = arith.constant 0 : i32
    %dma_wait3A_216 = tpu.memref_slice %arg4[%mul3A_4, %dma_wait3A_215] : memref<5376x64xi32, #tpu.memory_space<hbm>> -> memref<24x64xi32, #tpu.memory_space<hbm>>
    %dma_wait3A_217 = arith.constant 0 : i32
    %dma_wait3A_218 = arith.constant 0 : i32
    %dma_wait3A_219 = tpu.memref_slice %arg8[%dma_wait3A_210, %dma_wait3A_217, %dma_wait3A_218] : memref<2x24x64xi32, #tpu.memory_space<vmem>> -> memref<1x24x64xi32, #tpu.memory_space<vmem>>
    %dma_wait3A_220 = tpu.memref_squeeze %dma_wait3A_219 : memref<1x24x64xi32, #tpu.memory_space<vmem>> -> memref<24x64xi32, #tpu.memory_space<vmem>>
    %dma_wait3A_221 = arith.constant 0 : i32
    %dma_wait3A_222 = tpu.memref_slice %arg4[%mul3A_4, %dma_wait3A_221] : memref<5376x64xi32, #tpu.memory_space<hbm>> -> memref<24x64xi32, #tpu.memory_space<hbm>>
    tpu.wait_dma2 semaphore(%arg16 : memref<!tpu.dma_semaphore, #tpu.memory_space<semaphore_mem>>) src(%dma_wait3A_222 : memref<24x64xi32, #tpu.memory_space<hbm>>) dst(%dma_wait3A_220 : memref<24x64xi32, #tpu.memory_space<vmem>>)
    %scan3A_223 = arith.constant 0 : i32
    %scan3A_224 = arith.constant 0 : i32
    %scan3A_225 = arith.constant 7 : i32
    %scan3A_226 = arith.addi %scan3A_224, %scan3A_225 : i32
    %scan3A_227 = arith.constant 1 : i32
    scf.for %scan3A_254 = %scan3A_224 to %scan3A_226 step %scan3A_227  : i32 {
      %mul3A_255 = arith.constant 3 : i32
      %mul3A_256 = arith.muli %mul3A_255, %scan3A_254 : i32
      %add3A_257 = arith.constant 144 : i32
      %add3A_258 = arith.addi %add3A_257, %mul3A_256 : i32
      %dma_wait3A_259 = arith.constant 0 : i32
      %dma_wait3A_260 = tpu.memref_slice %arg7[%dma_wait3A_259] : memref<10752xi32, #tpu.memory_space<vmem>> -> memref<64xi32, #tpu.memory_space<vmem>>
      %dma_wait3A_261 = arith.constant 0 : i32
      %dma_wait3A_262 = arith.constant 0 : i32
      %dma_wait3A_263 = tpu.memref_slice %arg2[%dma_wait3A_261, %dma_wait3A_262] : memref<10000x128xf32, #tpu.memory_space<hbm>> -> memref<10000x128xf32, #tpu.memory_space<hbm>>
      tpu.wait_indirect_dma semaphore(%arg13 : memref<!tpu.dma_semaphore, #tpu.memory_space<semaphore_mem>>) src(%dma_wait3A_263 : memref<10000x128xf32, #tpu.memory_space<hbm>>) dst(%arg9 : memref<64x128xf32, #tpu.memory_space<vmem>>)
      %mul3A_264 = arith.constant 3 : i32
      %mul3A_265 = arith.muli %mul3A_264, %scan3A_254 : i32
      %add3A_266 = arith.constant 0 : i32
      %add3A_267 = arith.addi %mul3A_265, %add3A_266 : i32
      %run_scoped3A_268 = arith.constant 0 : i32
      "tpu.region"() ({
        %run_scoped3A_324 = tpu.sem_alloc : memref<!tpu.dma_semaphore, #tpu.memory_space<semaphore_mem>>
        %dma_start3A_325 = arith.constant 0 : i32
        %dma_start3A_326 = tpu.memref_slice %arg8[%run_scoped3A_268, %add3A_267, %dma_start3A_325] : memref<2x24x64xi32, #tpu.memory_space<vmem>> -> memref<1x1x64xi32, #tpu.memory_space<vmem>>
        %dma_start3A_327 = tpu.memref_squeeze %dma_start3A_326 : memref<1x1x64xi32, #tpu.memory_space<vmem>> -> memref<64xi32, #tpu.memory_space<vmem>>
        %dma_start3A_328 = arith.constant 0 : i32
        %dma_start3A_329 = arith.constant 0 : i32
        %dma_start3A_330 = tpu.memref_slice %arg12[%dma_start3A_328, %dma_start3A_329] : memref<10112x128xf32, #tpu.memory_space<vmem_shared>> -> memref<10112x128xf32, #tpu.memory_space<vmem_shared>>
        tpu.enqueue_indirect_dma source(%arg9 : memref<64x128xf32, #tpu.memory_space<vmem>>) target(%dma_start3A_330 : memref<10112x128xf32, #tpu.memory_space<vmem_shared>>) offsets(%dma_start3A_327 : memref<64xi32, #tpu.memory_space<vmem>>) semaphore(%run_scoped3A_324 : memref<!tpu.dma_semaphore, #tpu.memory_space<semaphore_mem>>) {add = true}
        %dma_wait3A_331 = arith.constant 0 : i32
        %dma_wait3A_332 = tpu.memref_slice %arg8[%run_scoped3A_268, %add3A_267, %dma_wait3A_331] : memref<2x24x64xi32, #tpu.memory_space<vmem>> -> memref<1x1x64xi32, #tpu.memory_space<vmem>>
        %dma_wait3A_333 = tpu.memref_squeeze %dma_wait3A_332 : memref<1x1x64xi32, #tpu.memory_space<vmem>> -> memref<64xi32, #tpu.memory_space<vmem>>
        %dma_wait3A_334 = arith.constant 0 : i32
        %dma_wait3A_335 = arith.constant 0 : i32
        %dma_wait3A_336 = tpu.memref_slice %arg12[%dma_wait3A_334, %dma_wait3A_335] : memref<10112x128xf32, #tpu.memory_space<vmem_shared>> -> memref<10112x128xf32, #tpu.memory_space<vmem_shared>>
        tpu.wait_indirect_dma semaphore(%run_scoped3A_324 : memref<!tpu.dma_semaphore, #tpu.memory_space<semaphore_mem>>) src(%arg9 : memref<64x128xf32, #tpu.memory_space<vmem>>) dst(%dma_wait3A_336 : memref<10112x128xf32, #tpu.memory_space<vmem_shared>>)
        tpu.yield
      }) : () -> ()
      %add3A_269 = arith.constant 0 : i32
      %add3A_270 = arith.addi %add3A_258, %add3A_269 : i32
      %add3A_271 = arith.constant 3 : i32
      %add3A_272 = arith.addi %add3A_270, %add3A_271 : i32
      %min3A = arith.constant 167 : i32
      %min3A_273 = arith.minsi %add3A_272, %min3A : i32
      %mul3A_274 = arith.constant 64 : i32
      %mul3A_275 = arith.muli %min3A_273, %mul3A_274 : i32
      %dma_start3A_276 = tpu.memref_slice %arg7[%mul3A_275] : memref<10752xi32, #tpu.memory_space<vmem>> -> memref<64xi32, #tpu.memory_space<vmem>>
      %dma_start3A_277 = arith.constant 0 : i32
      %dma_start3A_278 = arith.constant 0 : i32
      %dma_start3A_279 = tpu.memref_slice %arg2[%dma_start3A_277, %dma_start3A_278] : memref<10000x128xf32, #tpu.memory_space<hbm>> -> memref<10000x128xf32, #tpu.memory_space<hbm>>
      tpu.enqueue_indirect_dma source(%dma_start3A_279 : memref<10000x128xf32, #tpu.memory_space<hbm>>) target(%arg9 : memref<64x128xf32, #tpu.memory_space<vmem>>) offsets(%dma_start3A_276 : memref<64xi32, #tpu.memory_space<vmem>>) semaphore(%arg13 : memref<!tpu.dma_semaphore, #tpu.memory_space<semaphore_mem>>)
      %dma_wait3A_280 = arith.constant 0 : i32
      %dma_wait3A_281 = tpu.memref_slice %arg7[%dma_wait3A_280] : memref<10752xi32, #tpu.memory_space<vmem>> -> memref<64xi32, #tpu.memory_space<vmem>>
      %dma_wait3A_282 = arith.constant 0 : i32
      %dma_wait3A_283 = arith.constant 0 : i32
      %dma_wait3A_284 = tpu.memref_slice %arg2[%dma_wait3A_282, %dma_wait3A_283] : memref<10000x128xf32, #tpu.memory_space<hbm>> -> memref<10000x128xf32, #tpu.memory_space<hbm>>
      tpu.wait_indirect_dma semaphore(%arg14 : memref<!tpu.dma_semaphore, #tpu.memory_space<semaphore_mem>>) src(%dma_wait3A_284 : memref<10000x128xf32, #tpu.memory_space<hbm>>) dst(%arg10 : memref<64x128xf32, #tpu.memory_space<vmem>>)
      %mul3A_285 = arith.constant 3 : i32
      %mul3A_286 = arith.muli %mul3A_285, %scan3A_254 : i32
      %add3A_287 = arith.constant 1 : i32
      %add3A_288 = arith.addi %mul3A_286, %add3A_287 : i32
      %run_scoped3A_289 = arith.constant 0 : i32
      "tpu.region"() ({
        %run_scoped3A_324 = tpu.sem_alloc : memref<!tpu.dma_semaphore, #tpu.memory_space<semaphore_mem>>
        %dma_start3A_325 = arith.constant 0 : i32
        %dma_start3A_326 = tpu.memref_slice %arg8[%run_scoped3A_289, %add3A_288, %dma_start3A_325] : memref<2x24x64xi32, #tpu.memory_space<vmem>> -> memref<1x1x64xi32, #tpu.memory_space<vmem>>
        %dma_start3A_327 = tpu.memref_squeeze %dma_start3A_326 : memref<1x1x64xi32, #tpu.memory_space<vmem>> -> memref<64xi32, #tpu.memory_space<vmem>>
        %dma_start3A_328 = arith.constant 0 : i32
        %dma_start3A_329 = arith.constant 0 : i32
        %dma_start3A_330 = tpu.memref_slice %arg12[%dma_start3A_328, %dma_start3A_329] : memref<10112x128xf32, #tpu.memory_space<vmem_shared>> -> memref<10112x128xf32, #tpu.memory_space<vmem_shared>>
        tpu.enqueue_indirect_dma source(%arg10 : memref<64x128xf32, #tpu.memory_space<vmem>>) target(%dma_start3A_330 : memref<10112x128xf32, #tpu.memory_space<vmem_shared>>) offsets(%dma_start3A_327 : memref<64xi32, #tpu.memory_space<vmem>>) semaphore(%run_scoped3A_324 : memref<!tpu.dma_semaphore, #tpu.memory_space<semaphore_mem>>) {add = true}
        %dma_wait3A_331 = arith.constant 0 : i32
        %dma_wait3A_332 = tpu.memref_slice %arg8[%run_scoped3A_289, %add3A_288, %dma_wait3A_331] : memref<2x24x64xi32, #tpu.memory_space<vmem>> -> memref<1x1x64xi32, #tpu.memory_space<vmem>>
        %dma_wait3A_333 = tpu.memref_squeeze %dma_wait3A_332 : memref<1x1x64xi32, #tpu.memory_space<vmem>> -> memref<64xi32, #tpu.memory_space<vmem>>
        %dma_wait3A_334 = arith.constant 0 : i32
        %dma_wait3A_335 = arith.constant 0 : i32
        %dma_wait3A_336 = tpu.memref_slice %arg12[%dma_wait3A_334, %dma_wait3A_335] : memref<10112x128xf32, #tpu.memory_space<vmem_shared>> -> memref<10112x128xf32, #tpu.memory_space<vmem_shared>>
        tpu.wait_indirect_dma semaphore(%run_scoped3A_324 : memref<!tpu.dma_semaphore, #tpu.memory_space<semaphore_mem>>) src(%arg10 : memref<64x128xf32, #tpu.memory_space<vmem>>) dst(%dma_wait3A_336 : memref<10112x128xf32, #tpu.memory_space<vmem_shared>>)
        tpu.yield
      }) : () -> ()
      %add3A_290 = arith.constant 1 : i32
      %add3A_291 = arith.addi %add3A_258, %add3A_290 : i32
      %add3A_292 = arith.constant 3 : i32
      %add3A_293 = arith.addi %add3A_291, %add3A_292 : i32
      %min3A_294 = arith.constant 167 : i32
      %min3A_295 = arith.minsi %add3A_293, %min3A_294 : i32
      %mul3A_296 = arith.constant 64 : i32
      %mul3A_297 = arith.muli %min3A_295, %mul3A_296 : i32
      %dma_start3A_298 = tpu.memref_slice %arg7[%mul3A_297] : memref<10752xi32, #tpu.memory_space<vmem>> -> memref<64xi32, #tpu.memory_space<vmem>>
      %dma_start3A_299 = arith.constant 0 : i32
      %dma_start3A_300 = arith.constant 0 : i32
      %dma_start3A_301 = tpu.memref_slice %arg2[%dma_start3A_299, %dma_start3A_300] : memref<10000x128xf32, #tpu.memory_space<hbm>> -> memref<10000x128xf32, #tpu.memory_space<hbm>>
      tpu.enqueue_indirect_dma source(%dma_start3A_301 : memref<10000x128xf32, #tpu.memory_space<hbm>>) target(%arg10 : memref<64x128xf32, #tpu.memory_space<vmem>>) offsets(%dma_start3A_298 : memref<64xi32, #tpu.memory_space<vmem>>) semaphore(%arg14 : memref<!tpu.dma_semaphore, #tpu.memory_space<semaphore_mem>>)
      %dma_wait3A_302 = arith.constant 0 : i32
      %dma_wait3A_303 = tpu.memref_slice %arg7[%dma_wait3A_302] : memref<10752xi32, #tpu.memory_space<vmem>> -> memref<64xi32, #tpu.memory_space<vmem>>
      %dma_wait3A_304 = arith.constant 0 : i32
      %dma_wait3A_305 = arith.constant 0 : i32
      %dma_wait3A_306 = tpu.memref_slice %arg2[%dma_wait3A_304, %dma_wait3A_305] : memref<10000x128xf32, #tpu.memory_space<hbm>> -> memref<10000x128xf32, #tpu.memory_space<hbm>>
      tpu.wait_indirect_dma semaphore(%arg15 : memref<!tpu.dma_semaphore, #tpu.memory_space<semaphore_mem>>) src(%dma_wait3A_306 : memref<10000x128xf32, #tpu.memory_space<hbm>>) dst(%arg11 : memref<64x128xf32, #tpu.memory_space<vmem>>)
      %mul3A_307 = arith.constant 3 : i32
      %mul3A_308 = arith.muli %mul3A_307, %scan3A_254 : i32
      %add3A_309 = arith.constant 2 : i32
      %add3A_310 = arith.addi %mul3A_308, %add3A_309 : i32
      %run_scoped3A_311 = arith.constant 0 : i32
      "tpu.region"() ({
        %run_scoped3A_324 = tpu.sem_alloc : memref<!tpu.dma_semaphore, #tpu.memory_space<semaphore_mem>>
        %dma_start3A_325 = arith.constant 0 : i32
        %dma_start3A_326 = tpu.memref_slice %arg8[%run_scoped3A_311, %add3A_310, %dma_start3A_325] : memref<2x24x64xi32, #tpu.memory_space<vmem>> -> memref<1x1x64xi32, #tpu.memory_space<vmem>>
        %dma_start3A_327 = tpu.memref_squeeze %dma_start3A_326 : memref<1x1x64xi32, #tpu.memory_space<vmem>> -> memref<64xi32, #tpu.memory_space<vmem>>
        %dma_start3A_328 = arith.constant 0 : i32
        %dma_start3A_329 = arith.constant 0 : i32
        %dma_start3A_330 = tpu.memref_slice %arg12[%dma_start3A_328, %dma_start3A_329] : memref<10112x128xf32, #tpu.memory_space<vmem_shared>> -> memref<10112x128xf32, #tpu.memory_space<vmem_shared>>
        tpu.enqueue_indirect_dma source(%arg11 : memref<64x128xf32, #tpu.memory_space<vmem>>) target(%dma_start3A_330 : memref<10112x128xf32, #tpu.memory_space<vmem_shared>>) offsets(%dma_start3A_327 : memref<64xi32, #tpu.memory_space<vmem>>) semaphore(%run_scoped3A_324 : memref<!tpu.dma_semaphore, #tpu.memory_space<semaphore_mem>>) {add = true}
        %dma_wait3A_331 = arith.constant 0 : i32
        %dma_wait3A_332 = tpu.memref_slice %arg8[%run_scoped3A_311, %add3A_310, %dma_wait3A_331] : memref<2x24x64xi32, #tpu.memory_space<vmem>> -> memref<1x1x64xi32, #tpu.memory_space<vmem>>
        %dma_wait3A_333 = tpu.memref_squeeze %dma_wait3A_332 : memref<1x1x64xi32, #tpu.memory_space<vmem>> -> memref<64xi32, #tpu.memory_space<vmem>>
        %dma_wait3A_334 = arith.constant 0 : i32
        %dma_wait3A_335 = arith.constant 0 : i32
        %dma_wait3A_336 = tpu.memref_slice %arg12[%dma_wait3A_334, %dma_wait3A_335] : memref<10112x128xf32, #tpu.memory_space<vmem_shared>> -> memref<10112x128xf32, #tpu.memory_space<vmem_shared>>
        tpu.wait_indirect_dma semaphore(%run_scoped3A_324 : memref<!tpu.dma_semaphore, #tpu.memory_space<semaphore_mem>>) src(%arg11 : memref<64x128xf32, #tpu.memory_space<vmem>>) dst(%dma_wait3A_336 : memref<10112x128xf32, #tpu.memory_space<vmem_shared>>)
        tpu.yield
      }) : () -> ()
      %add3A_312 = arith.constant 2 : i32
      %add3A_313 = arith.addi %add3A_258, %add3A_312 : i32
      %add3A_314 = arith.constant 3 : i32
      %add3A_315 = arith.addi %add3A_313, %add3A_314 : i32
      %min3A_316 = arith.constant 167 : i32
      %min3A_317 = arith.minsi %add3A_315, %min3A_316 : i32
      %mul3A_318 = arith.constant 64 : i32
      %mul3A_319 = arith.muli %min3A_317, %mul3A_318 : i32
      %dma_start3A_320 = tpu.memref_slice %arg7[%mul3A_319] : memref<10752xi32, #tpu.memory_space<vmem>> -> memref<64xi32, #tpu.memory_space<vmem>>
      %dma_start3A_321 = arith.constant 0 : i32
      %dma_start3A_322 = arith.constant 0 : i32
      %dma_start3A_323 = tpu.memref_slice %arg2[%dma_start3A_321, %dma_start3A_322] : memref<10000x128xf32, #tpu.memory_space<hbm>> -> memref<10000x128xf32, #tpu.memory_space<hbm>>
      tpu.enqueue_indirect_dma source(%dma_start3A_323 : memref<10000x128xf32, #tpu.memory_space<hbm>>) target(%arg11 : memref<64x128xf32, #tpu.memory_space<vmem>>) offsets(%dma_start3A_320 : memref<64xi32, #tpu.memory_space<vmem>>) semaphore(%arg15 : memref<!tpu.dma_semaphore, #tpu.memory_space<semaphore_mem>>)
    }
    %scan3A_228 = arith.constant 7 : i32
    %dma_wait3A_229 = arith.constant 0 : i32
    %dma_wait3A_230 = tpu.memref_slice %arg7[%dma_wait3A_229] : memref<10752xi32, #tpu.memory_space<vmem>> -> memref<64xi32, #tpu.memory_space<vmem>>
    %dma_wait3A_231 = arith.constant 0 : i32
    %dma_wait3A_232 = arith.constant 0 : i32
    %dma_wait3A_233 = tpu.memref_slice %arg2[%dma_wait3A_231, %dma_wait3A_232] : memref<10000x128xf32, #tpu.memory_space<hbm>> -> memref<10000x128xf32, #tpu.memory_space<hbm>>
    tpu.wait_indirect_dma semaphore(%arg13 : memref<!tpu.dma_semaphore, #tpu.memory_space<semaphore_mem>>) src(%dma_wait3A_233 : memref<10000x128xf32, #tpu.memory_space<hbm>>) dst(%arg9 : memref<64x128xf32, #tpu.memory_space<vmem>>)
    %run_scoped3A_234 = arith.constant 0 : i32
    %run_scoped3A_235 = arith.constant 21 : i32
    "tpu.region"() ({
      %run_scoped3A_254 = tpu.sem_alloc : memref<!tpu.dma_semaphore, #tpu.memory_space<semaphore_mem>>
      %dma_start3A_255 = arith.constant 0 : i32
      %dma_start3A_256 = tpu.memref_slice %arg8[%run_scoped3A_234, %run_scoped3A_235, %dma_start3A_255] : memref<2x24x64xi32, #tpu.memory_space<vmem>> -> memref<1x1x64xi32, #tpu.memory_space<vmem>>
      %dma_start3A_257 = tpu.memref_squeeze %dma_start3A_256 : memref<1x1x64xi32, #tpu.memory_space<vmem>> -> memref<64xi32, #tpu.memory_space<vmem>>
      %dma_start3A_258 = arith.constant 0 : i32
      %dma_start3A_259 = arith.constant 0 : i32
      %dma_start3A_260 = tpu.memref_slice %arg12[%dma_start3A_258, %dma_start3A_259] : memref<10112x128xf32, #tpu.memory_space<vmem_shared>> -> memref<10112x128xf32, #tpu.memory_space<vmem_shared>>
      tpu.enqueue_indirect_dma source(%arg9 : memref<64x128xf32, #tpu.memory_space<vmem>>) target(%dma_start3A_260 : memref<10112x128xf32, #tpu.memory_space<vmem_shared>>) offsets(%dma_start3A_257 : memref<64xi32, #tpu.memory_space<vmem>>) semaphore(%run_scoped3A_254 : memref<!tpu.dma_semaphore, #tpu.memory_space<semaphore_mem>>) {add = true}
      %dma_wait3A_261 = arith.constant 0 : i32
      %dma_wait3A_262 = tpu.memref_slice %arg8[%run_scoped3A_234, %run_scoped3A_235, %dma_wait3A_261] : memref<2x24x64xi32, #tpu.memory_space<vmem>> -> memref<1x1x64xi32, #tpu.memory_space<vmem>>
      %dma_wait3A_263 = tpu.memref_squeeze %dma_wait3A_262 : memref<1x1x64xi32, #tpu.memory_space<vmem>> -> memref<64xi32, #tpu.memory_space<vmem>>
      %dma_wait3A_264 = arith.constant 0 : i32
      %dma_wait3A_265 = arith.constant 0 : i32
      %dma_wait3A_266 = tpu.memref_slice %arg12[%dma_wait3A_264, %dma_wait3A_265] : memref<10112x128xf32, #tpu.memory_space<vmem_shared>> -> memref<10112x128xf32, #tpu.memory_space<vmem_shared>>
      tpu.wait_indirect_dma semaphore(%run_scoped3A_254 : memref<!tpu.dma_semaphore, #tpu.memory_space<semaphore_mem>>) src(%arg9 : memref<64x128xf32, #tpu.memory_space<vmem>>) dst(%dma_wait3A_266 : memref<10112x128xf32, #tpu.memory_space<vmem_shared>>)
      tpu.yield
    }) : () -> ()
    %dma_wait3A_236 = arith.constant 0 : i32
    %dma_wait3A_237 = tpu.memref_slice %arg7[%dma_wait3A_236] : memref<10752xi32, #tpu.memory_space<vmem>> -> memref<64xi32, #tpu.memory_space<vmem>>
    %dma_wait3A_238 = arith.constant 0 : i32
    %dma_wait3A_239 = arith.constant 0 : i32
    %dma_wait3A_240 = tpu.memref_slice %arg2[%dma_wait3A_238, %dma_wait3A_239] : memref<10000x128xf32, #tpu.memory_space<hbm>> -> memref<10000x128xf32, #tpu.memory_space<hbm>>
    tpu.wait_indirect_dma semaphore(%arg14 : memref<!tpu.dma_semaphore, #tpu.memory_space<semaphore_mem>>) src(%dma_wait3A_240 : memref<10000x128xf32, #tpu.memory_space<hbm>>) dst(%arg10 : memref<64x128xf32, #tpu.memory_space<vmem>>)
    %run_scoped3A_241 = arith.constant 0 : i32
    %run_scoped3A_242 = arith.constant 22 : i32
    "tpu.region"() ({
      %run_scoped3A_254 = tpu.sem_alloc : memref<!tpu.dma_semaphore, #tpu.memory_space<semaphore_mem>>
      %dma_start3A_255 = arith.constant 0 : i32
      %dma_start3A_256 = tpu.memref_slice %arg8[%run_scoped3A_241, %run_scoped3A_242, %dma_start3A_255] : memref<2x24x64xi32, #tpu.memory_space<vmem>> -> memref<1x1x64xi32, #tpu.memory_space<vmem>>
      %dma_start3A_257 = tpu.memref_squeeze %dma_start3A_256 : memref<1x1x64xi32, #tpu.memory_space<vmem>> -> memref<64xi32, #tpu.memory_space<vmem>>
      %dma_start3A_258 = arith.constant 0 : i32
      %dma_start3A_259 = arith.constant 0 : i32
      %dma_start3A_260 = tpu.memref_slice %arg12[%dma_start3A_258, %dma_start3A_259] : memref<10112x128xf32, #tpu.memory_space<vmem_shared>> -> memref<10112x128xf32, #tpu.memory_space<vmem_shared>>
      tpu.enqueue_indirect_dma source(%arg10 : memref<64x128xf32, #tpu.memory_space<vmem>>) target(%dma_start3A_260 : memref<10112x128xf32, #tpu.memory_space<vmem_shared>>) offsets(%dma_start3A_257 : memref<64xi32, #tpu.memory_space<vmem>>) semaphore(%run_scoped3A_254 : memref<!tpu.dma_semaphore, #tpu.memory_space<semaphore_mem>>) {add = true}
      %dma_wait3A_261 = arith.constant 0 : i32
      %dma_wait3A_262 = tpu.memref_slice %arg8[%run_scoped3A_241, %run_scoped3A_242, %dma_wait3A_261] : memref<2x24x64xi32, #tpu.memory_space<vmem>> -> memref<1x1x64xi32, #tpu.memory_space<vmem>>
      %dma_wait3A_263 = tpu.memref_squeeze %dma_wait3A_262 : memref<1x1x64xi32, #tpu.memory_space<vmem>> -> memref<64xi32, #tpu.memory_space<vmem>>
      %dma_wait3A_264 = arith.constant 0 : i32
      %dma_wait3A_265 = arith.constant 0 : i32
      %dma_wait3A_266 = tpu.memref_slice %arg12[%dma_wait3A_264, %dma_wait3A_265] : memref<10112x128xf32, #tpu.memory_space<vmem_shared>> -> memref<10112x128xf32, #tpu.memory_space<vmem_shared>>
      tpu.wait_indirect_dma semaphore(%run_scoped3A_254 : memref<!tpu.dma_semaphore, #tpu.memory_space<semaphore_mem>>) src(%arg10 : memref<64x128xf32, #tpu.memory_space<vmem>>) dst(%dma_wait3A_266 : memref<10112x128xf32, #tpu.memory_space<vmem_shared>>)
      tpu.yield
    }) : () -> ()
    %dma_wait3A_243 = arith.constant 0 : i32
    %dma_wait3A_244 = tpu.memref_slice %arg7[%dma_wait3A_243] : memref<10752xi32, #tpu.memory_space<vmem>> -> memref<64xi32, #tpu.memory_space<vmem>>
    %dma_wait3A_245 = arith.constant 0 : i32
    %dma_wait3A_246 = arith.constant 0 : i32
    %dma_wait3A_247 = tpu.memref_slice %arg2[%dma_wait3A_245, %dma_wait3A_246] : memref<10000x128xf32, #tpu.memory_space<hbm>> -> memref<10000x128xf32, #tpu.memory_space<hbm>>
    tpu.wait_indirect_dma semaphore(%arg15 : memref<!tpu.dma_semaphore, #tpu.memory_space<semaphore_mem>>) src(%dma_wait3A_247 : memref<10000x128xf32, #tpu.memory_space<hbm>>) dst(%arg11 : memref<64x128xf32, #tpu.memory_space<vmem>>)
    %run_scoped3A_248 = arith.constant 0 : i32
    %run_scoped3A_249 = arith.constant 23 : i32
    "tpu.region"() ({
      %run_scoped3A_254 = tpu.sem_alloc : memref<!tpu.dma_semaphore, #tpu.memory_space<semaphore_mem>>
      %dma_start3A_255 = arith.constant 0 : i32
      %dma_start3A_256 = tpu.memref_slice %arg8[%run_scoped3A_248, %run_scoped3A_249, %dma_start3A_255] : memref<2x24x64xi32, #tpu.memory_space<vmem>> -> memref<1x1x64xi32, #tpu.memory_space<vmem>>
      %dma_start3A_257 = tpu.memref_squeeze %dma_start3A_256 : memref<1x1x64xi32, #tpu.memory_space<vmem>> -> memref<64xi32, #tpu.memory_space<vmem>>
      %dma_start3A_258 = arith.constant 0 : i32
      %dma_start3A_259 = arith.constant 0 : i32
      %dma_start3A_260 = tpu.memref_slice %arg12[%dma_start3A_258, %dma_start3A_259] : memref<10112x128xf32, #tpu.memory_space<vmem_shared>> -> memref<10112x128xf32, #tpu.memory_space<vmem_shared>>
      tpu.enqueue_indirect_dma source(%arg11 : memref<64x128xf32, #tpu.memory_space<vmem>>) target(%dma_start3A_260 : memref<10112x128xf32, #tpu.memory_space<vmem_shared>>) offsets(%dma_start3A_257 : memref<64xi32, #tpu.memory_space<vmem>>) semaphore(%run_scoped3A_254 : memref<!tpu.dma_semaphore, #tpu.memory_space<semaphore_mem>>) {add = true}
      %dma_wait3A_261 = arith.constant 0 : i32
      %dma_wait3A_262 = tpu.memref_slice %arg8[%run_scoped3A_248, %run_scoped3A_249, %dma_wait3A_261] : memref<2x24x64xi32, #tpu.memory_space<vmem>> -> memref<1x1x64xi32, #tpu.memory_space<vmem>>
      %dma_wait3A_263 = tpu.memref_squeeze %dma_wait3A_262 : memref<1x1x64xi32, #tpu.memory_space<vmem>> -> memref<64xi32, #tpu.memory_space<vmem>>
      %dma_wait3A_264 = arith.constant 0 : i32
      %dma_wait3A_265 = arith.constant 0 : i32
      %dma_wait3A_266 = tpu.memref_slice %arg12[%dma_wait3A_264, %dma_wait3A_265] : memref<10112x128xf32, #tpu.memory_space<vmem_shared>> -> memref<10112x128xf32, #tpu.memory_space<vmem_shared>>
      tpu.wait_indirect_dma semaphore(%run_scoped3A_254 : memref<!tpu.dma_semaphore, #tpu.memory_space<semaphore_mem>>) src(%arg11 : memref<64x128xf32, #tpu.memory_space<vmem>>) dst(%dma_wait3A_266 : memref<10112x128xf32, #tpu.memory_space<vmem_shared>>)
      tpu.yield
    }) : () -> ()
    %barrier3A_250 = arith.constant 0 : index
    tpu.barrier barrier_id(%barrier3A_250)
    %mul3A_251 = arith.constant 10112 : i32
    %mul3A_252 = arith.muli %arg0, %mul3A_251 : i32
    %add3A_253 = arith.addi %mul3A_252, %mul3A_2 : i32
    "tpu.region"() ({
      %run_scoped3A_254 = tpu.sem_alloc : memref<!tpu.dma_semaphore, #tpu.memory_space<semaphore_mem>>
      %dma_start3A_255 = arith.constant 0 : i32
      %dma_start3A_256 = tpu.memref_slice %arg6[%add3A_253, %dma_start3A_255] : memref<20224x128xf32, #tpu.memory_space<hbm>> -> memref<632x128xf32, #tpu.memory_space<hbm>>
      %dma_start3A_257 = arith.constant 0 : i32
      %dma_start3A_258 = tpu.memref_slice %arg12[%mul3A_2, %dma_start3A_257] : memref<10112x128xf32, #tpu.memory_space<vmem_shared>> -> memref<632x128xf32, #tpu.memory_space<vmem_shared>>
      tpu.enqueue_dma source(%dma_start3A_258 : memref<632x128xf32, #tpu.memory_space<vmem_shared>>) target(%dma_start3A_256 : memref<632x128xf32, #tpu.memory_space<hbm>>) target_semaphore(%run_scoped3A_254 : memref<!tpu.dma_semaphore, #tpu.memory_space<semaphore_mem>>)
      %dma_wait3A_259 = arith.constant 0 : i32
      %dma_wait3A_260 = tpu.memref_slice %arg6[%add3A_253, %dma_wait3A_259] : memref<20224x128xf32, #tpu.memory_space<hbm>> -> memref<632x128xf32, #tpu.memory_space<hbm>>
      %dma_wait3A_261 = arith.constant 0 : i32
      %dma_wait3A_262 = tpu.memref_slice %arg12[%mul3A_2, %dma_wait3A_261] : memref<10112x128xf32, #tpu.memory_space<vmem_shared>> -> memref<632x128xf32, #tpu.memory_space<vmem_shared>>
      tpu.wait_dma2 semaphore(%run_scoped3A_254 : memref<!tpu.dma_semaphore, #tpu.memory_space<semaphore_mem>>) src(%dma_wait3A_262 : memref<632x128xf32, #tpu.memory_space<vmem_shared>>) dst(%dma_wait3A_260 : memref<632x128xf32, #tpu.memory_space<hbm>>)
      tpu.yield
    }) : () -> ()
    return
  }
}

#map = affine_map<(d0, d1) -> (0, 0)>
module attributes {stable_mosaic.version = 14 : i64} {
  func.func @body(%arg0: i32, %arg1: i32, %arg2: memref<5376x64xi32, #tpu.memory_space<hbm>>, %arg3: memref<10112x128xf32, #tpu.memory_space<hbm>>, %arg4: memref<64x128xf32, #tpu.memory_space<hbm>>, %arg5: memref<20224x128xf32, #tpu.memory_space<hbm>>, %arg6: memref<168x64xi32, #tpu.memory_space<vmem>>, %arg7: memref<64x128xf32, #tpu.memory_space<vmem>>, %arg8: memref<10112x128xf32, #tpu.memory_space<vmem_shared>>, %arg9: memref<!tpu.dma_semaphore, #tpu.memory_space<semaphore_mem>>) attributes {dimension_semantics = [#tpu.dimension_semantics<core_parallel>, #tpu.dimension_semantics<subcore_parallel>], iteration_bounds = array<i64: 2, 16>, scalar_prefetch = 0 : i64, scratch_operands = 4 : i64, tpu.core_type = #tpu.core_type<sc_vector_subcore>, window_params = [{transform_indices = #map}, {transform_indices = #map}, {transform_indices = #map}, {transform_indices = #map}]} {
    %mul3A = arith.constant 16 : i32
    %mul3A_0 = arith.muli %arg0, %mul3A : i32
    %add3A = arith.addi %mul3A_0, %arg1 : i32
    %mul3A_1 = arith.constant 632 : i32
    %mul3A_2 = arith.muli %arg1, %mul3A_1 : i32
    "tpu.region"() ({
      %run_scoped3A = tpu.sem_alloc : memref<!tpu.dma_semaphore, #tpu.memory_space<semaphore_mem>>
      %dma_start3A = arith.constant 0 : i32
      %dma_start3A_14 = tpu.memref_slice %arg8[%mul3A_2, %dma_start3A] : memref<10112x128xf32, #tpu.memory_space<vmem_shared>> -> memref<632x128xf32, #tpu.memory_space<vmem_shared>>
      %dma_start3A_15 = arith.constant 0 : i32
      %dma_start3A_16 = tpu.memref_slice %arg3[%mul3A_2, %dma_start3A_15] : memref<10112x128xf32, #tpu.memory_space<hbm>> -> memref<632x128xf32, #tpu.memory_space<hbm>>
      tpu.enqueue_dma source(%dma_start3A_16 : memref<632x128xf32, #tpu.memory_space<hbm>>) target(%dma_start3A_14 : memref<632x128xf32, #tpu.memory_space<vmem_shared>>) target_semaphore(%run_scoped3A : memref<!tpu.dma_semaphore, #tpu.memory_space<semaphore_mem>>)
      %dma_wait3A = arith.constant 0 : i32
      %dma_wait3A_17 = tpu.memref_slice %arg8[%mul3A_2, %dma_wait3A] : memref<10112x128xf32, #tpu.memory_space<vmem_shared>> -> memref<632x128xf32, #tpu.memory_space<vmem_shared>>
      %dma_wait3A_18 = arith.constant 0 : i32
      %dma_wait3A_19 = tpu.memref_slice %arg3[%mul3A_2, %dma_wait3A_18] : memref<10112x128xf32, #tpu.memory_space<hbm>> -> memref<632x128xf32, #tpu.memory_space<hbm>>
      tpu.wait_dma2 semaphore(%run_scoped3A : memref<!tpu.dma_semaphore, #tpu.memory_space<semaphore_mem>>) src(%dma_wait3A_19 : memref<632x128xf32, #tpu.memory_space<hbm>>) dst(%dma_wait3A_17 : memref<632x128xf32, #tpu.memory_space<vmem_shared>>)
      tpu.yield
    }) : () -> ()
    "tpu.region"() ({
      %run_scoped3A = tpu.sem_alloc : memref<!tpu.dma_semaphore, #tpu.memory_space<semaphore_mem>>
      tpu.enqueue_dma source(%arg4 : memref<64x128xf32, #tpu.memory_space<hbm>>) target(%arg7 : memref<64x128xf32, #tpu.memory_space<vmem>>) target_semaphore(%run_scoped3A : memref<!tpu.dma_semaphore, #tpu.memory_space<semaphore_mem>>)
      tpu.wait_dma2 semaphore(%run_scoped3A : memref<!tpu.dma_semaphore, #tpu.memory_space<semaphore_mem>>) src(%arg4 : memref<64x128xf32, #tpu.memory_space<hbm>>) dst(%arg7 : memref<64x128xf32, #tpu.memory_space<vmem>>)
      tpu.yield
    }) : () -> ()
    %mul3A_3 = arith.constant 168 : i32
    %mul3A_4 = arith.muli %add3A, %mul3A_3 : i32
    "tpu.region"() ({
      %run_scoped3A = tpu.sem_alloc : memref<!tpu.dma_semaphore, #tpu.memory_space<semaphore_mem>>
      %dma_start3A = arith.constant 0 : i32
      %dma_start3A_14 = tpu.memref_slice %arg2[%mul3A_4, %dma_start3A] : memref<5376x64xi32, #tpu.memory_space<hbm>> -> memref<168x64xi32, #tpu.memory_space<hbm>>
      %dma_start3A_15 = arith.constant 0 : i32
      %dma_start3A_16 = tpu.memref_slice %arg2[%mul3A_4, %dma_start3A_15] : memref<5376x64xi32, #tpu.memory_space<hbm>> -> memref<168x64xi32, #tpu.memory_space<hbm>>
      tpu.enqueue_dma source(%dma_start3A_16 : memref<168x64xi32, #tpu.memory_space<hbm>>) target(%arg6 : memref<168x64xi32, #tpu.memory_space<vmem>>) target_semaphore(%run_scoped3A : memref<!tpu.dma_semaphore, #tpu.memory_space<semaphore_mem>>)
      %dma_wait3A = arith.constant 0 : i32
      %dma_wait3A_17 = tpu.memref_slice %arg2[%mul3A_4, %dma_wait3A] : memref<5376x64xi32, #tpu.memory_space<hbm>> -> memref<168x64xi32, #tpu.memory_space<hbm>>
      %dma_wait3A_18 = arith.constant 0 : i32
      %dma_wait3A_19 = tpu.memref_slice %arg2[%mul3A_4, %dma_wait3A_18] : memref<5376x64xi32, #tpu.memory_space<hbm>> -> memref<168x64xi32, #tpu.memory_space<hbm>>
      tpu.wait_dma2 semaphore(%run_scoped3A : memref<!tpu.dma_semaphore, #tpu.memory_space<semaphore_mem>>) src(%dma_wait3A_19 : memref<168x64xi32, #tpu.memory_space<hbm>>) dst(%arg6 : memref<168x64xi32, #tpu.memory_space<vmem>>)
      tpu.yield
    }) : () -> ()
    %barrier3A = arith.constant 0 : index
    tpu.barrier barrier_id(%barrier3A)
    %scan3A = arith.constant 0 : i32
    %scan3A_5 = arith.constant 0 : i32
    %scan3A_6 = arith.constant 168 : i32
    %scan3A_7 = arith.addi %scan3A_5, %scan3A_6 : i32
    %scan3A_8 = arith.constant 1 : i32
    scf.for %scan3A_14 = %scan3A_5 to %scan3A_7 step %scan3A_8  : i32 {
      "tpu.region"() ({
        %run_scoped3A = tpu.sem_alloc : memref<!tpu.dma_semaphore, #tpu.memory_space<semaphore_mem>>
        %dma_start3A = arith.constant 0 : i32
        %dma_start3A_15 = tpu.memref_slice %arg6[%scan3A_14, %dma_start3A] : memref<168x64xi32, #tpu.memory_space<vmem>> -> memref<1x64xi32, #tpu.memory_space<vmem>>
        %dma_start3A_16 = tpu.memref_squeeze %dma_start3A_15 : memref<1x64xi32, #tpu.memory_space<vmem>> -> memref<64xi32, #tpu.memory_space<vmem>>
        %dma_start3A_17 = arith.constant 0 : i32
        %dma_start3A_18 = arith.constant 0 : i32
        %dma_start3A_19 = tpu.memref_slice %arg8[%dma_start3A_17, %dma_start3A_18] : memref<10112x128xf32, #tpu.memory_space<vmem_shared>> -> memref<10112x128xf32, #tpu.memory_space<vmem_shared>>
        tpu.enqueue_indirect_dma source(%arg7 : memref<64x128xf32, #tpu.memory_space<vmem>>) target(%dma_start3A_19 : memref<10112x128xf32, #tpu.memory_space<vmem_shared>>) offsets(%dma_start3A_16 : memref<64xi32, #tpu.memory_space<vmem>>) semaphore(%run_scoped3A : memref<!tpu.dma_semaphore, #tpu.memory_space<semaphore_mem>>) {add = true}
        %dma_wait3A = arith.constant 0 : i32
        %dma_wait3A_20 = tpu.memref_slice %arg6[%scan3A_14, %dma_wait3A] : memref<168x64xi32, #tpu.memory_space<vmem>> -> memref<1x64xi32, #tpu.memory_space<vmem>>
        %dma_wait3A_21 = tpu.memref_squeeze %dma_wait3A_20 : memref<1x64xi32, #tpu.memory_space<vmem>> -> memref<64xi32, #tpu.memory_space<vmem>>
        %dma_wait3A_22 = arith.constant 0 : i32
        %dma_wait3A_23 = arith.constant 0 : i32
        %dma_wait3A_24 = tpu.memref_slice %arg8[%dma_wait3A_22, %dma_wait3A_23] : memref<10112x128xf32, #tpu.memory_space<vmem_shared>> -> memref<10112x128xf32, #tpu.memory_space<vmem_shared>>
        tpu.wait_indirect_dma semaphore(%run_scoped3A : memref<!tpu.dma_semaphore, #tpu.memory_space<semaphore_mem>>) src(%arg7 : memref<64x128xf32, #tpu.memory_space<vmem>>) dst(%dma_wait3A_24 : memref<10112x128xf32, #tpu.memory_space<vmem_shared>>)
        tpu.yield
      }) : () -> ()
    }
    %scan3A_9 = arith.constant 168 : i32
    %barrier3A_10 = arith.constant 0 : index
    tpu.barrier barrier_id(%barrier3A_10)
    %mul3A_11 = arith.constant 10112 : i32
    %mul3A_12 = arith.muli %arg0, %mul3A_11 : i32
    %add3A_13 = arith.addi %mul3A_12, %mul3A_2 : i32
    "tpu.region"() ({
      %run_scoped3A = tpu.sem_alloc : memref<!tpu.dma_semaphore, #tpu.memory_space<semaphore_mem>>
      %dma_start3A = arith.constant 0 : i32
      %dma_start3A_14 = tpu.memref_slice %arg5[%add3A_13, %dma_start3A] : memref<20224x128xf32, #tpu.memory_space<hbm>> -> memref<632x128xf32, #tpu.memory_space<hbm>>
      %dma_start3A_15 = arith.constant 0 : i32
      %dma_start3A_16 = tpu.memref_slice %arg8[%mul3A_2, %dma_start3A_15] : memref<10112x128xf32, #tpu.memory_space<vmem_shared>> -> memref<632x128xf32, #tpu.memory_space<vmem_shared>>
      tpu.enqueue_dma source(%dma_start3A_16 : memref<632x128xf32, #tpu.memory_space<vmem_shared>>) target(%dma_start3A_14 : memref<632x128xf32, #tpu.memory_space<hbm>>) target_semaphore(%run_scoped3A : memref<!tpu.dma_semaphore, #tpu.memory_space<semaphore_mem>>)
      %dma_wait3A = arith.constant 0 : i32
      %dma_wait3A_17 = tpu.memref_slice %arg5[%add3A_13, %dma_wait3A] : memref<20224x128xf32, #tpu.memory_space<hbm>> -> memref<632x128xf32, #tpu.memory_space<hbm>>
      %dma_wait3A_18 = arith.constant 0 : i32
      %dma_wait3A_19 = tpu.memref_slice %arg8[%mul3A_2, %dma_wait3A_18] : memref<10112x128xf32, #tpu.memory_space<vmem_shared>> -> memref<632x128xf32, #tpu.memory_space<vmem_shared>>
      tpu.wait_dma2 semaphore(%run_scoped3A : memref<!tpu.dma_semaphore, #tpu.memory_space<semaphore_mem>>) src(%dma_wait3A_19 : memref<632x128xf32, #tpu.memory_space<vmem_shared>>) dst(%dma_wait3A_17 : memref<632x128xf32, #tpu.memory_space<hbm>>)
      tpu.yield
    }) : () -> ()
    return
  }
}

module attributes {stable_mosaic.version = 14 : i64} {
  func.func @body(%arg0: i32, %arg1: memref<1000x128xf32, #tpu.memory_space<vmem>>, %arg2: memref<1000x128xf32, #tpu.memory_space<vmem>>, %arg3: memref<1000x1xf32, #tpu.memory_space<vmem>>, %arg4: memref<1000x1xf32, #tpu.memory_space<vmem>>, %arg5: memref<1000x128xf32, #tpu.memory_space<vmem>>, %arg6: memref<128x128xf32, #tpu.memory_space<vmem>>, %arg7: memref<1x128xf32, #tpu.memory_space<vmem>>, %arg8: memref<128x128xf32, #tpu.memory_space<vmem>>, %arg9: memref<1000x128xf32, #tpu.memory_space<vmem>>) attributes {dimension_semantics = [#tpu.dimension_semantics<arbitrary>], iteration_bounds = array<i64: 10>, scalar_prefetch = 0 : i64, scratch_operands = 0 : i64, tpu.core_type = #tpu.core_type<tc>, window_params = [{transform_indices = @transform_0, window_bounds = array<i64: 1000, 128>}, {transform_indices = @transform_1, window_bounds = array<i64: 1000, 128>}, {transform_indices = @transform_2, window_bounds = array<i64: 1000, 1>}, {transform_indices = @transform_3, window_bounds = array<i64: 1000, 1>}, {transform_indices = @transform_4, window_bounds = array<i64: 1000, 128>}, {pipeline_mode = #tpu.pipeline_mode<synchronous>, transform_indices = @transform_5, window_bounds = array<i64: 128, 128>}, {pipeline_mode = #tpu.pipeline_mode<synchronous>, transform_indices = @transform_6, window_bounds = array<i64: 1, 128>}, {pipeline_mode = #tpu.pipeline_mode<synchronous>, transform_indices = @transform_7, window_bounds = array<i64: 128, 128>}, {transform_indices = @transform_8, window_bounds = array<i64: 1000, 128>}]} {
    %get3A = arith.constant 0 : index
    %get3A_0 = arith.constant 0 : index
    %get3A_1 = vector.load %arg3[%get3A, %get3A_0] : memref<1000x1xf32, #tpu.memory_space<vmem>>, vector<1000x1xf32>
    %get3A_2 = arith.constant 0 : index
    %get3A_3 = arith.constant 0 : index
    %get3A_4 = vector.load %arg4[%get3A_2, %get3A_3] : memref<1000x1xf32, #tpu.memory_space<vmem>>, vector<1000x1xf32>
    %add3A = arith.addf %get3A_1, %get3A_4 : vector<1000x1xf32>
    %max3A = arith.constant 1.000000e+00 : f32
    %max3A_5 = vector.broadcast %max3A : f32 to vector<1000x1xf32>
    %max3A_6 = arith.maximumf %add3A, %max3A_5 : vector<1000x1xf32>
    %get3A_7 = arith.constant 0 : index
    %get3A_8 = arith.constant 0 : index
    %get3A_9 = vector.load %arg1[%get3A_7, %get3A_8] : memref<1000x128xf32, #tpu.memory_space<vmem>>, vector<1000x128xf32>
    %get3A_10 = arith.constant 0 : index
    %get3A_11 = arith.constant 0 : index
    %get3A_12 = vector.load %arg2[%get3A_10, %get3A_11] : memref<1000x128xf32, #tpu.memory_space<vmem>>, vector<1000x128xf32>
    %add3A_13 = arith.addf %get3A_9, %get3A_12 : vector<1000x128xf32>
    %div3A = arith.constant 1.000000e+00 : f32
    %div3A_14 = vector.broadcast %div3A : f32 to vector<1000x1xf32>
    %div3A_15 = arith.divf %div3A_14, %max3A_6 : vector<1000x1xf32>
    %mul3A = vector.broadcast %div3A_15 : vector<1000x1xf32> to vector<1000x128xf32>
    %mul3A_16 = arith.mulf %add3A_13, %mul3A : vector<1000x128xf32>
    %get3A_17 = arith.constant 0 : index
    %get3A_18 = arith.constant 0 : index
    %get3A_19 = vector.load %arg6[%get3A_17, %get3A_18] : memref<128x128xf32, #tpu.memory_space<vmem>>, vector<128x128xf32>
    %dot_general3A = arith.constant dense<0.000000e+00> : vector<1000x128xf32>
    %dot_general3A_20 = tpu.matmul %mul3A_16, %get3A_19, %dot_general3A {dimension_numbers = #tpu.dot_dimension_numbers<[1], [1], [0], [0], [0, 0, 1, 0], [], []>, transpose_lhs_hint = false} : vector<1000x128xf32>, vector<128x128xf32>, vector<1000x128xf32> -> vector<1000x128xf32>
    %get3A_21 = arith.constant 0 : index
    %get3A_22 = arith.constant 0 : index
    %get3A_23 = vector.load %arg7[%get3A_21, %get3A_22] : memref<1x128xf32, #tpu.memory_space<vmem>>, vector<1x128xf32>
    %add3A_24 = vector.broadcast %get3A_23 : vector<1x128xf32> to vector<1000x128xf32>
    %add3A_25 = arith.addf %dot_general3A_20, %add3A_24 : vector<1000x128xf32>
    %get3A_26 = arith.constant 0 : index
    %get3A_27 = arith.constant 0 : index
    %get3A_28 = vector.load %arg5[%get3A_26, %get3A_27] : memref<1000x128xf32, #tpu.memory_space<vmem>>, vector<1000x128xf32>
    %get3A_29 = arith.constant 0 : index
    %get3A_30 = arith.constant 0 : index
    %get3A_31 = vector.load %arg8[%get3A_29, %get3A_30] : memref<128x128xf32, #tpu.memory_space<vmem>>, vector<128x128xf32>
    %dot_general3A_32 = arith.constant dense<0.000000e+00> : vector<1000x128xf32>
    %dot_general3A_33 = tpu.matmul %get3A_28, %get3A_31, %dot_general3A_32 {dimension_numbers = #tpu.dot_dimension_numbers<[1], [1], [0], [0], [0, 0, 1, 0], [], []>, transpose_lhs_hint = false} : vector<1000x128xf32>, vector<128x128xf32>, vector<1000x128xf32> -> vector<1000x128xf32>
    %add3A_34 = arith.addf %add3A_25, %dot_general3A_33 : vector<1000x128xf32>
    %max3A_35 = arith.constant 0.000000e+00 : f32
    %max3A_36 = vector.broadcast %max3A_35 : f32 to vector<1000x128xf32>
    %max3A_37 = arith.maximumf %add3A_34, %max3A_36 : vector<1000x128xf32>
    %swap3A = arith.constant 0 : index
    %swap3A_38 = arith.constant 0 : index
    %swap3A_39 = vector.load %arg9[%swap3A, %swap3A_38] : memref<1000x128xf32, #tpu.memory_space<vmem>>, vector<1000x128xf32>
    tpu.vector_store %arg9[%swap3A, %swap3A_38], %max3A_37 {strides = array<i32>} : memref<1000x128xf32, #tpu.memory_space<vmem>>, vector<1000x128xf32>,
    return
  }
  func.func @transform_0(%arg0: i32) -> (i32, i32) {
    %c0_i32 = arith.constant 0 : i32
    %c0_i32_0 = arith.constant 0 : i32
    return %arg0, %c0_i32 : i32, i32
  }
  func.func @transform_1(%arg0: i32) -> (i32, i32) {
    %c0_i32 = arith.constant 0 : i32
    %c0_i32_0 = arith.constant 0 : i32
    return %arg0, %c0_i32 : i32, i32
  }
  func.func @transform_2(%arg0: i32) -> (i32, i32) {
    %c0_i32 = arith.constant 0 : i32
    %c0_i32_0 = arith.constant 0 : i32
    return %arg0, %c0_i32 : i32, i32
  }
  func.func @transform_3(%arg0: i32) -> (i32, i32) {
    %c0_i32 = arith.constant 0 : i32
    %c0_i32_0 = arith.constant 0 : i32
    return %arg0, %c0_i32 : i32, i32
  }
  func.func @transform_4(%arg0: i32) -> (i32, i32) {
    %c0_i32 = arith.constant 0 : i32
    %c0_i32_0 = arith.constant 0 : i32
    return %arg0, %c0_i32 : i32, i32
  }
  func.func @transform_5(%arg0: i32) -> (i32, i32) {
    %c0_i32 = arith.constant 0 : i32
    %c0_i32_0 = arith.constant 0 : i32
    %c0_i32_1 = arith.constant 0 : i32
    return %c0_i32, %c0_i32_0 : i32, i32
  }
  func.func @transform_6(%arg0: i32) -> (i32, i32) {
    %c0_i32 = arith.constant 0 : i32
    %c0_i32_0 = arith.constant 0 : i32
    %c0_i32_1 = arith.constant 0 : i32
    return %c0_i32, %c0_i32_0 : i32, i32
  }
  func.func @transform_7(%arg0: i32) -> (i32, i32) {
    %c0_i32 = arith.constant 0 : i32
    %c0_i32_0 = arith.constant 0 : i32
    %c0_i32_1 = arith.constant 0 : i32
    return %c0_i32, %c0_i32_0 : i32, i32
  }
  func.func @transform_8(%arg0: i32) -> (i32, i32) {
    %c0_i32 = arith.constant 0 : i32
    %c0_i32_0 = arith.constant 0 : i32
    return %arg0, %c0_i32 : i32, i32
  }
}

module attributes {stable_mosaic.version = 14 : i64} {
  func.func @body(%arg0: i32, %arg1: memref<1000x128xf32, #tpu.memory_space<vmem>>, %arg2: memref<1000x128xf32, #tpu.memory_space<vmem>>, %arg3: memref<1000x1xf32, #tpu.memory_space<vmem>>, %arg4: memref<1000x1xf32, #tpu.memory_space<vmem>>, %arg5: memref<1000x128xf32, #tpu.memory_space<vmem>>, %arg6: memref<128x128xf32, #tpu.memory_space<vmem>>, %arg7: memref<1x128xf32, #tpu.memory_space<vmem>>, %arg8: memref<128x128xf32, #tpu.memory_space<vmem>>, %arg9: memref<1000x128xf32, #tpu.memory_space<vmem>>) attributes {dimension_semantics = [#tpu.dimension_semantics<arbitrary>], iteration_bounds = array<i64: 10>, scalar_prefetch = 0 : i64, scratch_operands = 0 : i64, tpu.core_type = #tpu.core_type<tc>, window_params = [{transform_indices = @transform_0, window_bounds = array<i64: 1000, 128>}, {transform_indices = @transform_1, window_bounds = array<i64: 1000, 128>}, {transform_indices = @transform_2, window_bounds = array<i64: 1000, 1>}, {transform_indices = @transform_3, window_bounds = array<i64: 1000, 1>}, {transform_indices = @transform_4, window_bounds = array<i64: 1000, 128>}, {pipeline_mode = #tpu.pipeline_mode<synchronous>, transform_indices = @transform_5, window_bounds = array<i64: 128, 128>}, {pipeline_mode = #tpu.pipeline_mode<synchronous>, transform_indices = @transform_6, window_bounds = array<i64: 1, 128>}, {pipeline_mode = #tpu.pipeline_mode<synchronous>, transform_indices = @transform_7, window_bounds = array<i64: 128, 128>}, {transform_indices = @transform_8, window_bounds = array<i64: 1000, 128>}]} {
    %get3A = arith.constant 0 : index
    %get3A_0 = arith.constant 0 : index
    %get3A_1 = vector.load %arg3[%get3A, %get3A_0] : memref<1000x1xf32, #tpu.memory_space<vmem>>, vector<1000x1xf32>
    %get3A_2 = arith.constant 0 : index
    %get3A_3 = arith.constant 0 : index
    %get3A_4 = vector.load %arg4[%get3A_2, %get3A_3] : memref<1000x1xf32, #tpu.memory_space<vmem>>, vector<1000x1xf32>
    %add3A = arith.addf %get3A_1, %get3A_4 : vector<1000x1xf32>
    %max3A = arith.constant 1.000000e+00 : f32
    %max3A_5 = vector.broadcast %max3A : f32 to vector<1000x1xf32>
    %max3A_6 = arith.maximumf %add3A, %max3A_5 : vector<1000x1xf32>
    %get3A_7 = arith.constant 0 : index
    %get3A_8 = arith.constant 0 : index
    %get3A_9 = vector.load %arg1[%get3A_7, %get3A_8] : memref<1000x128xf32, #tpu.memory_space<vmem>>, vector<1000x128xf32>
    %get3A_10 = arith.constant 0 : index
    %get3A_11 = arith.constant 0 : index
    %get3A_12 = vector.load %arg2[%get3A_10, %get3A_11] : memref<1000x128xf32, #tpu.memory_space<vmem>>, vector<1000x128xf32>
    %add3A_13 = arith.addf %get3A_9, %get3A_12 : vector<1000x128xf32>
    %div3A = arith.constant 1.000000e+00 : f32
    %div3A_14 = vector.broadcast %div3A : f32 to vector<1000x1xf32>
    %div3A_15 = arith.divf %div3A_14, %max3A_6 : vector<1000x1xf32>
    %mul3A = vector.broadcast %div3A_15 : vector<1000x1xf32> to vector<1000x128xf32>
    %mul3A_16 = arith.mulf %add3A_13, %mul3A : vector<1000x128xf32>
    %get3A_17 = arith.constant 0 : index
    %get3A_18 = arith.constant 0 : index
    %get3A_19 = vector.load %arg6[%get3A_17, %get3A_18] : memref<128x128xf32, #tpu.memory_space<vmem>>, vector<128x128xf32>
    %dot_general3A = arith.constant dense<0.000000e+00> : vector<1000x128xf32>
    %dot_general3A_20 = tpu.matmul %mul3A_16, %get3A_19, %dot_general3A {dimension_numbers = #tpu.dot_dimension_numbers<[1], [1], [0], [0], [0, 0, 1, 0], [], []>, transpose_lhs_hint = false} : vector<1000x128xf32>, vector<128x128xf32>, vector<1000x128xf32> -> vector<1000x128xf32>
    %get3A_21 = arith.constant 0 : index
    %get3A_22 = arith.constant 0 : index
    %get3A_23 = vector.load %arg7[%get3A_21, %get3A_22] : memref<1x128xf32, #tpu.memory_space<vmem>>, vector<1x128xf32>
    %add3A_24 = vector.broadcast %get3A_23 : vector<1x128xf32> to vector<1000x128xf32>
    %add3A_25 = arith.addf %dot_general3A_20, %add3A_24 : vector<1000x128xf32>
    %get3A_26 = arith.constant 0 : index
    %get3A_27 = arith.constant 0 : index
    %get3A_28 = vector.load %arg5[%get3A_26, %get3A_27] : memref<1000x128xf32, #tpu.memory_space<vmem>>, vector<1000x128xf32>
    %get3A_29 = arith.constant 0 : index
    %get3A_30 = arith.constant 0 : index
    %get3A_31 = vector.load %arg8[%get3A_29, %get3A_30] : memref<128x128xf32, #tpu.memory_space<vmem>>, vector<128x128xf32>
    %dot_general3A_32 = arith.constant dense<0.000000e+00> : vector<1000x128xf32>
    %dot_general3A_33 = tpu.matmul %get3A_28, %get3A_31, %dot_general3A_32 {dimension_numbers = #tpu.dot_dimension_numbers<[1], [1], [0], [0], [0, 0, 1, 0], [], []>, transpose_lhs_hint = false} : vector<1000x128xf32>, vector<128x128xf32>, vector<1000x128xf32> -> vector<1000x128xf32>
    %add3A_34 = arith.addf %add3A_25, %dot_general3A_33 : vector<1000x128xf32>
    %swap3A = arith.constant 0 : index
    %swap3A_35 = arith.constant 0 : index
    %swap3A_36 = vector.load %arg9[%swap3A, %swap3A_35] : memref<1000x128xf32, #tpu.memory_space<vmem>>, vector<1000x128xf32>
    tpu.vector_store %arg9[%swap3A, %swap3A_35], %add3A_34 {strides = array<i32>} : memref<1000x128xf32, #tpu.memory_space<vmem>>, vector<1000x128xf32>,
    return
  }
  func.func @transform_0(%arg0: i32) -> (i32, i32) {
    %c0_i32 = arith.constant 0 : i32
    %c0_i32_0 = arith.constant 0 : i32
    return %arg0, %c0_i32 : i32, i32
  }
  func.func @transform_1(%arg0: i32) -> (i32, i32) {
    %c0_i32 = arith.constant 0 : i32
    %c0_i32_0 = arith.constant 0 : i32
    return %arg0, %c0_i32 : i32, i32
  }
  func.func @transform_2(%arg0: i32) -> (i32, i32) {
    %c0_i32 = arith.constant 0 : i32
    %c0_i32_0 = arith.constant 0 : i32
    return %arg0, %c0_i32 : i32, i32
  }
  func.func @transform_3(%arg0: i32) -> (i32, i32) {
    %c0_i32 = arith.constant 0 : i32
    %c0_i32_0 = arith.constant 0 : i32
    return %arg0, %c0_i32 : i32, i32
  }
  func.func @transform_4(%arg0: i32) -> (i32, i32) {
    %c0_i32 = arith.constant 0 : i32
    %c0_i32_0 = arith.constant 0 : i32
    return %arg0, %c0_i32 : i32, i32
  }
  func.func @transform_5(%arg0: i32) -> (i32, i32) {
    %c0_i32 = arith.constant 0 : i32
    %c0_i32_0 = arith.constant 0 : i32
    %c0_i32_1 = arith.constant 0 : i32
    return %c0_i32, %c0_i32_0 : i32, i32
  }
  func.func @transform_6(%arg0: i32) -> (i32, i32) {
    %c0_i32 = arith.constant 0 : i32
    %c0_i32_0 = arith.constant 0 : i32
    %c0_i32_1 = arith.constant 0 : i32
    return %c0_i32, %c0_i32_0 : i32, i32
  }
  func.func @transform_7(%arg0: i32) -> (i32, i32) {
    %c0_i32 = arith.constant 0 : i32
    %c0_i32_0 = arith.constant 0 : i32
    %c0_i32_1 = arith.constant 0 : i32
    return %c0_i32, %c0_i32_0 : i32, i32
  }
  func.func @transform_8(%arg0: i32) -> (i32, i32) {
    %c0_i32 = arith.constant 0 : i32
    %c0_i32_0 = arith.constant 0 : i32
    return %arg0, %c0_i32 : i32, i32
  }
}

</mosaic_0001>

<sc_bundles>
// kernel: kernel.10.cloned.1.call-start
scs
__scs_entry_jumppad:
0x0: {  	(pc) =	sbr.rel $0x88, $3  }
0x1: {  	(tag) =	ssettag $0x0;
	lr =	simm.s32 $0x1  }
0x2: {  	[smem:$0x3F99] =	sst lr;
	_ =	strace $0xD0000000  }
0x3: {  	_ = 	snop  }
0x4: {  	_ = 	snop  }
0x5: {  	_ = 	snop  }
0x6: {  	_ = 	snop  }
0x7: {  	_ = 	snop  }
__scs_overlays_trampoline_lowered:
0x8: {  	[smem:$0x3FA8] =	sst s0  }
0x9: {  	[smem:$0x3FA9] =	sst s1  }
0xa: {  	[smem:$0x3FAA] =	sst s2  }
0xb: {  	[smem:$0x3FAB] =	sst s3  }
0xc: {  	[smem:$0x3FAC] =	sst s4  }
0xd: {  	[smem:$0x3FAD] =	sst s5  }
0xe: {  	[smem:$0x3FAE] =	sst s6  }
0xf: {  	[smem:$0x3FAF] =	sst s7  }
0x10: {  	[smem:$0x3FB0] =	sst s8  }
0x11: {  	[smem:$0x3FB1] =	sst s9;
	s0 =	simm.s32 @!p0 $0x0  }
0x12: {  	s1 =	sld [smem:$0x3F97];
	s0 =	simm.s32 @p0 $0x1  }
0x13: {  	[smem:$0x3FB2] =	sst s0;
	s0 =	simm.s32 @!p1 $0x0  }
0x14: {  	s2 =	sld [smem:$0x3F96];
	s0 =	simm.s32 @p1 $0x1  }
0x15: {  	[smem:$0x3FB3] =	sst s0;
	s0 =	simm.s32 @!p2 $0x0  }
0x16: {  	s3 =	sld [smem:$0x3FDB];
	s0 =	simm.s32 @p2 $0x1  }
0x17: {  	s4 =	simm.s32 $0x1BF5;
	[smem:$0x3FB5] =	sst s0  }
0x18: {  	s0 =	sld [smem:$0x3F98];
	_ =	swait.ge [sflag:s4], $0x0  }
0x19: {  	s7 =	sld [smem:$0x3F99]  }
0x1a: {  	s8 =	sadd.s32 $0xFFFFE003, lr  }
0x1b: {  	s9 =	sadd.s32 $0xFFFFFEF7, lr;
	s5 =	simm.s32 $0xFFFFFFFF;
	p2 =	slt.u32 s8, $0xFFFFF086  }
0x1c: {  	p1 =	slt.u32 s9, $0xF7A;
	s5 =	simm.s32 @!p2 $0x0  }
0x1d: {  	s5 =	simm.s32 @p1 $0x1;
	p0 =	seq.s32 s7, s2  }
0x1e: {  	s7 =	smul.u32 @!p0 $0xF7A, s2;
	p2 =	seq.s32 @!p0 s5, $0x0  }
0x1f: {  	s9 =	smul.u32 $0xF7A, s1;
	s8 =	simm.s32 @!p0 $0x1BF5;
	p2 =	por !p2, p0  }
0x20: {  	[sflag:s8] =	ssyncset.s32 @!p0 $0xFFFFF086;
	s6 =	sadd.s32 @!p0 s3, s7;
	s7 =	simm.s32 @!p0 $0x108  }
0x21: {  	s3 =	sadd.s32 s3, s9;
	s6 =	sadd.s32 @!p0 $0x88, s6;
	s7 =	simm.s32 @p2 $0x1082  }
0x22: {  	[simem:s7], [sflag:s8] =	dma.local @!p0 [hbm:s6], $0xF7A  }
0x23: {  	s9 =	sor.u32 $0xD0000000, s2;
	s6 =	simm.s32 $0x108;
	_ =	swait.ge @!p0 [sflag:s8], $0x0  }
0x24: {  	s3 =	sadd.s32 $0x88, s3;
	s6 =	simm.s32 @!p1 $0x1082;
	[sflag:s4] =	ssyncset.s32 $0xFFFFF086  }
0x25: {  	[simem:s6], [sflag:s4] =	dma.local [hbm:s3], $0xF7A  }
0x26: {  	[smem:$0x3F99] =	sst s1;
	(tag) =	ssettag s2;
	_ =	strace s9  }
0x27: {  	s1 =	sld [smem:$0x3FA9]  }
0x28: {  	s2 =	sld [smem:$0x3FAA]  }
0x29: {  	s4 =	sld [smem:$0x3FAC]  }
0x2a: {  	p0 =	seq.s32 s5, $0x0;
	s5 =	sld [smem:$0x3FAD]  }
0x2b: {  	s6 =	sld [smem:$0x3FAE]  }
0x2c: {  	s7 =	sld [smem:$0x3FAF]  }
0x2d: {  	s3 =	simm.s32 $0x108;
	s8 =	sld [smem:$0x3FB0]  }
0x2e: {  	s3 =	simm.s32 @!p0 $0x1082;
	s9 =	sld [smem:$0x3FB1]  }
0x2f: {  	lr =	sadd.s32 s0, s3;
	s0 =	sld [smem:$0x3FA8]  }
0x30: {  	s3 =	sld [smem:$0x3FAB]  }
0x31: {  	[smem:$0x3FB4] =	sst s10  }
0x32: {  	s10 =	sld [smem:$0x3FB2];
	_ =	sdelay $0x3  }
0x33: {  	p0 =	seq.s32 s10, $0x1;
	s10 =	sld [smem:$0x3FB4];
	_ =	sdelay $0x3  }
0x34: {  	[smem:$0x3FB4] =	sst s10  }
0x35: {  	s10 =	sld [smem:$0x3FB3];
	_ =	sdelay $0x3  }
0x36: {  	p1 =	seq.s32 s10, $0x1;
	s10 =	sld [smem:$0x3FB4];
	_ =	sdelay $0x3  }
0x37: {  	[smem:$0x3FB4] =	sst s10  }
0x38: {  	s10 =	sld [smem:$0x3FB5]  }
0x39: {  	_ = 	snop;
	(pc) =	sbr.ind lr, $3  }
0x3a: {  	_ = 	snop  }
0x3b: {  	_ = 	snop  }
0x3c: {  	p2 =	seq.s32 s10, $0x1;
	s10 =	sld [smem:$0x3FB4]  }
0x3d: {  	_ =	shalt  }
0x3e: {  	_ =	shalt  }
0x3f: {  	_ =	shalt  }
0x40: {  	_ =	shalt  }
0x41: {  	_ =	shalt  }
0x42: {  	_ =	shalt  }
0x43: {  	_ =	shalt  }
0x44: {  	_ =	shalt  }
0x45: {  	_ =	shalt  }
0x46: {  	_ =	shalt  }
0x47: {  	_ =	shalt  }
0x48: {  	_ =	shalt  }
0x49: {  	_ =	shalt  }
0x4a: {  	_ =	shalt  }
0x4b: {  	_ =	shalt  }
0x4c: {  	_ =	shalt  }
0x4d: {  	_ =	shalt  }
0x4e: {  	_ =	shalt  }
0x4f: {  	_ =	shalt  }
0x50: {  	_ =	shalt  }
0x51: {  	_ =	shalt  }
0x52: {  	_ =	shalt  }
0x53: {  	_ =	shalt  }
0x54: {  	_ =	shalt  }
0x55: {  	_ =	shalt  }
0x56: {  	_ =	shalt  }
0x57: {  	_ =	shalt  }
0x58: {  	_ =	shalt  }
0x59: {  	_ =	shalt  }
0x5a: {  	_ =	shalt  }
0x5b: {  	_ =	shalt  }
0x5c: {  	_ =	shalt  }
0x5d: {  	_ =	shalt  }
0x5e: {  	_ =	shalt  }
0x5f: {  	_ =	shalt  }
0x60: {  	_ =	shalt  }
0x61: {  	_ =	shalt  }
0x62: {  	_ =	shalt  }
0x63: {  	_ =	shalt  }
0x64: {  	_ =	shalt  }
0x65: {  	_ =	shalt  }
0x66: {  	_ =	shalt  }
0x67: {  	_ =	shalt  }
0x68: {  	_ =	shalt  }
0x69: {  	_ =	shalt  }
0x6a: {  	_ =	shalt  }
0x6b: {  	_ =	shalt  }
0x6c: {  	_ =	shalt  }
0x6d: {  	_ =	shalt  }
0x6e: {  	_ =	shalt  }
0x6f: {  	_ =	shalt  }
0x70: {  	_ =	shalt  }
0x71: {  	_ =	shalt  }
0x72: {  	_ =	shalt  }
0x73: {  	_ =	shalt  }
0x74: {  	_ =	shalt  }
0x75: {  	_ =	shalt  }
0x76: {  	_ =	shalt  }
0x77: {  	_ =	shalt  }
0x78: {  	_ =	shalt  }
0x79: {  	_ =	shalt  }
0x7a: {  	_ =	shalt  }
0x7b: {  	_ =	shalt  }
0x7c: {  	_ =	shalt  }
0x7d: {  	_ =	shalt  }
0x7e: {  	_ =	shalt  }
0x7f: {  	_ =	shalt  }
0x80: {  	_ =	shalt  }
0x81: {  	_ =	shalt  }
0x82: {  	_ =	shalt  }
0x83: {  	_ =	shalt  }
0x84: {  	_ =	shalt  }
0x85: {  	_ =	shalt  }
0x86: {  	_ =	shalt  }
0x87: {  	_ =	shalt  }
.Lfunc_end0:
.L_simem_size_0:
called_computation.1_lowered:
.L_overlay_start_0:
0x88: {  	s2 =	sld [smem:$0x3FD9]  }
0x89: {  	s3 =	sld [smem:$0x3FFE];
	_ =	sdelay $0x1  }
0x8a: {  	s1 =	srdreg.scid  }
0x8b: {  	s0 =	sand.u32 $0x1, s1  }
0x8c: {  	s17 =	sshll.u32 s0, $0xA;
	s2 =	sadd.s32 s3, s2  }
0x8d: {  	s2 =	sadd.s32 s2, s17  }
0x8e: {  	[smem:$0x3FC0] =	sst s2  }
0x8f: {  	_ = 	snop  }
0x90: {  	s18 =	sld [smem:$0x3FC9];
	(tm) =	ssettm $0x1  }
0x91: {  	s19 =	sld [smem:$0x3FFB];
	_ =	sdelay $0x3  }
0x92: {  	_ =	strace s19  }
0x93: {  	s2 =	sld [smem:$0x3FFC];
	_ =	sdelay $0x3  }
0x94: {  	_ =	strace s2  }
0x95: {  	s2 =	sld [smem:$0x3FFD];
	_ =	sdelay $0x3  }
0x96: {  	_ =	strace s2  }
0x97: {  	_ =	strace $0x8FFFFFFF  }
0x98: {  	s20 =	sld [smem:$0x3FDB];
	_ =	sdelay $0x1  }
0x99: {  	s4 =	simm.s32 $_scs_section_size  }
0x9a: {  	s5 =	simm.s32 $_size__tile_overlayer_lowered;
	s6 =	simm.s32 $_tile_overlayer_lowered  }
0x9b: {  	s7 =	simm.s32 $0x1BFF;
	s21 =	sshll.u32 s6, $0x1;
	s4 =	sadd.s32 s4, s20  }
0x9c: {  	s22 =	simm.s32 $0x0;
	s5 =	sshll.u32 s5, $0x1;
	s6 =	sadd.s32 s21, s4  }
0x9d: {  	[timem:s22], [sflag:s7] =	dma.local [hbm:s6], s5  }
0x9e: {  	_ =	swait.ge [sflag:s7], s5  }
0x9f: {  	s5 =	ssub.s32 $0x0, s5;
	[sflag:s7] =	ssyncset.done $0x0  }
0xa0: {  	[sflag:s7] =	ssyncadd.s32 s5;
	_ =	sdelay $0x1  }
0xa1: {  	s23 =	simm.s32 $0x1B8B  }
0xa2: {  	_ =	swait.ge [sflag:s23], $0x1  }
0xa3: {  	[sflag:s23] =	ssyncset.done $0x0  }
0xa4: {  	[sflag:s23] =	ssyncadd.s32 $0xFFFFFFFF  }
0xa5: {  	s5 =	sld [smem:$0x0]  }
0xa6: {  	s6 =	sand.u32 $0xFFFFFFFE, s1  }
0xa7: {  	p0 =	sne.s32 s1, s6  }
0xa8: {  	s6 =	sshll.u32 @p0 s6, $0xE  }
0xa9: {  	s6 =	sadd.s32 @p0 $0x11B8D, s6;
	s7 =	sshll.u32 @p0 s5, $0x11  }
0xaa: {  	s6 =	sor.u32 @p0 s7, s6  }
0xab: {  	[sflag:s6] =	ssyncadd.remote.s32 @p0 $0x1;
	_ =	sdelay $0x1  }
0xac: {  	s6 =	simm.s32 @p0 $0x1B8D  }
0xad: {  	_ =	swait.eq @p0 [sflag:s6], $0x1  }
0xae: {  	[sflag:s6] =	ssyncadd.s32 @p0 $0xFFFFFFFF  }
0xaf: {  	s7 =	sshll.u32 @!p0 s1, $0xE  }
0xb0: {  	s7 =	sor.u32 @!p0 $0x4000, s7;
	s6 =	simm.s32 @!p0 $0x1B8D  }
0xb1: {  	s5 =	sshll.u32 @!p0 s5, $0x11;
	s7 =	sadd.s32 @!p0 $0x11B8D, s7;
	_ =	swait.eq @!p0 [sflag:s6], $0x1  }
0xb2: {  	s5 =	sor.u32 @!p0 s5, s7;
	[sflag:s6] =	ssyncadd.s32 @!p0 $0xFFFFFFFF  }
0xb3: {  	s25 =	simm.s32 $0x1B8E;
	s24 =	sld [smem:$0x3FFE];
	[sflag:s5] =	ssyncadd.remote.s32 @!p0 $0x1  }
0xb4: {  	s26 =	simm.s32 $execute0_lowered;
	[smem:$0x3FD2] =	sst s25  }
0xb5: {  	s6 =	sshll.u32 s26, $0x1;
	_ =	strace $0x80000049;
	[dreg:$0x1] =	wrdreg $0xFFFFFFFF  }
0xb6: {  	s28 =	simm.s32 $_size_execute0_lowered;
	s4 =	sadd.s32 s4, s6;
	[dreg:$0x0] =	wrdreg $0x0  }
0xb7: {  	s6 =	sshll.u32 s28, $0x1;
	[dreg:$0x2] =	wrdreg s4  }
0xb8: {  	[dreg:$0x3] =	wrdreg s6  }
0xb9: {  	[dreg:$0x4] =	wrdreg $0xC0  }
0xba: {  	_ =	task [dreg:s22], $0x5FFFF  }
0xbb: {  	[dreg:$0x1] =	wrdreg $0xFFFFFFFF  }
0xbc: {  	[dreg:$0x0] =	wrdreg $0x60  }
0xbd: {  	[dreg:$0x2] =	wrdreg s18  }
0xbe: {  	[dreg:$0x3] =	wrdreg s24  }
0xbf: {  	[dreg:$0x4] =	wrdreg $0xA2000  }
0xc0: {  	[dreg:$0x5] =	wrdreg $0xA  }
0xc1: {  	_ =	task.clear_ibuf [dreg:s22], $0x6FFFF;
	_ =	strace $0x90000049  }
0xc2: {  	s29 =	simm.s32 $0xA;
	_ =	strace $0x8000004B  }
0xc3: {  	_ =	swait.ge [sflag:s29], $0x1  }
0xc4: {  	[sflag:s29] =	ssyncadd.s32 $0xFFFFFFFF  }
0xc5: {  	_ =	strace $0x9000004B  }
0xc6: {  	_ =	sfence  }
0xc7: {  	s30 =	sld [smem:$0x0];
	_ =	sdelay $0x2  }
0xc8: {  	s31 =	sshll.u32 s1, $0xD;
	s1 =	sshrl.u32 s1, $0x2  }
0xc9: {  	s4 =	sand.u32 $0x4000, s31;
	s1 =	sadd.s32 s1, s30  }
0xca: {  	s0 =	sor.u32 s4, s0;
	s1 =	sshll.u32 s1, $0x11  }
0xcb: {  	s0 =	sor.u32 s1, s0  }
0xcc: {  	s0 =	sadd.s32 $0x8F2B, s0  }
0xcd: {  	[sflag:s0] =	ssyncadd.remote.s32 $0x1  }
0xce: {  	_ =	sfence.sel $0xFFFF  }
0xcf: {  	[dreg:$0x0] =	wrdreg $0xFFFFFFFF;
	(pc) =	sbr.abs _section_cstart, $3  }
0xd0: {  	[dreg:$0x1] =	wrdreg $0xFFFFFFFF  }
0xd1: {  	_ =	task.clear_ibuf [dreg:s22], $0x2FFFF;
	_ =	strace $0x9FFFFFFF  }
0xd2: {  	(tm) =	ssettm $0x7FFFFFFF  }
0xd3: {  	_ =	shalt  }
tec
execute0_lowered:
.L_overlay_start_1:
0x0: {  	(tag) =	ssettag $0x1  }
0x1: {  	s1 =	rddreg [dreg:$0x0]  }
0x2: {  	s0 =	srdreg.scid;
	s2 =	rddreg [dreg:$0x1]  }
0x3: {  	s13 =	stileid.u32;
	s3 =	rddreg [dreg:$0x2];
	s18 =	simm.s32 $0x6  }
0x4: {  	s19 =	simm.s32 $0x2A00;
	s20 =	simm.s32 $0x3600;
	s28 =	simm.s32 $0x2  }
0x5: {  	s29 =	simm.s32 $0x3;
	s30 =	simm.s32 $0x5;
	s31 =	simm.s32 $0x4  }
0x6: {  	s0 =	sand.u32 $0x1, s0;
	s7 =	smul.u32 $0x2780, s13;
	s10 =	sadd.s32 $0xCA00, s2  }
0x7: {  	s21 =	smul.u32 $0x4F000, s13;
	s24 =	sshll.u32 s13, $0x6;
	s4 =	sshll.u32 s0, $0x4  }
0x8: {  	s8 =	smul.u32 $0x27800, s0;
	s0 =	ssub.s32 $0x2, s0;
	s5 =	sor.u32 s13, s4  }
0x9: {  	s4 =	simm.s32 $0x0;
	s11 =	sadd.s32 s7, s2;
	s6 =	smul.u32 $0x540, s5  }
0xa: {  	s22 =	sshrl.u32 s0, $0x1;
	[smem:$0x7FF] =	sst s4;
	s12 =	smul.u32 $0x5400, s5  }
0xb: {  	s7 =	sadd.s32 s7, s8;
	s0 =	ssub.s32 s0, s22;
	s5 =	smul.u32 $0xA80, s5  }
0xc: {  	s11 =	sadd.s32 $0x21A00, s11;
	s22 =	simm.s32 $0x4200;
	_ =	strace $0x8000004A  }
0xd: {  	[dreg:$0x4] =	wrdreg s11;
	s16 =	smax.u32 s0, $0x1;
	s0 =	simm.s32 $0x0  }
0xe: {  	s9 =	sadd.s32 s6, s2;
	s6 =	sshrl.u32 s21, $0x2;
	s2 =	sadd.s32 s7, s2  }
0xf: {  	s25 =	sshrl.u32 s12, $0x3;
	s5 =	sadd.s32 s10, s5;
	s21 =	simm.s32 $0x40  }
0x10: {  	s23 =	sadd.s32 s6, s3;
	s6 =	sor.u32 $0x1C06, s24;
	s14 =	sadd.s32 s10, s25  }
0x11: {  	s26 =	sadd.s32 $0x2200, s9;
	[dreg:$0x6] =	wrdreg s5;
	s15 =	sadd.s32 $0x98200, s2  }
0x12: {  	s25 =	simm.s32 $0x8200;
	s2 =	simm.s32 $0x2B00;
	[dreg:$0x5] =	wrdreg s26  }
0x13: {  	s9 =	sadd.s32 $0x180, s14;
	s10 =	sadd.s32 $0x300, s14;
	s11 =	sadd.s32 $0x480, s14  }
0x14: {  	s12 =	sadd.s32 $0x600, s14;
	s13 =	sadd.s32 $0x780, s14;
	s14 =	sadd.s32 $0x900, s14  }
0x15: {  	s17 =	sshrl.u32 s23, $0x3;
	s23 =	simm.s32 $0x6200;
	s26 =	simm.s32 $0x1  }
.LBB2_1:
0x16: {  	s5 =	rddreg [dreg:$0x4]  }
0x17: {  	[spmem:s17], [sflag:s6] =	dma.local [hbm:s5], $0x2780  }
0x18: {  	_ =	swait.ge [sflag:s18], $0x2780  }
0x19: {  	[sflag:s18] =	ssyncset.done $0x0  }
0x1a: {  	s24 =	rddreg [dreg:$0x5];
	[sflag:s18] =	ssyncadd.s32 $0xFFFFD880  }
0x1b: {  	[tilespmem:s4], [sflag:$0x6] =	stream.linear.gather [hbm4b:s24+s4], $0x2A00, $0x38;
	[tilespmem:$0x1DE00] =	vst v63  }
0x1c: {  	_ =	swait.ge [sflag:s18], $0x2A00  }
0x1d: {  	[sflag:s18] =	ssyncset.done $0x0  }
0x1e: {  	s7 =	rddreg [dreg:$0x6];
	[sflag:s18] =	ssyncadd.s32 $0xFFFFD600  }
0x1f: {  	[tilespmem:s19], [sflag:$0x6] =	stream.linear.gather [hbm4b:s7+s4], $0xC00, $0x38;
	[tilespmem:$0x1DE00] =	vst v63  }
0x20: {  	_ =	swait.ge [sflag:s18], $0xC00  }
0x21: {  	[sflag:s18] =	ssyncset.done $0x0  }
0x22: {  	[sflag:s18] =	ssyncadd.s32 $0xFFFFF400  }
0x23: {  	[tilespmem:s20], [sflag:$0x5] =	stream.linear.gather [hbm4b:s9+s4], $0xC00, $0x38;
	[tilespmem:$0x1DE00] =	vst v63  }
0x24: {  	[bflag:$0x0] =	sbarrier.arrive $0xFFFF  }
0x25: {  	[tilespmem:s22], [sflag:$0x1] =	stream.indirect.gather [hbm4b:s1+s21], $0x80, s4, s21, $0xb8;
	[tilespmem:$0x1DE00] =	vst v63  }
0x26: {  	_ = 	snop  }
0x27: {  	[tilespmem:s23], [sflag:$0x2] =	stream.indirect.gather [hbm4b:s1+s21], $0x80, s21, s21, $0xb8;
	[tilespmem:$0x1DE00] =	vst v63  }
0x28: {  	s8 =	simm.s32 $0x80  }
0x29: {  	[tilespmem:s25], [sflag:$0x3] =	stream.indirect.gather [hbm4b:s1+s21], $0x80, s8, s21, $0xb8;
	[tilespmem:$0x1DE00] =	vst v63  }
0x2a: {  	_ =	swait.ge [sflag:s26], $0x2000  }
0x2b: {  	[sflag:s26] =	ssyncset.done $0x0  }
0x2c: {  	s24 =	simm.s32 $0x2A00;
	[sflag:s26] =	ssyncadd.s32 $0xFFFFE000  }
0x2d: {  	[spmem:s3] =	stream.indirect.scatter.add.f32 [tilespmem:s22], [sflag:$0x6], $0x80, s24, s21, $0xb8;
	[tilespmem:$0x1DE00] =	vst v63  }
0x2e: {  	_ =	swait.ge [sflag:s18], $0x2000  }
0x2f: {  	[sflag:s18] =	ssyncset.done $0x0  }
0x30: {  	s7 =	simm.s32 $0xC0;
	[sflag:s18] =	ssyncadd.s32 $0xFFFFE000  }
0x31: {  	[tilespmem:s22], [sflag:$0x1] =	stream.indirect.gather [hbm4b:s1+s21], $0x80, s7, s21, $0xb8;
	[tilespmem:$0x1DE00] =	vst v63  }
0x32: {  	_ =	swait.ge [sflag:s28], $0x2000  }
0x33: {  	[sflag:s28] =	ssyncset.done $0x0  }
0x34: {  	s8 =	simm.s32 $0x2A80;
	[sflag:s28] =	ssyncadd.s32 $0xFFFFE000  }
0x35: {  	[spmem:s3] =	stream.indirect.scatter.add.f32 [tilespmem:s23], [sflag:$0x6], $0x80, s8, s21, $0xb8;
	[tilespmem:$0x1DE00] =	vst v63  }
0x36: {  	_ =	swait.ge [sflag:s18], $0x2000  }
0x37: {  	[sflag:s18] =	ssyncset.done $0x0  }
0x38: {  	s24 =	simm.s32 $0x100;
	[sflag:s18] =	ssyncadd.s32 $0xFFFFE000  }
0x39: {  	[tilespmem:s23], [sflag:$0x2] =	stream.indirect.gather [hbm4b:s1+s21], $0x80, s24, s21, $0xb8;
	[tilespmem:$0x1DE00] =	vst v63  }
0x3a: {  	_ =	swait.ge [sflag:s29], $0x2000  }
0x3b: {  	[sflag:s29] =	ssyncset.done $0x0  }
0x3c: {  	[sflag:s29] =	ssyncadd.s32 $0xFFFFE000  }
0x3d: {  	[spmem:s3] =	stream.indirect.scatter.add.f32 [tilespmem:s25], [sflag:$0x6], $0x80, s2, s21, $0xb8;
	[tilespmem:$0x1DE00] =	vst v63  }
0x3e: {  	_ =	swait.ge [sflag:s18], $0x2000  }
0x3f: {  	s5 =	simm.s32 $0x2C80;
	[sflag:s18] =	ssyncset.done $0x0  }
0x40: {  	s7 =	simm.s32 $0x140;
	s24 =	simm.s32 $0x300;
	[sflag:s18] =	ssyncadd.s32 $0xFFFFE000  }
.LBB2_2:
0x41: {  	[tilespmem:s25], [sflag:$0x3] =	stream.indirect.gather [hbm4b:s1+s21], $0x80, s7, s21, $0xb8;
	[tilespmem:$0x1DE00] =	vst v63  }
0x42: {  	s7 =	smov.u32 s24  }
0x43: {  	p0 =	sne.s32 s24, $0x1500;
	s24 =	sadd.s32 $0x300, s24;
	_ =	swait.ge [sflag:s26], $0x2000  }
0x44: {  	[sflag:s26] =	ssyncset.done $0x0  }
0x45: {  	s8 =	sadd.s32 $0xFFFFFF00, s5;
	[sflag:s26] =	ssyncadd.s32 $0xFFFFE000  }
0x46: {  	[spmem:s3] =	stream.indirect.scatter.add.f32 [tilespmem:s22], [sflag:$0x6], $0x80, s8, s21, $0xb8;
	[tilespmem:$0x1DE00] =	vst v63  }
0x47: {  	_ =	swait.ge [sflag:s18], $0x2000  }
0x48: {  	s7 =	sshra.s32 s7, $0x2;
	[sflag:s18] =	ssyncset.done $0x0  }
0x49: {  	s8 =	sadd.s32 $0xC0, s7;
	[sflag:s18] =	ssyncadd.s32 $0xFFFFE000  }
0x4a: {  	[tilespmem:s22], [sflag:$0x1] =	stream.indirect.gather [hbm4b:s1+s21], $0x80, s8, s21, $0xb8;
	[tilespmem:$0x1DE00] =	vst v63  }
0x4b: {  	_ =	swait.ge [sflag:s28], $0x2000  }
0x4c: {  	[sflag:s28] =	ssyncset.done $0x0  }
0x4d: {  	s8 =	sadd.s32 $0xFFFFFF80, s5;
	[sflag:s28] =	ssyncadd.s32 $0xFFFFE000  }
0x4e: {  	[spmem:s3] =	stream.indirect.scatter.add.f32 [tilespmem:s23], [sflag:$0x6], $0x80, s8, s21, $0xb8;
	[tilespmem:$0x1DE00] =	vst v63  }
0x4f: {  	_ =	swait.ge [sflag:s18], $0x2000  }
0x50: {  	[sflag:s18] =	ssyncset.done $0x0  }
0x51: {  	s8 =	sadd.s32 $0x100, s7;
	[sflag:s18] =	ssyncadd.s32 $0xFFFFE000  }
0x52: {  	[tilespmem:s23], [sflag:$0x2] =	stream.indirect.gather [hbm4b:s1+s21], $0x80, s8, s21, $0xb8;
	[tilespmem:$0x1DE00] =	vst v63  }
0x53: {  	_ =	swait.ge [sflag:s29], $0x2000  }
0x54: {  	[sflag:s29] =	ssyncset.done $0x0  }
.Ltmp0:
0x55: {  	[sflag:s29] =	ssyncadd.s32 $0xFFFFE000;
	(pc) =	sbr.rel @p0 .LBB2_2-.Ltmp0, $4  }
0x56: {  	[spmem:s3] =	stream.indirect.scatter.add.f32 [tilespmem:s25], [sflag:$0x6], $0x80, s5, s21, $0xb8;
	[tilespmem:$0x1DE00] =	vst v63  }
0x57: {  	_ =	swait.ge [sflag:s18], $0x2000  }
0x58: {  	[sflag:s18] =	ssyncset.done $0x0  }
0x59: {  	s7 =	sadd.s32 $0x140, s7;
	s5 =	sadd.s32 $0x180, s5;
	[sflag:s18] =	ssyncadd.s32 $0xFFFFE000  }
0x5a: {  	[tilespmem:s25], [sflag:$0x3] =	stream.indirect.gather [hbm4b:s1+s21], $0x80, s7, s21, $0xb8;
	[tilespmem:$0x1DE00] =	vst v63  }
0x5b: {  	s5 =	simm.s32 $0x0  }
0x5c: {  	[tilespmem:s19], [sflag:$0x4] =	stream.linear.gather [hbm4b:s10+s5], $0xC00, $0x38;
	[tilespmem:$0x1DE00] =	vst v63  }
0x5d: {  	_ =	swait.ge [sflag:s30], $0xC00  }
0x5e: {  	[sflag:s30] =	ssyncset.done $0x0  }
0x5f: {  	[sflag:s30] =	ssyncadd.s32 $0xFFFFF400  }
0x60: {  	_ =	swait.ge [sflag:s26], $0x2000  }
0x61: {  	[sflag:s26] =	ssyncset.done $0x0  }
0x62: {  	s8 =	simm.s32 $0x3600;
	[sflag:s26] =	ssyncadd.s32 $0xFFFFE000  }
0x63: {  	[spmem:s3] =	stream.indirect.scatter.add.f32 [tilespmem:s22], [sflag:$0x6], $0x80, s8, s21, $0xb8;
	[tilespmem:$0x1DE00] =	vst v63  }
0x64: {  	_ =	swait.ge [sflag:s18], $0x2000  }
0x65: {  	[sflag:s18] =	ssyncset.done $0x0  }
0x66: {  	s24 =	simm.s32 $0x6C0;
	[sflag:s18] =	ssyncadd.s32 $0xFFFFE000  }
0x67: {  	[tilespmem:s22], [sflag:$0x1] =	stream.indirect.gather [hbm4b:s1+s21], $0x80, s24, s21, $0xb8;
	[tilespmem:$0x1DE00] =	vst v63  }
0x68: {  	_ =	swait.ge [sflag:s28], $0x2000  }
0x69: {  	[sflag:s28] =	ssyncset.done $0x0  }
0x6a: {  	s7 =	simm.s32 $0x3680;
	[sflag:s28] =	ssyncadd.s32 $0xFFFFE000  }
0x6b: {  	[spmem:s3] =	stream.indirect.scatter.add.f32 [tilespmem:s23], [sflag:$0x6], $0x80, s7, s21, $0xb8;
	[tilespmem:$0x1DE00] =	vst v63  }
0x6c: {  	_ =	swait.ge [sflag:s18], $0x2000  }
0x6d: {  	[sflag:s18] =	ssyncset.done $0x0  }
0x6e: {  	s8 =	simm.s32 $0x700;
	[sflag:s18] =	ssyncadd.s32 $0xFFFFE000  }
0x6f: {  	[tilespmem:s23], [sflag:$0x2] =	stream.indirect.gather [hbm4b:s1+s21], $0x80, s8, s21, $0xb8;
	[tilespmem:$0x1DE00] =	vst v63  }
0x70: {  	_ =	swait.ge [sflag:s29], $0x2000  }
0x71: {  	[sflag:s29] =	ssyncset.done $0x0  }
0x72: {  	s24 =	simm.s32 $0x3700;
	[sflag:s29] =	ssyncadd.s32 $0xFFFFE000  }
0x73: {  	[spmem:s3] =	stream.indirect.scatter.add.f32 [tilespmem:s25], [sflag:$0x6], $0x80, s24, s21, $0xb8;
	[tilespmem:$0x1DE00] =	vst v63  }
0x74: {  	_ =	swait.ge [sflag:s18], $0x2000  }
0x75: {  	s5 =	simm.s32 $0x3880;
	[sflag:s18] =	ssyncset.done $0x0  }
0x76: {  	s7 =	simm.s32 $0x740;
	s24 =	simm.s32 $0x300;
	[sflag:s18] =	ssyncadd.s32 $0xFFFFE000  }
.LBB2_4:
0x77: {  	[tilespmem:s25], [sflag:$0x3] =	stream.indirect.gather [hbm4b:s1+s21], $0x80, s7, s21, $0xb8;
	[tilespmem:$0x1DE00] =	vst v63  }
0x78: {  	s7 =	smov.u32 s24  }
0x79: {  	p0 =	sne.s32 s24, $0x1500;
	s24 =	sadd.s32 $0x300, s24;
	_ =	swait.ge [sflag:s26], $0x2000  }
0x7a: {  	[sflag:s26] =	ssyncset.done $0x0  }
0x7b: {  	s8 =	sadd.s32 $0xFFFFFF00, s5;
	[sflag:s26] =	ssyncadd.s32 $0xFFFFE000  }
0x7c: {  	[spmem:s3] =	stream.indirect.scatter.add.f32 [tilespmem:s22], [sflag:$0x6], $0x80, s8, s21, $0xb8;
	[tilespmem:$0x1DE00] =	vst v63  }
0x7d: {  	_ =	swait.ge [sflag:s18], $0x2000  }
0x7e: {  	s7 =	sshra.s32 s7, $0x2;
	[sflag:s18] =	ssyncset.done $0x0  }
0x7f: {  	s8 =	sadd.s32 $0x6C0, s7;
	[sflag:s18] =	ssyncadd.s32 $0xFFFFE000  }
0x80: {  	[tilespmem:s22], [sflag:$0x1] =	stream.indirect.gather [hbm4b:s1+s21], $0x80, s8, s21, $0xb8;
	[tilespmem:$0x1DE00] =	vst v63  }
0x81: {  	_ =	swait.ge [sflag:s28], $0x2000  }
0x82: {  	[sflag:s28] =	ssyncset.done $0x0  }
0x83: {  	s8 =	sadd.s32 $0xFFFFFF80, s5;
	[sflag:s28] =	ssyncadd.s32 $0xFFFFE000  }
0x84: {  	[spmem:s3] =	stream.indirect.scatter.add.f32 [tilespmem:s23], [sflag:$0x6], $0x80, s8, s21, $0xb8;
	[tilespmem:$0x1DE00] =	vst v63  }
0x85: {  	_ =	swait.ge [sflag:s18], $0x2000  }
0x86: {  	[sflag:s18] =	ssyncset.done $0x0  }
0x87: {  	s8 =	sadd.s32 $0x700, s7;
	[sflag:s18] =	ssyncadd.s32 $0xFFFFE000  }
0x88: {  	[tilespmem:s23], [sflag:$0x2] =	stream.indirect.gather [hbm4b:s1+s21], $0x80, s8, s21, $0xb8;
	[tilespmem:$0x1DE00] =	vst v63  }
0x89: {  	_ =	swait.ge [sflag:s29], $0x2000  }
0x8a: {  	[sflag:s29] =	ssyncset.done $0x0  }
.Ltmp1:
0x8b: {  	[sflag:s29] =	ssyncadd.s32 $0xFFFFE000;
	(pc) =	sbr.rel @p0 .LBB2_4-.Ltmp1, $4  }
0x8c: {  	[spmem:s3] =	stream.indirect.scatter.add.f32 [tilespmem:s25], [sflag:$0x6], $0x80, s5, s21, $0xb8;
	[tilespmem:$0x1DE00] =	vst v63  }
0x8d: {  	_ =	swait.ge [sflag:s18], $0x2000  }
0x8e: {  	[sflag:s18] =	ssyncset.done $0x0  }
0x8f: {  	s7 =	sadd.s32 $0x740, s7;
	s5 =	sadd.s32 $0x180, s5;
	[sflag:s18] =	ssyncadd.s32 $0xFFFFE000  }
0x90: {  	[tilespmem:s25], [sflag:$0x3] =	stream.indirect.gather [hbm4b:s1+s21], $0x80, s7, s21, $0xb8;
	[tilespmem:$0x1DE00] =	vst v63  }
0x91: {  	s5 =	simm.s32 $0x0  }
0x92: {  	[tilespmem:s20], [sflag:$0x5] =	stream.linear.gather [hbm4b:s11+s5], $0xC00, $0x38;
	[tilespmem:$0x1DE00] =	vst v63  }
0x93: {  	_ =	swait.ge [sflag:s31], $0xC00  }
0x94: {  	[sflag:s31] =	ssyncset.done $0x0  }
0x95: {  	[sflag:s31] =	ssyncadd.s32 $0xFFFFF400  }
0x96: {  	_ =	swait.ge [sflag:s26], $0x2000  }
0x97: {  	[sflag:s26] =	ssyncset.done $0x0  }
0x98: {  	s8 =	simm.s32 $0x2A00;
	[sflag:s26] =	ssyncadd.s32 $0xFFFFE000  }
0x99: {  	[spmem:s3] =	stream.indirect.scatter.add.f32 [tilespmem:s22], [sflag:$0x6], $0x80, s8, s21, $0xb8;
	[tilespmem:$0x1DE00] =	vst v63  }
0x9a: {  	_ =	swait.ge [sflag:s18], $0x2000  }
0x9b: {  	[sflag:s18] =	ssyncset.done $0x0  }
0x9c: {  	s24 =	simm.s32 $0xCC0;
	[sflag:s18] =	ssyncadd.s32 $0xFFFFE000  }
0x9d: {  	[tilespmem:s22], [sflag:$0x1] =	stream.indirect.gather [hbm4b:s1+s21], $0x80, s24, s21, $0xb8;
	[tilespmem:$0x1DE00] =	vst v63  }
0x9e: {  	_ =	swait.ge [sflag:s28], $0x2000  }
0x9f: {  	[sflag:s28] =	ssyncset.done $0x0  }
0xa0: {  	s7 =	simm.s32 $0x2A80;
	[sflag:s28] =	ssyncadd.s32 $0xFFFFE000  }
0xa1: {  	[spmem:s3] =	stream.indirect.scatter.add.f32 [tilespmem:s23], [sflag:$0x6], $0x80, s7, s21, $0xb8;
	[tilespmem:$0x1DE00] =	vst v63  }
0xa2: {  	_ =	swait.ge [sflag:s18], $0x2000  }
0xa3: {  	[sflag:s18] =	ssyncset.done $0x0  }
0xa4: {  	s8 =	simm.s32 $0xD00;
	[sflag:s18] =	ssyncadd.s32 $0xFFFFE000  }
0xa5: {  	[tilespmem:s23], [sflag:$0x2] =	stream.indirect.gather [hbm4b:s1+s21], $0x80, s8, s21, $0xb8;
	[tilespmem:$0x1DE00] =	vst v63  }
0xa6: {  	_ =	swait.ge [sflag:s29], $0x2000  }
0xa7: {  	[sflag:s29] =	ssyncset.done $0x0  }
0xa8: {  	s24 =	simm.s32 $0x2B00;
	[sflag:s29] =	ssyncadd.s32 $0xFFFFE000  }
0xa9: {  	[spmem:s3] =	stream.indirect.scatter.add.f32 [tilespmem:s25], [sflag:$0x6], $0x80, s24, s21, $0xb8;
	[tilespmem:$0x1DE00] =	vst v63  }
0xaa: {  	_ =	swait.ge [sflag:s18], $0x2000  }
0xab: {  	s5 =	simm.s32 $0x2C80;
	[sflag:s18] =	ssyncset.done $0x0  }
0xac: {  	s7 =	simm.s32 $0xD40;
	s24 =	simm.s32 $0x300;
	[sflag:s18] =	ssyncadd.s32 $0xFFFFE000  }
.LBB2_6:
0xad: {  	[tilespmem:s25], [sflag:$0x3] =	stream.indirect.gather [hbm4b:s1+s21], $0x80, s7, s21, $0xb8;
	[tilespmem:$0x1DE00] =	vst v63  }
0xae: {  	s7 =	smov.u32 s24  }
0xaf: {  	p0 =	sne.s32 s24, $0x1500;
	s24 =	sadd.s32 $0x300, s24;
	_ =	swait.ge [sflag:s26], $0x2000  }
0xb0: {  	[sflag:s26] =	ssyncset.done $0x0  }
0xb1: {  	s8 =	sadd.s32 $0xFFFFFF00, s5;
	[sflag:s26] =	ssyncadd.s32 $0xFFFFE000  }
0xb2: {  	[spmem:s3] =	stream.indirect.scatter.add.f32 [tilespmem:s22], [sflag:$0x6], $0x80, s8, s21, $0xb8;
	[tilespmem:$0x1DE00] =	vst v63  }
0xb3: {  	_ =	swait.ge [sflag:s18], $0x2000  }
0xb4: {  	s7 =	sshra.s32 s7, $0x2;
	[sflag:s18] =	ssyncset.done $0x0  }
0xb5: {  	s8 =	sadd.s32 $0xCC0, s7;
	[sflag:s18] =	ssyncadd.s32 $0xFFFFE000  }
0xb6: {  	[tilespmem:s22], [sflag:$0x1] =	stream.indirect.gather [hbm4b:s1+s21], $0x80, s8, s21, $0xb8;
	[tilespmem:$0x1DE00] =	vst v63  }
0xb7: {  	_ =	swait.ge [sflag:s28], $0x2000  }
0xb8: {  	[sflag:s28] =	ssyncset.done $0x0  }
0xb9: {  	s8 =	sadd.s32 $0xFFFFFF80, s5;
	[sflag:s28] =	ssyncadd.s32 $0xFFFFE000  }
0xba: {  	[spmem:s3] =	stream.indirect.scatter.add.f32 [tilespmem:s23], [sflag:$0x6], $0x80, s8, s21, $0xb8;
	[tilespmem:$0x1DE00] =	vst v63  }
0xbb: {  	_ =	swait.ge [sflag:s18], $0x2000  }
0xbc: {  	[sflag:s18] =	ssyncset.done $0x0  }
0xbd: {  	s8 =	sadd.s32 $0xD00, s7;
	[sflag:s18] =	ssyncadd.s32 $0xFFFFE000  }
0xbe: {  	[tilespmem:s23], [sflag:$0x2] =	stream.indirect.gather [hbm4b:s1+s21], $0x80, s8, s21, $0xb8;
	[tilespmem:$0x1DE00] =	vst v63  }
0xbf: {  	_ =	swait.ge [sflag:s29], $0x2000  }
0xc0: {  	[sflag:s29] =	ssyncset.done $0x0  }
.Ltmp2:
0xc1: {  	[sflag:s29] =	ssyncadd.s32 $0xFFFFE000;
	(pc) =	sbr.rel @p0 .LBB2_6-.Ltmp2, $4  }
0xc2: {  	[spmem:s3] =	stream.indirect.scatter.add.f32 [tilespmem:s25], [sflag:$0x6], $0x80, s5, s21, $0xb8;
	[tilespmem:$0x1DE00] =	vst v63  }
0xc3: {  	_ =	swait.ge [sflag:s18], $0x2000  }
0xc4: {  	[sflag:s18] =	ssyncset.done $0x0  }
0xc5: {  	s7 =	sadd.s32 $0xD40, s7;
	s5 =	sadd.s32 $0x180, s5;
	[sflag:s18] =	ssyncadd.s32 $0xFFFFE000  }
0xc6: {  	[tilespmem:s25], [sflag:$0x3] =	stream.indirect.gather [hbm4b:s1+s21], $0x80, s7, s21, $0xb8;
	[tilespmem:$0x1DE00] =	vst v63  }
0xc7: {  	s5 =	simm.s32 $0x0  }
0xc8: {  	[tilespmem:s19], [sflag:$0x4] =	stream.linear.gather [hbm4b:s12+s5], $0xC00, $0x38;
	[tilespmem:$0x1DE00] =	vst v63  }
0xc9: {  	_ =	swait.ge [sflag:s30], $0xC00  }
0xca: {  	[sflag:s30] =	ssyncset.done $0x0  }
0xcb: {  	[sflag:s30] =	ssyncadd.s32 $0xFFFFF400  }
0xcc: {  	_ =	swait.ge [sflag:s26], $0x2000  }
0xcd: {  	[sflag:s26] =	ssyncset.done $0x0  }
0xce: {  	s8 =	simm.s32 $0x3600;
	[sflag:s26] =	ssyncadd.s32 $0xFFFFE000  }
0xcf: {  	[spmem:s3] =	stream.indirect.scatter.add.f32 [tilespmem:s22], [sflag:$0x6], $0x80, s8, s21, $0xb8;
	[tilespmem:$0x1DE00] =	vst v63  }
0xd0: {  	_ =	swait.ge [sflag:s18], $0x2000  }
0xd1: {  	[sflag:s18] =	ssyncset.done $0x0  }
0xd2: {  	s24 =	simm.s32 $0x12C0;
	[sflag:s18] =	ssyncadd.s32 $0xFFFFE000  }
0xd3: {  	[tilespmem:s22], [sflag:$0x1] =	stream.indirect.gather [hbm4b:s1+s21], $0x80, s24, s21, $0xb8;
	[tilespmem:$0x1DE00] =	vst v63  }
0xd4: {  	_ =	swait.ge [sflag:s28], $0x2000  }
0xd5: {  	[sflag:s28] =	ssyncset.done $0x0  }
0xd6: {  	s7 =	simm.s32 $0x3680;
	[sflag:s28] =	ssyncadd.s32 $0xFFFFE000  }
0xd7: {  	[spmem:s3] =	stream.indirect.scatter.add.f32 [tilespmem:s23], [sflag:$0x6], $0x80, s7, s21, $0xb8;
	[tilespmem:$0x1DE00] =	vst v63  }
0xd8: {  	_ =	swait.ge [sflag:s18], $0x2000  }
0xd9: {  	[sflag:s18] =	ssyncset.done $0x0  }
0xda: {  	s8 =	simm.s32 $0x1300;
	[sflag:s18] =	ssyncadd.s32 $0xFFFFE000  }
0xdb: {  	[tilespmem:s23], [sflag:$0x2] =	stream.indirect.gather [hbm4b:s1+s21], $0x80, s8, s21, $0xb8;
	[tilespmem:$0x1DE00] =	vst v63  }
0xdc: {  	_ =	swait.ge [sflag:s29], $0x2000  }
0xdd: {  	[sflag:s29] =	ssyncset.done $0x0  }
0xde: {  	s24 =	simm.s32 $0x3700;
	[sflag:s29] =	ssyncadd.s32 $0xFFFFE000  }
0xdf: {  	[spmem:s3] =	stream.indirect.scatter.add.f32 [tilespmem:s25], [sflag:$0x6], $0x80, s24, s21, $0xb8;
	[tilespmem:$0x1DE00] =	vst v63  }
0xe0: {  	_ =	swait.ge [sflag:s18], $0x2000  }
0xe1: {  	s5 =	simm.s32 $0x3880;
	[sflag:s18] =	ssyncset.done $0x0  }
0xe2: {  	s7 =	simm.s32 $0x1340;
	s24 =	simm.s32 $0x300;
	[sflag:s18] =	ssyncadd.s32 $0xFFFFE000  }
.LBB2_8:
0xe3: {  	[tilespmem:s25], [sflag:$0x3] =	stream.indirect.gather [hbm4b:s1+s21], $0x80, s7, s21, $0xb8;
	[tilespmem:$0x1DE00] =	vst v63  }
0xe4: {  	s7 =	smov.u32 s24  }
0xe5: {  	p0 =	sne.s32 s24, $0x1500;
	s24 =	sadd.s32 $0x300, s24;
	_ =	swait.ge [sflag:s26], $0x2000  }
0xe6: {  	[sflag:s26] =	ssyncset.done $0x0  }
0xe7: {  	s8 =	sadd.s32 $0xFFFFFF00, s5;
	[sflag:s26] =	ssyncadd.s32 $0xFFFFE000  }
0xe8: {  	[spmem:s3] =	stream.indirect.scatter.add.f32 [tilespmem:s22], [sflag:$0x6], $0x80, s8, s21, $0xb8;
	[tilespmem:$0x1DE00] =	vst v63  }
0xe9: {  	_ =	swait.ge [sflag:s18], $0x2000  }
0xea: {  	s7 =	sshra.s32 s7, $0x2;
	[sflag:s18] =	ssyncset.done $0x0  }
0xeb: {  	s8 =	sadd.s32 $0x12C0, s7;
	[sflag:s18] =	ssyncadd.s32 $0xFFFFE000  }
0xec: {  	[tilespmem:s22], [sflag:$0x1] =	stream.indirect.gather [hbm4b:s1+s21], $0x80, s8, s21, $0xb8;
	[tilespmem:$0x1DE00] =	vst v63  }
0xed: {  	_ =	swait.ge [sflag:s28], $0x2000  }
0xee: {  	[sflag:s28] =	ssyncset.done $0x0  }
0xef: {  	s8 =	sadd.s32 $0xFFFFFF80, s5;
	[sflag:s28] =	ssyncadd.s32 $0xFFFFE000  }
0xf0: {  	[spmem:s3] =	stream.indirect.scatter.add.f32 [tilespmem:s23], [sflag:$0x6], $0x80, s8, s21, $0xb8;
	[tilespmem:$0x1DE00] =	vst v63  }
0xf1: {  	_ =	swait.ge [sflag:s18], $0x2000  }
0xf2: {  	[sflag:s18] =	ssyncset.done $0x0  }
0xf3: {  	s8 =	sadd.s32 $0x1300, s7;
	[sflag:s18] =	ssyncadd.s32 $0xFFFFE000  }
0xf4: {  	[tilespmem:s23], [sflag:$0x2] =	stream.indirect.gather [hbm4b:s1+s21], $0x80, s8, s21, $0xb8;
	[tilespmem:$0x1DE00] =	vst v63  }
0xf5: {  	_ =	swait.ge [sflag:s29], $0x2000  }
0xf6: {  	[sflag:s29] =	ssyncset.done $0x0  }
.Ltmp3:
0xf7: {  	[sflag:s29] =	ssyncadd.s32 $0xFFFFE000;
	(pc) =	sbr.rel @p0 .LBB2_8-.Ltmp3, $4  }
0xf8: {  	[spmem:s3] =	stream.indirect.scatter.add.f32 [tilespmem:s25], [sflag:$0x6], $0x80, s5, s21, $0xb8;
	[tilespmem:$0x1DE00] =	vst v63  }
0xf9: {  	_ =	swait.ge [sflag:s18], $0x2000  }
0xfa: {  	[sflag:s18] =	ssyncset.done $0x0  }
0xfb: {  	s7 =	sadd.s32 $0x1340, s7;
	s5 =	sadd.s32 $0x180, s5;
	[sflag:s18] =	ssyncadd.s32 $0xFFFFE000  }
0xfc: {  	[tilespmem:s25], [sflag:$0x3] =	stream.indirect.gather [hbm4b:s1+s21], $0x80, s7, s21, $0xb8;
	[tilespmem:$0x1DE00] =	vst v63  }
0xfd: {  	s5 =	simm.s32 $0x0  }
0xfe: {  	[tilespmem:s20], [sflag:$0x5] =	stream.linear.gather [hbm4b:s13+s5], $0xC00, $0x38;
	[tilespmem:$0x1DE00] =	vst v63  }
0xff: {  	_ =	swait.ge [sflag:s31], $0xC00  }
0x100: {  	[sflag:s31] =	ssyncset.done $0x0  }
0x101: {  	[sflag:s31] =	ssyncadd.s32 $0xFFFFF400  }
0x102: {  	_ =	swait.ge [sflag:s26], $0x2000  }
0x103: {  	[sflag:s26] =	ssyncset.done $0x0  }
0x104: {  	s8 =	simm.s32 $0x2A00;
	[sflag:s26] =	ssyncadd.s32 $0xFFFFE000  }
0x105: {  	[spmem:s3] =	stream.indirect.scatter.add.f32 [tilespmem:s22], [sflag:$0x6], $0x80, s8, s21, $0xb8;
	[tilespmem:$0x1DE00] =	vst v63  }
0x106: {  	_ =	swait.ge [sflag:s18], $0x2000  }
0x107: {  	[sflag:s18] =	ssyncset.done $0x0  }
0x108: {  	s24 =	simm.s32 $0x18C0;
	[sflag:s18] =	ssyncadd.s32 $0xFFFFE000  }
0x109: {  	[tilespmem:s22], [sflag:$0x1] =	stream.indirect.gather [hbm4b:s1+s21], $0x80, s24, s21, $0xb8;
	[tilespmem:$0x1DE00] =	vst v63  }
0x10a: {  	_ =	swait.ge [sflag:s28], $0x2000  }
0x10b: {  	[sflag:s28] =	ssyncset.done $0x0  }
0x10c: {  	s7 =	simm.s32 $0x2A80;
	[sflag:s28] =	ssyncadd.s32 $0xFFFFE000  }
0x10d: {  	[spmem:s3] =	stream.indirect.scatter.add.f32 [tilespmem:s23], [sflag:$0x6], $0x80, s7, s21, $0xb8;
	[tilespmem:$0x1DE00] =	vst v63  }
0x10e: {  	_ =	swait.ge [sflag:s18], $0x2000  }
0x10f: {  	[sflag:s18] =	ssyncset.done $0x0  }
0x110: {  	s8 =	simm.s32 $0x1900;
	[sflag:s18] =	ssyncadd.s32 $0xFFFFE000  }
0x111: {  	[tilespmem:s23], [sflag:$0x2] =	stream.indirect.gather [hbm4b:s1+s21], $0x80, s8, s21, $0xb8;
	[tilespmem:$0x1DE00] =	vst v63  }
0x112: {  	_ =	swait.ge [sflag:s29], $0x2000  }
0x113: {  	[sflag:s29] =	ssyncset.done $0x0  }
0x114: {  	s24 =	simm.s32 $0x2B00;
	[sflag:s29] =	ssyncadd.s32 $0xFFFFE000  }
0x115: {  	[spmem:s3] =	stream.indirect.scatter.add.f32 [tilespmem:s25], [sflag:$0x6], $0x80, s24, s21, $0xb8;
	[tilespmem:$0x1DE00] =	vst v63  }
0x116: {  	_ =	swait.ge [sflag:s18], $0x2000  }
0x117: {  	s5 =	simm.s32 $0x2C80;
	[sflag:s18] =	ssyncset.done $0x0  }
0x118: {  	s7 =	simm.s32 $0x1940;
	s24 =	simm.s32 $0x300;
	[sflag:s18] =	ssyncadd.s32 $0xFFFFE000  }
.LBB2_10:
0x119: {  	[tilespmem:s25], [sflag:$0x3] =	stream.indirect.gather [hbm4b:s1+s21], $0x80, s7, s21, $0xb8;
	[tilespmem:$0x1DE00] =	vst v63  }
0x11a: {  	s7 =	smov.u32 s24  }
0x11b: {  	p0 =	sne.s32 s24, $0x1500;
	s24 =	sadd.s32 $0x300, s24;
	_ =	swait.ge [sflag:s26], $0x2000  }
0x11c: {  	[sflag:s26] =	ssyncset.done $0x0  }
0x11d: {  	s8 =	sadd.s32 $0xFFFFFF00, s5;
	[sflag:s26] =	ssyncadd.s32 $0xFFFFE000  }
0x11e: {  	[spmem:s3] =	stream.indirect.scatter.add.f32 [tilespmem:s22], [sflag:$0x6], $0x80, s8, s21, $0xb8;
	[tilespmem:$0x1DE00] =	vst v63  }
0x11f: {  	_ =	swait.ge [sflag:s18], $0x2000  }
0x120: {  	s7 =	sshra.s32 s7, $0x2;
	[sflag:s18] =	ssyncset.done $0x0  }
0x121: {  	s8 =	sadd.s32 $0x18C0, s7;
	[sflag:s18] =	ssyncadd.s32 $0xFFFFE000  }
0x122: {  	[tilespmem:s22], [sflag:$0x1] =	stream.indirect.gather [hbm4b:s1+s21], $0x80, s8, s21, $0xb8;
	[tilespmem:$0x1DE00] =	vst v63  }
0x123: {  	_ =	swait.ge [sflag:s28], $0x2000  }
0x124: {  	[sflag:s28] =	ssyncset.done $0x0  }
0x125: {  	s8 =	sadd.s32 $0xFFFFFF80, s5;
	[sflag:s28] =	ssyncadd.s32 $0xFFFFE000  }
0x126: {  	[spmem:s3] =	stream.indirect.scatter.add.f32 [tilespmem:s23], [sflag:$0x6], $0x80, s8, s21, $0xb8;
	[tilespmem:$0x1DE00] =	vst v63  }
0x127: {  	_ =	swait.ge [sflag:s18], $0x2000  }
0x128: {  	[sflag:s18] =	ssyncset.done $0x0  }
0x129: {  	s8 =	sadd.s32 $0x1900, s7;
	[sflag:s18] =	ssyncadd.s32 $0xFFFFE000  }
0x12a: {  	[tilespmem:s23], [sflag:$0x2] =	stream.indirect.gather [hbm4b:s1+s21], $0x80, s8, s21, $0xb8;
	[tilespmem:$0x1DE00] =	vst v63  }
0x12b: {  	_ =	swait.ge [sflag:s29], $0x2000  }
0x12c: {  	[sflag:s29] =	ssyncset.done $0x0  }
.Ltmp4:
0x12d: {  	[sflag:s29] =	ssyncadd.s32 $0xFFFFE000;
	(pc) =	sbr.rel @p0 .LBB2_10-.Ltmp4, $4  }
0x12e: {  	[spmem:s3] =	stream.indirect.scatter.add.f32 [tilespmem:s25], [sflag:$0x6], $0x80, s5, s21, $0xb8;
	[tilespmem:$0x1DE00] =	vst v63  }
0x12f: {  	_ =	swait.ge [sflag:s18], $0x2000  }
0x130: {  	[sflag:s18] =	ssyncset.done $0x0  }
0x131: {  	s7 =	sadd.s32 $0x1940, s7;
	s5 =	sadd.s32 $0x180, s5;
	[sflag:s18] =	ssyncadd.s32 $0xFFFFE000  }
0x132: {  	[tilespmem:s25], [sflag:$0x3] =	stream.indirect.gather [hbm4b:s1+s21], $0x80, s7, s21, $0xb8;
	[tilespmem:$0x1DE00] =	vst v63  }
0x133: {  	s5 =	simm.s32 $0x0  }
0x134: {  	[tilespmem:s19], [sflag:$0x4] =	stream.linear.gather [hbm4b:s14+s5], $0xC00, $0x38;
	[tilespmem:$0x1DE00] =	vst v63  }
0x135: {  	_ =	swait.ge [sflag:s30], $0xC00  }
0x136: {  	[sflag:s30] =	ssyncset.done $0x0  }
0x137: {  	[sflag:s30] =	ssyncadd.s32 $0xFFFFF400  }
0x138: {  	_ =	swait.ge [sflag:s26], $0x2000  }
0x139: {  	[sflag:s26] =	ssyncset.done $0x0  }
0x13a: {  	s8 =	simm.s32 $0x3600;
	[sflag:s26] =	ssyncadd.s32 $0xFFFFE000  }
0x13b: {  	[spmem:s3] =	stream.indirect.scatter.add.f32 [tilespmem:s22], [sflag:$0x6], $0x80, s8, s21, $0xb8;
	[tilespmem:$0x1DE00] =	vst v63  }
0x13c: {  	_ =	swait.ge [sflag:s18], $0x2000  }
0x13d: {  	[sflag:s18] =	ssyncset.done $0x0  }
0x13e: {  	s24 =	simm.s32 $0x1EC0;
	[sflag:s18] =	ssyncadd.s32 $0xFFFFE000  }
0x13f: {  	[tilespmem:s22], [sflag:$0x1] =	stream.indirect.gather [hbm4b:s1+s21], $0x80, s24, s21, $0xb8;
	[tilespmem:$0x1DE00] =	vst v63  }
0x140: {  	_ =	swait.ge [sflag:s28], $0x2000  }
0x141: {  	[sflag:s28] =	ssyncset.done $0x0  }
0x142: {  	s7 =	simm.s32 $0x3680;
	[sflag:s28] =	ssyncadd.s32 $0xFFFFE000  }
0x143: {  	[spmem:s3] =	stream.indirect.scatter.add.f32 [tilespmem:s23], [sflag:$0x6], $0x80, s7, s21, $0xb8;
	[tilespmem:$0x1DE00] =	vst v63  }
0x144: {  	_ =	swait.ge [sflag:s18], $0x2000  }
0x145: {  	[sflag:s18] =	ssyncset.done $0x0  }
0x146: {  	s8 =	simm.s32 $0x1F00;
	[sflag:s18] =	ssyncadd.s32 $0xFFFFE000  }
0x147: {  	[tilespmem:s23], [sflag:$0x2] =	stream.indirect.gather [hbm4b:s1+s21], $0x80, s8, s21, $0xb8;
	[tilespmem:$0x1DE00] =	vst v63  }
0x148: {  	_ =	swait.ge [sflag:s29], $0x2000  }
0x149: {  	[sflag:s29] =	ssyncset.done $0x0  }
0x14a: {  	s24 =	simm.s32 $0x3700;
	[sflag:s29] =	ssyncadd.s32 $0xFFFFE000  }
0x14b: {  	[spmem:s3] =	stream.indirect.scatter.add.f32 [tilespmem:s25], [sflag:$0x6], $0x80, s24, s21, $0xb8;
	[tilespmem:$0x1DE00] =	vst v63  }
0x14c: {  	_ =	swait.ge [sflag:s18], $0x2000  }
0x14d: {  	s5 =	simm.s32 $0x3880;
	[sflag:s18] =	ssyncset.done $0x0  }
0x14e: {  	s7 =	simm.s32 $0x1F40;
	s24 =	simm.s32 $0x300;
	[sflag:s18] =	ssyncadd.s32 $0xFFFFE000  }
.LBB2_12:
0x14f: {  	[tilespmem:s25], [sflag:$0x3] =	stream.indirect.gather [hbm4b:s1+s21], $0x80, s7, s21, $0xb8;
	[tilespmem:$0x1DE00] =	vst v63  }
0x150: {  	s7 =	smov.u32 s24  }
0x151: {  	p0 =	sne.s32 s24, $0x1500;
	s24 =	sadd.s32 $0x300, s24;
	_ =	swait.ge [sflag:s26], $0x2000  }
0x152: {  	[sflag:s26] =	ssyncset.done $0x0  }
0x153: {  	s8 =	sadd.s32 $0xFFFFFF00, s5;
	[sflag:s26] =	ssyncadd.s32 $0xFFFFE000  }
0x154: {  	[spmem:s3] =	stream.indirect.scatter.add.f32 [tilespmem:s22], [sflag:$0x6], $0x80, s8, s21, $0xb8;
	[tilespmem:$0x1DE00] =	vst v63  }
0x155: {  	_ =	swait.ge [sflag:s18], $0x2000  }
0x156: {  	s7 =	sshra.s32 s7, $0x2;
	[sflag:s18] =	ssyncset.done $0x0  }
0x157: {  	s8 =	sadd.s32 $0x1EC0, s7;
	[sflag:s18] =	ssyncadd.s32 $0xFFFFE000  }
0x158: {  	[tilespmem:s22], [sflag:$0x1] =	stream.indirect.gather [hbm4b:s1+s21], $0x80, s8, s21, $0xb8;
	[tilespmem:$0x1DE00] =	vst v63  }
0x159: {  	_ =	swait.ge [sflag:s28], $0x2000  }
0x15a: {  	[sflag:s28] =	ssyncset.done $0x0  }
0x15b: {  	s8 =	sadd.s32 $0xFFFFFF80, s5;
	[sflag:s28] =	ssyncadd.s32 $0xFFFFE000  }
0x15c: {  	[spmem:s3] =	stream.indirect.scatter.add.f32 [tilespmem:s23], [sflag:$0x6], $0x80, s8, s21, $0xb8;
	[tilespmem:$0x1DE00] =	vst v63  }
0x15d: {  	_ =	swait.ge [sflag:s18], $0x2000  }
0x15e: {  	[sflag:s18] =	ssyncset.done $0x0  }
0x15f: {  	s8 =	sadd.s32 $0x1F00, s7;
	[sflag:s18] =	ssyncadd.s32 $0xFFFFE000  }
0x160: {  	[tilespmem:s23], [sflag:$0x2] =	stream.indirect.gather [hbm4b:s1+s21], $0x80, s8, s21, $0xb8;
	[tilespmem:$0x1DE00] =	vst v63  }
0x161: {  	_ =	swait.ge [sflag:s29], $0x2000  }
0x162: {  	[sflag:s29] =	ssyncset.done $0x0  }
.Ltmp5:
0x163: {  	[sflag:s29] =	ssyncadd.s32 $0xFFFFE000;
	(pc) =	sbr.rel @p0 .LBB2_12-.Ltmp5, $4  }
0x164: {  	[spmem:s3] =	stream.indirect.scatter.add.f32 [tilespmem:s25], [sflag:$0x6], $0x80, s5, s21, $0xb8;
	[tilespmem:$0x1DE00] =	vst v63  }
0x165: {  	_ =	swait.ge [sflag:s18], $0x2000  }
0x166: {  	[sflag:s18] =	ssyncset.done $0x0  }
0x167: {  	s7 =	sadd.s32 $0x1F40, s7;
	s5 =	sadd.s32 $0x180, s5;
	[sflag:s18] =	ssyncadd.s32 $0xFFFFE000  }
0x168: {  	[tilespmem:s25], [sflag:$0x3] =	stream.indirect.gather [hbm4b:s1+s21], $0x80, s7, s21, $0xb8;
	[tilespmem:$0x1DE00] =	vst v63  }
0x169: {  	_ =	swait.ge [sflag:s31], $0xC00  }
0x16a: {  	[sflag:s31] =	ssyncset.done $0x0  }
0x16b: {  	[sflag:s31] =	ssyncadd.s32 $0xFFFFF400  }
0x16c: {  	_ =	swait.ge [sflag:s26], $0x2000  }
0x16d: {  	[sflag:s26] =	ssyncset.done $0x0  }
0x16e: {  	[sflag:s26] =	ssyncadd.s32 $0xFFFFE000  }
0x16f: {  	[spmem:s3] =	stream.indirect.scatter.add.f32 [tilespmem:s22], [sflag:$0x6], $0x80, s19, s21, $0xb8;
	[tilespmem:$0x1DE00] =	vst v63  }
0x170: {  	_ =	swait.ge [sflag:s18], $0x2000  }
0x171: {  	[sflag:s18] =	ssyncset.done $0x0  }
0x172: {  	s5 =	simm.s32 $0x24C0;
	[sflag:s18] =	ssyncadd.s32 $0xFFFFE000  }
0x173: {  	[tilespmem:s22], [sflag:$0x1] =	stream.indirect.gather [hbm4b:s1+s21], $0x80, s5, s21, $0xb8;
	[tilespmem:$0x1DE00] =	vst v63  }
0x174: {  	_ =	swait.ge [sflag:s28], $0x2000  }
0x175: {  	[sflag:s28] =	ssyncset.done $0x0  }
0x176: {  	s7 =	simm.s32 $0x2A80;
	[sflag:s28] =	ssyncadd.s32 $0xFFFFE000  }
0x177: {  	[spmem:s3] =	stream.indirect.scatter.add.f32 [tilespmem:s23], [sflag:$0x6], $0x80, s7, s21, $0xb8;
	[tilespmem:$0x1DE00] =	vst v63  }
0x178: {  	_ =	swait.ge [sflag:s18], $0x2000  }
0x179: {  	[sflag:s18] =	ssyncset.done $0x0  }
0x17a: {  	s8 =	simm.s32 $0x2500;
	[sflag:s18] =	ssyncadd.s32 $0xFFFFE000  }
0x17b: {  	[tilespmem:s23], [sflag:$0x2] =	stream.indirect.gather [hbm4b:s1+s21], $0x80, s8, s21, $0xb8;
	[tilespmem:$0x1DE00] =	vst v63  }
0x17c: {  	_ =	swait.ge [sflag:s29], $0x2000  }
0x17d: {  	[sflag:s29] =	ssyncset.done $0x0  }
0x17e: {  	[sflag:s29] =	ssyncadd.s32 $0xFFFFE000  }
0x17f: {  	[spmem:s3] =	stream.indirect.scatter.add.f32 [tilespmem:s25], [sflag:$0x6], $0x80, s2, s21, $0xb8;
	[tilespmem:$0x1DE00] =	vst v63  }
0x180: {  	_ =	swait.ge [sflag:s18], $0x2000  }
0x181: {  	[sflag:s18] =	ssyncset.done $0x0  }
0x182: {  	s24 =	simm.s32 $0x2540;
	[sflag:s18] =	ssyncadd.s32 $0xFFFFE000  }
0x183: {  	[tilespmem:s25], [sflag:$0x3] =	stream.indirect.gather [hbm4b:s1+s21], $0x80, s24, s21, $0xb8;
	[tilespmem:$0x1DE00] =	vst v63  }
0x184: {  	_ =	swait.ge [sflag:s26], $0x2000  }
0x185: {  	[sflag:s26] =	ssyncset.done $0x0  }
0x186: {  	s7 =	simm.s32 $0x2B80;
	[sflag:s26] =	ssyncadd.s32 $0xFFFFE000  }
0x187: {  	[spmem:s3] =	stream.indirect.scatter.add.f32 [tilespmem:s22], [sflag:$0x6], $0x80, s7, s21, $0xb8;
	[tilespmem:$0x1DE00] =	vst v63  }
0x188: {  	_ =	swait.ge [sflag:s18], $0x2000  }
0x189: {  	[sflag:s18] =	ssyncset.done $0x0  }
0x18a: {  	s8 =	simm.s32 $0x2580;
	[sflag:s18] =	ssyncadd.s32 $0xFFFFE000  }
0x18b: {  	[tilespmem:s22], [sflag:$0x1] =	stream.indirect.gather [hbm4b:s1+s21], $0x80, s8, s21, $0xb8;
	[tilespmem:$0x1DE00] =	vst v63  }
0x18c: {  	_ =	swait.ge [sflag:s28], $0x2000  }
0x18d: {  	[sflag:s28] =	ssyncset.done $0x0  }
0x18e: {  	s24 =	simm.s32 $0x2C00;
	[sflag:s28] =	ssyncadd.s32 $0xFFFFE000  }
0x18f: {  	[spmem:s3] =	stream.indirect.scatter.add.f32 [tilespmem:s23], [sflag:$0x6], $0x80, s24, s21, $0xb8;
	[tilespmem:$0x1DE00] =	vst v63  }
0x190: {  	_ =	swait.ge [sflag:s18], $0x2000  }
0x191: {  	[sflag:s18] =	ssyncset.done $0x0  }
0x192: {  	s7 =	simm.s32 $0x25C0;
	[sflag:s18] =	ssyncadd.s32 $0xFFFFE000  }
0x193: {  	[tilespmem:s23], [sflag:$0x2] =	stream.indirect.gather [hbm4b:s1+s21], $0x80, s7, s21, $0xb8;
	[tilespmem:$0x1DE00] =	vst v63  }
0x194: {  	_ =	swait.ge [sflag:s29], $0x2000  }
0x195: {  	[sflag:s29] =	ssyncset.done $0x0  }
0x196: {  	s8 =	simm.s32 $0x2C80;
	[sflag:s29] =	ssyncadd.s32 $0xFFFFE000  }
0x197: {  	[spmem:s3] =	stream.indirect.scatter.add.f32 [tilespmem:s25], [sflag:$0x6], $0x80, s8, s21, $0xb8;
	[tilespmem:$0x1DE00] =	vst v63  }
0x198: {  	_ =	swait.ge [sflag:s18], $0x2000  }
0x199: {  	[sflag:s18] =	ssyncset.done $0x0  }
0x19a: {  	s24 =	simm.s32 $0x2600;
	[sflag:s18] =	ssyncadd.s32 $0xFFFFE000  }
0x19b: {  	[tilespmem:s25], [sflag:$0x3] =	stream.indirect.gather [hbm4b:s1+s21], $0x80, s24, s21, $0xb8;
	[tilespmem:$0x1DE00] =	vst v63  }
0x19c: {  	_ =	swait.ge [sflag:s26], $0x2000  }
0x19d: {  	[sflag:s26] =	ssyncset.done $0x0  }
0x19e: {  	s7 =	simm.s32 $0x2D00;
	[sflag:s26] =	ssyncadd.s32 $0xFFFFE000  }
0x19f: {  	[spmem:s3] =	stream.indirect.scatter.add.f32 [tilespmem:s22], [sflag:$0x6], $0x80, s7, s21, $0xb8;
	[tilespmem:$0x1DE00] =	vst v63  }
0x1a0: {  	_ =	swait.ge [sflag:s18], $0x2000  }
0x1a1: {  	[sflag:s18] =	ssyncset.done $0x0  }
0x1a2: {  	s8 =	simm.s32 $0x2640;
	[sflag:s18] =	ssyncadd.s32 $0xFFFFE000  }
0x1a3: {  	[tilespmem:s22], [sflag:$0x1] =	stream.indirect.gather [hbm4b:s1+s21], $0x80, s8, s21, $0xb8;
	[tilespmem:$0x1DE00] =	vst v63  }
0x1a4: {  	_ =	swait.ge [sflag:s28], $0x2000  }
0x1a5: {  	[sflag:s28] =	ssyncset.done $0x0  }
0x1a6: {  	s24 =	simm.s32 $0x2D80;
	[sflag:s28] =	ssyncadd.s32 $0xFFFFE000  }
0x1a7: {  	[spmem:s3] =	stream.indirect.scatter.add.f32 [tilespmem:s23], [sflag:$0x6], $0x80, s24, s21, $0xb8;
	[tilespmem:$0x1DE00] =	vst v63  }
0x1a8: {  	_ =	swait.ge [sflag:s18], $0x2000  }
0x1a9: {  	[sflag:s18] =	ssyncset.done $0x0  }
0x1aa: {  	s7 =	simm.s32 $0x2680;
	[sflag:s18] =	ssyncadd.s32 $0xFFFFE000  }
0x1ab: {  	[tilespmem:s23], [sflag:$0x2] =	stream.indirect.gather [hbm4b:s1+s21], $0x80, s7, s21, $0xb8;
	[tilespmem:$0x1DE00] =	vst v63  }
0x1ac: {  	_ =	swait.ge [sflag:s29], $0x2000  }
0x1ad: {  	[sflag:s29] =	ssyncset.done $0x0  }
0x1ae: {  	s8 =	simm.s32 $0x2E00;
	[sflag:s29] =	ssyncadd.s32 $0xFFFFE000  }
0x1af: {  	[spmem:s3] =	stream.indirect.scatter.add.f32 [tilespmem:s25], [sflag:$0x6], $0x80, s8, s21, $0xb8;
	[tilespmem:$0x1DE00] =	vst v63  }
0x1b0: {  	_ =	swait.ge [sflag:s18], $0x2000  }
0x1b1: {  	[sflag:s18] =	ssyncset.done $0x0  }
0x1b2: {  	s24 =	simm.s32 $0x26C0;
	[sflag:s18] =	ssyncadd.s32 $0xFFFFE000  }
0x1b3: {  	[tilespmem:s25], [sflag:$0x3] =	stream.indirect.gather [hbm4b:s1+s21], $0x80, s24, s21, $0xb8;
	[tilespmem:$0x1DE00] =	vst v63  }
0x1b4: {  	_ =	swait.ge [sflag:s26], $0x2000  }
0x1b5: {  	[sflag:s26] =	ssyncset.done $0x0  }
0x1b6: {  	s7 =	simm.s32 $0x2E80;
	[sflag:s26] =	ssyncadd.s32 $0xFFFFE000  }
0x1b7: {  	[spmem:s3] =	stream.indirect.scatter.add.f32 [tilespmem:s22], [sflag:$0x6], $0x80, s7, s21, $0xb8;
	[tilespmem:$0x1DE00] =	vst v63  }
0x1b8: {  	_ =	swait.ge [sflag:s18], $0x2000  }
0x1b9: {  	[sflag:s18] =	ssyncset.done $0x0  }
0x1ba: {  	s8 =	simm.s32 $0x2700;
	[sflag:s18] =	ssyncadd.s32 $0xFFFFE000  }
0x1bb: {  	[tilespmem:s22], [sflag:$0x1] =	stream.indirect.gather [hbm4b:s1+s21], $0x80, s8, s21, $0xb8;
	[tilespmem:$0x1DE00] =	vst v63  }
0x1bc: {  	_ =	swait.ge [sflag:s28], $0x2000  }
0x1bd: {  	[sflag:s28] =	ssyncset.done $0x0  }
0x1be: {  	s24 =	simm.s32 $0x2F00;
	[sflag:s28] =	ssyncadd.s32 $0xFFFFE000  }
0x1bf: {  	[spmem:s3] =	stream.indirect.scatter.add.f32 [tilespmem:s23], [sflag:$0x6], $0x80, s24, s21, $0xb8;
	[tilespmem:$0x1DE00] =	vst v63  }
0x1c0: {  	_ =	swait.ge [sflag:s18], $0x2000  }
0x1c1: {  	[sflag:s18] =	ssyncset.done $0x0  }
0x1c2: {  	s7 =	simm.s32 $0x2740;
	[sflag:s18] =	ssyncadd.s32 $0xFFFFE000  }
0x1c3: {  	[tilespmem:s23], [sflag:$0x2] =	stream.indirect.gather [hbm4b:s1+s21], $0x80, s7, s21, $0xb8;
	[tilespmem:$0x1DE00] =	vst v63  }
0x1c4: {  	_ =	swait.ge [sflag:s29], $0x2000  }
0x1c5: {  	[sflag:s29] =	ssyncset.done $0x0  }
0x1c6: {  	s8 =	simm.s32 $0x2F80;
	[sflag:s29] =	ssyncadd.s32 $0xFFFFE000  }
0x1c7: {  	[spmem:s3] =	stream.indirect.scatter.add.f32 [tilespmem:s25], [sflag:$0x6], $0x80, s8, s21, $0xb8;
	[tilespmem:$0x1DE00] =	vst v63  }
0x1c8: {  	_ =	swait.ge [sflag:s18], $0x2000  }
0x1c9: {  	[sflag:s18] =	ssyncset.done $0x0  }
0x1ca: {  	s24 =	simm.s32 $0x2780;
	[sflag:s18] =	ssyncadd.s32 $0xFFFFE000  }
0x1cb: {  	[tilespmem:s25], [sflag:$0x3] =	stream.indirect.gather [hbm4b:s1+s21], $0x80, s24, s21, $0xb8;
	[tilespmem:$0x1DE00] =	vst v63  }
0x1cc: {  	_ =	swait.ge [sflag:s26], $0x2000  }
0x1cd: {  	[sflag:s26] =	ssyncset.done $0x0  }
0x1ce: {  	s7 =	simm.s32 $0x3000;
	[sflag:s26] =	ssyncadd.s32 $0xFFFFE000  }
0x1cf: {  	[spmem:s3] =	stream.indirect.scatter.add.f32 [tilespmem:s22], [sflag:$0x6], $0x80, s7, s21, $0xb8;
	[tilespmem:$0x1DE00] =	vst v63  }
0x1d0: {  	_ =	swait.ge [sflag:s18], $0x2000  }
0x1d1: {  	[sflag:s18] =	ssyncset.done $0x0  }
0x1d2: {  	s8 =	simm.s32 $0x27C0;
	[sflag:s18] =	ssyncadd.s32 $0xFFFFE000  }
0x1d3: {  	[tilespmem:s22], [sflag:$0x1] =	stream.indirect.gather [hbm4b:s1+s21], $0x80, s8, s21, $0xb8;
	[tilespmem:$0x1DE00] =	vst v63  }
0x1d4: {  	_ =	swait.ge [sflag:s28], $0x2000  }
0x1d5: {  	[sflag:s28] =	ssyncset.done $0x0  }
0x1d6: {  	s24 =	simm.s32 $0x3080;
	[sflag:s28] =	ssyncadd.s32 $0xFFFFE000  }
0x1d7: {  	[spmem:s3] =	stream.indirect.scatter.add.f32 [tilespmem:s23], [sflag:$0x6], $0x80, s24, s21, $0xb8;
	[tilespmem:$0x1DE00] =	vst v63  }
0x1d8: {  	_ =	swait.ge [sflag:s18], $0x2000  }
0x1d9: {  	[sflag:s18] =	ssyncset.done $0x0  }
0x1da: {  	s7 =	simm.s32 $0x2800;
	[sflag:s18] =	ssyncadd.s32 $0xFFFFE000  }
0x1db: {  	[tilespmem:s23], [sflag:$0x2] =	stream.indirect.gather [hbm4b:s1+s21], $0x80, s7, s21, $0xb8;
	[tilespmem:$0x1DE00] =	vst v63  }
0x1dc: {  	_ =	swait.ge [sflag:s29], $0x2000  }
0x1dd: {  	[sflag:s29] =	ssyncset.done $0x0  }
0x1de: {  	s8 =	simm.s32 $0x3100;
	[sflag:s29] =	ssyncadd.s32 $0xFFFFE000  }
0x1df: {  	[spmem:s3] =	stream.indirect.scatter.add.f32 [tilespmem:s25], [sflag:$0x6], $0x80, s8, s21, $0xb8;
	[tilespmem:$0x1DE00] =	vst v63  }
0x1e0: {  	_ =	swait.ge [sflag:s18], $0x2000  }
0x1e1: {  	[sflag:s18] =	ssyncset.done $0x0  }
0x1e2: {  	s24 =	simm.s32 $0x2840;
	[sflag:s18] =	ssyncadd.s32 $0xFFFFE000  }
0x1e3: {  	[tilespmem:s25], [sflag:$0x3] =	stream.indirect.gather [hbm4b:s1+s21], $0x80, s24, s21, $0xb8;
	[tilespmem:$0x1DE00] =	vst v63  }
0x1e4: {  	_ =	swait.ge [sflag:s26], $0x2000  }
0x1e5: {  	[sflag:s26] =	ssyncset.done $0x0  }
0x1e6: {  	s7 =	simm.s32 $0x3180;
	[sflag:s26] =	ssyncadd.s32 $0xFFFFE000  }
0x1e7: {  	[spmem:s3] =	stream.indirect.scatter.add.f32 [tilespmem:s22], [sflag:$0x6], $0x80, s7, s21, $0xb8;
	[tilespmem:$0x1DE00] =	vst v63  }
0x1e8: {  	_ =	swait.ge [sflag:s18], $0x2000  }
0x1e9: {  	[sflag:s18] =	ssyncset.done $0x0  }
0x1ea: {  	s8 =	simm.s32 $0x2880;
	[sflag:s18] =	ssyncadd.s32 $0xFFFFE000  }
0x1eb: {  	[tilespmem:s22], [sflag:$0x1] =	stream.indirect.gather [hbm4b:s1+s21], $0x80, s8, s21, $0xb8;
	[tilespmem:$0x1DE00] =	vst v63  }
0x1ec: {  	_ =	swait.ge [sflag:s28], $0x2000  }
0x1ed: {  	[sflag:s28] =	ssyncset.done $0x0  }
0x1ee: {  	s24 =	simm.s32 $0x3200;
	[sflag:s28] =	ssyncadd.s32 $0xFFFFE000  }
0x1ef: {  	[spmem:s3] =	stream.indirect.scatter.add.f32 [tilespmem:s23], [sflag:$0x6], $0x80, s24, s21, $0xb8;
	[tilespmem:$0x1DE00] =	vst v63  }
0x1f0: {  	_ =	swait.ge [sflag:s18], $0x2000  }
0x1f1: {  	[sflag:s18] =	ssyncset.done $0x0  }
0x1f2: {  	s7 =	simm.s32 $0x28C0;
	[sflag:s18] =	ssyncadd.s32 $0xFFFFE000  }
0x1f3: {  	[tilespmem:s23], [sflag:$0x2] =	stream.indirect.gather [hbm4b:s1+s21], $0x80, s7, s21, $0xb8;
	[tilespmem:$0x1DE00] =	vst v63  }
0x1f4: {  	_ =	swait.ge [sflag:s29], $0x2000  }
0x1f5: {  	[sflag:s29] =	ssyncset.done $0x0  }
0x1f6: {  	s8 =	simm.s32 $0x3280;
	[sflag:s29] =	ssyncadd.s32 $0xFFFFE000  }
0x1f7: {  	[spmem:s3] =	stream.indirect.scatter.add.f32 [tilespmem:s25], [sflag:$0x6], $0x80, s8, s21, $0xb8;
	[tilespmem:$0x1DE00] =	vst v63  }
0x1f8: {  	_ =	swait.ge [sflag:s18], $0x2000  }
0x1f9: {  	[sflag:s18] =	ssyncset.done $0x0  }
0x1fa: {  	s24 =	simm.s32 $0x2900;
	[sflag:s18] =	ssyncadd.s32 $0xFFFFE000  }
0x1fb: {  	[tilespmem:s25], [sflag:$0x3] =	stream.indirect.gather [hbm4b:s1+s21], $0x80, s24, s21, $0xb8;
	[tilespmem:$0x1DE00] =	vst v63  }
0x1fc: {  	_ =	swait.ge [sflag:s26], $0x2000  }
0x1fd: {  	[sflag:s26] =	ssyncset.done $0x0  }
0x1fe: {  	s7 =	simm.s32 $0x3300;
	[sflag:s26] =	ssyncadd.s32 $0xFFFFE000  }
0x1ff: {  	[spmem:s3] =	stream.indirect.scatter.add.f32 [tilespmem:s22], [sflag:$0x6], $0x80, s7, s21, $0xb8;
	[tilespmem:$0x1DE00] =	vst v63  }
0x200: {  	_ =	swait.ge [sflag:s18], $0x2000  }
0x201: {  	[sflag:s18] =	ssyncset.done $0x0  }
0x202: {  	s8 =	simm.s32 $0x2940;
	[sflag:s18] =	ssyncadd.s32 $0xFFFFE000  }
0x203: {  	[tilespmem:s22], [sflag:$0x1] =	stream.indirect.gather [hbm4b:s1+s21], $0x80, s8, s21, $0xb8;
	[tilespmem:$0x1DE00] =	vst v63  }
0x204: {  	_ =	swait.ge [sflag:s28], $0x2000  }
0x205: {  	[sflag:s28] =	ssyncset.done $0x0  }
0x206: {  	s24 =	simm.s32 $0x3380;
	[sflag:s28] =	ssyncadd.s32 $0xFFFFE000  }
0x207: {  	[spmem:s3] =	stream.indirect.scatter.add.f32 [tilespmem:s23], [sflag:$0x6], $0x80, s24, s21, $0xb8;
	[tilespmem:$0x1DE00] =	vst v63  }
0x208: {  	_ =	swait.ge [sflag:s18], $0x2000  }
0x209: {  	[sflag:s18] =	ssyncset.done $0x0  }
0x20a: {  	s7 =	simm.s32 $0x2980;
	[sflag:s18] =	ssyncadd.s32 $0xFFFFE000  }
0x20b: {  	[tilespmem:s23], [sflag:$0x2] =	stream.indirect.gather [hbm4b:s1+s21], $0x80, s7, s21, $0xb8;
	[tilespmem:$0x1DE00] =	vst v63  }
0x20c: {  	_ =	swait.ge [sflag:s29], $0x2000  }
0x20d: {  	[sflag:s29] =	ssyncset.done $0x0  }
0x20e: {  	s8 =	simm.s32 $0x3400;
	[sflag:s29] =	ssyncadd.s32 $0xFFFFE000  }
0x20f: {  	[spmem:s3] =	stream.indirect.scatter.add.f32 [tilespmem:s25], [sflag:$0x6], $0x80, s8, s21, $0xb8;
	[tilespmem:$0x1DE00] =	vst v63  }
0x210: {  	_ =	swait.ge [sflag:s18], $0x2000  }
0x211: {  	[sflag:s18] =	ssyncset.done $0x0  }
0x212: {  	s24 =	simm.s32 $0x29C0;
	[sflag:s18] =	ssyncadd.s32 $0xFFFFE000  }
0x213: {  	[tilespmem:s25], [sflag:$0x3] =	stream.indirect.gather [hbm4b:s1+s21], $0x80, s24, s21, $0xb8;
	[tilespmem:$0x1DE00] =	vst v63  }
0x214: {  	_ =	swait.ge [sflag:s26], $0x2000  }
0x215: {  	[sflag:s26] =	ssyncset.done $0x0  }
0x216: {  	s7 =	simm.s32 $0x3480;
	[sflag:s26] =	ssyncadd.s32 $0xFFFFE000  }
0x217: {  	[spmem:s3] =	stream.indirect.scatter.add.f32 [tilespmem:s22], [sflag:$0x6], $0x80, s7, s21, $0xb8;
	[tilespmem:$0x1DE00] =	vst v63  }
0x218: {  	_ =	swait.ge [sflag:s18], $0x2000  }
0x219: {  	[sflag:s18] =	ssyncset.done $0x0  }
0x21a: {  	[sflag:s18] =	ssyncadd.s32 $0xFFFFE000  }
0x21b: {  	_ =	swait.ge [sflag:s28], $0x2000  }
0x21c: {  	[sflag:s28] =	ssyncset.done $0x0  }
0x21d: {  	s8 =	simm.s32 $0x3500;
	[sflag:s28] =	ssyncadd.s32 $0xFFFFE000  }
0x21e: {  	[spmem:s3] =	stream.indirect.scatter.add.f32 [tilespmem:s23], [sflag:$0x6], $0x80, s8, s21, $0xb8;
	[tilespmem:$0x1DE00] =	vst v63  }
0x21f: {  	_ =	swait.ge [sflag:s18], $0x2000  }
0x220: {  	[sflag:s18] =	ssyncset.done $0x0  }
0x221: {  	[sflag:s18] =	ssyncadd.s32 $0xFFFFE000  }
0x222: {  	_ =	swait.ge [sflag:s29], $0x2000  }
0x223: {  	[sflag:s29] =	ssyncset.done $0x0  }
0x224: {  	s24 =	simm.s32 $0x3580;
	[sflag:s29] =	ssyncadd.s32 $0xFFFFE000  }
0x225: {  	[spmem:s3] =	stream.indirect.scatter.add.f32 [tilespmem:s25], [sflag:$0x6], $0x80, s24, s21, $0xb8;
	[tilespmem:$0x1DE00] =	vst v63  }
0x226: {  	_ =	swait.ge [sflag:s18], $0x2000  }
0x227: {  	s0 =	sadd.s32 $0x1, s0;
	[sflag:s18] =	ssyncset.done $0x0  }
0x228: {  	p0 =	sne.s32 s0, s16;
	[sflag:s18] =	ssyncadd.s32 $0xFFFFE000  }
.Ltmp6:
0x229: {  	[bflag:$0x0] =	sbarrier.arrive $0xFFFF;
	(pc) =	sbr.rel @p0 .LBB2_1-.Ltmp6, $4  }
0x22a: {  	[hbm:s15], [sflag:s6] =	dma.local [spmem:s17], $0x2780  }
0x22b: {  	_ =	swait.ge [sflag:s18], $0x2780  }
0x22c: {  	[sflag:s18] =	ssyncset.done $0x0  }
0x22d: {  	[sflag:s18] =	ssyncadd.s32 $0xFFFFD880  }
0x22e: {  	_ =	sfence.sel $0x180000  }
0x22f: {  	[bflag:$0x0] =	sbarrier.arrive $0xFFFF  }
0x230: {  	_ =	strace $0x9000004A  }
0x231: {  	s0 =	stileid.u32;
	[bflag:$0x2] =	sbarrier.arrive $0xFFFF  }
0x232: {  	p0 =	sne.s32 s0, $0x0;
	s0 =	rddreg [dreg:$0x3]  }
0x233: {  	s0 =	sadd.s32 @!p0 $0x100000, s0  }
0x234: {  	[sflag:s0] =	ssyncadd.tile.s32 @!p0 $0x1;
	_ =	shalt  }
.Lfunc_end2:
_tile_overlayer_lowered:
.L_overlay_start_2:
0x235: {  	(tag) =	ssettag $0x2  }
0x236: {  	s0 =	rddreg [dreg:$0x0];
	s2 =	stileid.u32  }
0x237: {  	s1 =	rddreg [dreg:$0x1];
	p0 =	sne.s32 s2, $0x0  }
0x238: {  	s3 =	rddreg [dreg:$0x2];
	[bflag:$0x3] =	sbarrier.arrive $0xFFFF;
	s2 =	simm.s32 @!p0 $0x1C06  }
0x239: {  	[timem:s3], [sflag:s2] =	dma.local @!p0 [hbm:s0], s1  }
0x23a: {  	s0 =	simm.s32 @!p0 $0x6  }
0x23b: {  	_ =	swait.ge @!p0 [sflag:s0], s1  }
0x23c: {  	s1 =	ssub.s32 @!p0 $0x0, s1;
	[sflag:s0] =	ssyncset.done @!p0 $0x0  }
0x23d: {  	[sflag:s0] =	ssyncadd.s32 @!p0 s1  }
0x23e: {  	[bflag:$0x3] =	sbarrier.arrive $0xFFFF  }
0x23f: {  	_ =	shalt  }

// kernel: kernel.13.cloned.1.call-start
scs
__scs_entry_jumppad:
0x0: {  	(pc) =	sbr.rel $0x88, $3  }
0x1: {  	(tag) =	ssettag $0x0;
	lr =	simm.s32 $0x1  }
0x2: {  	[smem:$0x3F99] =	sst lr;
	_ =	strace $0xD0000000  }
0x3: {  	_ = 	snop  }
0x4: {  	_ = 	snop  }
0x5: {  	_ = 	snop  }
0x6: {  	_ = 	snop  }
0x7: {  	_ = 	snop  }
__scs_overlays_trampoline_lowered:
0x8: {  	[smem:$0x3FA8] =	sst s0  }
0x9: {  	[smem:$0x3FA9] =	sst s1  }
0xa: {  	[smem:$0x3FAA] =	sst s2  }
0xb: {  	[smem:$0x3FAB] =	sst s3  }
0xc: {  	[smem:$0x3FAC] =	sst s4  }
0xd: {  	[smem:$0x3FAD] =	sst s5  }
0xe: {  	[smem:$0x3FAE] =	sst s6  }
0xf: {  	[smem:$0x3FAF] =	sst s7  }
0x10: {  	[smem:$0x3FB0] =	sst s8  }
0x11: {  	[smem:$0x3FB1] =	sst s9;
	s0 =	simm.s32 @!p0 $0x0  }
0x12: {  	s1 =	sld [smem:$0x3F97];
	s0 =	simm.s32 @p0 $0x1  }
0x13: {  	[smem:$0x3FB2] =	sst s0;
	s0 =	simm.s32 @!p1 $0x0  }
0x14: {  	s2 =	sld [smem:$0x3F96];
	s0 =	simm.s32 @p1 $0x1  }
0x15: {  	[smem:$0x3FB3] =	sst s0;
	s0 =	simm.s32 @!p2 $0x0  }
0x16: {  	s3 =	sld [smem:$0x3FDB];
	s0 =	simm.s32 @p2 $0x1  }
0x17: {  	s4 =	simm.s32 $0x1BF5;
	[smem:$0x3FB5] =	sst s0  }
0x18: {  	s0 =	sld [smem:$0x3F98];
	_ =	swait.ge [sflag:s4], $0x0  }
0x19: {  	s7 =	sld [smem:$0x3F99]  }
0x1a: {  	s8 =	sadd.s32 $0xFFFFE003, lr  }
0x1b: {  	s9 =	sadd.s32 $0xFFFFFEF7, lr;
	s5 =	simm.s32 $0xFFFFFFFF;
	p2 =	slt.u32 s8, $0xFFFFF086  }
0x1c: {  	p1 =	slt.u32 s9, $0xF7A;
	s5 =	simm.s32 @!p2 $0x0  }
0x1d: {  	s5 =	simm.s32 @p1 $0x1;
	p0 =	seq.s32 s7, s2  }
0x1e: {  	s7 =	smul.u32 @!p0 $0xF7A, s2;
	p2 =	seq.s32 @!p0 s5, $0x0  }
0x1f: {  	s9 =	smul.u32 $0xF7A, s1;
	s8 =	simm.s32 @!p0 $0x1BF5;
	p2 =	por !p2, p0  }
0x20: {  	[sflag:s8] =	ssyncset.s32 @!p0 $0xFFFFF086;
	s6 =	sadd.s32 @!p0 s3, s7;
	s7 =	simm.s32 @!p0 $0x108  }
0x21: {  	s3 =	sadd.s32 s3, s9;
	s6 =	sadd.s32 @!p0 $0x88, s6;
	s7 =	simm.s32 @p2 $0x1082  }
0x22: {  	[simem:s7], [sflag:s8] =	dma.local @!p0 [hbm:s6], $0xF7A  }
0x23: {  	s9 =	sor.u32 $0xD0000000, s2;
	s6 =	simm.s32 $0x108;
	_ =	swait.ge @!p0 [sflag:s8], $0x0  }
0x24: {  	s3 =	sadd.s32 $0x88, s3;
	s6 =	simm.s32 @!p1 $0x1082;
	[sflag:s4] =	ssyncset.s32 $0xFFFFF086  }
0x25: {  	[simem:s6], [sflag:s4] =	dma.local [hbm:s3], $0xF7A  }
0x26: {  	[smem:$0x3F99] =	sst s1;
	(tag) =	ssettag s2;
	_ =	strace s9  }
0x27: {  	s1 =	sld [smem:$0x3FA9]  }
0x28: {  	s2 =	sld [smem:$0x3FAA]  }
0x29: {  	s4 =	sld [smem:$0x3FAC]  }
0x2a: {  	p0 =	seq.s32 s5, $0x0;
	s5 =	sld [smem:$0x3FAD]  }
0x2b: {  	s6 =	sld [smem:$0x3FAE]  }
0x2c: {  	s7 =	sld [smem:$0x3FAF]  }
0x2d: {  	s3 =	simm.s32 $0x108;
	s8 =	sld [smem:$0x3FB0]  }
0x2e: {  	s3 =	simm.s32 @!p0 $0x1082;
	s9 =	sld [smem:$0x3FB1]  }
0x2f: {  	lr =	sadd.s32 s0, s3;
	s0 =	sld [smem:$0x3FA8]  }
0x30: {  	s3 =	sld [smem:$0x3FAB]  }
0x31: {  	[smem:$0x3FB4] =	sst s10  }
0x32: {  	s10 =	sld [smem:$0x3FB2];
	_ =	sdelay $0x3  }
0x33: {  	p0 =	seq.s32 s10, $0x1;
	s10 =	sld [smem:$0x3FB4];
	_ =	sdelay $0x3  }
0x34: {  	[smem:$0x3FB4] =	sst s10  }
0x35: {  	s10 =	sld [smem:$0x3FB3];
	_ =	sdelay $0x3  }
0x36: {  	p1 =	seq.s32 s10, $0x1;
	s10 =	sld [smem:$0x3FB4];
	_ =	sdelay $0x3  }
0x37: {  	[smem:$0x3FB4] =	sst s10  }
0x38: {  	s10 =	sld [smem:$0x3FB5]  }
0x39: {  	_ = 	snop;
	(pc) =	sbr.ind lr, $3  }
0x3a: {  	_ = 	snop  }
0x3b: {  	_ = 	snop  }
0x3c: {  	p2 =	seq.s32 s10, $0x1;
	s10 =	sld [smem:$0x3FB4]  }
0x3d: {  	_ =	shalt  }
0x3e: {  	_ =	shalt  }
0x3f: {  	_ =	shalt  }
0x40: {  	_ =	shalt  }
0x41: {  	_ =	shalt  }
0x42: {  	_ =	shalt  }
0x43: {  	_ =	shalt  }
0x44: {  	_ =	shalt  }
0x45: {  	_ =	shalt  }
0x46: {  	_ =	shalt  }
0x47: {  	_ =	shalt  }
0x48: {  	_ =	shalt  }
0x49: {  	_ =	shalt  }
0x4a: {  	_ =	shalt  }
0x4b: {  	_ =	shalt  }
0x4c: {  	_ =	shalt  }
0x4d: {  	_ =	shalt  }
0x4e: {  	_ =	shalt  }
0x4f: {  	_ =	shalt  }
0x50: {  	_ =	shalt  }
0x51: {  	_ =	shalt  }
0x52: {  	_ =	shalt  }
0x53: {  	_ =	shalt  }
0x54: {  	_ =	shalt  }
0x55: {  	_ =	shalt  }
0x56: {  	_ =	shalt  }
0x57: {  	_ =	shalt  }
0x58: {  	_ =	shalt  }
0x59: {  	_ =	shalt  }
0x5a: {  	_ =	shalt  }
0x5b: {  	_ =	shalt  }
0x5c: {  	_ =	shalt  }
0x5d: {  	_ =	shalt  }
0x5e: {  	_ =	shalt  }
0x5f: {  	_ =	shalt  }
0x60: {  	_ =	shalt  }
0x61: {  	_ =	shalt  }
0x62: {  	_ =	shalt  }
0x63: {  	_ =	shalt  }
0x64: {  	_ =	shalt  }
0x65: {  	_ =	shalt  }
0x66: {  	_ =	shalt  }
0x67: {  	_ =	shalt  }
0x68: {  	_ =	shalt  }
0x69: {  	_ =	shalt  }
0x6a: {  	_ =	shalt  }
0x6b: {  	_ =	shalt  }
0x6c: {  	_ =	shalt  }
0x6d: {  	_ =	shalt  }
0x6e: {  	_ =	shalt  }
0x6f: {  	_ =	shalt  }
0x70: {  	_ =	shalt  }
0x71: {  	_ =	shalt  }
0x72: {  	_ =	shalt  }
0x73: {  	_ =	shalt  }
0x74: {  	_ =	shalt  }
0x75: {  	_ =	shalt  }
0x76: {  	_ =	shalt  }
0x77: {  	_ =	shalt  }
0x78: {  	_ =	shalt  }
0x79: {  	_ =	shalt  }
0x7a: {  	_ =	shalt  }
0x7b: {  	_ =	shalt  }
0x7c: {  	_ =	shalt  }
0x7d: {  	_ =	shalt  }
0x7e: {  	_ =	shalt  }
0x7f: {  	_ =	shalt  }
0x80: {  	_ =	shalt  }
0x81: {  	_ =	shalt  }
0x82: {  	_ =	shalt  }
0x83: {  	_ =	shalt  }
0x84: {  	_ =	shalt  }
0x85: {  	_ =	shalt  }
0x86: {  	_ =	shalt  }
0x87: {  	_ =	shalt  }
.Lfunc_end0:
.L_simem_size_0:
called_computation.2_lowered:
.L_overlay_start_0:
0x88: {  	s2 =	sld [smem:$0x3FD9]  }
0x89: {  	s3 =	sld [smem:$0x3FFE];
	_ =	sdelay $0x1  }
0x8a: {  	s1 =	srdreg.scid  }
0x8b: {  	s0 =	sand.u32 $0x1, s1  }
0x8c: {  	s16 =	sshll.u32 s0, $0xA;
	s2 =	sadd.s32 s3, s2  }
0x8d: {  	s2 =	sadd.s32 s2, s16  }
0x8e: {  	[smem:$0x3FC0] =	sst s2  }
0x8f: {  	_ = 	snop  }
0x90: {  	(tm) =	ssettm $0x1  }
0x91: {  	s17 =	sld [smem:$0x3FFB];
	_ =	sdelay $0x3  }
0x92: {  	_ =	strace s17  }
0x93: {  	s2 =	sld [smem:$0x3FFC];
	_ =	sdelay $0x3  }
0x94: {  	_ =	strace s2  }
0x95: {  	s2 =	sld [smem:$0x3FFD];
	_ =	sdelay $0x3  }
0x96: {  	_ =	strace s2  }
0x97: {  	_ =	strace $0x8FFFFFFF  }
0x98: {  	s18 =	sld [smem:$0x3FDB];
	_ =	sdelay $0x1  }
0x99: {  	s19 =	simm.s32 $_scs_section_size  }
0x9a: {  	s4 =	simm.s32 $_size__tile_overlayer_lowered;
	s5 =	simm.s32 $_tile_overlayer_lowered  }
0x9b: {  	s22 =	simm.s32 $0x1BFF;
	s21 =	sshll.u32 s5, $0x1;
	s2 =	sadd.s32 s19, s18  }
0x9c: {  	s6 =	simm.s32 $0x0;
	s20 =	sshll.u32 s4, $0x1;
	s4 =	sadd.s32 s21, s2  }
0x9d: {  	[timem:s6], [sflag:s22] =	dma.local [hbm:s4], s20  }
0x9e: {  	_ =	swait.ge [sflag:s22], s20  }
0x9f: {  	s3 =	ssub.s32 $0x0, s20;
	[sflag:s22] =	ssyncset.done $0x0  }
0xa0: {  	[sflag:s22] =	ssyncadd.s32 s3;
	_ =	sdelay $0x1  }
0xa1: {  	s23 =	simm.s32 $0x1B8B  }
0xa2: {  	_ =	swait.ge [sflag:s23], $0x1  }
0xa3: {  	[sflag:s23] =	ssyncset.done $0x0  }
0xa4: {  	s25 =	simm.s32 $0x1B8E;
	s24 =	sld [smem:$0x3FFE];
	[sflag:s23] =	ssyncadd.s32 $0xFFFFFFFF  }
0xa5: {  	s26 =	simm.s32 $execute0_lowered;
	[smem:$0x3FD2] =	sst s25  }
0xa6: {  	s4 =	sshll.u32 s26, $0x1;
	_ =	strace $0x8000004C;
	[dreg:$0x1] =	wrdreg $0xFFFFFFFF  }
0xa7: {  	s28 =	simm.s32 $_size_execute0_lowered;
	s2 =	sadd.s32 s2, s4;
	[dreg:$0x0] =	wrdreg $0x0  }
0xa8: {  	s4 =	sshll.u32 s28, $0x1;
	[dreg:$0x2] =	wrdreg s2  }
0xa9: {  	[dreg:$0x3] =	wrdreg s4  }
0xaa: {  	[dreg:$0x4] =	wrdreg $0xC0  }
0xab: {  	_ =	task [dreg:s6], $0x5FFFF  }
0xac: {  	[dreg:$0x1] =	wrdreg $0xFFFFFFFF  }
0xad: {  	[dreg:$0x0] =	wrdreg $0x60  }
0xae: {  	[dreg:$0x2] =	wrdreg s24  }
0xaf: {  	[dreg:$0x3] =	wrdreg $0xA2000  }
0xb0: {  	[dreg:$0x4] =	wrdreg $0x9  }
0xb1: {  	_ =	task.clear_ibuf [dreg:s6], $0x5FFFF;
	_ =	strace $0x9000004C  }
0xb2: {  	s29 =	simm.s32 $0x9;
	_ =	strace $0x8000004E  }
0xb3: {  	_ =	swait.ge [sflag:s29], $0x1  }
0xb4: {  	[sflag:s29] =	ssyncadd.s32 $0xFFFFFFFF  }
0xb5: {  	_ =	strace $0x9000004E  }
0xb6: {  	_ =	sfence  }
0xb7: {  	s30 =	sld [smem:$0x0];
	_ =	sdelay $0x2  }
0xb8: {  	s31 =	sshll.u32 s1, $0xD;
	s1 =	sshrl.u32 s1, $0x2  }
0xb9: {  	s3 =	sand.u32 $0x4000, s31;
	s1 =	sadd.s32 s1, s30  }
0xba: {  	s0 =	sor.u32 s3, s0;
	s1 =	sshll.u32 s1, $0x11  }
0xbb: {  	s0 =	sor.u32 s1, s0  }
0xbc: {  	s0 =	sadd.s32 $0x8F2B, s0  }
0xbd: {  	[sflag:s0] =	ssyncadd.remote.s32 $0x1  }
0xbe: {  	_ =	sfence.sel $0xFFFF  }
0xbf: {  	[dreg:$0x0] =	wrdreg $0xFFFFFFFF;
	(pc) =	sbr.abs _section_cstart, $3  }
0xc0: {  	[dreg:$0x1] =	wrdreg $0xFFFFFFFF  }
0xc1: {  	_ =	task.clear_ibuf [dreg:s6], $0x2FFFF;
	_ =	strace $0x9FFFFFFF  }
0xc2: {  	(tm) =	ssettm $0x7FFFFFFF  }
0xc3: {  	_ =	shalt  }
tec
execute0_lowered:
.L_overlay_start_1:
0x0: {  	(tag) =	ssettag $0x1  }
0x1: {  	s0 =	srdreg.scid  }
0x2: {  	s1 =	rddreg [dreg:$0x0];
	s13 =	stileid.u32  }
0x3: {  	s2 =	rddreg [dreg:$0x1];
	s18 =	simm.s32 $0x6;
	s19 =	simm.s32 $0x2A00  }
0x4: {  	s20 =	simm.s32 $0x3600;
	s28 =	simm.s32 $0x2;
	s29 =	simm.s32 $0x3  }
0x5: {  	s30 =	simm.s32 $0x5;
	s31 =	simm.s32 $0x4;
	s0 =	sand.u32 $0x1, s0  }
0x6: {  	s7 =	smul.u32 $0x2780, s13;
	s4 =	sadd.s32 $0x49200, s1;
	s10 =	sadd.s32 $0xCA00, s1  }
0x7: {  	s21 =	smul.u32 $0x4F000, s13;
	s24 =	sshll.u32 s13, $0x6;
	s3 =	sshll.u32 s0, $0x4  }
0x8: {  	s8 =	smul.u32 $0x27800, s0;
	s0 =	ssub.s32 $0x2, s0;
	s5 =	sor.u32 s13, s3  }
0x9: {  	s3 =	simm.s32 $0x0;
	s11 =	sadd.s32 s7, s1;
	s6 =	smul.u32 $0x540, s5  }
0xa: {  	s22 =	sshrl.u32 s0, $0x1;
	[smem:$0x7FF] =	sst s3;
	s12 =	smul.u32 $0x5400, s5  }
0xb: {  	s7 =	sadd.s32 s7, s8;
	s0 =	ssub.s32 s0, s22;
	s5 =	smul.u32 $0xA80, s5  }
0xc: {  	s11 =	sadd.s32 $0x21A00, s11;
	s22 =	simm.s32 $0x4200;
	_ =	strace $0x8000004D  }
0xd: {  	[dreg:$0x3] =	wrdreg s11;
	s16 =	smax.u32 s0, $0x1;
	s0 =	simm.s32 $0x0  }
0xe: {  	s9 =	sadd.s32 s6, s1;
	s6 =	sshrl.u32 s21, $0x2;
	s1 =	sadd.s32 s7, s1  }
0xf: {  	s25 =	sshrl.u32 s12, $0x3;
	s5 =	sadd.s32 s10, s5;
	s21 =	simm.s32 $0x40  }
0x10: {  	s23 =	sadd.s32 s6, s2;
	s6 =	sor.u32 $0x1C06, s24;
	s14 =	sadd.s32 s10, s25  }
0x11: {  	s26 =	sadd.s32 $0x2200, s9;
	[dreg:$0x5] =	wrdreg s5;
	s15 =	sadd.s32 $0x70400, s1  }
0x12: {  	s25 =	simm.s32 $0x8200;
	s1 =	simm.s32 $0x2B00;
	[dreg:$0x4] =	wrdreg s26  }
0x13: {  	s9 =	sadd.s32 $0x180, s14;
	s10 =	sadd.s32 $0x300, s14;
	s11 =	sadd.s32 $0x480, s14  }
0x14: {  	s12 =	sadd.s32 $0x600, s14;
	s13 =	sadd.s32 $0x780, s14;
	s14 =	sadd.s32 $0x900, s14  }
0x15: {  	s17 =	sshrl.u32 s23, $0x3;
	s23 =	simm.s32 $0x6200;
	s26 =	simm.s32 $0x1  }
.LBB2_1:
0x16: {  	s5 =	rddreg [dreg:$0x3]  }
0x17: {  	[spmem:s17], [sflag:s6] =	dma.local [hbm:s5], $0x2780  }
0x18: {  	_ =	swait.ge [sflag:s18], $0x2780  }
0x19: {  	[sflag:s18] =	ssyncset.done $0x0  }
0x1a: {  	s24 =	rddreg [dreg:$0x4];
	[sflag:s18] =	ssyncadd.s32 $0xFFFFD880  }
0x1b: {  	[tilespmem:s3], [sflag:$0x6] =	stream.linear.gather [hbm4b:s24+s3], $0x2A00, $0x38;
	[tilespmem:$0x1DE00] =	vst v63  }
0x1c: {  	_ =	swait.ge [sflag:s18], $0x2A00  }
0x1d: {  	[sflag:s18] =	ssyncset.done $0x0  }
0x1e: {  	s7 =	rddreg [dreg:$0x5];
	[sflag:s18] =	ssyncadd.s32 $0xFFFFD600  }
0x1f: {  	[tilespmem:s19], [sflag:$0x6] =	stream.linear.gather [hbm4b:s7+s3], $0xC00, $0x38;
	[tilespmem:$0x1DE00] =	vst v63  }
0x20: {  	_ =	swait.ge [sflag:s18], $0xC00  }
0x21: {  	[sflag:s18] =	ssyncset.done $0x0  }
0x22: {  	[sflag:s18] =	ssyncadd.s32 $0xFFFFF400  }
0x23: {  	[tilespmem:s20], [sflag:$0x5] =	stream.linear.gather [hbm4b:s9+s3], $0xC00, $0x38;
	[tilespmem:$0x1DE00] =	vst v63  }
0x24: {  	[bflag:$0x0] =	sbarrier.arrive $0xFFFF  }
0x25: {  	[tilespmem:s22], [sflag:$0x1] =	stream.indirect.gather [hbm4b:s4+s21], $0x80, s3, s21, $0xb8;
	[tilespmem:$0x1DE00] =	vst v63  }
0x26: {  	_ = 	snop  }
0x27: {  	[tilespmem:s23], [sflag:$0x2] =	stream.indirect.gather [hbm4b:s4+s21], $0x80, s21, s21, $0xb8;
	[tilespmem:$0x1DE00] =	vst v63  }
0x28: {  	s8 =	simm.s32 $0x80  }
0x29: {  	[tilespmem:s25], [sflag:$0x3] =	stream.indirect.gather [hbm4b:s4+s21], $0x80, s8, s21, $0xb8;
	[tilespmem:$0x1DE00] =	vst v63  }
0x2a: {  	_ =	swait.ge [sflag:s26], $0x2000  }
0x2b: {  	[sflag:s26] =	ssyncset.done $0x0  }
0x2c: {  	s24 =	simm.s32 $0x2A00;
	[sflag:s26] =	ssyncadd.s32 $0xFFFFE000  }
0x2d: {  	[spmem:s2] =	stream.indirect.scatter.add.f32 [tilespmem:s22], [sflag:$0x6], $0x80, s24, s21, $0xb8;
	[tilespmem:$0x1DE00] =	vst v63  }
0x2e: {  	_ =	swait.ge [sflag:s18], $0x2000  }
0x2f: {  	[sflag:s18] =	ssyncset.done $0x0  }
0x30: {  	s7 =	simm.s32 $0xC0;
	[sflag:s18] =	ssyncadd.s32 $0xFFFFE000  }
0x31: {  	[tilespmem:s22], [sflag:$0x1] =	stream.indirect.gather [hbm4b:s4+s21], $0x80, s7, s21, $0xb8;
	[tilespmem:$0x1DE00] =	vst v63  }
0x32: {  	_ =	swait.ge [sflag:s28], $0x2000  }
0x33: {  	[sflag:s28] =	ssyncset.done $0x0  }
0x34: {  	s8 =	simm.s32 $0x2A80;
	[sflag:s28] =	ssyncadd.s32 $0xFFFFE000  }
0x35: {  	[spmem:s2] =	stream.indirect.scatter.add.f32 [tilespmem:s23], [sflag:$0x6], $0x80, s8, s21, $0xb8;
	[tilespmem:$0x1DE00] =	vst v63  }
0x36: {  	_ =	swait.ge [sflag:s18], $0x2000  }
0x37: {  	[sflag:s18] =	ssyncset.done $0x0  }
0x38: {  	s24 =	simm.s32 $0x100;
	[sflag:s18] =	ssyncadd.s32 $0xFFFFE000  }
0x39: {  	[tilespmem:s23], [sflag:$0x2] =	stream.indirect.gather [hbm4b:s4+s21], $0x80, s24, s21, $0xb8;
	[tilespmem:$0x1DE00] =	vst v63  }
0x3a: {  	_ =	swait.ge [sflag:s29], $0x2000  }
0x3b: {  	[sflag:s29] =	ssyncset.done $0x0  }
0x3c: {  	[sflag:s29] =	ssyncadd.s32 $0xFFFFE000  }
0x3d: {  	[spmem:s2] =	stream.indirect.scatter.add.f32 [tilespmem:s25], [sflag:$0x6], $0x80, s1, s21, $0xb8;
	[tilespmem:$0x1DE00] =	vst v63  }
0x3e: {  	_ =	swait.ge [sflag:s18], $0x2000  }
0x3f: {  	s5 =	simm.s32 $0x2C80;
	[sflag:s18] =	ssyncset.done $0x0  }
0x40: {  	s7 =	simm.s32 $0x140;
	s24 =	simm.s32 $0x300;
	[sflag:s18] =	ssyncadd.s32 $0xFFFFE000  }
.LBB2_2:
0x41: {  	[tilespmem:s25], [sflag:$0x3] =	stream.indirect.gather [hbm4b:s4+s21], $0x80, s7, s21, $0xb8;
	[tilespmem:$0x1DE00] =	vst v63  }
0x42: {  	s7 =	smov.u32 s24  }
0x43: {  	p0 =	sne.s32 s24, $0x1500;
	s24 =	sadd.s32 $0x300, s24;
	_ =	swait.ge [sflag:s26], $0x2000  }
0x44: {  	[sflag:s26] =	ssyncset.done $0x0  }
0x45: {  	s8 =	sadd.s32 $0xFFFFFF00, s5;
	[sflag:s26] =	ssyncadd.s32 $0xFFFFE000  }
0x46: {  	[spmem:s2] =	stream.indirect.scatter.add.f32 [tilespmem:s22], [sflag:$0x6], $0x80, s8, s21, $0xb8;
	[tilespmem:$0x1DE00] =	vst v63  }
0x47: {  	_ =	swait.ge [sflag:s18], $0x2000  }
0x48: {  	s7 =	sshra.s32 s7, $0x2;
	[sflag:s18] =	ssyncset.done $0x0  }
0x49: {  	s8 =	sadd.s32 $0xC0, s7;
	[sflag:s18] =	ssyncadd.s32 $0xFFFFE000  }
0x4a: {  	[tilespmem:s22], [sflag:$0x1] =	stream.indirect.gather [hbm4b:s4+s21], $0x80, s8, s21, $0xb8;
	[tilespmem:$0x1DE00] =	vst v63  }
0x4b: {  	_ =	swait.ge [sflag:s28], $0x2000  }
0x4c: {  	[sflag:s28] =	ssyncset.done $0x0  }
0x4d: {  	s8 =	sadd.s32 $0xFFFFFF80, s5;
	[sflag:s28] =	ssyncadd.s32 $0xFFFFE000  }
0x4e: {  	[spmem:s2] =	stream.indirect.scatter.add.f32 [tilespmem:s23], [sflag:$0x6], $0x80, s8, s21, $0xb8;
	[tilespmem:$0x1DE00] =	vst v63  }
0x4f: {  	_ =	swait.ge [sflag:s18], $0x2000  }
0x50: {  	[sflag:s18] =	ssyncset.done $0x0  }
0x51: {  	s8 =	sadd.s32 $0x100, s7;
	[sflag:s18] =	ssyncadd.s32 $0xFFFFE000  }
0x52: {  	[tilespmem:s23], [sflag:$0x2] =	stream.indirect.gather [hbm4b:s4+s21], $0x80, s8, s21, $0xb8;
	[tilespmem:$0x1DE00] =	vst v63  }
0x53: {  	_ =	swait.ge [sflag:s29], $0x2000  }
0x54: {  	[sflag:s29] =	ssyncset.done $0x0  }
.Ltmp0:
0x55: {  	[sflag:s29] =	ssyncadd.s32 $0xFFFFE000;
	(pc) =	sbr.rel @p0 .LBB2_2-.Ltmp0, $4  }
0x56: {  	[spmem:s2] =	stream.indirect.scatter.add.f32 [tilespmem:s25], [sflag:$0x6], $0x80, s5, s21, $0xb8;
	[tilespmem:$0x1DE00] =	vst v63  }
0x57: {  	_ =	swait.ge [sflag:s18], $0x2000  }
0x58: {  	[sflag:s18] =	ssyncset.done $0x0  }
0x59: {  	s7 =	sadd.s32 $0x140, s7;
	s5 =	sadd.s32 $0x180, s5;
	[sflag:s18] =	ssyncadd.s32 $0xFFFFE000  }
0x5a: {  	[tilespmem:s25], [sflag:$0x3] =	stream.indirect.gather [hbm4b:s4+s21], $0x80, s7, s21, $0xb8;
	[tilespmem:$0x1DE00] =	vst v63  }
0x5b: {  	s5 =	simm.s32 $0x0  }
0x5c: {  	[tilespmem:s19], [sflag:$0x4] =	stream.linear.gather [hbm4b:s10+s5], $0xC00, $0x38;
	[tilespmem:$0x1DE00] =	vst v63  }
0x5d: {  	_ =	swait.ge [sflag:s30], $0xC00  }
0x5e: {  	[sflag:s30] =	ssyncset.done $0x0  }
0x5f: {  	[sflag:s30] =	ssyncadd.s32 $0xFFFFF400  }
0x60: {  	_ =	swait.ge [sflag:s26], $0x2000  }
0x61: {  	[sflag:s26] =	ssyncset.done $0x0  }
0x62: {  	s8 =	simm.s32 $0x3600;
	[sflag:s26] =	ssyncadd.s32 $0xFFFFE000  }
0x63: {  	[spmem:s2] =	stream.indirect.scatter.add.f32 [tilespmem:s22], [sflag:$0x6], $0x80, s8, s21, $0xb8;
	[tilespmem:$0x1DE00] =	vst v63  }
0x64: {  	_ =	swait.ge [sflag:s18], $0x2000  }
0x65: {  	[sflag:s18] =	ssyncset.done $0x0  }
0x66: {  	s24 =	simm.s32 $0x6C0;
	[sflag:s18] =	ssyncadd.s32 $0xFFFFE000  }
0x67: {  	[tilespmem:s22], [sflag:$0x1] =	stream.indirect.gather [hbm4b:s4+s21], $0x80, s24, s21, $0xb8;
	[tilespmem:$0x1DE00] =	vst v63  }
0x68: {  	_ =	swait.ge [sflag:s28], $0x2000  }
0x69: {  	[sflag:s28] =	ssyncset.done $0x0  }
0x6a: {  	s7 =	simm.s32 $0x3680;
	[sflag:s28] =	ssyncadd.s32 $0xFFFFE000  }
0x6b: {  	[spmem:s2] =	stream.indirect.scatter.add.f32 [tilespmem:s23], [sflag:$0x6], $0x80, s7, s21, $0xb8;
	[tilespmem:$0x1DE00] =	vst v63  }
0x6c: {  	_ =	swait.ge [sflag:s18], $0x2000  }
0x6d: {  	[sflag:s18] =	ssyncset.done $0x0  }
0x6e: {  	s8 =	simm.s32 $0x700;
	[sflag:s18] =	ssyncadd.s32 $0xFFFFE000  }
0x6f: {  	[tilespmem:s23], [sflag:$0x2] =	stream.indirect.gather [hbm4b:s4+s21], $0x80, s8, s21, $0xb8;
	[tilespmem:$0x1DE00] =	vst v63  }
0x70: {  	_ =	swait.ge [sflag:s29], $0x2000  }
0x71: {  	[sflag:s29] =	ssyncset.done $0x0  }
0x72: {  	s24 =	simm.s32 $0x3700;
	[sflag:s29] =	ssyncadd.s32 $0xFFFFE000  }
0x73: {  	[spmem:s2] =	stream.indirect.scatter.add.f32 [tilespmem:s25], [sflag:$0x6], $0x80, s24, s21, $0xb8;
	[tilespmem:$0x1DE00] =	vst v63  }
0x74: {  	_ =	swait.ge [sflag:s18], $0x2000  }
0x75: {  	s5 =	simm.s32 $0x3880;
	[sflag:s18] =	ssyncset.done $0x0  }
0x76: {  	s7 =	simm.s32 $0x740;
	s24 =	simm.s32 $0x300;
	[sflag:s18] =	ssyncadd.s32 $0xFFFFE000  }
.LBB2_4:
0x77: {  	[tilespmem:s25], [sflag:$0x3] =	stream.indirect.gather [hbm4b:s4+s21], $0x80, s7, s21, $0xb8;
	[tilespmem:$0x1DE00] =	vst v63  }
0x78: {  	s7 =	smov.u32 s24  }
0x79: {  	p0 =	sne.s32 s24, $0x1500;
	s24 =	sadd.s32 $0x300, s24;
	_ =	swait.ge [sflag:s26], $0x2000  }
0x7a: {  	[sflag:s26] =	ssyncset.done $0x0  }
0x7b: {  	s8 =	sadd.s32 $0xFFFFFF00, s5;
	[sflag:s26] =	ssyncadd.s32 $0xFFFFE000  }
0x7c: {  	[spmem:s2] =	stream.indirect.scatter.add.f32 [tilespmem:s22], [sflag:$0x6], $0x80, s8, s21, $0xb8;
	[tilespmem:$0x1DE00] =	vst v63  }
0x7d: {  	_ =	swait.ge [sflag:s18], $0x2000  }
0x7e: {  	s7 =	sshra.s32 s7, $0x2;
	[sflag:s18] =	ssyncset.done $0x0  }
0x7f: {  	s8 =	sadd.s32 $0x6C0, s7;
	[sflag:s18] =	ssyncadd.s32 $0xFFFFE000  }
0x80: {  	[tilespmem:s22], [sflag:$0x1] =	stream.indirect.gather [hbm4b:s4+s21], $0x80, s8, s21, $0xb8;
	[tilespmem:$0x1DE00] =	vst v63  }
0x81: {  	_ =	swait.ge [sflag:s28], $0x2000  }
0x82: {  	[sflag:s28] =	ssyncset.done $0x0  }
0x83: {  	s8 =	sadd.s32 $0xFFFFFF80, s5;
	[sflag:s28] =	ssyncadd.s32 $0xFFFFE000  }
0x84: {  	[spmem:s2] =	stream.indirect.scatter.add.f32 [tilespmem:s23], [sflag:$0x6], $0x80, s8, s21, $0xb8;
	[tilespmem:$0x1DE00] =	vst v63  }
0x85: {  	_ =	swait.ge [sflag:s18], $0x2000  }
0x86: {  	[sflag:s18] =	ssyncset.done $0x0  }
0x87: {  	s8 =	sadd.s32 $0x700, s7;
	[sflag:s18] =	ssyncadd.s32 $0xFFFFE000  }
0x88: {  	[tilespmem:s23], [sflag:$0x2] =	stream.indirect.gather [hbm4b:s4+s21], $0x80, s8, s21, $0xb8;
	[tilespmem:$0x1DE00] =	vst v63  }
0x89: {  	_ =	swait.ge [sflag:s29], $0x2000  }
0x8a: {  	[sflag:s29] =	ssyncset.done $0x0  }
.Ltmp1:
0x8b: {  	[sflag:s29] =	ssyncadd.s32 $0xFFFFE000;
	(pc) =	sbr.rel @p0 .LBB2_4-.Ltmp1, $4  }
0x8c: {  	[spmem:s2] =	stream.indirect.scatter.add.f32 [tilespmem:s25], [sflag:$0x6], $0x80, s5, s21, $0xb8;
	[tilespmem:$0x1DE00] =	vst v63  }
0x8d: {  	_ =	swait.ge [sflag:s18], $0x2000  }
0x8e: {  	[sflag:s18] =	ssyncset.done $0x0  }
0x8f: {  	s7 =	sadd.s32 $0x740, s7;
	s5 =	sadd.s32 $0x180, s5;
	[sflag:s18] =	ssyncadd.s32 $0xFFFFE000  }
0x90: {  	[tilespmem:s25], [sflag:$0x3] =	stream.indirect.gather [hbm4b:s4+s21], $0x80, s7, s21, $0xb8;
	[tilespmem:$0x1DE00] =	vst v63  }
0x91: {  	s5 =	simm.s32 $0x0  }
0x92: {  	[tilespmem:s20], [sflag:$0x5] =	stream.linear.gather [hbm4b:s11+s5], $0xC00, $0x38;
	[tilespmem:$0x1DE00] =	vst v63  }
0x93: {  	_ =	swait.ge [sflag:s31], $0xC00  }
0x94: {  	[sflag:s31] =	ssyncset.done $0x0  }
0x95: {  	[sflag:s31] =	ssyncadd.s32 $0xFFFFF400  }
0x96: {  	_ =	swait.ge [sflag:s26], $0x2000  }
0x97: {  	[sflag:s26] =	ssyncset.done $0x0  }
0x98: {  	s8 =	simm.s32 $0x2A00;
	[sflag:s26] =	ssyncadd.s32 $0xFFFFE000  }
0x99: {  	[spmem:s2] =	stream.indirect.scatter.add.f32 [tilespmem:s22], [sflag:$0x6], $0x80, s8, s21, $0xb8;
	[tilespmem:$0x1DE00] =	vst v63  }
0x9a: {  	_ =	swait.ge [sflag:s18], $0x2000  }
0x9b: {  	[sflag:s18] =	ssyncset.done $0x0  }
0x9c: {  	s24 =	simm.s32 $0xCC0;
	[sflag:s18] =	ssyncadd.s32 $0xFFFFE000  }
0x9d: {  	[tilespmem:s22], [sflag:$0x1] =	stream.indirect.gather [hbm4b:s4+s21], $0x80, s24, s21, $0xb8;
	[tilespmem:$0x1DE00] =	vst v63  }
0x9e: {  	_ =	swait.ge [sflag:s28], $0x2000  }
0x9f: {  	[sflag:s28] =	ssyncset.done $0x0  }
0xa0: {  	s7 =	simm.s32 $0x2A80;
	[sflag:s28] =	ssyncadd.s32 $0xFFFFE000  }
0xa1: {  	[spmem:s2] =	stream.indirect.scatter.add.f32 [tilespmem:s23], [sflag:$0x6], $0x80, s7, s21, $0xb8;
	[tilespmem:$0x1DE00] =	vst v63  }
0xa2: {  	_ =	swait.ge [sflag:s18], $0x2000  }
0xa3: {  	[sflag:s18] =	ssyncset.done $0x0  }
0xa4: {  	s8 =	simm.s32 $0xD00;
	[sflag:s18] =	ssyncadd.s32 $0xFFFFE000  }
0xa5: {  	[tilespmem:s23], [sflag:$0x2] =	stream.indirect.gather [hbm4b:s4+s21], $0x80, s8, s21, $0xb8;
	[tilespmem:$0x1DE00] =	vst v63  }
0xa6: {  	_ =	swait.ge [sflag:s29], $0x2000  }
0xa7: {  	[sflag:s29] =	ssyncset.done $0x0  }
0xa8: {  	s24 =	simm.s32 $0x2B00;
	[sflag:s29] =	ssyncadd.s32 $0xFFFFE000  }
0xa9: {  	[spmem:s2] =	stream.indirect.scatter.add.f32 [tilespmem:s25], [sflag:$0x6], $0x80, s24, s21, $0xb8;
	[tilespmem:$0x1DE00] =	vst v63  }
0xaa: {  	_ =	swait.ge [sflag:s18], $0x2000  }
0xab: {  	s5 =	simm.s32 $0x2C80;
	[sflag:s18] =	ssyncset.done $0x0  }
0xac: {  	s7 =	simm.s32 $0xD40;
	s24 =	simm.s32 $0x300;
	[sflag:s18] =	ssyncadd.s32 $0xFFFFE000  }
.LBB2_6:
0xad: {  	[tilespmem:s25], [sflag:$0x3] =	stream.indirect.gather [hbm4b:s4+s21], $0x80, s7, s21, $0xb8;
	[tilespmem:$0x1DE00] =	vst v63  }
0xae: {  	s7 =	smov.u32 s24  }
0xaf: {  	p0 =	sne.s32 s24, $0x1500;
	s24 =	sadd.s32 $0x300, s24;
	_ =	swait.ge [sflag:s26], $0x2000  }
0xb0: {  	[sflag:s26] =	ssyncset.done $0x0  }
0xb1: {  	s8 =	sadd.s32 $0xFFFFFF00, s5;
	[sflag:s26] =	ssyncadd.s32 $0xFFFFE000  }
0xb2: {  	[spmem:s2] =	stream.indirect.scatter.add.f32 [tilespmem:s22], [sflag:$0x6], $0x80, s8, s21, $0xb8;
	[tilespmem:$0x1DE00] =	vst v63  }
0xb3: {  	_ =	swait.ge [sflag:s18], $0x2000  }
0xb4: {  	s7 =	sshra.s32 s7, $0x2;
	[sflag:s18] =	ssyncset.done $0x0  }
0xb5: {  	s8 =	sadd.s32 $0xCC0, s7;
	[sflag:s18] =	ssyncadd.s32 $0xFFFFE000  }
0xb6: {  	[tilespmem:s22], [sflag:$0x1] =	stream.indirect.gather [hbm4b:s4+s21], $0x80, s8, s21, $0xb8;
	[tilespmem:$0x1DE00] =	vst v63  }
0xb7: {  	_ =	swait.ge [sflag:s28], $0x2000  }
0xb8: {  	[sflag:s28] =	ssyncset.done $0x0  }
0xb9: {  	s8 =	sadd.s32 $0xFFFFFF80, s5;
	[sflag:s28] =	ssyncadd.s32 $0xFFFFE000  }
0xba: {  	[spmem:s2] =	stream.indirect.scatter.add.f32 [tilespmem:s23], [sflag:$0x6], $0x80, s8, s21, $0xb8;
	[tilespmem:$0x1DE00] =	vst v63  }
0xbb: {  	_ =	swait.ge [sflag:s18], $0x2000  }
0xbc: {  	[sflag:s18] =	ssyncset.done $0x0  }
0xbd: {  	s8 =	sadd.s32 $0xD00, s7;
	[sflag:s18] =	ssyncadd.s32 $0xFFFFE000  }
0xbe: {  	[tilespmem:s23], [sflag:$0x2] =	stream.indirect.gather [hbm4b:s4+s21], $0x80, s8, s21, $0xb8;
	[tilespmem:$0x1DE00] =	vst v63  }
0xbf: {  	_ =	swait.ge [sflag:s29], $0x2000  }
0xc0: {  	[sflag:s29] =	ssyncset.done $0x0  }
.Ltmp2:
0xc1: {  	[sflag:s29] =	ssyncadd.s32 $0xFFFFE000;
	(pc) =	sbr.rel @p0 .LBB2_6-.Ltmp2, $4  }
0xc2: {  	[spmem:s2] =	stream.indirect.scatter.add.f32 [tilespmem:s25], [sflag:$0x6], $0x80, s5, s21, $0xb8;
	[tilespmem:$0x1DE00] =	vst v63  }
0xc3: {  	_ =	swait.ge [sflag:s18], $0x2000  }
0xc4: {  	[sflag:s18] =	ssyncset.done $0x0  }
0xc5: {  	s7 =	sadd.s32 $0xD40, s7;
	s5 =	sadd.s32 $0x180, s5;
	[sflag:s18] =	ssyncadd.s32 $0xFFFFE000  }
0xc6: {  	[tilespmem:s25], [sflag:$0x3] =	stream.indirect.gather [hbm4b:s4+s21], $0x80, s7, s21, $0xb8;
	[tilespmem:$0x1DE00] =	vst v63  }
0xc7: {  	s5 =	simm.s32 $0x0  }
0xc8: {  	[tilespmem:s19], [sflag:$0x4] =	stream.linear.gather [hbm4b:s12+s5], $0xC00, $0x38;
	[tilespmem:$0x1DE00] =	vst v63  }
0xc9: {  	_ =	swait.ge [sflag:s30], $0xC00  }
0xca: {  	[sflag:s30] =	ssyncset.done $0x0  }
0xcb: {  	[sflag:s30] =	ssyncadd.s32 $0xFFFFF400  }
0xcc: {  	_ =	swait.ge [sflag:s26], $0x2000  }
0xcd: {  	[sflag:s26] =	ssyncset.done $0x0  }
0xce: {  	s8 =	simm.s32 $0x3600;
	[sflag:s26] =	ssyncadd.s32 $0xFFFFE000  }
0xcf: {  	[spmem:s2] =	stream.indirect.scatter.add.f32 [tilespmem:s22], [sflag:$0x6], $0x80, s8, s21, $0xb8;
	[tilespmem:$0x1DE00] =	vst v63  }
0xd0: {  	_ =	swait.ge [sflag:s18], $0x2000  }
0xd1: {  	[sflag:s18] =	ssyncset.done $0x0  }
0xd2: {  	s24 =	simm.s32 $0x12C0;
	[sflag:s18] =	ssyncadd.s32 $0xFFFFE000  }
0xd3: {  	[tilespmem:s22], [sflag:$0x1] =	stream.indirect.gather [hbm4b:s4+s21], $0x80, s24, s21, $0xb8;
	[tilespmem:$0x1DE00] =	vst v63  }
0xd4: {  	_ =	swait.ge [sflag:s28], $0x2000  }
0xd5: {  	[sflag:s28] =	ssyncset.done $0x0  }
0xd6: {  	s7 =	simm.s32 $0x3680;
	[sflag:s28] =	ssyncadd.s32 $0xFFFFE000  }
0xd7: {  	[spmem:s2] =	stream.indirect.scatter.add.f32 [tilespmem:s23], [sflag:$0x6], $0x80, s7, s21, $0xb8;
	[tilespmem:$0x1DE00] =	vst v63  }
0xd8: {  	_ =	swait.ge [sflag:s18], $0x2000  }
0xd9: {  	[sflag:s18] =	ssyncset.done $0x0  }
0xda: {  	s8 =	simm.s32 $0x1300;
	[sflag:s18] =	ssyncadd.s32 $0xFFFFE000  }
0xdb: {  	[tilespmem:s23], [sflag:$0x2] =	stream.indirect.gather [hbm4b:s4+s21], $0x80, s8, s21, $0xb8;
	[tilespmem:$0x1DE00] =	vst v63  }
0xdc: {  	_ =	swait.ge [sflag:s29], $0x2000  }
0xdd: {  	[sflag:s29] =	ssyncset.done $0x0  }
0xde: {  	s24 =	simm.s32 $0x3700;
	[sflag:s29] =	ssyncadd.s32 $0xFFFFE000  }
0xdf: {  	[spmem:s2] =	stream.indirect.scatter.add.f32 [tilespmem:s25], [sflag:$0x6], $0x80, s24, s21, $0xb8;
	[tilespmem:$0x1DE00] =	vst v63  }
0xe0: {  	_ =	swait.ge [sflag:s18], $0x2000  }
0xe1: {  	s5 =	simm.s32 $0x3880;
	[sflag:s18] =	ssyncset.done $0x0  }
0xe2: {  	s7 =	simm.s32 $0x1340;
	s24 =	simm.s32 $0x300;
	[sflag:s18] =	ssyncadd.s32 $0xFFFFE000  }
.LBB2_8:
0xe3: {  	[tilespmem:s25], [sflag:$0x3] =	stream.indirect.gather [hbm4b:s4+s21], $0x80, s7, s21, $0xb8;
	[tilespmem:$0x1DE00] =	vst v63  }
0xe4: {  	s7 =	smov.u32 s24  }
0xe5: {  	p0 =	sne.s32 s24, $0x1500;
	s24 =	sadd.s32 $0x300, s24;
	_ =	swait.ge [sflag:s26], $0x2000  }
0xe6: {  	[sflag:s26] =	ssyncset.done $0x0  }
0xe7: {  	s8 =	sadd.s32 $0xFFFFFF00, s5;
	[sflag:s26] =	ssyncadd.s32 $0xFFFFE000  }
0xe8: {  	[spmem:s2] =	stream.indirect.scatter.add.f32 [tilespmem:s22], [sflag:$0x6], $0x80, s8, s21, $0xb8;
	[tilespmem:$0x1DE00] =	vst v63  }
0xe9: {  	_ =	swait.ge [sflag:s18], $0x2000  }
0xea: {  	s7 =	sshra.s32 s7, $0x2;
	[sflag:s18] =	ssyncset.done $0x0  }
0xeb: {  	s8 =	sadd.s32 $0x12C0, s7;
	[sflag:s18] =	ssyncadd.s32 $0xFFFFE000  }
0xec: {  	[tilespmem:s22], [sflag:$0x1] =	stream.indirect.gather [hbm4b:s4+s21], $0x80, s8, s21, $0xb8;
	[tilespmem:$0x1DE00] =	vst v63  }
0xed: {  	_ =	swait.ge [sflag:s28], $0x2000  }
0xee: {  	[sflag:s28] =	ssyncset.done $0x0  }
0xef: {  	s8 =	sadd.s32 $0xFFFFFF80, s5;
	[sflag:s28] =	ssyncadd.s32 $0xFFFFE000  }
0xf0: {  	[spmem:s2] =	stream.indirect.scatter.add.f32 [tilespmem:s23], [sflag:$0x6], $0x80, s8, s21, $0xb8;
	[tilespmem:$0x1DE00] =	vst v63  }
0xf1: {  	_ =	swait.ge [sflag:s18], $0x2000  }
0xf2: {  	[sflag:s18] =	ssyncset.done $0x0  }
0xf3: {  	s8 =	sadd.s32 $0x1300, s7;
	[sflag:s18] =	ssyncadd.s32 $0xFFFFE000  }
0xf4: {  	[tilespmem:s23], [sflag:$0x2] =	stream.indirect.gather [hbm4b:s4+s21], $0x80, s8, s21, $0xb8;
	[tilespmem:$0x1DE00] =	vst v63  }
0xf5: {  	_ =	swait.ge [sflag:s29], $0x2000  }
0xf6: {  	[sflag:s29] =	ssyncset.done $0x0  }
.Ltmp3:
0xf7: {  	[sflag:s29] =	ssyncadd.s32 $0xFFFFE000;
	(pc) =	sbr.rel @p0 .LBB2_8-.Ltmp3, $4  }
0xf8: {  	[spmem:s2] =	stream.indirect.scatter.add.f32 [tilespmem:s25], [sflag:$0x6], $0x80, s5, s21, $0xb8;
	[tilespmem:$0x1DE00] =	vst v63  }
0xf9: {  	_ =	swait.ge [sflag:s18], $0x2000  }
0xfa: {  	[sflag:s18] =	ssyncset.done $0x0  }
0xfb: {  	s7 =	sadd.s32 $0x1340, s7;
	s5 =	sadd.s32 $0x180, s5;
	[sflag:s18] =	ssyncadd.s32 $0xFFFFE000  }
0xfc: {  	[tilespmem:s25], [sflag:$0x3] =	stream.indirect.gather [hbm4b:s4+s21], $0x80, s7, s21, $0xb8;
	[tilespmem:$0x1DE00] =	vst v63  }
0xfd: {  	s5 =	simm.s32 $0x0  }
0xfe: {  	[tilespmem:s20], [sflag:$0x5] =	stream.linear.gather [hbm4b:s13+s5], $0xC00, $0x38;
	[tilespmem:$0x1DE00] =	vst v63  }
0xff: {  	_ =	swait.ge [sflag:s31], $0xC00  }
0x100: {  	[sflag:s31] =	ssyncset.done $0x0  }
0x101: {  	[sflag:s31] =	ssyncadd.s32 $0xFFFFF400  }
0x102: {  	_ =	swait.ge [sflag:s26], $0x2000  }
0x103: {  	[sflag:s26] =	ssyncset.done $0x0  }
0x104: {  	s8 =	simm.s32 $0x2A00;
	[sflag:s26] =	ssyncadd.s32 $0xFFFFE000  }
0x105: {  	[spmem:s2] =	stream.indirect.scatter.add.f32 [tilespmem:s22], [sflag:$0x6], $0x80, s8, s21, $0xb8;
	[tilespmem:$0x1DE00] =	vst v63  }
0x106: {  	_ =	swait.ge [sflag:s18], $0x2000  }
0x107: {  	[sflag:s18] =	ssyncset.done $0x0  }
0x108: {  	s24 =	simm.s32 $0x18C0;
	[sflag:s18] =	ssyncadd.s32 $0xFFFFE000  }
0x109: {  	[tilespmem:s22], [sflag:$0x1] =	stream.indirect.gather [hbm4b:s4+s21], $0x80, s24, s21, $0xb8;
	[tilespmem:$0x1DE00] =	vst v63  }
0x10a: {  	_ =	swait.ge [sflag:s28], $0x2000  }
0x10b: {  	[sflag:s28] =	ssyncset.done $0x0  }
0x10c: {  	s7 =	simm.s32 $0x2A80;
	[sflag:s28] =	ssyncadd.s32 $0xFFFFE000  }
0x10d: {  	[spmem:s2] =	stream.indirect.scatter.add.f32 [tilespmem:s23], [sflag:$0x6], $0x80, s7, s21, $0xb8;
	[tilespmem:$0x1DE00] =	vst v63  }
0x10e: {  	_ =	swait.ge [sflag:s18], $0x2000  }
0x10f: {  	[sflag:s18] =	ssyncset.done $0x0  }
0x110: {  	s8 =	simm.s32 $0x1900;
	[sflag:s18] =	ssyncadd.s32 $0xFFFFE000  }
0x111: {  	[tilespmem:s23], [sflag:$0x2] =	stream.indirect.gather [hbm4b:s4+s21], $0x80, s8, s21, $0xb8;
	[tilespmem:$0x1DE00] =	vst v63  }
0x112: {  	_ =	swait.ge [sflag:s29], $0x2000  }
0x113: {  	[sflag:s29] =	ssyncset.done $0x0  }
0x114: {  	s24 =	simm.s32 $0x2B00;
	[sflag:s29] =	ssyncadd.s32 $0xFFFFE000  }
0x115: {  	[spmem:s2] =	stream.indirect.scatter.add.f32 [tilespmem:s25], [sflag:$0x6], $0x80, s24, s21, $0xb8;
	[tilespmem:$0x1DE00] =	vst v63  }
0x116: {  	_ =	swait.ge [sflag:s18], $0x2000  }
0x117: {  	s5 =	simm.s32 $0x2C80;
	[sflag:s18] =	ssyncset.done $0x0  }
0x118: {  	s7 =	simm.s32 $0x1940;
	s24 =	simm.s32 $0x300;
	[sflag:s18] =	ssyncadd.s32 $0xFFFFE000  }
.LBB2_10:
0x119: {  	[tilespmem:s25], [sflag:$0x3] =	stream.indirect.gather [hbm4b:s4+s21], $0x80, s7, s21, $0xb8;
	[tilespmem:$0x1DE00] =	vst v63  }
0x11a: {  	s7 =	smov.u32 s24  }
0x11b: {  	p0 =	sne.s32 s24, $0x1500;
	s24 =	sadd.s32 $0x300, s24;
	_ =	swait.ge [sflag:s26], $0x2000  }
0x11c: {  	[sflag:s26] =	ssyncset.done $0x0  }
0x11d: {  	s8 =	sadd.s32 $0xFFFFFF00, s5;
	[sflag:s26] =	ssyncadd.s32 $0xFFFFE000  }
0x11e: {  	[spmem:s2] =	stream.indirect.scatter.add.f32 [tilespmem:s22], [sflag:$0x6], $0x80, s8, s21, $0xb8;
	[tilespmem:$0x1DE00] =	vst v63  }
0x11f: {  	_ =	swait.ge [sflag:s18], $0x2000  }
0x120: {  	s7 =	sshra.s32 s7, $0x2;
	[sflag:s18] =	ssyncset.done $0x0  }
0x121: {  	s8 =	sadd.s32 $0x18C0, s7;
	[sflag:s18] =	ssyncadd.s32 $0xFFFFE000  }
0x122: {  	[tilespmem:s22], [sflag:$0x1] =	stream.indirect.gather [hbm4b:s4+s21], $0x80, s8, s21, $0xb8;
	[tilespmem:$0x1DE00] =	vst v63  }
0x123: {  	_ =	swait.ge [sflag:s28], $0x2000  }
0x124: {  	[sflag:s28] =	ssyncset.done $0x0  }
0x125: {  	s8 =	sadd.s32 $0xFFFFFF80, s5;
	[sflag:s28] =	ssyncadd.s32 $0xFFFFE000  }
0x126: {  	[spmem:s2] =	stream.indirect.scatter.add.f32 [tilespmem:s23], [sflag:$0x6], $0x80, s8, s21, $0xb8;
	[tilespmem:$0x1DE00] =	vst v63  }
0x127: {  	_ =	swait.ge [sflag:s18], $0x2000  }
0x128: {  	[sflag:s18] =	ssyncset.done $0x0  }
0x129: {  	s8 =	sadd.s32 $0x1900, s7;
	[sflag:s18] =	ssyncadd.s32 $0xFFFFE000  }
0x12a: {  	[tilespmem:s23], [sflag:$0x2] =	stream.indirect.gather [hbm4b:s4+s21], $0x80, s8, s21, $0xb8;
	[tilespmem:$0x1DE00] =	vst v63  }
0x12b: {  	_ =	swait.ge [sflag:s29], $0x2000  }
0x12c: {  	[sflag:s29] =	ssyncset.done $0x0  }
.Ltmp4:
0x12d: {  	[sflag:s29] =	ssyncadd.s32 $0xFFFFE000;
	(pc) =	sbr.rel @p0 .LBB2_10-.Ltmp4, $4  }
0x12e: {  	[spmem:s2] =	stream.indirect.scatter.add.f32 [tilespmem:s25], [sflag:$0x6], $0x80, s5, s21, $0xb8;
	[tilespmem:$0x1DE00] =	vst v63  }
0x12f: {  	_ =	swait.ge [sflag:s18], $0x2000  }
0x130: {  	[sflag:s18] =	ssyncset.done $0x0  }
0x131: {  	s7 =	sadd.s32 $0x1940, s7;
	s5 =	sadd.s32 $0x180, s5;
	[sflag:s18] =	ssyncadd.s32 $0xFFFFE000  }
0x132: {  	[tilespmem:s25], [sflag:$0x3] =	stream.indirect.gather [hbm4b:s4+s21], $0x80, s7, s21, $0xb8;
	[tilespmem:$0x1DE00] =	vst v63  }
0x133: {  	s5 =	simm.s32 $0x0  }
0x134: {  	[tilespmem:s19], [sflag:$0x4] =	stream.linear.gather [hbm4b:s14+s5], $0xC00, $0x38;
	[tilespmem:$0x1DE00] =	vst v63  }
0x135: {  	_ =	swait.ge [sflag:s30], $0xC00  }
0x136: {  	[sflag:s30] =	ssyncset.done $0x0  }
0x137: {  	[sflag:s30] =	ssyncadd.s32 $0xFFFFF400  }
0x138: {  	_ =	swait.ge [sflag:s26], $0x2000  }
0x139: {  	[sflag:s26] =	ssyncset.done $0x0  }
0x13a: {  	s8 =	simm.s32 $0x3600;
	[sflag:s26] =	ssyncadd.s32 $0xFFFFE000  }
0x13b: {  	[spmem:s2] =	stream.indirect.scatter.add.f32 [tilespmem:s22], [sflag:$0x6], $0x80, s8, s21, $0xb8;
	[tilespmem:$0x1DE00] =	vst v63  }
0x13c: {  	_ =	swait.ge [sflag:s18], $0x2000  }
0x13d: {  	[sflag:s18] =	ssyncset.done $0x0  }
0x13e: {  	s24 =	simm.s32 $0x1EC0;
	[sflag:s18] =	ssyncadd.s32 $0xFFFFE000  }
0x13f: {  	[tilespmem:s22], [sflag:$0x1] =	stream.indirect.gather [hbm4b:s4+s21], $0x80, s24, s21, $0xb8;
	[tilespmem:$0x1DE00] =	vst v63  }
0x140: {  	_ =	swait.ge [sflag:s28], $0x2000  }
0x141: {  	[sflag:s28] =	ssyncset.done $0x0  }
0x142: {  	s7 =	simm.s32 $0x3680;
	[sflag:s28] =	ssyncadd.s32 $0xFFFFE000  }
0x143: {  	[spmem:s2] =	stream.indirect.scatter.add.f32 [tilespmem:s23], [sflag:$0x6], $0x80, s7, s21, $0xb8;
	[tilespmem:$0x1DE00] =	vst v63  }
0x144: {  	_ =	swait.ge [sflag:s18], $0x2000  }
0x145: {  	[sflag:s18] =	ssyncset.done $0x0  }
0x146: {  	s8 =	simm.s32 $0x1F00;
	[sflag:s18] =	ssyncadd.s32 $0xFFFFE000  }
0x147: {  	[tilespmem:s23], [sflag:$0x2] =	stream.indirect.gather [hbm4b:s4+s21], $0x80, s8, s21, $0xb8;
	[tilespmem:$0x1DE00] =	vst v63  }
0x148: {  	_ =	swait.ge [sflag:s29], $0x2000  }
0x149: {  	[sflag:s29] =	ssyncset.done $0x0  }
0x14a: {  	s24 =	simm.s32 $0x3700;
	[sflag:s29] =	ssyncadd.s32 $0xFFFFE000  }
0x14b: {  	[spmem:s2] =	stream.indirect.scatter.add.f32 [tilespmem:s25], [sflag:$0x6], $0x80, s24, s21, $0xb8;
	[tilespmem:$0x1DE00] =	vst v63  }
0x14c: {  	_ =	swait.ge [sflag:s18], $0x2000  }
0x14d: {  	s5 =	simm.s32 $0x3880;
	[sflag:s18] =	ssyncset.done $0x0  }
0x14e: {  	s7 =	simm.s32 $0x1F40;
	s24 =	simm.s32 $0x300;
	[sflag:s18] =	ssyncadd.s32 $0xFFFFE000  }
.LBB2_12:
0x14f: {  	[tilespmem:s25], [sflag:$0x3] =	stream.indirect.gather [hbm4b:s4+s21], $0x80, s7, s21, $0xb8;
	[tilespmem:$0x1DE00] =	vst v63  }
0x150: {  	s7 =	smov.u32 s24  }
0x151: {  	p0 =	sne.s32 s24, $0x1500;
	s24 =	sadd.s32 $0x300, s24;
	_ =	swait.ge [sflag:s26], $0x2000  }
0x152: {  	[sflag:s26] =	ssyncset.done $0x0  }
0x153: {  	s8 =	sadd.s32 $0xFFFFFF00, s5;
	[sflag:s26] =	ssyncadd.s32 $0xFFFFE000  }
0x154: {  	[spmem:s2] =	stream.indirect.scatter.add.f32 [tilespmem:s22], [sflag:$0x6], $0x80, s8, s21, $0xb8;
	[tilespmem:$0x1DE00] =	vst v63  }
0x155: {  	_ =	swait.ge [sflag:s18], $0x2000  }
0x156: {  	s7 =	sshra.s32 s7, $0x2;
	[sflag:s18] =	ssyncset.done $0x0  }
0x157: {  	s8 =	sadd.s32 $0x1EC0, s7;
	[sflag:s18] =	ssyncadd.s32 $0xFFFFE000  }
0x158: {  	[tilespmem:s22], [sflag:$0x1] =	stream.indirect.gather [hbm4b:s4+s21], $0x80, s8, s21, $0xb8;
	[tilespmem:$0x1DE00] =	vst v63  }
0x159: {  	_ =	swait.ge [sflag:s28], $0x2000  }
0x15a: {  	[sflag:s28] =	ssyncset.done $0x0  }
0x15b: {  	s8 =	sadd.s32 $0xFFFFFF80, s5;
	[sflag:s28] =	ssyncadd.s32 $0xFFFFE000  }
0x15c: {  	[spmem:s2] =	stream.indirect.scatter.add.f32 [tilespmem:s23], [sflag:$0x6], $0x80, s8, s21, $0xb8;
	[tilespmem:$0x1DE00] =	vst v63  }
0x15d: {  	_ =	swait.ge [sflag:s18], $0x2000  }
0x15e: {  	[sflag:s18] =	ssyncset.done $0x0  }
0x15f: {  	s8 =	sadd.s32 $0x1F00, s7;
	[sflag:s18] =	ssyncadd.s32 $0xFFFFE000  }
0x160: {  	[tilespmem:s23], [sflag:$0x2] =	stream.indirect.gather [hbm4b:s4+s21], $0x80, s8, s21, $0xb8;
	[tilespmem:$0x1DE00] =	vst v63  }
0x161: {  	_ =	swait.ge [sflag:s29], $0x2000  }
0x162: {  	[sflag:s29] =	ssyncset.done $0x0  }
.Ltmp5:
0x163: {  	[sflag:s29] =	ssyncadd.s32 $0xFFFFE000;
	(pc) =	sbr.rel @p0 .LBB2_12-.Ltmp5, $4  }
0x164: {  	[spmem:s2] =	stream.indirect.scatter.add.f32 [tilespmem:s25], [sflag:$0x6], $0x80, s5, s21, $0xb8;
	[tilespmem:$0x1DE00] =	vst v63  }
0x165: {  	_ =	swait.ge [sflag:s18], $0x2000  }
0x166: {  	[sflag:s18] =	ssyncset.done $0x0  }
0x167: {  	s7 =	sadd.s32 $0x1F40, s7;
	s5 =	sadd.s32 $0x180, s5;
	[sflag:s18] =	ssyncadd.s32 $0xFFFFE000  }
0x168: {  	[tilespmem:s25], [sflag:$0x3] =	stream.indirect.gather [hbm4b:s4+s21], $0x80, s7, s21, $0xb8;
	[tilespmem:$0x1DE00] =	vst v63  }
0x169: {  	_ =	swait.ge [sflag:s31], $0xC00  }
0x16a: {  	[sflag:s31] =	ssyncset.done $0x0  }
0x16b: {  	[sflag:s31] =	ssyncadd.s32 $0xFFFFF400  }
0x16c: {  	_ =	swait.ge [sflag:s26], $0x2000  }
0x16d: {  	[sflag:s26] =	ssyncset.done $0x0  }
0x16e: {  	[sflag:s26] =	ssyncadd.s32 $0xFFFFE000  }
0x16f: {  	[spmem:s2] =	stream.indirect.scatter.add.f32 [tilespmem:s22], [sflag:$0x6], $0x80, s19, s21, $0xb8;
	[tilespmem:$0x1DE00] =	vst v63  }
0x170: {  	_ =	swait.ge [sflag:s18], $0x2000  }
0x171: {  	[sflag:s18] =	ssyncset.done $0x0  }
0x172: {  	s5 =	simm.s32 $0x24C0;
	[sflag:s18] =	ssyncadd.s32 $0xFFFFE000  }
0x173: {  	[tilespmem:s22], [sflag:$0x1] =	stream.indirect.gather [hbm4b:s4+s21], $0x80, s5, s21, $0xb8;
	[tilespmem:$0x1DE00] =	vst v63  }
0x174: {  	_ =	swait.ge [sflag:s28], $0x2000  }
0x175: {  	[sflag:s28] =	ssyncset.done $0x0  }
0x176: {  	s7 =	simm.s32 $0x2A80;
	[sflag:s28] =	ssyncadd.s32 $0xFFFFE000  }
0x177: {  	[spmem:s2] =	stream.indirect.scatter.add.f32 [tilespmem:s23], [sflag:$0x6], $0x80, s7, s21, $0xb8;
	[tilespmem:$0x1DE00] =	vst v63  }
0x178: {  	_ =	swait.ge [sflag:s18], $0x2000  }
0x179: {  	[sflag:s18] =	ssyncset.done $0x0  }
0x17a: {  	s8 =	simm.s32 $0x2500;
	[sflag:s18] =	ssyncadd.s32 $0xFFFFE000  }
0x17b: {  	[tilespmem:s23], [sflag:$0x2] =	stream.indirect.gather [hbm4b:s4+s21], $0x80, s8, s21, $0xb8;
	[tilespmem:$0x1DE00] =	vst v63  }
0x17c: {  	_ =	swait.ge [sflag:s29], $0x2000  }
0x17d: {  	[sflag:s29] =	ssyncset.done $0x0  }
0x17e: {  	[sflag:s29] =	ssyncadd.s32 $0xFFFFE000  }
0x17f: {  	[spmem:s2] =	stream.indirect.scatter.add.f32 [tilespmem:s25], [sflag:$0x6], $0x80, s1, s21, $0xb8;
	[tilespmem:$0x1DE00] =	vst v63  }
0x180: {  	_ =	swait.ge [sflag:s18], $0x2000  }
0x181: {  	[sflag:s18] =	ssyncset.done $0x0  }
0x182: {  	s24 =	simm.s32 $0x2540;
	[sflag:s18] =	ssyncadd.s32 $0xFFFFE000  }
0x183: {  	[tilespmem:s25], [sflag:$0x3] =	stream.indirect.gather [hbm4b:s4+s21], $0x80, s24, s21, $0xb8;
	[tilespmem:$0x1DE00] =	vst v63  }
0x184: {  	_ =	swait.ge [sflag:s26], $0x2000  }
0x185: {  	[sflag:s26] =	ssyncset.done $0x0  }
0x186: {  	s7 =	simm.s32 $0x2B80;
	[sflag:s26] =	ssyncadd.s32 $0xFFFFE000  }
0x187: {  	[spmem:s2] =	stream.indirect.scatter.add.f32 [tilespmem:s22], [sflag:$0x6], $0x80, s7, s21, $0xb8;
	[tilespmem:$0x1DE00] =	vst v63  }
0x188: {  	_ =	swait.ge [sflag:s18], $0x2000  }
0x189: {  	[sflag:s18] =	ssyncset.done $0x0  }
0x18a: {  	s8 =	simm.s32 $0x2580;
	[sflag:s18] =	ssyncadd.s32 $0xFFFFE000  }
0x18b: {  	[tilespmem:s22], [sflag:$0x1] =	stream.indirect.gather [hbm4b:s4+s21], $0x80, s8, s21, $0xb8;
	[tilespmem:$0x1DE00] =	vst v63  }
0x18c: {  	_ =	swait.ge [sflag:s28], $0x2000  }
0x18d: {  	[sflag:s28] =	ssyncset.done $0x0  }
0x18e: {  	s24 =	simm.s32 $0x2C00;
	[sflag:s28] =	ssyncadd.s32 $0xFFFFE000  }
0x18f: {  	[spmem:s2] =	stream.indirect.scatter.add.f32 [tilespmem:s23], [sflag:$0x6], $0x80, s24, s21, $0xb8;
	[tilespmem:$0x1DE00] =	vst v63  }
0x190: {  	_ =	swait.ge [sflag:s18], $0x2000  }
0x191: {  	[sflag:s18] =	ssyncset.done $0x0  }
0x192: {  	s7 =	simm.s32 $0x25C0;
	[sflag:s18] =	ssyncadd.s32 $0xFFFFE000  }
0x193: {  	[tilespmem:s23], [sflag:$0x2] =	stream.indirect.gather [hbm4b:s4+s21], $0x80, s7, s21, $0xb8;
	[tilespmem:$0x1DE00] =	vst v63  }
0x194: {  	_ =	swait.ge [sflag:s29], $0x2000  }
0x195: {  	[sflag:s29] =	ssyncset.done $0x0  }
0x196: {  	s8 =	simm.s32 $0x2C80;
	[sflag:s29] =	ssyncadd.s32 $0xFFFFE000  }
0x197: {  	[spmem:s2] =	stream.indirect.scatter.add.f32 [tilespmem:s25], [sflag:$0x6], $0x80, s8, s21, $0xb8;
	[tilespmem:$0x1DE00] =	vst v63  }
0x198: {  	_ =	swait.ge [sflag:s18], $0x2000  }
0x199: {  	[sflag:s18] =	ssyncset.done $0x0  }
0x19a: {  	s24 =	simm.s32 $0x2600;
	[sflag:s18] =	ssyncadd.s32 $0xFFFFE000  }
0x19b: {  	[tilespmem:s25], [sflag:$0x3] =	stream.indirect.gather [hbm4b:s4+s21], $0x80, s24, s21, $0xb8;
	[tilespmem:$0x1DE00] =	vst v63  }
0x19c: {  	_ =	swait.ge [sflag:s26], $0x2000  }
0x19d: {  	[sflag:s26] =	ssyncset.done $0x0  }
0x19e: {  	s7 =	simm.s32 $0x2D00;
	[sflag:s26] =	ssyncadd.s32 $0xFFFFE000  }
0x19f: {  	[spmem:s2] =	stream.indirect.scatter.add.f32 [tilespmem:s22], [sflag:$0x6], $0x80, s7, s21, $0xb8;
	[tilespmem:$0x1DE00] =	vst v63  }
0x1a0: {  	_ =	swait.ge [sflag:s18], $0x2000  }
0x1a1: {  	[sflag:s18] =	ssyncset.done $0x0  }
0x1a2: {  	s8 =	simm.s32 $0x2640;
	[sflag:s18] =	ssyncadd.s32 $0xFFFFE000  }
0x1a3: {  	[tilespmem:s22], [sflag:$0x1] =	stream.indirect.gather [hbm4b:s4+s21], $0x80, s8, s21, $0xb8;
	[tilespmem:$0x1DE00] =	vst v63  }
0x1a4: {  	_ =	swait.ge [sflag:s28], $0x2000  }
0x1a5: {  	[sflag:s28] =	ssyncset.done $0x0  }
0x1a6: {  	s24 =	simm.s32 $0x2D80;
	[sflag:s28] =	ssyncadd.s32 $0xFFFFE000  }
0x1a7: {  	[spmem:s2] =	stream.indirect.scatter.add.f32 [tilespmem:s23], [sflag:$0x6], $0x80, s24, s21, $0xb8;
	[tilespmem:$0x1DE00] =	vst v63  }
0x1a8: {  	_ =	swait.ge [sflag:s18], $0x2000  }
0x1a9: {  	[sflag:s18] =	ssyncset.done $0x0  }
0x1aa: {  	s7 =	simm.s32 $0x2680;
	[sflag:s18] =	ssyncadd.s32 $0xFFFFE000  }
0x1ab: {  	[tilespmem:s23], [sflag:$0x2] =	stream.indirect.gather [hbm4b:s4+s21], $0x80, s7, s21, $0xb8;
	[tilespmem:$0x1DE00] =	vst v63  }
0x1ac: {  	_ =	swait.ge [sflag:s29], $0x2000  }
0x1ad: {  	[sflag:s29] =	ssyncset.done $0x0  }
0x1ae: {  	s8 =	simm.s32 $0x2E00;
	[sflag:s29] =	ssyncadd.s32 $0xFFFFE000  }
0x1af: {  	[spmem:s2] =	stream.indirect.scatter.add.f32 [tilespmem:s25], [sflag:$0x6], $0x80, s8, s21, $0xb8;
	[tilespmem:$0x1DE00] =	vst v63  }
0x1b0: {  	_ =	swait.ge [sflag:s18], $0x2000  }
0x1b1: {  	[sflag:s18] =	ssyncset.done $0x0  }
0x1b2: {  	s24 =	simm.s32 $0x26C0;
	[sflag:s18] =	ssyncadd.s32 $0xFFFFE000  }
0x1b3: {  	[tilespmem:s25], [sflag:$0x3] =	stream.indirect.gather [hbm4b:s4+s21], $0x80, s24, s21, $0xb8;
	[tilespmem:$0x1DE00] =	vst v63  }
0x1b4: {  	_ =	swait.ge [sflag:s26], $0x2000  }
0x1b5: {  	[sflag:s26] =	ssyncset.done $0x0  }
0x1b6: {  	s7 =	simm.s32 $0x2E80;
	[sflag:s26] =	ssyncadd.s32 $0xFFFFE000  }
0x1b7: {  	[spmem:s2] =	stream.indirect.scatter.add.f32 [tilespmem:s22], [sflag:$0x6], $0x80, s7, s21, $0xb8;
	[tilespmem:$0x1DE00] =	vst v63  }
0x1b8: {  	_ =	swait.ge [sflag:s18], $0x2000  }
0x1b9: {  	[sflag:s18] =	ssyncset.done $0x0  }
0x1ba: {  	s8 =	simm.s32 $0x2700;
	[sflag:s18] =	ssyncadd.s32 $0xFFFFE000  }
0x1bb: {  	[tilespmem:s22], [sflag:$0x1] =	stream.indirect.gather [hbm4b:s4+s21], $0x80, s8, s21, $0xb8;
	[tilespmem:$0x1DE00] =	vst v63  }
0x1bc: {  	_ =	swait.ge [sflag:s28], $0x2000  }
0x1bd: {  	[sflag:s28] =	ssyncset.done $0x0  }
0x1be: {  	s24 =	simm.s32 $0x2F00;
	[sflag:s28] =	ssyncadd.s32 $0xFFFFE000  }
0x1bf: {  	[spmem:s2] =	stream.indirect.scatter.add.f32 [tilespmem:s23], [sflag:$0x6], $0x80, s24, s21, $0xb8;
	[tilespmem:$0x1DE00] =	vst v63  }
0x1c0: {  	_ =	swait.ge [sflag:s18], $0x2000  }
0x1c1: {  	[sflag:s18] =	ssyncset.done $0x0  }
0x1c2: {  	s7 =	simm.s32 $0x2740;
	[sflag:s18] =	ssyncadd.s32 $0xFFFFE000  }
0x1c3: {  	[tilespmem:s23], [sflag:$0x2] =	stream.indirect.gather [hbm4b:s4+s21], $0x80, s7, s21, $0xb8;
	[tilespmem:$0x1DE00] =	vst v63  }
0x1c4: {  	_ =	swait.ge [sflag:s29], $0x2000  }
0x1c5: {  	[sflag:s29] =	ssyncset.done $0x0  }
0x1c6: {  	s8 =	simm.s32 $0x2F80;
	[sflag:s29] =	ssyncadd.s32 $0xFFFFE000  }
0x1c7: {  	[spmem:s2] =	stream.indirect.scatter.add.f32 [tilespmem:s25], [sflag:$0x6], $0x80, s8, s21, $0xb8;
	[tilespmem:$0x1DE00] =	vst v63  }
0x1c8: {  	_ =	swait.ge [sflag:s18], $0x2000  }
0x1c9: {  	[sflag:s18] =	ssyncset.done $0x0  }
0x1ca: {  	s24 =	simm.s32 $0x2780;
	[sflag:s18] =	ssyncadd.s32 $0xFFFFE000  }
0x1cb: {  	[tilespmem:s25], [sflag:$0x3] =	stream.indirect.gather [hbm4b:s4+s21], $0x80, s24, s21, $0xb8;
	[tilespmem:$0x1DE00] =	vst v63  }
0x1cc: {  	_ =	swait.ge [sflag:s26], $0x2000  }
0x1cd: {  	[sflag:s26] =	ssyncset.done $0x0  }
0x1ce: {  	s7 =	simm.s32 $0x3000;
	[sflag:s26] =	ssyncadd.s32 $0xFFFFE000  }
0x1cf: {  	[spmem:s2] =	stream.indirect.scatter.add.f32 [tilespmem:s22], [sflag:$0x6], $0x80, s7, s21, $0xb8;
	[tilespmem:$0x1DE00] =	vst v63  }
0x1d0: {  	_ =	swait.ge [sflag:s18], $0x2000  }
0x1d1: {  	[sflag:s18] =	ssyncset.done $0x0  }
0x1d2: {  	s8 =	simm.s32 $0x27C0;
	[sflag:s18] =	ssyncadd.s32 $0xFFFFE000  }
0x1d3: {  	[tilespmem:s22], [sflag:$0x1] =	stream.indirect.gather [hbm4b:s4+s21], $0x80, s8, s21, $0xb8;
	[tilespmem:$0x1DE00] =	vst v63  }
0x1d4: {  	_ =	swait.ge [sflag:s28], $0x2000  }
0x1d5: {  	[sflag:s28] =	ssyncset.done $0x0  }
0x1d6: {  	s24 =	simm.s32 $0x3080;
	[sflag:s28] =	ssyncadd.s32 $0xFFFFE000  }
0x1d7: {  	[spmem:s2] =	stream.indirect.scatter.add.f32 [tilespmem:s23], [sflag:$0x6], $0x80, s24, s21, $0xb8;
	[tilespmem:$0x1DE00] =	vst v63  }
0x1d8: {  	_ =	swait.ge [sflag:s18], $0x2000  }
0x1d9: {  	[sflag:s18] =	ssyncset.done $0x0  }
0x1da: {  	s7 =	simm.s32 $0x2800;
	[sflag:s18] =	ssyncadd.s32 $0xFFFFE000  }
0x1db: {  	[tilespmem:s23], [sflag:$0x2] =	stream.indirect.gather [hbm4b:s4+s21], $0x80, s7, s21, $0xb8;
	[tilespmem:$0x1DE00] =	vst v63  }
0x1dc: {  	_ =	swait.ge [sflag:s29], $0x2000  }
0x1dd: {  	[sflag:s29] =	ssyncset.done $0x0  }
0x1de: {  	s8 =	simm.s32 $0x3100;
	[sflag:s29] =	ssyncadd.s32 $0xFFFFE000  }
0x1df: {  	[spmem:s2] =	stream.indirect.scatter.add.f32 [tilespmem:s25], [sflag:$0x6], $0x80, s8, s21, $0xb8;
	[tilespmem:$0x1DE00] =	vst v63  }
0x1e0: {  	_ =	swait.ge [sflag:s18], $0x2000  }
0x1e1: {  	[sflag:s18] =	ssyncset.done $0x0  }
0x1e2: {  	s24 =	simm.s32 $0x2840;
	[sflag:s18] =	ssyncadd.s32 $0xFFFFE000  }
0x1e3: {  	[tilespmem:s25], [sflag:$0x3] =	stream.indirect.gather [hbm4b:s4+s21], $0x80, s24, s21, $0xb8;
	[tilespmem:$0x1DE00] =	vst v63  }
0x1e4: {  	_ =	swait.ge [sflag:s26], $0x2000  }
0x1e5: {  	[sflag:s26] =	ssyncset.done $0x0  }
0x1e6: {  	s7 =	simm.s32 $0x3180;
	[sflag:s26] =	ssyncadd.s32 $0xFFFFE000  }
0x1e7: {  	[spmem:s2] =	stream.indirect.scatter.add.f32 [tilespmem:s22], [sflag:$0x6], $0x80, s7, s21, $0xb8;
	[tilespmem:$0x1DE00] =	vst v63  }
0x1e8: {  	_ =	swait.ge [sflag:s18], $0x2000  }
0x1e9: {  	[sflag:s18] =	ssyncset.done $0x0  }
0x1ea: {  	s8 =	simm.s32 $0x2880;
	[sflag:s18] =	ssyncadd.s32 $0xFFFFE000  }
0x1eb: {  	[tilespmem:s22], [sflag:$0x1] =	stream.indirect.gather [hbm4b:s4+s21], $0x80, s8, s21, $0xb8;
	[tilespmem:$0x1DE00] =	vst v63  }
0x1ec: {  	_ =	swait.ge [sflag:s28], $0x2000  }
0x1ed: {  	[sflag:s28] =	ssyncset.done $0x0  }
0x1ee: {  	s24 =	simm.s32 $0x3200;
	[sflag:s28] =	ssyncadd.s32 $0xFFFFE000  }
0x1ef: {  	[spmem:s2] =	stream.indirect.scatter.add.f32 [tilespmem:s23], [sflag:$0x6], $0x80, s24, s21, $0xb8;
	[tilespmem:$0x1DE00] =	vst v63  }
0x1f0: {  	_ =	swait.ge [sflag:s18], $0x2000  }
0x1f1: {  	[sflag:s18] =	ssyncset.done $0x0  }
0x1f2: {  	s7 =	simm.s32 $0x28C0;
	[sflag:s18] =	ssyncadd.s32 $0xFFFFE000  }
0x1f3: {  	[tilespmem:s23], [sflag:$0x2] =	stream.indirect.gather [hbm4b:s4+s21], $0x80, s7, s21, $0xb8;
	[tilespmem:$0x1DE00] =	vst v63  }
0x1f4: {  	_ =	swait.ge [sflag:s29], $0x2000  }
0x1f5: {  	[sflag:s29] =	ssyncset.done $0x0  }
0x1f6: {  	s8 =	simm.s32 $0x3280;
	[sflag:s29] =	ssyncadd.s32 $0xFFFFE000  }
0x1f7: {  	[spmem:s2] =	stream.indirect.scatter.add.f32 [tilespmem:s25], [sflag:$0x6], $0x80, s8, s21, $0xb8;
	[tilespmem:$0x1DE00] =	vst v63  }
0x1f8: {  	_ =	swait.ge [sflag:s18], $0x2000  }
0x1f9: {  	[sflag:s18] =	ssyncset.done $0x0  }
0x1fa: {  	s24 =	simm.s32 $0x2900;
	[sflag:s18] =	ssyncadd.s32 $0xFFFFE000  }
0x1fb: {  	[tilespmem:s25], [sflag:$0x3] =	stream.indirect.gather [hbm4b:s4+s21], $0x80, s24, s21, $0xb8;
	[tilespmem:$0x1DE00] =	vst v63  }
0x1fc: {  	_ =	swait.ge [sflag:s26], $0x2000  }
0x1fd: {  	[sflag:s26] =	ssyncset.done $0x0  }
0x1fe: {  	s7 =	simm.s32 $0x3300;
	[sflag:s26] =	ssyncadd.s32 $0xFFFFE000  }
0x1ff: {  	[spmem:s2] =	stream.indirect.scatter.add.f32 [tilespmem:s22], [sflag:$0x6], $0x80, s7, s21, $0xb8;
	[tilespmem:$0x1DE00] =	vst v63  }
0x200: {  	_ =	swait.ge [sflag:s18], $0x2000  }
0x201: {  	[sflag:s18] =	ssyncset.done $0x0  }
0x202: {  	s8 =	simm.s32 $0x2940;
	[sflag:s18] =	ssyncadd.s32 $0xFFFFE000  }
0x203: {  	[tilespmem:s22], [sflag:$0x1] =	stream.indirect.gather [hbm4b:s4+s21], $0x80, s8, s21, $0xb8;
	[tilespmem:$0x1DE00] =	vst v63  }
0x204: {  	_ =	swait.ge [sflag:s28], $0x2000  }
0x205: {  	[sflag:s28] =	ssyncset.done $0x0  }
0x206: {  	s24 =	simm.s32 $0x3380;
	[sflag:s28] =	ssyncadd.s32 $0xFFFFE000  }
0x207: {  	[spmem:s2] =	stream.indirect.scatter.add.f32 [tilespmem:s23], [sflag:$0x6], $0x80, s24, s21, $0xb8;
	[tilespmem:$0x1DE00] =	vst v63  }
0x208: {  	_ =	swait.ge [sflag:s18], $0x2000  }
0x209: {  	[sflag:s18] =	ssyncset.done $0x0  }
0x20a: {  	s7 =	simm.s32 $0x2980;
	[sflag:s18] =	ssyncadd.s32 $0xFFFFE000  }
0x20b: {  	[tilespmem:s23], [sflag:$0x2] =	stream.indirect.gather [hbm4b:s4+s21], $0x80, s7, s21, $0xb8;
	[tilespmem:$0x1DE00] =	vst v63  }
0x20c: {  	_ =	swait.ge [sflag:s29], $0x2000  }
0x20d: {  	[sflag:s29] =	ssyncset.done $0x0  }
0x20e: {  	s8 =	simm.s32 $0x3400;
	[sflag:s29] =	ssyncadd.s32 $0xFFFFE000  }
0x20f: {  	[spmem:s2] =	stream.indirect.scatter.add.f32 [tilespmem:s25], [sflag:$0x6], $0x80, s8, s21, $0xb8;
	[tilespmem:$0x1DE00] =	vst v63  }
0x210: {  	_ =	swait.ge [sflag:s18], $0x2000  }
0x211: {  	[sflag:s18] =	ssyncset.done $0x0  }
0x212: {  	s24 =	simm.s32 $0x29C0;
	[sflag:s18] =	ssyncadd.s32 $0xFFFFE000  }
0x213: {  	[tilespmem:s25], [sflag:$0x3] =	stream.indirect.gather [hbm4b:s4+s21], $0x80, s24, s21, $0xb8;
	[tilespmem:$0x1DE00] =	vst v63  }
0x214: {  	_ =	swait.ge [sflag:s26], $0x2000  }
0x215: {  	[sflag:s26] =	ssyncset.done $0x0  }
0x216: {  	s7 =	simm.s32 $0x3480;
	[sflag:s26] =	ssyncadd.s32 $0xFFFFE000  }
0x217: {  	[spmem:s2] =	stream.indirect.scatter.add.f32 [tilespmem:s22], [sflag:$0x6], $0x80, s7, s21, $0xb8;
	[tilespmem:$0x1DE00] =	vst v63  }
0x218: {  	_ =	swait.ge [sflag:s18], $0x2000  }
0x219: {  	[sflag:s18] =	ssyncset.done $0x0  }
0x21a: {  	[sflag:s18] =	ssyncadd.s32 $0xFFFFE000  }
0x21b: {  	_ =	swait.ge [sflag:s28], $0x2000  }
0x21c: {  	[sflag:s28] =	ssyncset.done $0x0  }
0x21d: {  	s8 =	simm.s32 $0x3500;
	[sflag:s28] =	ssyncadd.s32 $0xFFFFE000  }
0x21e: {  	[spmem:s2] =	stream.indirect.scatter.add.f32 [tilespmem:s23], [sflag:$0x6], $0x80, s8, s21, $0xb8;
	[tilespmem:$0x1DE00] =	vst v63  }
0x21f: {  	_ =	swait.ge [sflag:s18], $0x2000  }
0x220: {  	[sflag:s18] =	ssyncset.done $0x0  }
0x221: {  	[sflag:s18] =	ssyncadd.s32 $0xFFFFE000  }
0x222: {  	_ =	swait.ge [sflag:s29], $0x2000  }
0x223: {  	[sflag:s29] =	ssyncset.done $0x0  }
0x224: {  	s24 =	simm.s32 $0x3580;
	[sflag:s29] =	ssyncadd.s32 $0xFFFFE000  }
0x225: {  	[spmem:s2] =	stream.indirect.scatter.add.f32 [tilespmem:s25], [sflag:$0x6], $0x80, s24, s21, $0xb8;
	[tilespmem:$0x1DE00] =	vst v63  }
0x226: {  	_ =	swait.ge [sflag:s18], $0x2000  }
0x227: {  	s0 =	sadd.s32 $0x1, s0;
	[sflag:s18] =	ssyncset.done $0x0  }
0x228: {  	p0 =	sne.s32 s0, s16;
	[sflag:s18] =	ssyncadd.s32 $0xFFFFE000  }
.Ltmp6:
0x229: {  	[bflag:$0x0] =	sbarrier.arrive $0xFFFF;
	(pc) =	sbr.rel @p0 .LBB2_1-.Ltmp6, $4  }
0x22a: {  	[hbm:s15], [sflag:s6] =	dma.local [spmem:s17], $0x2780  }
0x22b: {  	_ =	swait.ge [sflag:s18], $0x2780  }
0x22c: {  	[sflag:s18] =	ssyncset.done $0x0  }
0x22d: {  	[sflag:s18] =	ssyncadd.s32 $0xFFFFD880  }
0x22e: {  	_ =	sfence.sel $0x180000  }
0x22f: {  	[bflag:$0x0] =	sbarrier.arrive $0xFFFF  }
0x230: {  	_ =	strace $0x9000004D  }
0x231: {  	s0 =	stileid.u32;
	[bflag:$0x2] =	sbarrier.arrive $0xFFFF  }
0x232: {  	p0 =	sne.s32 s0, $0x0;
	s0 =	rddreg [dreg:$0x2]  }
0x233: {  	s0 =	sadd.s32 @!p0 $0x100000, s0  }
0x234: {  	[sflag:s0] =	ssyncadd.tile.s32 @!p0 $0x1;
	_ =	shalt  }
.Lfunc_end2:
_tile_overlayer_lowered:
.L_overlay_start_2:
0x235: {  	(tag) =	ssettag $0x2  }
0x236: {  	s0 =	rddreg [dreg:$0x0];
	s2 =	stileid.u32  }
0x237: {  	s1 =	rddreg [dreg:$0x1];
	p0 =	sne.s32 s2, $0x0  }
0x238: {  	s3 =	rddreg [dreg:$0x2];
	[bflag:$0x3] =	sbarrier.arrive $0xFFFF;
	s2 =	simm.s32 @!p0 $0x1C06  }
0x239: {  	[timem:s3], [sflag:s2] =	dma.local @!p0 [hbm:s0], s1  }
0x23a: {  	s0 =	simm.s32 @!p0 $0x6  }
0x23b: {  	_ =	swait.ge @!p0 [sflag:s0], s1  }
0x23c: {  	s1 =	ssub.s32 @!p0 $0x0, s1;
	[sflag:s0] =	ssyncset.done @!p0 $0x0  }
0x23d: {  	[sflag:s0] =	ssyncadd.s32 @!p0 s1  }
0x23e: {  	[bflag:$0x3] =	sbarrier.arrive $0xFFFF  }
0x23f: {  	_ =	shalt  }

// kernel: kernel.7.cloned.1.call-start
scs
__scs_entry_jumppad:
0x0: {  	(pc) =	sbr.rel $0x88, $3  }
0x1: {  	(tag) =	ssettag $0x0;
	lr =	simm.s32 $0x1  }
0x2: {  	[smem:$0x3F99] =	sst lr;
	_ =	strace $0xD0000000  }
0x3: {  	_ = 	snop  }
0x4: {  	_ = 	snop  }
0x5: {  	_ = 	snop  }
0x6: {  	_ = 	snop  }
0x7: {  	_ = 	snop  }
__scs_overlays_trampoline_lowered:
0x8: {  	[smem:$0x3FA8] =	sst s0  }
0x9: {  	[smem:$0x3FA9] =	sst s1  }
0xa: {  	[smem:$0x3FAA] =	sst s2  }
0xb: {  	[smem:$0x3FAB] =	sst s3  }
0xc: {  	[smem:$0x3FAC] =	sst s4  }
0xd: {  	[smem:$0x3FAD] =	sst s5  }
0xe: {  	[smem:$0x3FAE] =	sst s6  }
0xf: {  	[smem:$0x3FAF] =	sst s7  }
0x10: {  	[smem:$0x3FB0] =	sst s8  }
0x11: {  	[smem:$0x3FB1] =	sst s9;
	s0 =	simm.s32 @!p0 $0x0  }
0x12: {  	s1 =	sld [smem:$0x3F97];
	s0 =	simm.s32 @p0 $0x1  }
0x13: {  	[smem:$0x3FB2] =	sst s0;
	s0 =	simm.s32 @!p1 $0x0  }
0x14: {  	s2 =	sld [smem:$0x3F96];
	s0 =	simm.s32 @p1 $0x1  }
0x15: {  	[smem:$0x3FB3] =	sst s0;
	s0 =	simm.s32 @!p2 $0x0  }
0x16: {  	s3 =	sld [smem:$0x3FDB];
	s0 =	simm.s32 @p2 $0x1  }
0x17: {  	s4 =	simm.s32 $0x1BF5;
	[smem:$0x3FB5] =	sst s0  }
0x18: {  	s0 =	sld [smem:$0x3F98];
	_ =	swait.ge [sflag:s4], $0x0  }
0x19: {  	s7 =	sld [smem:$0x3F99]  }
0x1a: {  	s8 =	sadd.s32 $0xFFFFE003, lr  }
0x1b: {  	s9 =	sadd.s32 $0xFFFFFEF7, lr;
	s5 =	simm.s32 $0xFFFFFFFF;
	p2 =	slt.u32 s8, $0xFFFFF086  }
0x1c: {  	p1 =	slt.u32 s9, $0xF7A;
	s5 =	simm.s32 @!p2 $0x0  }
0x1d: {  	s5 =	simm.s32 @p1 $0x1;
	p0 =	seq.s32 s7, s2  }
0x1e: {  	s7 =	smul.u32 @!p0 $0xF7A, s2;
	p2 =	seq.s32 @!p0 s5, $0x0  }
0x1f: {  	s9 =	smul.u32 $0xF7A, s1;
	s8 =	simm.s32 @!p0 $0x1BF5;
	p2 =	por !p2, p0  }
0x20: {  	[sflag:s8] =	ssyncset.s32 @!p0 $0xFFFFF086;
	s6 =	sadd.s32 @!p0 s3, s7;
	s7 =	simm.s32 @!p0 $0x108  }
0x21: {  	s3 =	sadd.s32 s3, s9;
	s6 =	sadd.s32 @!p0 $0x88, s6;
	s7 =	simm.s32 @p2 $0x1082  }
0x22: {  	[simem:s7], [sflag:s8] =	dma.local @!p0 [hbm:s6], $0xF7A  }
0x23: {  	s9 =	sor.u32 $0xD0000000, s2;
	s6 =	simm.s32 $0x108;
	_ =	swait.ge @!p0 [sflag:s8], $0x0  }
0x24: {  	s3 =	sadd.s32 $0x88, s3;
	s6 =	simm.s32 @!p1 $0x1082;
	[sflag:s4] =	ssyncset.s32 $0xFFFFF086  }
0x25: {  	[simem:s6], [sflag:s4] =	dma.local [hbm:s3], $0xF7A  }
0x26: {  	[smem:$0x3F99] =	sst s1;
	(tag) =	ssettag s2;
	_ =	strace s9  }
0x27: {  	s1 =	sld [smem:$0x3FA9]  }
0x28: {  	s2 =	sld [smem:$0x3FAA]  }
0x29: {  	s4 =	sld [smem:$0x3FAC]  }
0x2a: {  	p0 =	seq.s32 s5, $0x0;
	s5 =	sld [smem:$0x3FAD]  }
0x2b: {  	s6 =	sld [smem:$0x3FAE]  }
0x2c: {  	s7 =	sld [smem:$0x3FAF]  }
0x2d: {  	s3 =	simm.s32 $0x108;
	s8 =	sld [smem:$0x3FB0]  }
0x2e: {  	s3 =	simm.s32 @!p0 $0x1082;
	s9 =	sld [smem:$0x3FB1]  }
0x2f: {  	lr =	sadd.s32 s0, s3;
	s0 =	sld [smem:$0x3FA8]  }
0x30: {  	s3 =	sld [smem:$0x3FAB]  }
0x31: {  	[smem:$0x3FB4] =	sst s10  }
0x32: {  	s10 =	sld [smem:$0x3FB2];
	_ =	sdelay $0x3  }
0x33: {  	p0 =	seq.s32 s10, $0x1;
	s10 =	sld [smem:$0x3FB4];
	_ =	sdelay $0x3  }
0x34: {  	[smem:$0x3FB4] =	sst s10  }
0x35: {  	s10 =	sld [smem:$0x3FB3];
	_ =	sdelay $0x3  }
0x36: {  	p1 =	seq.s32 s10, $0x1;
	s10 =	sld [smem:$0x3FB4];
	_ =	sdelay $0x3  }
0x37: {  	[smem:$0x3FB4] =	sst s10  }
0x38: {  	s10 =	sld [smem:$0x3FB5]  }
0x39: {  	_ = 	snop;
	(pc) =	sbr.ind lr, $3  }
0x3a: {  	_ = 	snop  }
0x3b: {  	_ = 	snop  }
0x3c: {  	p2 =	seq.s32 s10, $0x1;
	s10 =	sld [smem:$0x3FB4]  }
0x3d: {  	_ =	shalt  }
0x3e: {  	_ =	shalt  }
0x3f: {  	_ =	shalt  }
0x40: {  	_ =	shalt  }
0x41: {  	_ =	shalt  }
0x42: {  	_ =	shalt  }
0x43: {  	_ =	shalt  }
0x44: {  	_ =	shalt  }
0x45: {  	_ =	shalt  }
0x46: {  	_ =	shalt  }
0x47: {  	_ =	shalt  }
0x48: {  	_ =	shalt  }
0x49: {  	_ =	shalt  }
0x4a: {  	_ =	shalt  }
0x4b: {  	_ =	shalt  }
0x4c: {  	_ =	shalt  }
0x4d: {  	_ =	shalt  }
0x4e: {  	_ =	shalt  }
0x4f: {  	_ =	shalt  }
0x50: {  	_ =	shalt  }
0x51: {  	_ =	shalt  }
0x52: {  	_ =	shalt  }
0x53: {  	_ =	shalt  }
0x54: {  	_ =	shalt  }
0x55: {  	_ =	shalt  }
0x56: {  	_ =	shalt  }
0x57: {  	_ =	shalt  }
0x58: {  	_ =	shalt  }
0x59: {  	_ =	shalt  }
0x5a: {  	_ =	shalt  }
0x5b: {  	_ =	shalt  }
0x5c: {  	_ =	shalt  }
0x5d: {  	_ =	shalt  }
0x5e: {  	_ =	shalt  }
0x5f: {  	_ =	shalt  }
0x60: {  	_ =	shalt  }
0x61: {  	_ =	shalt  }
0x62: {  	_ =	shalt  }
0x63: {  	_ =	shalt  }
0x64: {  	_ =	shalt  }
0x65: {  	_ =	shalt  }
0x66: {  	_ =	shalt  }
0x67: {  	_ =	shalt  }
0x68: {  	_ =	shalt  }
0x69: {  	_ =	shalt  }
0x6a: {  	_ =	shalt  }
0x6b: {  	_ =	shalt  }
0x6c: {  	_ =	shalt  }
0x6d: {  	_ =	shalt  }
0x6e: {  	_ =	shalt  }
0x6f: {  	_ =	shalt  }
0x70: {  	_ =	shalt  }
0x71: {  	_ =	shalt  }
0x72: {  	_ =	shalt  }
0x73: {  	_ =	shalt  }
0x74: {  	_ =	shalt  }
0x75: {  	_ =	shalt  }
0x76: {  	_ =	shalt  }
0x77: {  	_ =	shalt  }
0x78: {  	_ =	shalt  }
0x79: {  	_ =	shalt  }
0x7a: {  	_ =	shalt  }
0x7b: {  	_ =	shalt  }
0x7c: {  	_ =	shalt  }
0x7d: {  	_ =	shalt  }
0x7e: {  	_ =	shalt  }
0x7f: {  	_ =	shalt  }
0x80: {  	_ =	shalt  }
0x81: {  	_ =	shalt  }
0x82: {  	_ =	shalt  }
0x83: {  	_ =	shalt  }
0x84: {  	_ =	shalt  }
0x85: {  	_ =	shalt  }
0x86: {  	_ =	shalt  }
0x87: {  	_ =	shalt  }
.Lfunc_end0:
.L_simem_size_0:
called_computation_lowered:
.L_overlay_start_0:
0x88: {  	s2 =	sld [smem:$0x3FD9]  }
0x89: {  	s3 =	sld [smem:$0x3FFE];
	_ =	sdelay $0x1  }
0x8a: {  	s1 =	srdreg.scid  }
0x8b: {  	s0 =	sand.u32 $0x1, s1  }
0x8c: {  	s17 =	sshll.u32 s0, $0xA;
	s2 =	sadd.s32 s3, s2  }
0x8d: {  	s2 =	sadd.s32 s2, s17  }
0x8e: {  	[smem:$0x3FC0] =	sst s2  }
0x8f: {  	_ = 	snop  }
0x90: {  	s2 =	sld [smem:$0x3FD0];
	(tm) =	ssettm $0x1  }
0x91: {  	s18 =	sld [smem:$0x3FFB];
	_ =	sdelay $0x3  }
0x92: {  	_ =	strace s18  }
0x93: {  	s3 =	sld [smem:$0x3FFC];
	_ =	sdelay $0x3  }
0x94: {  	_ =	strace s3  }
0x95: {  	s3 =	sld [smem:$0x3FFD];
	_ =	sdelay $0x3  }
0x96: {  	_ =	strace s3  }
0x97: {  	_ =	strace $0x8FFFFFFF  }
0x98: {  	s19 =	sld [smem:$0x3FDB];
	_ =	sdelay $0x1  }
0x99: {  	s4 =	simm.s32 $_scs_section_size  }
0x9a: {  	s5 =	simm.s32 $_size__tile_overlayer_lowered;
	s6 =	simm.s32 $_tile_overlayer_lowered  }
0x9b: {  	s22 =	simm.s32 $0x1BFF;
	s21 =	sshll.u32 s6, $0x1;
	s3 =	sadd.s32 s4, s19  }
0x9c: {  	s7 =	simm.s32 $0x0;
	s20 =	sshll.u32 s5, $0x1;
	s5 =	sadd.s32 s21, s3  }
0x9d: {  	[timem:s7], [sflag:s22] =	dma.local [hbm:s5], s20  }
0x9e: {  	_ =	swait.ge [sflag:s22], s20  }
0x9f: {  	s4 =	ssub.s32 $0x0, s20;
	[sflag:s22] =	ssyncset.done $0x0  }
0xa0: {  	[sflag:s22] =	ssyncadd.s32 s4;
	_ =	sdelay $0x1  }
0xa1: {  	s23 =	simm.s32 $0x1B8B  }
0xa2: {  	_ =	swait.ge [sflag:s23], $0x1  }
0xa3: {  	[sflag:s23] =	ssyncset.done $0x0  }
0xa4: {  	s25 =	simm.s32 $0x1B8E;
	s24 =	sld [smem:$0x3FFE];
	[sflag:s23] =	ssyncadd.s32 $0xFFFFFFFF  }
0xa5: {  	s26 =	simm.s32 $execute0_lowered;
	[smem:$0x3FD2] =	sst s25  }
0xa6: {  	s5 =	sshll.u32 s26, $0x1;
	_ =	strace $0x80000046;
	[dreg:$0x1] =	wrdreg $0xFFFFFFFF  }
0xa7: {  	s28 =	simm.s32 $_size_execute0_lowered;
	s3 =	sadd.s32 s3, s5;
	[dreg:$0x0] =	wrdreg $0x0  }
0xa8: {  	s5 =	sshll.u32 s28, $0x1;
	[dreg:$0x2] =	wrdreg s3  }
0xa9: {  	[dreg:$0x3] =	wrdreg s5  }
0xaa: {  	[dreg:$0x4] =	wrdreg $0xC0  }
0xab: {  	_ =	task [dreg:s7], $0x5FFFF  }
0xac: {  	[dreg:$0x1] =	wrdreg $0xFFFFFFFF  }
0xad: {  	[dreg:$0x0] =	wrdreg $0x60  }
0xae: {  	[dreg:$0x2] =	wrdreg s24  }
0xaf: {  	[dreg:$0x3] =	wrdreg s2  }
0xb0: {  	[dreg:$0x4] =	wrdreg $0x74000  }
0xb1: {  	[dreg:$0x5] =	wrdreg $0x9  }
0xb2: {  	_ =	task.clear_ibuf [dreg:s7], $0x6FFFF;
	_ =	strace $0x90000046  }
0xb3: {  	s29 =	simm.s32 $0x9;
	_ =	strace $0x80000048  }
0xb4: {  	_ =	swait.ge [sflag:s29], $0x1  }
0xb5: {  	[sflag:s29] =	ssyncadd.s32 $0xFFFFFFFF  }
0xb6: {  	_ =	strace $0x90000048  }
0xb7: {  	_ =	sfence  }
0xb8: {  	s30 =	sld [smem:$0x0];
	_ =	sdelay $0x2  }
0xb9: {  	s31 =	sshll.u32 s1, $0xD;
	s1 =	sshrl.u32 s1, $0x2  }
0xba: {  	s3 =	sand.u32 $0x4000, s31;
	s1 =	sadd.s32 s1, s30  }
0xbb: {  	s0 =	sor.u32 s3, s0;
	s1 =	sshll.u32 s1, $0x11  }
0xbc: {  	s0 =	sor.u32 s1, s0  }
0xbd: {  	s0 =	sadd.s32 $0x8F2B, s0  }
0xbe: {  	[sflag:s0] =	ssyncadd.remote.s32 $0x1  }
0xbf: {  	_ =	sfence.sel $0xFFFF  }
0xc0: {  	[dreg:$0x0] =	wrdreg $0xFFFFFFFF;
	(pc) =	sbr.abs _section_cstart, $3  }
0xc1: {  	[dreg:$0x1] =	wrdreg $0xFFFFFFFF  }
0xc2: {  	_ =	task.clear_ibuf [dreg:s7], $0x2FFFF;
	_ =	strace $0x9FFFFFFF  }
0xc3: {  	(tm) =	ssettm $0x7FFFFFFF  }
tec
execute0_lowered:
.L_overlay_start_1:
0x0: {  	(tag) =	ssettag $0x1  }
0x1: {  	s5 =	rddreg [dreg:$0x0]  }
0x2: {  	s0 =	srdreg.scid;
	s2 =	rddreg [dreg:$0x1]  }
0x3: {  	s3 =	rddreg [dreg:$0x2];
	s4 =	simm.s32 $0x0;
	s12 =	simm.s32 $0x5400  }
0x4: {  	s13 =	simm.s32 $0x40;
	s6 =	sand.u32 $0x1, s0;
	s0 =	stileid.u32  }
0x5: {  	s14 =	simm.s32 $0x0;
	[smem:$0x7FF] =	sst s4;
	s8 =	smul.u32 $0x2780, s0  }
0x6: {  	s1 =	sshll.u32 s6, $0x4;
	s9 =	smul.u32 $0x27800, s6;
	s6 =	ssub.s32 $0x2, s6  }
0x7: {  	s10 =	smul.u32 $0x4F000, s0;
	s31 =	sshll.u32 s0, $0x6;
	s7 =	sor.u32 s0, s1  }
0x8: {  	s1 =	rddreg [dreg:$0x3];
	_ =	strace $0x80000047;
	s29 =	sshrl.u32 s6, $0x1  }
0x9: {  	s7 =	smul.u32 $0xA80, s7;
	s11 =	sadd.s32 s8, s5;
	s8 =	sadd.s32 s8, s9  }
0xa: {  	s9 =	ssub.s32 s6, s29;
	s30 =	sshrl.u32 s10, $0x2;
	s6 =	sor.u32 $0x1C01, s31  }
0xb: {  	s8 =	sadd.s32 s8, s5;
	s10 =	sadd.s32 s30, s3;
	s9 =	smax.u32 s9, $0x1  }
0xc: {  	s7 =	sadd.s32 s7, s5;
	s5 =	sadd.s32 $0x21A00, s11;
	s8 =	sadd.s32 $0x49200, s8  }
0xd: {  	s10 =	sshrl.u32 s10, $0x3;
	s11 =	simm.s32 $0x1;
	s7 =	sadd.s32 $0xCA00, s7  }
.LBB2_1:
0xe: {  	[spmem:s10], [sflag:s6] =	dma.local [hbm:s5], $0x2780  }
0xf: {  	_ =	swait.ge [sflag:s11], $0x2780  }
0x10: {  	[sflag:s11] =	ssyncset.done $0x0  }
0x11: {  	[sflag:s11] =	ssyncadd.s32 $0xFFFFD880  }
0x12: {  	[tilespmem:s12], [sflag:$0x1] =	stream.linear.gather [hbm4b:s2+s4], $0x2000, $0x38;
	[tilespmem:$0x1B000] =	vst v63  }
0x13: {  	_ =	swait.ge [sflag:s11], $0x2000  }
0x14: {  	[sflag:s11] =	ssyncset.done $0x0  }
0x15: {  	[sflag:s11] =	ssyncadd.s32 $0xFFFFE000  }
0x16: {  	[tilespmem:s4], [sflag:$0x1] =	stream.linear.gather [hbm4b:s7+s4], $0x5400, $0x38;
	[tilespmem:$0x1B000] =	vst v63  }
0x17: {  	_ =	swait.ge [sflag:s11], $0x5400  }
0x18: {  	[sflag:s11] =	ssyncset.done $0x0  }
0x19: {  	[sflag:s11] =	ssyncadd.s32 $0xFFFFAC00  }
0x1a: {  	s15 =	simm.s32 $0x0;
	[bflag:$0x0] =	sbarrier.arrive $0xFFFF  }
0x1b: {  	[spmem:s3] =	stream.indirect.scatter.add.f32 [tilespmem:s12], [sflag:$0x1], $0x80, s15, s13, $0xb8;
	[tilespmem:$0x1B000] =	vst v63  }
0x1c: {  	_ =	swait.ge [sflag:s11], $0x2000  }
0x1d: {  	s15 =	simm.s32 $0x200;
	[sflag:s11] =	ssyncset.done $0x0  }
.LBB2_2:
0x1e: {  	s16 =	sshra.s32 s15, $0x2;
	[sflag:s11] =	ssyncadd.s32 $0xFFFFE000;
	p0 =	sne.s32 s15, $0x14E00  }
0x1f: {  	[spmem:s3] =	stream.indirect.scatter.add.f32 [tilespmem:s12], [sflag:$0x1], $0x80, s16, s13, $0xb8;
	[tilespmem:$0x1B000] =	vst v63  }
.Ltmp0:
0x20: {  	_ = 	snop;
	(pc) =	sbr.rel @p0 .LBB2_2-.Ltmp0, $4  }
0x21: {  	_ = 	snop  }
0x22: {  	s15 =	sadd.s32 $0x200, s15  }
0x23: {  	_ =	swait.ge [sflag:s11], $0x2000  }
0x24: {  	[sflag:s11] =	ssyncset.done $0x0  }
0x25: {  	s14 =	sadd.s32 $0x1, s14  }
0x26: {  	[sflag:s11] =	ssyncadd.s32 $0xFFFFE000;
	p0 =	sne.s32 s14, s9  }
.Ltmp1:
0x27: {  	[bflag:$0x0] =	sbarrier.arrive $0xFFFF;
	(pc) =	sbr.rel @p0 .LBB2_1-.Ltmp1, $4  }
0x28: {  	[hbm:s8], [sflag:s6] =	dma.local [spmem:s10], $0x2780  }
0x29: {  	_ =	swait.ge [sflag:s11], $0x2780  }
0x2a: {  	[sflag:s11] =	ssyncset.done $0x0  }
0x2b: {  	[sflag:s11] =	ssyncadd.s32 $0xFFFFD880  }
0x2c: {  	_ =	sfence.sel $0x180000  }
0x2d: {  	[bflag:$0x0] =	sbarrier.arrive $0xFFFF  }
0x2e: {  	p0 =	sne.s32 s0, $0x0;
	_ =	strace $0x90000047  }
0x2f: {  	s0 =	sadd.s32 @!p0 $0x100000, s1;
	[bflag:$0x2] =	sbarrier.arrive $0xFFFF  }
0x30: {  	[sflag:s0] =	ssyncadd.tile.s32 @!p0 $0x1;
	_ =	shalt  }
.Lfunc_end2:
_tile_overlayer_lowered:
.L_overlay_start_2:
0x31: {  	(tag) =	ssettag $0x2  }
0x32: {  	s0 =	rddreg [dreg:$0x0];
	s2 =	stileid.u32  }
0x33: {  	s1 =	rddreg [dreg:$0x1];
	p0 =	sne.s32 s2, $0x0  }
0x34: {  	s3 =	rddreg [dreg:$0x2];
	[bflag:$0x3] =	sbarrier.arrive $0xFFFF;
	s2 =	simm.s32 @!p0 $0x1C01  }
0x35: {  	[timem:s3], [sflag:s2] =	dma.local @!p0 [hbm:s0], s1  }
0x36: {  	s0 =	simm.s32 @!p0 $0x1  }
0x37: {  	_ =	swait.ge @!p0 [sflag:s0], s1  }
0x38: {  	s1 =	ssub.s32 @!p0 $0x0, s1;
	[sflag:s0] =	ssyncset.done @!p0 $0x0  }
0x39: {  	[sflag:s0] =	ssyncadd.s32 @!p0 s1  }
0x3a: {  	[bflag:$0x3] =	sbarrier.arrive $0xFFFF  }
0x3b: {  	_ =	shalt  }

</sc_bundles>
